<compile_context>
chip_gen: v7x
topology: tpu7x:2x2x1
jax: 0.10.2.dev20260603
libtpu: 0.0.44.dev20260713+nightly
codegen_flags: <defaults>
</compile_context>

<pallas_src>
import functools

import jax
import jax.numpy as jnp
from jax import lax
from jax.experimental import pallas as pl
from jax.experimental.pallas import tpu as pltpu
from jax.experimental.pallas import tpu_sc as plsc

N = 10000
E = 320000
D = 128
DE = 16
DO = 128

NC = 2
NS = 16
NW = NC * NS
CH = 128
FULL = (E // CH) // NW
EPW = FULL * CH
TAILW = E // CH - FULL * NW
TAILB = FULL * NW * CH
MAXCH = FULL + 1
NP = 10240
NSTR = NP // NS
NPA = 10112
NSTRA = NPA // NS
NBUF = 3

_mesh = plsc.VectorSubcoreMesh(core_axis_name="c", subcore_axis_name="s")


def _nchunks(w):
    return FULL + jnp.where(w < TAILW, 1, 0)


def _ebase(w, j):
    return jnp.where(j < FULL, w * EPW + j * CH, TAILB + w * CH)


def _fill_1d(ref, n, value):
    vec = jnp.full((16,), value, jnp.float32)

    def body(i, _):
        ref[pl.ds(i * 16, 16)] = vec
        return 0

    lax.fori_loop(0, n // 16, body, 0)


def _copy_row(big, off, row):
    for k in range(CH // 16):
        row[pl.ds(k * 16, 16)] = big[pl.ds(off + k * 16, 16)]


@functools.partial(
    pl.kernel,
    out_type=[
        jax.ShapeDtypeStruct((E,), jnp.int32),
        jax.ShapeDtypeStruct((E,), jnp.int32),
    ],
    mesh=_mesh,
    scratch_types=[
        pltpu.VMEM((2, EPW), jnp.int32),
        pltpu.VMEM((2, CH), jnp.int32),
    ],
    compiler_params=pltpu.CompilerParams(use_tc_tiling_on_sc=True),
)
def _sc_split(ei_hbm, src_out, dst_out, buf_v, tbuf_v):
    c = lax.axis_index("c")
    s = lax.axis_index("s")
    w = c * NS + s

    pltpu.sync_copy(ei_hbm.at[:, pl.ds(w * EPW, EPW)], buf_v)
    pltpu.sync_copy(buf_v.at[0], src_out.at[pl.ds(w * EPW, EPW)])
    pltpu.sync_copy(buf_v.at[1], dst_out.at[pl.ds(w * EPW, EPW)])

    @pl.when(w < TAILW)
    def _():
        pltpu.sync_copy(ei_hbm.at[:, pl.ds(TAILB + w * CH, CH)], tbuf_v)
        pltpu.sync_copy(tbuf_v.at[0], src_out.at[pl.ds(TAILB + w * CH, CH)])
        pltpu.sync_copy(tbuf_v.at[1], dst_out.at[pl.ds(TAILB + w * CH, CH)])


@functools.partial(
    pl.kernel,
    out_type=[
        jax.ShapeDtypeStruct((NC, 1, NP), jnp.float32),
        jax.ShapeDtypeStruct((NC, 1, NP), jnp.float32),
    ],
    mesh=_mesh,
    scratch_types=[
        pltpu.VMEM((MAXCH * CH,), jnp.int32),
        pltpu.VMEM((MAXCH * CH,), jnp.int32),
        pltpu.VMEM((CH,), jnp.int32),
        pltpu.VMEM((CH,), jnp.int32),
        pltpu.VMEM((NSTR,), jnp.float32),
        pltpu.VMEM((CH,), jnp.float32),
        pltpu.VMEM_SHARED((NP,), jnp.float32),
        pltpu.VMEM_SHARED((NP,), jnp.float32),
    ],
)
def _sc_hist(src1d, dst1d, outdeg_out, indeg_out,
             src_v, dst_v, srow_v, drow_v, zst_v, ones_v, hs_sh, hd_sh):
    c = lax.axis_index("c")
    s = lax.axis_index("s")
    w = c * NS + s

    _fill_1d(zst_v, NSTR, 0.0)
    _fill_1d(ones_v, CH, 1.0)
    base = s * NSTR
    pltpu.sync_copy(zst_v, hs_sh.at[pl.ds(base, NSTR)])
    pltpu.sync_copy(zst_v, hd_sh.at[pl.ds(base, NSTR)])
    plsc.subcore_barrier()

    pltpu.sync_copy(src1d.at[pl.ds(w * EPW, EPW)], src_v.at[pl.ds(0, EPW)])
    pltpu.sync_copy(dst1d.at[pl.ds(w * EPW, EPW)], dst_v.at[pl.ds(0, EPW)])
    nchunks = _nchunks(w)

    @pl.when(w < TAILW)
    def _():
        pltpu.sync_copy(src1d.at[pl.ds(TAILB + w * CH, CH)],
                        src_v.at[pl.ds(EPW, CH)])
        pltpu.sync_copy(dst1d.at[pl.ds(TAILB + w * CH, CH)],
                        dst_v.at[pl.ds(EPW, CH)])

    def body(j, _):
        _copy_row(src_v, j * CH, srow_v)
        _copy_row(dst_v, j * CH, drow_v)
        pltpu.sync_copy(ones_v, hs_sh.at[srow_v], add=True)
        pltpu.sync_copy(ones_v, hd_sh.at[drow_v], add=True)
        return 0

    lax.fori_loop(0, nchunks, body, 0)
    plsc.subcore_barrier()

    pltpu.sync_copy(hs_sh.at[pl.ds(base, NSTR)],
                    outdeg_out.at[c, 0, pl.ds(base, NSTR)])
    pltpu.sync_copy(hd_sh.at[pl.ds(base, NSTR)],
                    indeg_out.at[c, 0, pl.ds(base, NSTR)])


@functools.partial(
    pl.kernel,
    out_type=jax.ShapeDtypeStruct((NC, NP, DE), jnp.float32),
    mesh=_mesh,
    scratch_types=[
        pltpu.VMEM((CH,), jnp.int32),
        pltpu.VMEM((2, CH * DE // 128, 128), jnp.float32),
        pltpu.VMEM((CH, DE), jnp.float32),
        pltpu.VMEM((NSTR, DE), jnp.float32),
        pltpu.VMEM_SHARED((NP, DE), jnp.float32),
        pltpu.SemaphoreType.DMA,
        pltpu.SemaphoreType.DMA,
        pltpu.SemaphoreType.DMA,
    ],
    compiler_params=pltpu.CompilerParams(use_tc_tiling_on_sc=False),
)
def _sc_agge(dst1d, ef128, aggh_unused, agge_out,
             drow_v, ef_v, eft_v, ze_v, agge_sh, esem0, esem1, dsem):
    c = lax.axis_index("c")
    s = lax.axis_index("s")
    w = c * NS + s
    esems = (esem0, esem1)

    def zb(i, _):
        ze_v[i, :] = jnp.zeros((DE,), jnp.float32)
        return 0

    lax.fori_loop(0, NSTR, zb, 0)
    base = s * NSTR
    pltpu.sync_copy(ze_v, agge_sh.at[pl.ds(base, NSTR)])
    plsc.subcore_barrier()

    nchunks = _nchunks(w)
    EFR = CH * DE // 128

    def issue(j, b):
        pltpu.async_copy(ef128.at[pl.ds(_ebase(w, j) // 8, EFR)],
                         ef_v.at[b], esems[b])

    def repack_ef(b):
        def rp(r, _):
            for kk in range(8):
                eft_v[8 * r + kk, :] = ef_v[b, r, pl.ds(16 * kk, 16)]
            return 0

        lax.fori_loop(0, EFR, rp, 0)

    issue(0, 0)

    def g_body(g, _):
        for b in range(2):
            j = 2 * g + b
            nb = 1 - b

            @pl.when(j < nchunks)
            def _():
                @pl.when(j + 1 < nchunks)
                def _():
                    issue(j + 1, nb)

                pltpu.async_copy(dst1d.at[pl.ds(_ebase(w, j), CH)],
                                 drow_v, dsem)
                pltpu.make_async_copy(
                    ef128.at[pl.ds(0, EFR)], ef_v.at[b], esems[b]).wait()
                repack_ef(b)
                pltpu.make_async_copy(
                    dst1d.at[pl.ds(0, CH)], drow_v, dsem).wait()
                pltpu.sync_copy(eft_v, agge_sh.at[drow_v], add=True)
        return 0

    lax.fori_loop(0, MAXCH // 2 + 1, g_body, 0)
    plsc.subcore_barrier()

    for k in range(NSTR // CH):
        pltpu.sync_copy(agge_sh.at[pl.ds(base + k * CH, CH)],
                        agge_out.at[c, pl.ds(base + k * CH, CH)])


@functools.partial(
    pl.kernel,
    out_type=jax.ShapeDtypeStruct((NC, NPA, D), jnp.float32),
    mesh=_mesh,
    scratch_types=[
        pltpu.VMEM((CH,), jnp.int32),
        pltpu.VMEM((CH,), jnp.int32),
        pltpu.VMEM((CH,), jnp.int32),
        pltpu.VMEM((CH,), jnp.int32),
        pltpu.VMEM((CH,), jnp.int32),
        pltpu.VMEM((CH,), jnp.int32),
        pltpu.VMEM((NBUF, CH, D), jnp.float32),
        pltpu.VMEM_SHARED((NPA, D), jnp.float32),
        pltpu.SemaphoreType.DMA,
        pltpu.SemaphoreType.DMA,
        pltpu.SemaphoreType.DMA,
        pltpu.SemaphoreType.DMA,
        pltpu.SemaphoreType.DMA,
        pltpu.SemaphoreType.DMA,
        pltpu.SemaphoreType.DMA,
        pltpu.SemaphoreType.DMA,
        pltpu.SemaphoreType.DMA,
    ],
)
def _sc_aggh(h_hbm, src1d, dst1d, aggh_out,
             sr0, sr1, sr2, dr0, dr1, dr2, rows_v, aggh_sh,
             is0, is1, is2, id0, id1, id2, g0, g1, g2):
    c = lax.axis_index("c")
    s = lax.axis_index("s")
    w = c * NS + s
    srs = (sr0, sr1, sr2)
    drs = (dr0, dr1, dr2)
    isems = (is0, is1, is2)
    idsems = (id0, id1, id2)
    gsems = (g0, g1, g2)

    def zb(i, _):
        for k in range(D // 16):
            rows_v[0, i, pl.ds(k * 16, 16)] = jnp.zeros((16,), jnp.float32)
        return 0

    lax.fori_loop(0, CH, zb, 0)
    base = s * NSTRA
    for k in range(NSTRA // CH):
        pltpu.sync_copy(rows_v.at[0], aggh_sh.at[pl.ds(base + k * CH, CH)])
    rem = NSTRA - (NSTRA // CH) * CH
    pltpu.sync_copy(rows_v.at[0, pl.ds(0, rem)],
                    aggh_sh.at[pl.ds(base + NSTRA - rem, rem)])
    plsc.subcore_barrier()

    nchunks = _nchunks(w)

    def issue_idx(j, b):
        eb = _ebase(w, j)
        pltpu.async_copy(src1d.at[pl.ds(eb, CH)], srs[b], isems[b])
        pltpu.async_copy(dst1d.at[pl.ds(eb, CH)], drs[b], idsems[b])

    def wait_idx(b):
        pltpu.make_async_copy(
            src1d.at[pl.ds(0, CH)], srs[b], isems[b]).wait()
        pltpu.make_async_copy(
            dst1d.at[pl.ds(0, CH)], drs[b], idsems[b]).wait()

    def issue_g(b):
        pltpu.async_copy(h_hbm.at[srs[b]], rows_v.at[b], gsems[b])

    def wait_g(b):
        pltpu.make_async_copy(
            h_hbm.at[srs[b]], rows_v.at[b], gsems[b]).wait()

    issue_idx(0, 0)
    wait_idx(0)
    issue_g(0)

    @pl.when(1 < nchunks)
    def _():
        issue_idx(1, 1)
        wait_idx(1)
        issue_g(1)

    @pl.when(2 < nchunks)
    def _():
        issue_idx(2, 2)

    def g_body(g, _):
        for b in range(NBUF):
            j = NBUF * g + b
            nxt = (b + 2) % NBUF

            @pl.when(j < nchunks)
            def _():
                @pl.when(j + 2 < nchunks)
                def _():
                    wait_idx(nxt)
                    issue_g(nxt)

                wait_g(b)
                pltpu.sync_copy(rows_v.at[b], aggh_sh.at[drs[b]], add=True)

                @pl.when(j + NBUF < nchunks)
                def _():
                    issue_idx(j + NBUF, b)
        return 0

    lax.fori_loop(0, (MAXCH + NBUF - 1) // NBUF, g_body, 0)
    plsc.subcore_barrier()

    for k in range(NSTRA // CH):
        pltpu.sync_copy(aggh_sh.at[pl.ds(base + k * CH, CH)],
                        aggh_out.at[c, pl.ds(base + k * CH, CH)])
    pltpu.sync_copy(aggh_sh.at[pl.ds(base + NSTRA - rem, rem)],
                    aggh_out.at[c, pl.ds(base + NSTRA - rem, rem)])


def _prep_body(outdeg_ref, feat_ref, h_ref):
    deg = outdeg_ref[0, 0, :N] + outdeg_ref[1, 0, :N]
    norm = lax.rsqrt(jnp.maximum(deg, 1.0))
    h_ref[...] = feat_ref[...] * norm[:, None]


def _final_body(aggh_ref, agge_ref, wh_ref, we_ref, bias_ref, indeg_ref,
                out_ref):
    aggh = aggh_ref[0, :N] + aggh_ref[1, :N]
    agge = agge_ref[0, :N] + agge_ref[1, :N]
    acc = jnp.dot(aggh, wh_ref[...], preferred_element_type=jnp.float32)
    acc = acc + jnp.dot(agge, we_ref[...], preferred_element_type=jnp.float32)
    indeg = indeg_ref[0, 0, :N] + indeg_ref[1, 0, :N]
    norm = lax.rsqrt(jnp.maximum(indeg, 1.0))
    out_ref[...] = acc * norm[:, None] + bias_ref[...]


@jax.jit
def kernel(feat, edge_index, edge_feat, weight, bias):
    src1d, dst1d = _sc_split(edge_index)
    ef128 = edge_feat.reshape(E * DE // 128, 128)
    outdeg_p, indeg_p = _sc_hist(src1d, dst1d)

    h = pl.pallas_call(
        _prep_body,
        out_shape=jax.ShapeDtypeStruct((N, D), jnp.float32),
    )(outdeg_p, feat)

    aggh_p = _sc_aggh(h, src1d, dst1d)
    agge_p = _sc_agge(dst1d, ef128, aggh_p)

    out = pl.pallas_call(
        _final_body,
        out_shape=jax.ShapeDtypeStruct((N, DO), jnp.float32),
    )(aggh_p, agge_p, weight[:D], weight[D:], bias.reshape(1, DO), indeg_p)
    return out

# --- scband reference (transcript-rebuilt; emitter-appended) ---
"""Pipeline reference for scband-gconv-13245679140923 (READ-ONLY COPY).

The authoritative reference and input builder live on the scoring server;
editing this copy changes nothing except your own understanding.
"""

import jax, jax.numpy as jnp
import numpy as np

N_NODES = 10000
N_EDGES = 320000
D_FEAT = 128
D_EDGE = 16
IN_FEATS = D_FEAT + D_EDGE
OUT_FEATS = 128


def setup_inputs(seed: int = 0) -> dict:
    key = jax.random.key(seed)
    k1, k2, k3, k4 = jax.random.split(key, 4)
    feat = jax.random.normal(k1, (N_NODES, D_FEAT), dtype=jnp.float32)
    edge_index = jax.random.randint(k2, (2, N_EDGES), 0, N_NODES, dtype=jnp.int32)
    edge_feat = jax.random.normal(k3, (N_EDGES, D_EDGE), dtype=jnp.float32)
    # glorot uniform init for weight (in_feats, out_feats)
    limit = float(np.sqrt(6.0 / (IN_FEATS + OUT_FEATS)))
    weight = jax.random.uniform(k4, (IN_FEATS, OUT_FEATS), dtype=jnp.float32, minval=-limit, maxval=limit)
    bias = jnp.zeros((OUT_FEATS,), dtype=jnp.float32)
    return {"feat": feat, "edge_index": edge_index, "edge_feat": edge_feat, "weight": weight, "bias": bias}


def reference(feat, edge_index, edge_feat, weight, bias):
    src = edge_index[0]
    dst = edge_index[1]
    # out-degree normalization on source features
    out_deg = jnp.bincount(src, length=N_NODES).astype(jnp.float32)
    out_deg = jnp.clip(out_deg, 1.0, np.inf)
    norm_src = jnp.power(out_deg, -0.5)[:, None]
    h = feat * norm_src
    # message: concat(src feature, edge feature), then sum-aggregate by dst
    msg = jnp.concatenate([jnp.take(h, src, axis=0), edge_feat], axis=1)
    agg = jax.ops.segment_sum(msg, dst, num_segments=N_NODES)
    # linear transform
    rst = jnp.matmul(agg, weight)
    # in-degree normalization on destination
    in_deg = jnp.bincount(dst, length=N_NODES).astype(jnp.float32)
    in_deg = jnp.clip(in_deg, 1.0, np.inf)
    norm_dst = jnp.power(in_deg, -0.5)[:, None]
    rst = rst * norm_dst + bias
    return rst

if __name__ == "__main__":
    import jax
    _d = setup_inputs()
    print(jax.jit(kernel)(*tuple(_d.values())))

</pallas_src>

<mosaic_0001>
#map = affine_map<(d0, d1) -> (0)>
#map1 = affine_map<(d0, d1) -> (0, 0)>
#map2 = affine_map<(d0, d1) -> (0, 0, 0)>
module attributes {stable_mosaic.version = 14 : i64} {
  func.func @_sc_agge(%arg0: i32, %arg1: i32, %arg2: memref<320000xi32, #tpu.memory_space<hbm>>, %arg3: memref<40000x128xf32, #tpu.memory_space<hbm>>, %arg4: memref<2x10112x128xf32, #tpu.memory_space<hbm>>, %arg5: memref<2x10240x16xf32, #tpu.memory_space<hbm>>, %arg6: memref<128xi32, #tpu.memory_space<vmem>>, %arg7: memref<2x16x128xf32, #tpu.memory_space<vmem>>, %arg8: memref<128x16xf32, #tpu.memory_space<vmem>>, %arg9: memref<640x16xf32, #tpu.memory_space<vmem>>, %arg10: memref<10240x16xf32, #tpu.memory_space<vmem_shared>>, %arg11: memref<!tpu.dma_semaphore, #tpu.memory_space<semaphore_mem>>, %arg12: memref<!tpu.dma_semaphore, #tpu.memory_space<semaphore_mem>>, %arg13: memref<!tpu.dma_semaphore, #tpu.memory_space<semaphore_mem>>) attributes {dimension_semantics = [#tpu.dimension_semantics<core_parallel>, #tpu.dimension_semantics<subcore_parallel>], iteration_bounds = array<i64: 2, 16>, scalar_prefetch = 0 : i64, scratch_operands = 8 : i64, tpu.core_type = #tpu.core_type<sc_vector_subcore>, window_params = [{transform_indices = #map}, {transform_indices = #map1}, {transform_indices = #map2}, {transform_indices = #map2}]} {
    %mul3A = arith.constant 16 : i32
    %mul3A_0 = arith.muli %arg0, %mul3A : i32
    %add3A = arith.addi %mul3A_0, %arg1 : i32
    %scan3A = arith.constant 0 : i32
    %scan3A_1 = arith.constant 0 : i32
    %scan3A_2 = arith.constant 640 : i32
    %scan3A_3 = arith.addi %scan3A_1, %scan3A_2 : i32
    %scan3A_4 = arith.constant 1 : i32
    %scan3A_5 = scf.for %scan3A_81 = %scan3A_1 to %scan3A_3 step %scan3A_4 iter_args(%scan3A_82 = %scan3A) -> (i32)  : i32 {
      %broadcast_in_dim3A = arith.constant 0.000000e+00 : f32
      %broadcast_in_dim3A_83 = vector.broadcast %broadcast_in_dim3A : f32 to vector<16xf32>
      %swap3A = arith.index_cast %scan3A_81 : i32 to index
      %swap3A_84 = arith.constant 0 : index
      %swap3A_85 = tpu.vector_load %arg9[%swap3A, %swap3A_84] {strides = array<i32>} : memref<640x16xf32, #tpu.memory_space<vmem>>, vector<1x16xf32>,
      %swap3A_86 = vector.shape_cast %swap3A_85 : vector<1x16xf32> to vector<16xf32>
      %swap3A_87 = vector.shape_cast %broadcast_in_dim3A_83 : vector<16xf32> to vector<1x16xf32>
      tpu.vector_store %arg9[%swap3A, %swap3A_84], %swap3A_87 {strides = array<i32>} : memref<640x16xf32, #tpu.memory_space<vmem>>, vector<1x16xf32>,
      %scan3A_88 = arith.constant 0 : i32
      scf.yield %scan3A_88 : i32
    }
    %scan3A_6 = arith.constant 640 : i32
    %mul3A_7 = arith.constant 640 : i32
    %mul3A_8 = arith.muli %arg1, %mul3A_7 : i32
    "tpu.region"() ({
      %run_scoped3A = tpu.sem_alloc : memref<!tpu.dma_semaphore, #tpu.memory_space<semaphore_mem>>
      %dma_start3A_81 = arith.constant 0 : i32
      %dma_start3A_82 = tpu.memref_slice %arg10[%mul3A_8, %dma_start3A_81] : memref<10240x16xf32, #tpu.memory_space<vmem_shared>> -> memref<640x16xf32, #tpu.memory_space<vmem_shared>>
      %dma_start3A_83 = arith.constant 0 : i32
      %dma_start3A_84 = tpu.memref_slice %arg10[%mul3A_8, %dma_start3A_83] : memref<10240x16xf32, #tpu.memory_space<vmem_shared>> -> memref<640x16xf32, #tpu.memory_space<vmem_shared>>
      tpu.enqueue_dma source(%arg9 : memref<640x16xf32, #tpu.memory_space<vmem>>) target(%dma_start3A_84 : memref<640x16xf32, #tpu.memory_space<vmem_shared>>) target_semaphore(%run_scoped3A : memref<!tpu.dma_semaphore, #tpu.memory_space<semaphore_mem>>)
      %dma_wait3A = arith.constant 0 : i32
      %dma_wait3A_85 = tpu.memref_slice %arg10[%mul3A_8, %dma_wait3A] : memref<10240x16xf32, #tpu.memory_space<vmem_shared>> -> memref<640x16xf32, #tpu.memory_space<vmem_shared>>
      %dma_wait3A_86 = arith.constant 0 : i32
      %dma_wait3A_87 = tpu.memref_slice %arg10[%mul3A_8, %dma_wait3A_86] : memref<10240x16xf32, #tpu.memory_space<vmem_shared>> -> memref<640x16xf32, #tpu.memory_space<vmem_shared>>
      tpu.wait_dma2 semaphore(%run_scoped3A : memref<!tpu.dma_semaphore, #tpu.memory_space<semaphore_mem>>) src(%arg9 : memref<640x16xf32, #tpu.memory_space<vmem>>) dst(%dma_wait3A_87 : memref<640x16xf32, #tpu.memory_space<vmem_shared>>)
      tpu.yield
    }) : () -> ()
    %barrier3A = arith.constant 0 : index
    tpu.barrier barrier_id(%barrier3A)
    %lt3A = arith.constant 4 : i32
    %lt3A_9 = arith.cmpi slt, %add3A, %lt3A : i32
    %jit3A = arith.constant 1 : i32
    %jit3A_10 = arith.constant 0 : i32
    %select_n3A = arith.select %lt3A_9, %jit3A, %jit3A_10 : i32
    %add3A_11 = arith.constant 78 : i32
    %add3A_12 = arith.addi %add3A_11, %select_n3A : i32
    %mul3A_13 = arith.constant 9984 : i32
    %mul3A_14 = arith.muli %add3A, %mul3A_13 : i32
    %add3A_15 = arith.constant 0 : i32
    %add3A_16 = arith.addi %mul3A_14, %add3A_15 : i32
    %mul3A_17 = arith.constant 128 : i32
    %mul3A_18 = arith.muli %add3A, %mul3A_17 : i32
    %add3A_19 = arith.constant 319488 : i32
    %add3A_20 = arith.addi %add3A_19, %mul3A_18 : i32
    %jit3A_21 = arith.constant true
    %select_n3A_22 = arith.select %jit3A_21, %add3A_16, %add3A_20 : i32
    %jit3A_23 = arith.constant 8 : i32
    %div3A = arith.divsi %select_n3A_22, %jit3A_23 : i32
    %sign3A = arith.constant 0 : i32
    %sign3A_24 = arith.cmpi sgt, %select_n3A_22, %sign3A : i32
    %sign3A_25 = arith.extui %sign3A_24 : i1 to i32
    %sign3A_26 = arith.constant 0 : i32
    %sign3A_27 = arith.cmpi slt, %select_n3A_22, %sign3A_26 : i32
    %sign3A_28 = arith.extui %sign3A_27 : i1 to i32
    %sign3A_29 = arith.subi %sign3A_25, %sign3A_28 : i32
    %sign3A_30 = arith.constant 0 : i32
    %sign3A_31 = arith.cmpi sgt, %jit3A_23, %sign3A_30 : i32
    %sign3A_32 = arith.extui %sign3A_31 : i1 to i32
    %sign3A_33 = arith.constant 0 : i32
    %sign3A_34 = arith.cmpi slt, %jit3A_23, %sign3A_33 : i32
    %sign3A_35 = arith.extui %sign3A_34 : i1 to i32
    %sign3A_36 = arith.subi %sign3A_32, %sign3A_35 : i32
    %ne3A = arith.cmpi ne, %sign3A_29, %sign3A_36 : i32
    %rem3A = arith.remsi %select_n3A_22, %jit3A_23 : i32
    %ne3A_37 = arith.constant 0 : i32
    %ne3A_38 = arith.cmpi ne, %rem3A, %ne3A_37 : i32
    %and3A = arith.andi %ne3A, %ne3A_38 : i1
    %sub3A = arith.constant 1 : i32
    %sub3A_39 = arith.subi %div3A, %sub3A : i32
    %select_n3A_40 = arith.select %and3A, %sub3A_39, %div3A : i32
    %dma_start3A = arith.constant 0 : i32
    %dma_start3A_41 = arith.constant 0 : i32
    %dma_start3A_42 = arith.constant 0 : i32
    %dma_start3A_43 = tpu.memref_slice %arg7[%dma_start3A, %dma_start3A_41, %dma_start3A_42] : memref<2x16x128xf32, #tpu.memory_space<vmem>> -> memref<1x16x128xf32, #tpu.memory_space<vmem>>
    %dma_start3A_44 = tpu.memref_squeeze %dma_start3A_43 : memref<1x16x128xf32, #tpu.memory_space<vmem>> -> memref<16x128xf32, #tpu.memory_space<vmem>>
    %dma_start3A_45 = arith.constant 0 : i32
    %dma_start3A_46 = tpu.memref_slice %arg3[%select_n3A_40, %dma_start3A_45] : memref<40000x128xf32, #tpu.memory_space<hbm>> -> memref<16x128xf32, #tpu.memory_space<hbm>>
    %dma_start3A_47 = arith.constant 0 : i32
    %dma_start3A_48 = arith.constant 0 : i32
    %dma_start3A_49 = tpu.memref_slice %arg7[%dma_start3A, %dma_start3A_47, %dma_start3A_48] : memref<2x16x128xf32, #tpu.memory_space<vmem>> -> memref<1x16x128xf32, #tpu.memory_space<vmem>>
    %dma_start3A_50 = tpu.memref_squeeze %dma_start3A_49 : memref<1x16x128xf32, #tpu.memory_space<vmem>> -> memref<16x128xf32, #tpu.memory_space<vmem>>
    %dma_start3A_51 = arith.constant 0 : i32
    %dma_start3A_52 = tpu.memref_slice %arg3[%select_n3A_40, %dma_start3A_51] : memref<40000x128xf32, #tpu.memory_space<hbm>> -> memref<16x128xf32, #tpu.memory_space<hbm>>
    tpu.enqueue_dma source(%dma_start3A_52 : memref<16x128xf32, #tpu.memory_space<hbm>>) target(%dma_start3A_50 : memref<16x128xf32, #tpu.memory_space<vmem>>) target_semaphore(%arg11 : memref<!tpu.dma_semaphore, #tpu.memory_space<semaphore_mem>>)
    %scan3A_53 = arith.constant 0 : i32
    %scan3A_54 = arith.constant 0 : i32
    %scan3A_55 = arith.constant 40 : i32
    %scan3A_56 = arith.addi %scan3A_54, %scan3A_55 : i32
    %scan3A_57 = arith.constant 1 : i32
    %scan3A_58 = scf.for %scan3A_81 = %scan3A_54 to %scan3A_56 step %scan3A_57 iter_args(%scan3A_82 = %scan3A_53) -> (i32)  : i32 {
      %mul3A_83 = arith.constant 2 : i32
      %mul3A_84 = arith.muli %mul3A_83, %scan3A_81 : i32
      %add3A_85 = arith.constant 0 : i32
      %add3A_86 = arith.addi %mul3A_84, %add3A_85 : i32
      %lt3A_87 = arith.cmpi slt, %add3A_86, %add3A_12 : i32
      %convert_element_type3A = arith.extui %lt3A_87 : i1 to i32
      %cond3A = arith.constant 0 : i32
      %cond3A_88 = arith.cmpi ne, %convert_element_type3A, %cond3A : i32
      scf.if %cond3A_88 {
        %add3A_98 = arith.constant 1 : i32
        %add3A_99 = arith.addi %add3A_86, %add3A_98 : i32
        %lt3A_100 = arith.cmpi slt, %add3A_99, %add3A_12 : i32
        %convert_element_type3A_101 = arith.extui %lt3A_100 : i1 to i32
        %cond3A_102 = arith.constant 0 : i32
        %cond3A_103 = arith.cmpi ne, %convert_element_type3A_101, %cond3A_102 : i32
        scf.if %cond3A_103 {
          %add3A_143 = arith.constant 1 : i32
          %add3A_144 = arith.addi %add3A_86, %add3A_143 : i32
          %lt3A_145 = arith.constant 78 : i32
          %lt3A_146 = arith.cmpi slt, %add3A_144, %lt3A_145 : i32
          %mul3A_147 = arith.constant 9984 : i32
          %mul3A_148 = arith.muli %add3A, %mul3A_147 : i32
          %mul3A_149 = arith.constant 128 : i32
          %mul3A_150 = arith.muli %add3A_144, %mul3A_149 : i32
          %add3A_151 = arith.addi %mul3A_148, %mul3A_150 : i32
          %mul3A_152 = arith.constant 128 : i32
          %mul3A_153 = arith.muli %add3A, %mul3A_152 : i32
          %add3A_154 = arith.constant 319488 : i32
          %add3A_155 = arith.addi %add3A_154, %mul3A_153 : i32
          %select_n3A_156 = arith.select %lt3A_146, %add3A_151, %add3A_155 : i32
          %jit3A_157 = arith.constant 8 : i32
          %div3A_158 = arith.divsi %select_n3A_156, %jit3A_157 : i32
          %sign3A_159 = arith.constant 0 : i32
          %sign3A_160 = arith.cmpi sgt, %select_n3A_156, %sign3A_159 : i32
          %sign3A_161 = arith.extui %sign3A_160 : i1 to i32
          %sign3A_162 = arith.constant 0 : i32
          %sign3A_163 = arith.cmpi slt, %select_n3A_156, %sign3A_162 : i32
          %sign3A_164 = arith.extui %sign3A_163 : i1 to i32
          %sign3A_165 = arith.subi %sign3A_161, %sign3A_164 : i32
          %sign3A_166 = arith.constant 0 : i32
          %sign3A_167 = arith.cmpi sgt, %jit3A_157, %sign3A_166 : i32
          %sign3A_168 = arith.extui %sign3A_167 : i1 to i32
          %sign3A_169 = arith.constant 0 : i32
          %sign3A_170 = arith.cmpi slt, %jit3A_157, %sign3A_169 : i32
          %sign3A_171 = arith.extui %sign3A_170 : i1 to i32
          %sign3A_172 = arith.subi %sign3A_168, %sign3A_171 : i32
          %ne3A_173 = arith.cmpi ne, %sign3A_165, %sign3A_172 : i32
          %rem3A_174 = arith.remsi %select_n3A_156, %jit3A_157 : i32
          %ne3A_175 = arith.constant 0 : i32
          %ne3A_176 = arith.cmpi ne, %rem3A_174, %ne3A_175 : i32
          %and3A_177 = arith.andi %ne3A_173, %ne3A_176 : i1
          %sub3A_178 = arith.constant 1 : i32
          %sub3A_179 = arith.subi %div3A_158, %sub3A_178 : i32
          %select_n3A_180 = arith.select %and3A_177, %sub3A_179, %div3A_158 : i32
          %dma_start3A_181 = arith.constant 1 : i32
          %dma_start3A_182 = arith.constant 0 : i32
          %dma_start3A_183 = arith.constant 0 : i32
          %dma_start3A_184 = tpu.memref_slice %arg7[%dma_start3A_181, %dma_start3A_182, %dma_start3A_183] : memref<2x16x128xf32, #tpu.memory_space<vmem>> -> memref<1x16x128xf32, #tpu.memory_space<vmem>>
          %dma_start3A_185 = tpu.memref_squeeze %dma_start3A_184 : memref<1x16x128xf32, #tpu.memory_space<vmem>> -> memref<16x128xf32, #tpu.memory_space<vmem>>
          %dma_start3A_186 = arith.constant 0 : i32
          %dma_start3A_187 = tpu.memref_slice %arg3[%select_n3A_180, %dma_start3A_186] : memref<40000x128xf32, #tpu.memory_space<hbm>> -> memref<16x128xf32, #tpu.memory_space<hbm>>
          %dma_start3A_188 = arith.constant 0 : i32
          %dma_start3A_189 = arith.constant 0 : i32
          %dma_start3A_190 = tpu.memref_slice %arg7[%dma_start3A_181, %dma_start3A_188, %dma_start3A_189] : memref<2x16x128xf32, #tpu.memory_space<vmem>> -> memref<1x16x128xf32, #tpu.memory_space<vmem>>
          %dma_start3A_191 = tpu.memref_squeeze %dma_start3A_190 : memref<1x16x128xf32, #tpu.memory_space<vmem>> -> memref<16x128xf32, #tpu.memory_space<vmem>>
          %dma_start3A_192 = arith.constant 0 : i32
          %dma_start3A_193 = tpu.memref_slice %arg3[%select_n3A_180, %dma_start3A_192] : memref<40000x128xf32, #tpu.memory_space<hbm>> -> memref<16x128xf32, #tpu.memory_space<hbm>>
          tpu.enqueue_dma source(%dma_start3A_193 : memref<16x128xf32, #tpu.memory_space<hbm>>) target(%dma_start3A_191 : memref<16x128xf32, #tpu.memory_space<vmem>>) target_semaphore(%arg12 : memref<!tpu.dma_semaphore, #tpu.memory_space<semaphore_mem>>)
        } else {
        }
        %lt3A_104 = arith.constant 78 : i32
        %lt3A_105 = arith.cmpi slt, %add3A_86, %lt3A_104 : i32
        %mul3A_106 = arith.constant 9984 : i32
        %mul3A_107 = arith.muli %add3A, %mul3A_106 : i32
        %mul3A_108 = arith.constant 128 : i32
        %mul3A_109 = arith.muli %add3A_86, %mul3A_108 : i32
        %add3A_110 = arith.addi %mul3A_107, %mul3A_109 : i32
        %mul3A_111 = arith.constant 128 : i32
        %mul3A_112 = arith.muli %add3A, %mul3A_111 : i32
        %add3A_113 = arith.constant 319488 : i32
        %add3A_114 = arith.addi %add3A_113, %mul3A_112 : i32
        %select_n3A_115 = arith.select %lt3A_105, %add3A_110, %add3A_114 : i32
        %dma_start3A_116 = tpu.memref_slice %arg2[%select_n3A_115] : memref<320000xi32, #tpu.memory_space<hbm>> -> memref<128xi32, #tpu.memory_space<hbm>>
        %dma_start3A_117 = tpu.memref_slice %arg2[%select_n3A_115] : memref<320000xi32, #tpu.memory_space<hbm>> -> memref<128xi32, #tpu.memory_space<hbm>>
        tpu.enqueue_dma source(%dma_start3A_117 : memref<128xi32, #tpu.memory_space<hbm>>) target(%arg6 : memref<128xi32, #tpu.memory_space<vmem>>) target_semaphore(%arg13 : memref<!tpu.dma_semaphore, #tpu.memory_space<semaphore_mem>>)
        %dma_wait3A = arith.constant 0 : i32
        %dma_wait3A_118 = arith.constant 0 : i32
        %dma_wait3A_119 = arith.constant 0 : i32
        %dma_wait3A_120 = tpu.memref_slice %arg7[%dma_wait3A, %dma_wait3A_118, %dma_wait3A_119] : memref<2x16x128xf32, #tpu.memory_space<vmem>> -> memref<1x16x128xf32, #tpu.memory_space<vmem>>
        %dma_wait3A_121 = tpu.memref_squeeze %dma_wait3A_120 : memref<1x16x128xf32, #tpu.memory_space<vmem>> -> memref<16x128xf32, #tpu.memory_space<vmem>>
        %dma_wait3A_122 = arith.constant 0 : i32
        %dma_wait3A_123 = arith.constant 0 : i32
        %dma_wait3A_124 = tpu.memref_slice %arg3[%dma_wait3A_122, %dma_wait3A_123] : memref<40000x128xf32, #tpu.memory_space<hbm>> -> memref<16x128xf32, #tpu.memory_space<hbm>>
        %dma_wait3A_125 = arith.constant 0 : i32
        %dma_wait3A_126 = arith.constant 0 : i32
        %dma_wait3A_127 = tpu.memref_slice %arg7[%dma_wait3A, %dma_wait3A_125, %dma_wait3A_126] : memref<2x16x128xf32, #tpu.memory_space<vmem>> -> memref<1x16x128xf32, #tpu.memory_space<vmem>>
        %dma_wait3A_128 = tpu.memref_squeeze %dma_wait3A_127 : memref<1x16x128xf32, #tpu.memory_space<vmem>> -> memref<16x128xf32, #tpu.memory_space<vmem>>
        %dma_wait3A_129 = arith.constant 0 : i32
        %dma_wait3A_130 = arith.constant 0 : i32
        %dma_wait3A_131 = tpu.memref_slice %arg3[%dma_wait3A_129, %dma_wait3A_130] : memref<40000x128xf32, #tpu.memory_space<hbm>> -> memref<16x128xf32, #tpu.memory_space<hbm>>
        tpu.wait_dma2 semaphore(%arg11 : memref<!tpu.dma_semaphore, #tpu.memory_space<semaphore_mem>>) src(%dma_wait3A_131 : memref<16x128xf32, #tpu.memory_space<hbm>>) dst(%dma_wait3A_128 : memref<16x128xf32, #tpu.memory_space<vmem>>)
        %scan3A_132 = arith.constant 0 : i32
        %scan3A_133 = arith.constant 0 : i32
        %scan3A_134 = arith.constant 16 : i32
        %scan3A_135 = arith.addi %scan3A_133, %scan3A_134 : i32
        %scan3A_136 = arith.constant 1 : i32
        %scan3A_137 = scf.for %scan3A_143 = %scan3A_133 to %scan3A_135 step %scan3A_136 iter_args(%scan3A_144 = %scan3A_132) -> (i32)  : i32 {
          %get3A = arith.constant 0 : i32
          %get3A_145 = arith.index_cast %get3A : i32 to index
          %get3A_146 = arith.index_cast %scan3A_143 : i32 to index
          %get3A_147 = arith.constant 0 : index
          %get3A_148 = tpu.vector_load %arg7[%get3A_145, %get3A_146, %get3A_147] {strides = array<i32>} : memref<2x16x128xf32, #tpu.memory_space<vmem>>, vector<1x1x16xf32>,
          %get3A_149 = vector.shape_cast %get3A_148 : vector<1x1x16xf32> to vector<16xf32>
          %mul3A_150 = arith.constant 8 : i32
          %mul3A_151 = arith.muli %mul3A_150, %scan3A_143 : i32
          %add3A_152 = arith.constant 0 : i32
          %add3A_153 = arith.addi %mul3A_151, %add3A_152 : i32
          %swap3A = arith.index_cast %add3A_153 : i32 to index
          %swap3A_154 = arith.constant 0 : index
          %swap3A_155 = tpu.vector_load %arg8[%swap3A, %swap3A_154] {strides = array<i32>} : memref<128x16xf32, #tpu.memory_space<vmem>>, vector<1x16xf32>,
          %swap3A_156 = vector.shape_cast %swap3A_155 : vector<1x16xf32> to vector<16xf32>
          %swap3A_157 = vector.shape_cast %get3A_149 : vector<16xf32> to vector<1x16xf32>
          tpu.vector_store %arg8[%swap3A, %swap3A_154], %swap3A_157 {strides = array<i32>} : memref<128x16xf32, #tpu.memory_space<vmem>>, vector<1x16xf32>,
          %get3A_158 = arith.constant 0 : i32
          %get3A_159 = arith.index_cast %get3A_158 : i32 to index
          %get3A_160 = arith.index_cast %scan3A_143 : i32 to index
          %get3A_161 = arith.constant 16 : index
          %get3A_162 = tpu.vector_load %arg7[%get3A_159, %get3A_160, %get3A_161] {strides = array<i32>} : memref<2x16x128xf32, #tpu.memory_space<vmem>>, vector<1x1x16xf32>,
          %get3A_163 = vector.shape_cast %get3A_162 : vector<1x1x16xf32> to vector<16xf32>
          %mul3A_164 = arith.constant 8 : i32
          %mul3A_165 = arith.muli %mul3A_164, %scan3A_143 : i32
          %add3A_166 = arith.constant 1 : i32
          %add3A_167 = arith.addi %mul3A_165, %add3A_166 : i32
          %swap3A_168 = arith.index_cast %add3A_167 : i32 to index
          %swap3A_169 = arith.constant 0 : index
          %swap3A_170 = tpu.vector_load %arg8[%swap3A_168, %swap3A_169] {strides = array<i32>} : memref<128x16xf32, #tpu.memory_space<vmem>>, vector<1x16xf32>,
          %swap3A_171 = vector.shape_cast %swap3A_170 : vector<1x16xf32> to vector<16xf32>
          %swap3A_172 = vector.shape_cast %get3A_163 : vector<16xf32> to vector<1x16xf32>
          tpu.vector_store %arg8[%swap3A_168, %swap3A_169], %swap3A_172 {strides = array<i32>} : memref<128x16xf32, #tpu.memory_space<vmem>>, vector<1x16xf32>,
          %get3A_173 = arith.constant 0 : i32
          %get3A_174 = arith.index_cast %get3A_173 : i32 to index
          %get3A_175 = arith.index_cast %scan3A_143 : i32 to index
          %get3A_176 = arith.constant 32 : index
          %get3A_177 = tpu.vector_load %arg7[%get3A_174, %get3A_175, %get3A_176] {strides = array<i32>} : memref<2x16x128xf32, #tpu.memory_space<vmem>>, vector<1x1x16xf32>,
          %get3A_178 = vector.shape_cast %get3A_177 : vector<1x1x16xf32> to vector<16xf32>
          %mul3A_179 = arith.constant 8 : i32
          %mul3A_180 = arith.muli %mul3A_179, %scan3A_143 : i32
          %add3A_181 = arith.constant 2 : i32
          %add3A_182 = arith.addi %mul3A_180, %add3A_181 : i32
          %swap3A_183 = arith.index_cast %add3A_182 : i32 to index
          %swap3A_184 = arith.constant 0 : index
          %swap3A_185 = tpu.vector_load %arg8[%swap3A_183, %swap3A_184] {strides = array<i32>} : memref<128x16xf32, #tpu.memory_space<vmem>>, vector<1x16xf32>,
          %swap3A_186 = vector.shape_cast %swap3A_185 : vector<1x16xf32> to vector<16xf32>
          %swap3A_187 = vector.shape_cast %get3A_178 : vector<16xf32> to vector<1x16xf32>
          tpu.vector_store %arg8[%swap3A_183, %swap3A_184], %swap3A_187 {strides = array<i32>} : memref<128x16xf32, #tpu.memory_space<vmem>>, vector<1x16xf32>,
          %get3A_188 = arith.constant 0 : i32
          %get3A_189 = arith.index_cast %get3A_188 : i32 to index
          %get3A_190 = arith.index_cast %scan3A_143 : i32 to index
          %get3A_191 = arith.constant 48 : index
          %get3A_192 = tpu.vector_load %arg7[%get3A_189, %get3A_190, %get3A_191] {strides = array<i32>} : memref<2x16x128xf32, #tpu.memory_space<vmem>>, vector<1x1x16xf32>,
          %get3A_193 = vector.shape_cast %get3A_192 : vector<1x1x16xf32> to vector<16xf32>
          %mul3A_194 = arith.constant 8 : i32
          %mul3A_195 = arith.muli %mul3A_194, %scan3A_143 : i32
          %add3A_196 = arith.constant 3 : i32
          %add3A_197 = arith.addi %mul3A_195, %add3A_196 : i32
          %swap3A_198 = arith.index_cast %add3A_197 : i32 to index
          %swap3A_199 = arith.constant 0 : index
          %swap3A_200 = tpu.vector_load %arg8[%swap3A_198, %swap3A_199] {strides = array<i32>} : memref<128x16xf32, #tpu.memory_space<vmem>>, vector<1x16xf32>,
          %swap3A_201 = vector.shape_cast %swap3A_200 : vector<1x16xf32> to vector<16xf32>
          %swap3A_202 = vector.shape_cast %get3A_193 : vector<16xf32> to vector<1x16xf32>
          tpu.vector_store %arg8[%swap3A_198, %swap3A_199], %swap3A_202 {strides = array<i32>} : memref<128x16xf32, #tpu.memory_space<vmem>>, vector<1x16xf32>,
          %get3A_203 = arith.constant 0 : i32
          %get3A_204 = arith.index_cast %get3A_203 : i32 to index
          %get3A_205 = arith.index_cast %scan3A_143 : i32 to index
          %get3A_206 = arith.constant 64 : index
          %get3A_207 = tpu.vector_load %arg7[%get3A_204, %get3A_205, %get3A_206] {strides = array<i32>} : memref<2x16x128xf32, #tpu.memory_space<vmem>>, vector<1x1x16xf32>,
          %get3A_208 = vector.shape_cast %get3A_207 : vector<1x1x16xf32> to vector<16xf32>
          %mul3A_209 = arith.constant 8 : i32
          %mul3A_210 = arith.muli %mul3A_209, %scan3A_143 : i32
          %add3A_211 = arith.constant 4 : i32
          %add3A_212 = arith.addi %mul3A_210, %add3A_211 : i32
          %swap3A_213 = arith.index_cast %add3A_212 : i32 to index
          %swap3A_214 = arith.constant 0 : index
          %swap3A_215 = tpu.vector_load %arg8[%swap3A_213, %swap3A_214] {strides = array<i32>} : memref<128x16xf32, #tpu.memory_space<vmem>>, vector<1x16xf32>,
          %swap3A_216 = vector.shape_cast %swap3A_215 : vector<1x16xf32> to vector<16xf32>
          %swap3A_217 = vector.shape_cast %get3A_208 : vector<16xf32> to vector<1x16xf32>
          tpu.vector_store %arg8[%swap3A_213, %swap3A_214], %swap3A_217 {strides = array<i32>} : memref<128x16xf32, #tpu.memory_space<vmem>>, vector<1x16xf32>,
          %get3A_218 = arith.constant 0 : i32
          %get3A_219 = arith.index_cast %get3A_218 : i32 to index
          %get3A_220 = arith.index_cast %scan3A_143 : i32 to index
          %get3A_221 = arith.constant 80 : index
          %get3A_222 = tpu.vector_load %arg7[%get3A_219, %get3A_220, %get3A_221] {strides = array<i32>} : memref<2x16x128xf32, #tpu.memory_space<vmem>>, vector<1x1x16xf32>,
          %get3A_223 = vector.shape_cast %get3A_222 : vector<1x1x16xf32> to vector<16xf32>
          %mul3A_224 = arith.constant 8 : i32
          %mul3A_225 = arith.muli %mul3A_224, %scan3A_143 : i32
          %add3A_226 = arith.constant 5 : i32
          %add3A_227 = arith.addi %mul3A_225, %add3A_226 : i32
          %swap3A_228 = arith.index_cast %add3A_227 : i32 to index
          %swap3A_229 = arith.constant 0 : index
          %swap3A_230 = tpu.vector_load %arg8[%swap3A_228, %swap3A_229] {strides = array<i32>} : memref<128x16xf32, #tpu.memory_space<vmem>>, vector<1x16xf32>,
          %swap3A_231 = vector.shape_cast %swap3A_230 : vector<1x16xf32> to vector<16xf32>
          %swap3A_232 = vector.shape_cast %get3A_223 : vector<16xf32> to vector<1x16xf32>
          tpu.vector_store %arg8[%swap3A_228, %swap3A_229], %swap3A_232 {strides = array<i32>} : memref<128x16xf32, #tpu.memory_space<vmem>>, vector<1x16xf32>,
          %get3A_233 = arith.constant 0 : i32
          %get3A_234 = arith.index_cast %get3A_233 : i32 to index
          %get3A_235 = arith.index_cast %scan3A_143 : i32 to index
          %get3A_236 = arith.constant 96 : index
          %get3A_237 = tpu.vector_load %arg7[%get3A_234, %get3A_235, %get3A_236] {strides = array<i32>} : memref<2x16x128xf32, #tpu.memory_space<vmem>>, vector<1x1x16xf32>,
          %get3A_238 = vector.shape_cast %get3A_237 : vector<1x1x16xf32> to vector<16xf32>
          %mul3A_239 = arith.constant 8 : i32
          %mul3A_240 = arith.muli %mul3A_239, %scan3A_143 : i32
          %add3A_241 = arith.constant 6 : i32
          %add3A_242 = arith.addi %mul3A_240, %add3A_241 : i32
          %swap3A_243 = arith.index_cast %add3A_242 : i32 to index
          %swap3A_244 = arith.constant 0 : index
          %swap3A_245 = tpu.vector_load %arg8[%swap3A_243, %swap3A_244] {strides = array<i32>} : memref<128x16xf32, #tpu.memory_space<vmem>>, vector<1x16xf32>,
          %swap3A_246 = vector.shape_cast %swap3A_245 : vector<1x16xf32> to vector<16xf32>
          %swap3A_247 = vector.shape_cast %get3A_238 : vector<16xf32> to vector<1x16xf32>
          tpu.vector_store %arg8[%swap3A_243, %swap3A_244], %swap3A_247 {strides = array<i32>} : memref<128x16xf32, #tpu.memory_space<vmem>>, vector<1x16xf32>,
          %get3A_248 = arith.constant 0 : i32
          %get3A_249 = arith.index_cast %get3A_248 : i32 to index
          %get3A_250 = arith.index_cast %scan3A_143 : i32 to index
          %get3A_251 = arith.constant 112 : index
          %get3A_252 = tpu.vector_load %arg7[%get3A_249, %get3A_250, %get3A_251] {strides = array<i32>} : memref<2x16x128xf32, #tpu.memory_space<vmem>>, vector<1x1x16xf32>,
          %get3A_253 = vector.shape_cast %get3A_252 : vector<1x1x16xf32> to vector<16xf32>
          %mul3A_254 = arith.constant 8 : i32
          %mul3A_255 = arith.muli %mul3A_254, %scan3A_143 : i32
          %add3A_256 = arith.constant 7 : i32
          %add3A_257 = arith.addi %mul3A_255, %add3A_256 : i32
          %swap3A_258 = arith.index_cast %add3A_257 : i32 to index
          %swap3A_259 = arith.constant 0 : index
          %swap3A_260 = tpu.vector_load %arg8[%swap3A_258, %swap3A_259] {strides = array<i32>} : memref<128x16xf32, #tpu.memory_space<vmem>>, vector<1x16xf32>,
          %swap3A_261 = vector.shape_cast %swap3A_260 : vector<1x16xf32> to vector<16xf32>
          %swap3A_262 = vector.shape_cast %get3A_253 : vector<16xf32> to vector<1x16xf32>
          tpu.vector_store %arg8[%swap3A_258, %swap3A_259], %swap3A_262 {strides = array<i32>} : memref<128x16xf32, #tpu.memory_space<vmem>>, vector<1x16xf32>,
          %scan3A_263 = arith.constant 0 : i32
          scf.yield %scan3A_263 : i32
        }
        %scan3A_138 = arith.constant 16 : i32
        %dma_wait3A_139 = arith.constant 0 : i32
        %dma_wait3A_140 = tpu.memref_slice %arg2[%dma_wait3A_139] : memref<320000xi32, #tpu.memory_space<hbm>> -> memref<128xi32, #tpu.memory_space<hbm>>
        %dma_wait3A_141 = arith.constant 0 : i32
        %dma_wait3A_142 = tpu.memref_slice %arg2[%dma_wait3A_141] : memref<320000xi32, #tpu.memory_space<hbm>> -> memref<128xi32, #tpu.memory_space<hbm>>
        tpu.wait_dma2 semaphore(%arg13 : memref<!tpu.dma_semaphore, #tpu.memory_space<semaphore_mem>>) src(%dma_wait3A_142 : memref<128xi32, #tpu.memory_space<hbm>>) dst(%arg6 : memref<128xi32, #tpu.memory_space<vmem>>)
        "tpu.region"() ({
          %run_scoped3A = tpu.sem_alloc : memref<!tpu.dma_semaphore, #tpu.memory_space<semaphore_mem>>
          %dma_start3A_143 = arith.constant 0 : i32
          %dma_start3A_144 = arith.constant 0 : i32
          %dma_start3A_145 = tpu.memref_slice %arg10[%dma_start3A_143, %dma_start3A_144] : memref<10240x16xf32, #tpu.memory_space<vmem_shared>> -> memref<10240x16xf32, #tpu.memory_space<vmem_shared>>
          tpu.enqueue_indirect_dma source(%arg8 : memref<128x16xf32, #tpu.memory_space<vmem>>) target(%dma_start3A_145 : memref<10240x16xf32, #tpu.memory_space<vmem_shared>>) offsets(%arg6 : memref<128xi32, #tpu.memory_space<vmem>>) semaphore(%run_scoped3A : memref<!tpu.dma_semaphore, #tpu.memory_space<semaphore_mem>>) {add = true}
          %dma_wait3A_146 = arith.constant 0 : i32
          %dma_wait3A_147 = arith.constant 0 : i32
          %dma_wait3A_148 = tpu.memref_slice %arg10[%dma_wait3A_146, %dma_wait3A_147] : memref<10240x16xf32, #tpu.memory_space<vmem_shared>> -> memref<10240x16xf32, #tpu.memory_space<vmem_shared>>
          tpu.wait_indirect_dma semaphore(%run_scoped3A : memref<!tpu.dma_semaphore, #tpu.memory_space<semaphore_mem>>) src(%arg8 : memref<128x16xf32, #tpu.memory_space<vmem>>) dst(%dma_wait3A_148 : memref<10240x16xf32, #tpu.memory_space<vmem_shared>>)
          tpu.yield
        }) : () -> ()
      } else {
      }
      %mul3A_89 = arith.constant 2 : i32
      %mul3A_90 = arith.muli %mul3A_89, %scan3A_81 : i32
      %add3A_91 = arith.constant 1 : i32
      %add3A_92 = arith.addi %mul3A_90, %add3A_91 : i32
      %lt3A_93 = arith.cmpi slt, %add3A_92, %add3A_12 : i32
      %convert_element_type3A_94 = arith.extui %lt3A_93 : i1 to i32
      %cond3A_95 = arith.constant 0 : i32
      %cond3A_96 = arith.cmpi ne, %convert_element_type3A_94, %cond3A_95 : i32
      scf.if %cond3A_96 {
        %add3A_98 = arith.constant 1 : i32
        %add3A_99 = arith.addi %add3A_92, %add3A_98 : i32
        %lt3A_100 = arith.cmpi slt, %add3A_99, %add3A_12 : i32
        %convert_element_type3A_101 = arith.extui %lt3A_100 : i1 to i32
        %cond3A_102 = arith.constant 0 : i32
        %cond3A_103 = arith.cmpi ne, %convert_element_type3A_101, %cond3A_102 : i32
        scf.if %cond3A_103 {
          %add3A_143 = arith.constant 1 : i32
          %add3A_144 = arith.addi %add3A_92, %add3A_143 : i32
          %lt3A_145 = arith.constant 78 : i32
          %lt3A_146 = arith.cmpi slt, %add3A_144, %lt3A_145 : i32
          %mul3A_147 = arith.constant 9984 : i32
          %mul3A_148 = arith.muli %add3A, %mul3A_147 : i32
          %mul3A_149 = arith.constant 128 : i32
          %mul3A_150 = arith.muli %add3A_144, %mul3A_149 : i32
          %add3A_151 = arith.addi %mul3A_148, %mul3A_150 : i32
          %mul3A_152 = arith.constant 128 : i32
          %mul3A_153 = arith.muli %add3A, %mul3A_152 : i32
          %add3A_154 = arith.constant 319488 : i32
          %add3A_155 = arith.addi %add3A_154, %mul3A_153 : i32
          %select_n3A_156 = arith.select %lt3A_146, %add3A_151, %add3A_155 : i32
          %jit3A_157 = arith.constant 8 : i32
          %div3A_158 = arith.divsi %select_n3A_156, %jit3A_157 : i32
          %sign3A_159 = arith.constant 0 : i32
          %sign3A_160 = arith.cmpi sgt, %select_n3A_156, %sign3A_159 : i32
          %sign3A_161 = arith.extui %sign3A_160 : i1 to i32
          %sign3A_162 = arith.constant 0 : i32
          %sign3A_163 = arith.cmpi slt, %select_n3A_156, %sign3A_162 : i32
          %sign3A_164 = arith.extui %sign3A_163 : i1 to i32
          %sign3A_165 = arith.subi %sign3A_161, %sign3A_164 : i32
          %sign3A_166 = arith.constant 0 : i32
          %sign3A_167 = arith.cmpi sgt, %jit3A_157, %sign3A_166 : i32
          %sign3A_168 = arith.extui %sign3A_167 : i1 to i32
          %sign3A_169 = arith.constant 0 : i32
          %sign3A_170 = arith.cmpi slt, %jit3A_157, %sign3A_169 : i32
          %sign3A_171 = arith.extui %sign3A_170 : i1 to i32
          %sign3A_172 = arith.subi %sign3A_168, %sign3A_171 : i32
          %ne3A_173 = arith.cmpi ne, %sign3A_165, %sign3A_172 : i32
          %rem3A_174 = arith.remsi %select_n3A_156, %jit3A_157 : i32
          %ne3A_175 = arith.constant 0 : i32
          %ne3A_176 = arith.cmpi ne, %rem3A_174, %ne3A_175 : i32
          %and3A_177 = arith.andi %ne3A_173, %ne3A_176 : i1
          %sub3A_178 = arith.constant 1 : i32
          %sub3A_179 = arith.subi %div3A_158, %sub3A_178 : i32
          %select_n3A_180 = arith.select %and3A_177, %sub3A_179, %div3A_158 : i32
          %dma_start3A_181 = arith.constant 0 : i32
          %dma_start3A_182 = arith.constant 0 : i32
          %dma_start3A_183 = arith.constant 0 : i32
          %dma_start3A_184 = tpu.memref_slice %arg7[%dma_start3A_181, %dma_start3A_182, %dma_start3A_183] : memref<2x16x128xf32, #tpu.memory_space<vmem>> -> memref<1x16x128xf32, #tpu.memory_space<vmem>>
          %dma_start3A_185 = tpu.memref_squeeze %dma_start3A_184 : memref<1x16x128xf32, #tpu.memory_space<vmem>> -> memref<16x128xf32, #tpu.memory_space<vmem>>
          %dma_start3A_186 = arith.constant 0 : i32
          %dma_start3A_187 = tpu.memref_slice %arg3[%select_n3A_180, %dma_start3A_186] : memref<40000x128xf32, #tpu.memory_space<hbm>> -> memref<16x128xf32, #tpu.memory_space<hbm>>
          %dma_start3A_188 = arith.constant 0 : i32
          %dma_start3A_189 = arith.constant 0 : i32
          %dma_start3A_190 = tpu.memref_slice %arg7[%dma_start3A_181, %dma_start3A_188, %dma_start3A_189] : memref<2x16x128xf32, #tpu.memory_space<vmem>> -> memref<1x16x128xf32, #tpu.memory_space<vmem>>
          %dma_start3A_191 = tpu.memref_squeeze %dma_start3A_190 : memref<1x16x128xf32, #tpu.memory_space<vmem>> -> memref<16x128xf32, #tpu.memory_space<vmem>>
          %dma_start3A_192 = arith.constant 0 : i32
          %dma_start3A_193 = tpu.memref_slice %arg3[%select_n3A_180, %dma_start3A_192] : memref<40000x128xf32, #tpu.memory_space<hbm>> -> memref<16x128xf32, #tpu.memory_space<hbm>>
          tpu.enqueue_dma source(%dma_start3A_193 : memref<16x128xf32, #tpu.memory_space<hbm>>) target(%dma_start3A_191 : memref<16x128xf32, #tpu.memory_space<vmem>>) target_semaphore(%arg11 : memref<!tpu.dma_semaphore, #tpu.memory_space<semaphore_mem>>)
        } else {
        }
        %lt3A_104 = arith.constant 78 : i32
        %lt3A_105 = arith.cmpi slt, %add3A_92, %lt3A_104 : i32
        %mul3A_106 = arith.constant 9984 : i32
        %mul3A_107 = arith.muli %add3A, %mul3A_106 : i32
        %mul3A_108 = arith.constant 128 : i32
        %mul3A_109 = arith.muli %add3A_92, %mul3A_108 : i32
        %add3A_110 = arith.addi %mul3A_107, %mul3A_109 : i32
        %mul3A_111 = arith.constant 128 : i32
        %mul3A_112 = arith.muli %add3A, %mul3A_111 : i32
        %add3A_113 = arith.constant 319488 : i32
        %add3A_114 = arith.addi %add3A_113, %mul3A_112 : i32
        %select_n3A_115 = arith.select %lt3A_105, %add3A_110, %add3A_114 : i32
        %dma_start3A_116 = tpu.memref_slice %arg2[%select_n3A_115] : memref<320000xi32, #tpu.memory_space<hbm>> -> memref<128xi32, #tpu.memory_space<hbm>>
        %dma_start3A_117 = tpu.memref_slice %arg2[%select_n3A_115] : memref<320000xi32, #tpu.memory_space<hbm>> -> memref<128xi32, #tpu.memory_space<hbm>>
        tpu.enqueue_dma source(%dma_start3A_117 : memref<128xi32, #tpu.memory_space<hbm>>) target(%arg6 : memref<128xi32, #tpu.memory_space<vmem>>) target_semaphore(%arg13 : memref<!tpu.dma_semaphore, #tpu.memory_space<semaphore_mem>>)
        %dma_wait3A = arith.constant 1 : i32
        %dma_wait3A_118 = arith.constant 0 : i32
        %dma_wait3A_119 = arith.constant 0 : i32
        %dma_wait3A_120 = tpu.memref_slice %arg7[%dma_wait3A, %dma_wait3A_118, %dma_wait3A_119] : memref<2x16x128xf32, #tpu.memory_space<vmem>> -> memref<1x16x128xf32, #tpu.memory_space<vmem>>
        %dma_wait3A_121 = tpu.memref_squeeze %dma_wait3A_120 : memref<1x16x128xf32, #tpu.memory_space<vmem>> -> memref<16x128xf32, #tpu.memory_space<vmem>>
        %dma_wait3A_122 = arith.constant 0 : i32
        %dma_wait3A_123 = arith.constant 0 : i32
        %dma_wait3A_124 = tpu.memref_slice %arg3[%dma_wait3A_122, %dma_wait3A_123] : memref<40000x128xf32, #tpu.memory_space<hbm>> -> memref<16x128xf32, #tpu.memory_space<hbm>>
        %dma_wait3A_125 = arith.constant 0 : i32
        %dma_wait3A_126 = arith.constant 0 : i32
        %dma_wait3A_127 = tpu.memref_slice %arg7[%dma_wait3A, %dma_wait3A_125, %dma_wait3A_126] : memref<2x16x128xf32, #tpu.memory_space<vmem>> -> memref<1x16x128xf32, #tpu.memory_space<vmem>>
        %dma_wait3A_128 = tpu.memref_squeeze %dma_wait3A_127 : memref<1x16x128xf32, #tpu.memory_space<vmem>> -> memref<16x128xf32, #tpu.memory_space<vmem>>
        %dma_wait3A_129 = arith.constant 0 : i32
        %dma_wait3A_130 = arith.constant 0 : i32
        %dma_wait3A_131 = tpu.memref_slice %arg3[%dma_wait3A_129, %dma_wait3A_130] : memref<40000x128xf32, #tpu.memory_space<hbm>> -> memref<16x128xf32, #tpu.memory_space<hbm>>
        tpu.wait_dma2 semaphore(%arg12 : memref<!tpu.dma_semaphore, #tpu.memory_space<semaphore_mem>>) src(%dma_wait3A_131 : memref<16x128xf32, #tpu.memory_space<hbm>>) dst(%dma_wait3A_128 : memref<16x128xf32, #tpu.memory_space<vmem>>)
        %scan3A_132 = arith.constant 0 : i32
        %scan3A_133 = arith.constant 0 : i32
        %scan3A_134 = arith.constant 16 : i32
        %scan3A_135 = arith.addi %scan3A_133, %scan3A_134 : i32
        %scan3A_136 = arith.constant 1 : i32
        %scan3A_137 = scf.for %scan3A_143 = %scan3A_133 to %scan3A_135 step %scan3A_136 iter_args(%scan3A_144 = %scan3A_132) -> (i32)  : i32 {
          %get3A = arith.constant 1 : i32
          %get3A_145 = arith.index_cast %get3A : i32 to index
          %get3A_146 = arith.index_cast %scan3A_143 : i32 to index
          %get3A_147 = arith.constant 0 : index
          %get3A_148 = tpu.vector_load %arg7[%get3A_145, %get3A_146, %get3A_147] {strides = array<i32>} : memref<2x16x128xf32, #tpu.memory_space<vmem>>, vector<1x1x16xf32>,
          %get3A_149 = vector.shape_cast %get3A_148 : vector<1x1x16xf32> to vector<16xf32>
          %mul3A_150 = arith.constant 8 : i32
          %mul3A_151 = arith.muli %mul3A_150, %scan3A_143 : i32
          %add3A_152 = arith.constant 0 : i32
          %add3A_153 = arith.addi %mul3A_151, %add3A_152 : i32
          %swap3A = arith.index_cast %add3A_153 : i32 to index
          %swap3A_154 = arith.constant 0 : index
          %swap3A_155 = tpu.vector_load %arg8[%swap3A, %swap3A_154] {strides = array<i32>} : memref<128x16xf32, #tpu.memory_space<vmem>>, vector<1x16xf32>,
          %swap3A_156 = vector.shape_cast %swap3A_155 : vector<1x16xf32> to vector<16xf32>
          %swap3A_157 = vector.shape_cast %get3A_149 : vector<16xf32> to vector<1x16xf32>
          tpu.vector_store %arg8[%swap3A, %swap3A_154], %swap3A_157 {strides = array<i32>} : memref<128x16xf32, #tpu.memory_space<vmem>>, vector<1x16xf32>,
          %get3A_158 = arith.constant 1 : i32
          %get3A_159 = arith.index_cast %get3A_158 : i32 to index
          %get3A_160 = arith.index_cast %scan3A_143 : i32 to index
          %get3A_161 = arith.constant 16 : index
          %get3A_162 = tpu.vector_load %arg7[%get3A_159, %get3A_160, %get3A_161] {strides = array<i32>} : memref<2x16x128xf32, #tpu.memory_space<vmem>>, vector<1x1x16xf32>,
          %get3A_163 = vector.shape_cast %get3A_162 : vector<1x1x16xf32> to vector<16xf32>
          %mul3A_164 = arith.constant 8 : i32
          %mul3A_165 = arith.muli %mul3A_164, %scan3A_143 : i32
          %add3A_166 = arith.constant 1 : i32
          %add3A_167 = arith.addi %mul3A_165, %add3A_166 : i32
          %swap3A_168 = arith.index_cast %add3A_167 : i32 to index
          %swap3A_169 = arith.constant 0 : index
          %swap3A_170 = tpu.vector_load %arg8[%swap3A_168, %swap3A_169] {strides = array<i32>} : memref<128x16xf32, #tpu.memory_space<vmem>>, vector<1x16xf32>,
          %swap3A_171 = vector.shape_cast %swap3A_170 : vector<1x16xf32> to vector<16xf32>
          %swap3A_172 = vector.shape_cast %get3A_163 : vector<16xf32> to vector<1x16xf32>
          tpu.vector_store %arg8[%swap3A_168, %swap3A_169], %swap3A_172 {strides = array<i32>} : memref<128x16xf32, #tpu.memory_space<vmem>>, vector<1x16xf32>,
          %get3A_173 = arith.constant 1 : i32
          %get3A_174 = arith.index_cast %get3A_173 : i32 to index
          %get3A_175 = arith.index_cast %scan3A_143 : i32 to index
          %get3A_176 = arith.constant 32 : index
          %get3A_177 = tpu.vector_load %arg7[%get3A_174, %get3A_175, %get3A_176] {strides = array<i32>} : memref<2x16x128xf32, #tpu.memory_space<vmem>>, vector<1x1x16xf32>,
          %get3A_178 = vector.shape_cast %get3A_177 : vector<1x1x16xf32> to vector<16xf32>
          %mul3A_179 = arith.constant 8 : i32
          %mul3A_180 = arith.muli %mul3A_179, %scan3A_143 : i32
          %add3A_181 = arith.constant 2 : i32
          %add3A_182 = arith.addi %mul3A_180, %add3A_181 : i32
          %swap3A_183 = arith.index_cast %add3A_182 : i32 to index
          %swap3A_184 = arith.constant 0 : index
          %swap3A_185 = tpu.vector_load %arg8[%swap3A_183, %swap3A_184] {strides = array<i32>} : memref<128x16xf32, #tpu.memory_space<vmem>>, vector<1x16xf32>,
          %swap3A_186 = vector.shape_cast %swap3A_185 : vector<1x16xf32> to vector<16xf32>
          %swap3A_187 = vector.shape_cast %get3A_178 : vector<16xf32> to vector<1x16xf32>
          tpu.vector_store %arg8[%swap3A_183, %swap3A_184], %swap3A_187 {strides = array<i32>} : memref<128x16xf32, #tpu.memory_space<vmem>>, vector<1x16xf32>,
          %get3A_188 = arith.constant 1 : i32
          %get3A_189 = arith.index_cast %get3A_188 : i32 to index
          %get3A_190 = arith.index_cast %scan3A_143 : i32 to index
          %get3A_191 = arith.constant 48 : index
          %get3A_192 = tpu.vector_load %arg7[%get3A_189, %get3A_190, %get3A_191] {strides = array<i32>} : memref<2x16x128xf32, #tpu.memory_space<vmem>>, vector<1x1x16xf32>,
          %get3A_193 = vector.shape_cast %get3A_192 : vector<1x1x16xf32> to vector<16xf32>
          %mul3A_194 = arith.constant 8 : i32
          %mul3A_195 = arith.muli %mul3A_194, %scan3A_143 : i32
          %add3A_196 = arith.constant 3 : i32
          %add3A_197 = arith.addi %mul3A_195, %add3A_196 : i32
          %swap3A_198 = arith.index_cast %add3A_197 : i32 to index
          %swap3A_199 = arith.constant 0 : index
          %swap3A_200 = tpu.vector_load %arg8[%swap3A_198, %swap3A_199] {strides = array<i32>} : memref<128x16xf32, #tpu.memory_space<vmem>>, vector<1x16xf32>,
          %swap3A_201 = vector.shape_cast %swap3A_200 : vector<1x16xf32> to vector<16xf32>
          %swap3A_202 = vector.shape_cast %get3A_193 : vector<16xf32> to vector<1x16xf32>
          tpu.vector_store %arg8[%swap3A_198, %swap3A_199], %swap3A_202 {strides = array<i32>} : memref<128x16xf32, #tpu.memory_space<vmem>>, vector<1x16xf32>,
          %get3A_203 = arith.constant 1 : i32
          %get3A_204 = arith.index_cast %get3A_203 : i32 to index
          %get3A_205 = arith.index_cast %scan3A_143 : i32 to index
          %get3A_206 = arith.constant 64 : index
          %get3A_207 = tpu.vector_load %arg7[%get3A_204, %get3A_205, %get3A_206] {strides = array<i32>} : memref<2x16x128xf32, #tpu.memory_space<vmem>>, vector<1x1x16xf32>,
          %get3A_208 = vector.shape_cast %get3A_207 : vector<1x1x16xf32> to vector<16xf32>
          %mul3A_209 = arith.constant 8 : i32
          %mul3A_210 = arith.muli %mul3A_209, %scan3A_143 : i32
          %add3A_211 = arith.constant 4 : i32
          %add3A_212 = arith.addi %mul3A_210, %add3A_211 : i32
          %swap3A_213 = arith.index_cast %add3A_212 : i32 to index
          %swap3A_214 = arith.constant 0 : index
          %swap3A_215 = tpu.vector_load %arg8[%swap3A_213, %swap3A_214] {strides = array<i32>} : memref<128x16xf32, #tpu.memory_space<vmem>>, vector<1x16xf32>,
          %swap3A_216 = vector.shape_cast %swap3A_215 : vector<1x16xf32> to vector<16xf32>
          %swap3A_217 = vector.shape_cast %get3A_208 : vector<16xf32> to vector<1x16xf32>
          tpu.vector_store %arg8[%swap3A_213, %swap3A_214], %swap3A_217 {strides = array<i32>} : memref<128x16xf32, #tpu.memory_space<vmem>>, vector<1x16xf32>,
          %get3A_218 = arith.constant 1 : i32
          %get3A_219 = arith.index_cast %get3A_218 : i32 to index
          %get3A_220 = arith.index_cast %scan3A_143 : i32 to index
          %get3A_221 = arith.constant 80 : index
          %get3A_222 = tpu.vector_load %arg7[%get3A_219, %get3A_220, %get3A_221] {strides = array<i32>} : memref<2x16x128xf32, #tpu.memory_space<vmem>>, vector<1x1x16xf32>,
          %get3A_223 = vector.shape_cast %get3A_222 : vector<1x1x16xf32> to vector<16xf32>
          %mul3A_224 = arith.constant 8 : i32
          %mul3A_225 = arith.muli %mul3A_224, %scan3A_143 : i32
          %add3A_226 = arith.constant 5 : i32
          %add3A_227 = arith.addi %mul3A_225, %add3A_226 : i32
          %swap3A_228 = arith.index_cast %add3A_227 : i32 to index
          %swap3A_229 = arith.constant 0 : index
          %swap3A_230 = tpu.vector_load %arg8[%swap3A_228, %swap3A_229] {strides = array<i32>} : memref<128x16xf32, #tpu.memory_space<vmem>>, vector<1x16xf32>,
          %swap3A_231 = vector.shape_cast %swap3A_230 : vector<1x16xf32> to vector<16xf32>
          %swap3A_232 = vector.shape_cast %get3A_223 : vector<16xf32> to vector<1x16xf32>
          tpu.vector_store %arg8[%swap3A_228, %swap3A_229], %swap3A_232 {strides = array<i32>} : memref<128x16xf32, #tpu.memory_space<vmem>>, vector<1x16xf32>,
          %get3A_233 = arith.constant 1 : i32
          %get3A_234 = arith.index_cast %get3A_233 : i32 to index
          %get3A_235 = arith.index_cast %scan3A_143 : i32 to index
          %get3A_236 = arith.constant 96 : index
          %get3A_237 = tpu.vector_load %arg7[%get3A_234, %get3A_235, %get3A_236] {strides = array<i32>} : memref<2x16x128xf32, #tpu.memory_space<vmem>>, vector<1x1x16xf32>,
          %get3A_238 = vector.shape_cast %get3A_237 : vector<1x1x16xf32> to vector<16xf32>
          %mul3A_239 = arith.constant 8 : i32
          %mul3A_240 = arith.muli %mul3A_239, %scan3A_143 : i32
          %add3A_241 = arith.constant 6 : i32
          %add3A_242 = arith.addi %mul3A_240, %add3A_241 : i32
          %swap3A_243 = arith.index_cast %add3A_242 : i32 to index
          %swap3A_244 = arith.constant 0 : index
          %swap3A_245 = tpu.vector_load %arg8[%swap3A_243, %swap3A_244] {strides = array<i32>} : memref<128x16xf32, #tpu.memory_space<vmem>>, vector<1x16xf32>,
          %swap3A_246 = vector.shape_cast %swap3A_245 : vector<1x16xf32> to vector<16xf32>
          %swap3A_247 = vector.shape_cast %get3A_238 : vector<16xf32> to vector<1x16xf32>
          tpu.vector_store %arg8[%swap3A_243, %swap3A_244], %swap3A_247 {strides = array<i32>} : memref<128x16xf32, #tpu.memory_space<vmem>>, vector<1x16xf32>,
          %get3A_248 = arith.constant 1 : i32
          %get3A_249 = arith.index_cast %get3A_248 : i32 to index
          %get3A_250 = arith.index_cast %scan3A_143 : i32 to index
          %get3A_251 = arith.constant 112 : index
          %get3A_252 = tpu.vector_load %arg7[%get3A_249, %get3A_250, %get3A_251] {strides = array<i32>} : memref<2x16x128xf32, #tpu.memory_space<vmem>>, vector<1x1x16xf32>,
          %get3A_253 = vector.shape_cast %get3A_252 : vector<1x1x16xf32> to vector<16xf32>
          %mul3A_254 = arith.constant 8 : i32
          %mul3A_255 = arith.muli %mul3A_254, %scan3A_143 : i32
          %add3A_256 = arith.constant 7 : i32
          %add3A_257 = arith.addi %mul3A_255, %add3A_256 : i32
          %swap3A_258 = arith.index_cast %add3A_257 : i32 to index
          %swap3A_259 = arith.constant 0 : index
          %swap3A_260 = tpu.vector_load %arg8[%swap3A_258, %swap3A_259] {strides = array<i32>} : memref<128x16xf32, #tpu.memory_space<vmem>>, vector<1x16xf32>,
          %swap3A_261 = vector.shape_cast %swap3A_260 : vector<1x16xf32> to vector<16xf32>
          %swap3A_262 = vector.shape_cast %get3A_253 : vector<16xf32> to vector<1x16xf32>
          tpu.vector_store %arg8[%swap3A_258, %swap3A_259], %swap3A_262 {strides = array<i32>} : memref<128x16xf32, #tpu.memory_space<vmem>>, vector<1x16xf32>,
          %scan3A_263 = arith.constant 0 : i32
          scf.yield %scan3A_263 : i32
        }
        %scan3A_138 = arith.constant 16 : i32
        %dma_wait3A_139 = arith.constant 0 : i32
        %dma_wait3A_140 = tpu.memref_slice %arg2[%dma_wait3A_139] : memref<320000xi32, #tpu.memory_space<hbm>> -> memref<128xi32, #tpu.memory_space<hbm>>
        %dma_wait3A_141 = arith.constant 0 : i32
        %dma_wait3A_142 = tpu.memref_slice %arg2[%dma_wait3A_141] : memref<320000xi32, #tpu.memory_space<hbm>> -> memref<128xi32, #tpu.memory_space<hbm>>
        tpu.wait_dma2 semaphore(%arg13 : memref<!tpu.dma_semaphore, #tpu.memory_space<semaphore_mem>>) src(%dma_wait3A_142 : memref<128xi32, #tpu.memory_space<hbm>>) dst(%arg6 : memref<128xi32, #tpu.memory_space<vmem>>)
        "tpu.region"() ({
          %run_scoped3A = tpu.sem_alloc : memref<!tpu.dma_semaphore, #tpu.memory_space<semaphore_mem>>
          %dma_start3A_143 = arith.constant 0 : i32
          %dma_start3A_144 = arith.constant 0 : i32
          %dma_start3A_145 = tpu.memref_slice %arg10[%dma_start3A_143, %dma_start3A_144] : memref<10240x16xf32, #tpu.memory_space<vmem_shared>> -> memref<10240x16xf32, #tpu.memory_space<vmem_shared>>
          tpu.enqueue_indirect_dma source(%arg8 : memref<128x16xf32, #tpu.memory_space<vmem>>) target(%dma_start3A_145 : memref<10240x16xf32, #tpu.memory_space<vmem_shared>>) offsets(%arg6 : memref<128xi32, #tpu.memory_space<vmem>>) semaphore(%run_scoped3A : memref<!tpu.dma_semaphore, #tpu.memory_space<semaphore_mem>>) {add = true}
          %dma_wait3A_146 = arith.constant 0 : i32
          %dma_wait3A_147 = arith.constant 0 : i32
          %dma_wait3A_148 = tpu.memref_slice %arg10[%dma_wait3A_146, %dma_wait3A_147] : memref<10240x16xf32, #tpu.memory_space<vmem_shared>> -> memref<10240x16xf32, #tpu.memory_space<vmem_shared>>
          tpu.wait_indirect_dma semaphore(%run_scoped3A : memref<!tpu.dma_semaphore, #tpu.memory_space<semaphore_mem>>) src(%arg8 : memref<128x16xf32, #tpu.memory_space<vmem>>) dst(%dma_wait3A_148 : memref<10240x16xf32, #tpu.memory_space<vmem_shared>>)
          tpu.yield
        }) : () -> ()
      } else {
      }
      %scan3A_97 = arith.constant 0 : i32
      scf.yield %scan3A_97 : i32
    }
    %scan3A_59 = arith.constant 40 : i32
    %barrier3A_60 = arith.constant 0 : index
    tpu.barrier barrier_id(%barrier3A_60)
    %add3A_61 = arith.constant 0 : i32
    %add3A_62 = arith.addi %mul3A_8, %add3A_61 : i32
    %add3A_63 = arith.constant 0 : i32
    %add3A_64 = arith.addi %mul3A_8, %add3A_63 : i32
    "tpu.region"() ({
      %run_scoped3A = tpu.sem_alloc : memref<!tpu.dma_semaphore, #tpu.memory_space<semaphore_mem>>
      %dma_start3A_81 = arith.constant 0 : i32
      %dma_start3A_82 = tpu.memref_slice %arg5[%arg0, %add3A_64, %dma_start3A_81] : memref<2x10240x16xf32, #tpu.memory_space<hbm>> -> memref<1x128x16xf32, #tpu.memory_space<hbm>>
      %dma_start3A_83 = tpu.memref_squeeze %dma_start3A_82 : memref<1x128x16xf32, #tpu.memory_space<hbm>> -> memref<128x16xf32, #tpu.memory_space<hbm>>
      %dma_start3A_84 = arith.constant 0 : i32
      %dma_start3A_85 = tpu.memref_slice %arg10[%add3A_62, %dma_start3A_84] : memref<10240x16xf32, #tpu.memory_space<vmem_shared>> -> memref<128x16xf32, #tpu.memory_space<vmem_shared>>
      tpu.enqueue_dma source(%dma_start3A_85 : memref<128x16xf32, #tpu.memory_space<vmem_shared>>) target(%dma_start3A_83 : memref<128x16xf32, #tpu.memory_space<hbm>>) target_semaphore(%run_scoped3A : memref<!tpu.dma_semaphore, #tpu.memory_space<semaphore_mem>>)
      %dma_wait3A = arith.constant 0 : i32
      %dma_wait3A_86 = tpu.memref_slice %arg5[%arg0, %add3A_64, %dma_wait3A] : memref<2x10240x16xf32, #tpu.memory_space<hbm>> -> memref<1x128x16xf32, #tpu.memory_space<hbm>>
      %dma_wait3A_87 = tpu.memref_squeeze %dma_wait3A_86 : memref<1x128x16xf32, #tpu.memory_space<hbm>> -> memref<128x16xf32, #tpu.memory_space<hbm>>
      %dma_wait3A_88 = arith.constant 0 : i32
      %dma_wait3A_89 = tpu.memref_slice %arg10[%add3A_62, %dma_wait3A_88] : memref<10240x16xf32, #tpu.memory_space<vmem_shared>> -> memref<128x16xf32, #tpu.memory_space<vmem_shared>>
      tpu.wait_dma2 semaphore(%run_scoped3A : memref<!tpu.dma_semaphore, #tpu.memory_space<semaphore_mem>>) src(%dma_wait3A_89 : memref<128x16xf32, #tpu.memory_space<vmem_shared>>) dst(%dma_wait3A_87 : memref<128x16xf32, #tpu.memory_space<hbm>>)
      tpu.yield
    }) : () -> ()
    %add3A_65 = arith.constant 128 : i32
    %add3A_66 = arith.addi %mul3A_8, %add3A_65 : i32
    %add3A_67 = arith.constant 128 : i32
    %add3A_68 = arith.addi %mul3A_8, %add3A_67 : i32
    "tpu.region"() ({
      %run_scoped3A = tpu.sem_alloc : memref<!tpu.dma_semaphore, #tpu.memory_space<semaphore_mem>>
      %dma_start3A_81 = arith.constant 0 : i32
      %dma_start3A_82 = tpu.memref_slice %arg5[%arg0, %add3A_68, %dma_start3A_81] : memref<2x10240x16xf32, #tpu.memory_space<hbm>> -> memref<1x128x16xf32, #tpu.memory_space<hbm>>
      %dma_start3A_83 = tpu.memref_squeeze %dma_start3A_82 : memref<1x128x16xf32, #tpu.memory_space<hbm>> -> memref<128x16xf32, #tpu.memory_space<hbm>>
      %dma_start3A_84 = arith.constant 0 : i32
      %dma_start3A_85 = tpu.memref_slice %arg10[%add3A_66, %dma_start3A_84] : memref<10240x16xf32, #tpu.memory_space<vmem_shared>> -> memref<128x16xf32, #tpu.memory_space<vmem_shared>>
      tpu.enqueue_dma source(%dma_start3A_85 : memref<128x16xf32, #tpu.memory_space<vmem_shared>>) target(%dma_start3A_83 : memref<128x16xf32, #tpu.memory_space<hbm>>) target_semaphore(%run_scoped3A : memref<!tpu.dma_semaphore, #tpu.memory_space<semaphore_mem>>)
      %dma_wait3A = arith.constant 0 : i32
      %dma_wait3A_86 = tpu.memref_slice %arg5[%arg0, %add3A_68, %dma_wait3A] : memref<2x10240x16xf32, #tpu.memory_space<hbm>> -> memref<1x128x16xf32, #tpu.memory_space<hbm>>
      %dma_wait3A_87 = tpu.memref_squeeze %dma_wait3A_86 : memref<1x128x16xf32, #tpu.memory_space<hbm>> -> memref<128x16xf32, #tpu.memory_space<hbm>>
      %dma_wait3A_88 = arith.constant 0 : i32
      %dma_wait3A_89 = tpu.memref_slice %arg10[%add3A_66, %dma_wait3A_88] : memref<10240x16xf32, #tpu.memory_space<vmem_shared>> -> memref<128x16xf32, #tpu.memory_space<vmem_shared>>
      tpu.wait_dma2 semaphore(%run_scoped3A : memref<!tpu.dma_semaphore, #tpu.memory_space<semaphore_mem>>) src(%dma_wait3A_89 : memref<128x16xf32, #tpu.memory_space<vmem_shared>>) dst(%dma_wait3A_87 : memref<128x16xf32, #tpu.memory_space<hbm>>)
      tpu.yield
    }) : () -> ()
    %add3A_69 = arith.constant 256 : i32
    %add3A_70 = arith.addi %mul3A_8, %add3A_69 : i32
    %add3A_71 = arith.constant 256 : i32
    %add3A_72 = arith.addi %mul3A_8, %add3A_71 : i32
    "tpu.region"() ({
      %run_scoped3A = tpu.sem_alloc : memref<!tpu.dma_semaphore, #tpu.memory_space<semaphore_mem>>
      %dma_start3A_81 = arith.constant 0 : i32
      %dma_start3A_82 = tpu.memref_slice %arg5[%arg0, %add3A_72, %dma_start3A_81] : memref<2x10240x16xf32, #tpu.memory_space<hbm>> -> memref<1x128x16xf32, #tpu.memory_space<hbm>>
      %dma_start3A_83 = tpu.memref_squeeze %dma_start3A_82 : memref<1x128x16xf32, #tpu.memory_space<hbm>> -> memref<128x16xf32, #tpu.memory_space<hbm>>
      %dma_start3A_84 = arith.constant 0 : i32
      %dma_start3A_85 = tpu.memref_slice %arg10[%add3A_70, %dma_start3A_84] : memref<10240x16xf32, #tpu.memory_space<vmem_shared>> -> memref<128x16xf32, #tpu.memory_space<vmem_shared>>
      tpu.enqueue_dma source(%dma_start3A_85 : memref<128x16xf32, #tpu.memory_space<vmem_shared>>) target(%dma_start3A_83 : memref<128x16xf32, #tpu.memory_space<hbm>>) target_semaphore(%run_scoped3A : memref<!tpu.dma_semaphore, #tpu.memory_space<semaphore_mem>>)
      %dma_wait3A = arith.constant 0 : i32
      %dma_wait3A_86 = tpu.memref_slice %arg5[%arg0, %add3A_72, %dma_wait3A] : memref<2x10240x16xf32, #tpu.memory_space<hbm>> -> memref<1x128x16xf32, #tpu.memory_space<hbm>>
      %dma_wait3A_87 = tpu.memref_squeeze %dma_wait3A_86 : memref<1x128x16xf32, #tpu.memory_space<hbm>> -> memref<128x16xf32, #tpu.memory_space<hbm>>
      %dma_wait3A_88 = arith.constant 0 : i32
      %dma_wait3A_89 = tpu.memref_slice %arg10[%add3A_70, %dma_wait3A_88] : memref<10240x16xf32, #tpu.memory_space<vmem_shared>> -> memref<128x16xf32, #tpu.memory_space<vmem_shared>>
      tpu.wait_dma2 semaphore(%run_scoped3A : memref<!tpu.dma_semaphore, #tpu.memory_space<semaphore_mem>>) src(%dma_wait3A_89 : memref<128x16xf32, #tpu.memory_space<vmem_shared>>) dst(%dma_wait3A_87 : memref<128x16xf32, #tpu.memory_space<hbm>>)
      tpu.yield
    }) : () -> ()
    %add3A_73 = arith.constant 384 : i32
    %add3A_74 = arith.addi %mul3A_8, %add3A_73 : i32
    %add3A_75 = arith.constant 384 : i32
    %add3A_76 = arith.addi %mul3A_8, %add3A_75 : i32
    "tpu.region"() ({
      %run_scoped3A = tpu.sem_alloc : memref<!tpu.dma_semaphore, #tpu.memory_space<semaphore_mem>>
      %dma_start3A_81 = arith.constant 0 : i32
      %dma_start3A_82 = tpu.memref_slice %arg5[%arg0, %add3A_76, %dma_start3A_81] : memref<2x10240x16xf32, #tpu.memory_space<hbm>> -> memref<1x128x16xf32, #tpu.memory_space<hbm>>
      %dma_start3A_83 = tpu.memref_squeeze %dma_start3A_82 : memref<1x128x16xf32, #tpu.memory_space<hbm>> -> memref<128x16xf32, #tpu.memory_space<hbm>>
      %dma_start3A_84 = arith.constant 0 : i32
      %dma_start3A_85 = tpu.memref_slice %arg10[%add3A_74, %dma_start3A_84] : memref<10240x16xf32, #tpu.memory_space<vmem_shared>> -> memref<128x16xf32, #tpu.memory_space<vmem_shared>>
      tpu.enqueue_dma source(%dma_start3A_85 : memref<128x16xf32, #tpu.memory_space<vmem_shared>>) target(%dma_start3A_83 : memref<128x16xf32, #tpu.memory_space<hbm>>) target_semaphore(%run_scoped3A : memref<!tpu.dma_semaphore, #tpu.memory_space<semaphore_mem>>)
      %dma_wait3A = arith.constant 0 : i32
      %dma_wait3A_86 = tpu.memref_slice %arg5[%arg0, %add3A_76, %dma_wait3A] : memref<2x10240x16xf32, #tpu.memory_space<hbm>> -> memref<1x128x16xf32, #tpu.memory_space<hbm>>
      %dma_wait3A_87 = tpu.memref_squeeze %dma_wait3A_86 : memref<1x128x16xf32, #tpu.memory_space<hbm>> -> memref<128x16xf32, #tpu.memory_space<hbm>>
      %dma_wait3A_88 = arith.constant 0 : i32
      %dma_wait3A_89 = tpu.memref_slice %arg10[%add3A_74, %dma_wait3A_88] : memref<10240x16xf32, #tpu.memory_space<vmem_shared>> -> memref<128x16xf32, #tpu.memory_space<vmem_shared>>
      tpu.wait_dma2 semaphore(%run_scoped3A : memref<!tpu.dma_semaphore, #tpu.memory_space<semaphore_mem>>) src(%dma_wait3A_89 : memref<128x16xf32, #tpu.memory_space<vmem_shared>>) dst(%dma_wait3A_87 : memref<128x16xf32, #tpu.memory_space<hbm>>)
      tpu.yield
    }) : () -> ()
    %add3A_77 = arith.constant 512 : i32
    %add3A_78 = arith.addi %mul3A_8, %add3A_77 : i32
    %add3A_79 = arith.constant 512 : i32
    %add3A_80 = arith.addi %mul3A_8, %add3A_79 : i32
    "tpu.region"() ({
      %run_scoped3A = tpu.sem_alloc : memref<!tpu.dma_semaphore, #tpu.memory_space<semaphore_mem>>
      %dma_start3A_81 = arith.constant 0 : i32
      %dma_start3A_82 = tpu.memref_slice %arg5[%arg0, %add3A_80, %dma_start3A_81] : memref<2x10240x16xf32, #tpu.memory_space<hbm>> -> memref<1x128x16xf32, #tpu.memory_space<hbm>>
      %dma_start3A_83 = tpu.memref_squeeze %dma_start3A_82 : memref<1x128x16xf32, #tpu.memory_space<hbm>> -> memref<128x16xf32, #tpu.memory_space<hbm>>
      %dma_start3A_84 = arith.constant 0 : i32
      %dma_start3A_85 = tpu.memref_slice %arg10[%add3A_78, %dma_start3A_84] : memref<10240x16xf32, #tpu.memory_space<vmem_shared>> -> memref<128x16xf32, #tpu.memory_space<vmem_shared>>
      tpu.enqueue_dma source(%dma_start3A_85 : memref<128x16xf32, #tpu.memory_space<vmem_shared>>) target(%dma_start3A_83 : memref<128x16xf32, #tpu.memory_space<hbm>>) target_semaphore(%run_scoped3A : memref<!tpu.dma_semaphore, #tpu.memory_space<semaphore_mem>>)
      %dma_wait3A = arith.constant 0 : i32
      %dma_wait3A_86 = tpu.memref_slice %arg5[%arg0, %add3A_80, %dma_wait3A] : memref<2x10240x16xf32, #tpu.memory_space<hbm>> -> memref<1x128x16xf32, #tpu.memory_space<hbm>>
      %dma_wait3A_87 = tpu.memref_squeeze %dma_wait3A_86 : memref<1x128x16xf32, #tpu.memory_space<hbm>> -> memref<128x16xf32, #tpu.memory_space<hbm>>
      %dma_wait3A_88 = arith.constant 0 : i32
      %dma_wait3A_89 = tpu.memref_slice %arg10[%add3A_78, %dma_wait3A_88] : memref<10240x16xf32, #tpu.memory_space<vmem_shared>> -> memref<128x16xf32, #tpu.memory_space<vmem_shared>>
      tpu.wait_dma2 semaphore(%run_scoped3A : memref<!tpu.dma_semaphore, #tpu.memory_space<semaphore_mem>>) src(%dma_wait3A_89 : memref<128x16xf32, #tpu.memory_space<vmem_shared>>) dst(%dma_wait3A_87 : memref<128x16xf32, #tpu.memory_space<hbm>>)
      tpu.yield
    }) : () -> ()
    return
  }
}

#map = affine_map<(d0, d1) -> (0, 0)>
#map1 = affine_map<(d0, d1) -> (0)>
#map2 = affine_map<(d0, d1) -> (0, 0, 0)>
module attributes {stable_mosaic.version = 14 : i64} {
  func.func @_sc_aggh(%arg0: i32, %arg1: i32, %arg2: memref<10000x128xf32, #tpu.memory_space<hbm>>, %arg3: memref<320000xi32, #tpu.memory_space<hbm>>, %arg4: memref<320000xi32, #tpu.memory_space<hbm>>, %arg5: memref<2x10112x128xf32, #tpu.memory_space<hbm>>, %arg6: memref<128xi32, #tpu.memory_space<vmem>>, %arg7: memref<128xi32, #tpu.memory_space<vmem>>, %arg8: memref<128xi32, #tpu.memory_space<vmem>>, %arg9: memref<128xi32, #tpu.memory_space<vmem>>, %arg10: memref<128xi32, #tpu.memory_space<vmem>>, %arg11: memref<128xi32, #tpu.memory_space<vmem>>, %arg12: memref<3x128x128xf32, #tpu.memory_space<vmem>>, %arg13: memref<10112x128xf32, #tpu.memory_space<vmem_shared>>, %arg14: memref<!tpu.dma_semaphore, #tpu.memory_space<semaphore_mem>>, %arg15: memref<!tpu.dma_semaphore, #tpu.memory_space<semaphore_mem>>, %arg16: memref<!tpu.dma_semaphore, #tpu.memory_space<semaphore_mem>>, %arg17: memref<!tpu.dma_semaphore, #tpu.memory_space<semaphore_mem>>, %arg18: memref<!tpu.dma_semaphore, #tpu.memory_space<semaphore_mem>>, %arg19: memref<!tpu.dma_semaphore, #tpu.memory_space<semaphore_mem>>, %arg20: memref<!tpu.dma_semaphore, #tpu.memory_space<semaphore_mem>>, %arg21: memref<!tpu.dma_semaphore, #tpu.memory_space<semaphore_mem>>, %arg22: memref<!tpu.dma_semaphore, #tpu.memory_space<semaphore_mem>>) attributes {dimension_semantics = [#tpu.dimension_semantics<core_parallel>, #tpu.dimension_semantics<subcore_parallel>], iteration_bounds = array<i64: 2, 16>, scalar_prefetch = 0 : i64, scratch_operands = 17 : i64, tpu.core_type = #tpu.core_type<sc_vector_subcore>, window_params = [{transform_indices = #map}, {transform_indices = #map1}, {transform_indices = #map1}, {transform_indices = #map2}]} {
    %mul3A = arith.constant 16 : i32
    %mul3A_0 = arith.muli %arg0, %mul3A : i32
    %add3A = arith.addi %mul3A_0, %arg1 : i32
    %scan3A = arith.constant 0 : i32
    %scan3A_1 = arith.constant 0 : i32
    %scan3A_2 = arith.constant 128 : i32
    %scan3A_3 = arith.addi %scan3A_1, %scan3A_2 : i32
    %scan3A_4 = arith.constant 1 : i32
    %scan3A_5 = scf.for %scan3A_95 = %scan3A_1 to %scan3A_3 step %scan3A_4 iter_args(%scan3A_96 = %scan3A) -> (i32)  : i32 {
      %broadcast_in_dim3A = arith.constant 0.000000e+00 : f32
      %broadcast_in_dim3A_97 = vector.broadcast %broadcast_in_dim3A : f32 to vector<16xf32>
      %swap3A = arith.constant 0 : i32
      %swap3A_98 = arith.index_cast %swap3A : i32 to index
      %swap3A_99 = arith.index_cast %scan3A_95 : i32 to index
      %swap3A_100 = arith.constant 0 : index
      %swap3A_101 = tpu.vector_load %arg12[%swap3A_98, %swap3A_99, %swap3A_100] {strides = array<i32>} : memref<3x128x128xf32, #tpu.memory_space<vmem>>, vector<1x1x16xf32>,
      %swap3A_102 = vector.shape_cast %swap3A_101 : vector<1x1x16xf32> to vector<16xf32>
      %swap3A_103 = vector.shape_cast %broadcast_in_dim3A_97 : vector<16xf32> to vector<1x1x16xf32>
      tpu.vector_store %arg12[%swap3A_98, %swap3A_99, %swap3A_100], %swap3A_103 {strides = array<i32>} : memref<3x128x128xf32, #tpu.memory_space<vmem>>, vector<1x1x16xf32>,
      %broadcast_in_dim3A_104 = arith.constant 0.000000e+00 : f32
      %broadcast_in_dim3A_105 = vector.broadcast %broadcast_in_dim3A_104 : f32 to vector<16xf32>
      %swap3A_106 = arith.constant 0 : i32
      %swap3A_107 = arith.index_cast %swap3A_106 : i32 to index
      %swap3A_108 = arith.index_cast %scan3A_95 : i32 to index
      %swap3A_109 = arith.constant 16 : index
      %swap3A_110 = tpu.vector_load %arg12[%swap3A_107, %swap3A_108, %swap3A_109] {strides = array<i32>} : memref<3x128x128xf32, #tpu.memory_space<vmem>>, vector<1x1x16xf32>,
      %swap3A_111 = vector.shape_cast %swap3A_110 : vector<1x1x16xf32> to vector<16xf32>
      %swap3A_112 = vector.shape_cast %broadcast_in_dim3A_105 : vector<16xf32> to vector<1x1x16xf32>
      tpu.vector_store %arg12[%swap3A_107, %swap3A_108, %swap3A_109], %swap3A_112 {strides = array<i32>} : memref<3x128x128xf32, #tpu.memory_space<vmem>>, vector<1x1x16xf32>,
      %broadcast_in_dim3A_113 = arith.constant 0.000000e+00 : f32
      %broadcast_in_dim3A_114 = vector.broadcast %broadcast_in_dim3A_113 : f32 to vector<16xf32>
      %swap3A_115 = arith.constant 0 : i32
      %swap3A_116 = arith.index_cast %swap3A_115 : i32 to index
      %swap3A_117 = arith.index_cast %scan3A_95 : i32 to index
      %swap3A_118 = arith.constant 32 : index
      %swap3A_119 = tpu.vector_load %arg12[%swap3A_116, %swap3A_117, %swap3A_118] {strides = array<i32>} : memref<3x128x128xf32, #tpu.memory_space<vmem>>, vector<1x1x16xf32>,
      %swap3A_120 = vector.shape_cast %swap3A_119 : vector<1x1x16xf32> to vector<16xf32>
      %swap3A_121 = vector.shape_cast %broadcast_in_dim3A_114 : vector<16xf32> to vector<1x1x16xf32>
      tpu.vector_store %arg12[%swap3A_116, %swap3A_117, %swap3A_118], %swap3A_121 {strides = array<i32>} : memref<3x128x128xf32, #tpu.memory_space<vmem>>, vector<1x1x16xf32>,
      %broadcast_in_dim3A_122 = arith.constant 0.000000e+00 : f32
      %broadcast_in_dim3A_123 = vector.broadcast %broadcast_in_dim3A_122 : f32 to vector<16xf32>
      %swap3A_124 = arith.constant 0 : i32
      %swap3A_125 = arith.index_cast %swap3A_124 : i32 to index
      %swap3A_126 = arith.index_cast %scan3A_95 : i32 to index
      %swap3A_127 = arith.constant 48 : index
      %swap3A_128 = tpu.vector_load %arg12[%swap3A_125, %swap3A_126, %swap3A_127] {strides = array<i32>} : memref<3x128x128xf32, #tpu.memory_space<vmem>>, vector<1x1x16xf32>,
      %swap3A_129 = vector.shape_cast %swap3A_128 : vector<1x1x16xf32> to vector<16xf32>
      %swap3A_130 = vector.shape_cast %broadcast_in_dim3A_123 : vector<16xf32> to vector<1x1x16xf32>
      tpu.vector_store %arg12[%swap3A_125, %swap3A_126, %swap3A_127], %swap3A_130 {strides = array<i32>} : memref<3x128x128xf32, #tpu.memory_space<vmem>>, vector<1x1x16xf32>,
      %broadcast_in_dim3A_131 = arith.constant 0.000000e+00 : f32
      %broadcast_in_dim3A_132 = vector.broadcast %broadcast_in_dim3A_131 : f32 to vector<16xf32>
      %swap3A_133 = arith.constant 0 : i32
      %swap3A_134 = arith.index_cast %swap3A_133 : i32 to index
      %swap3A_135 = arith.index_cast %scan3A_95 : i32 to index
      %swap3A_136 = arith.constant 64 : index
      %swap3A_137 = tpu.vector_load %arg12[%swap3A_134, %swap3A_135, %swap3A_136] {strides = array<i32>} : memref<3x128x128xf32, #tpu.memory_space<vmem>>, vector<1x1x16xf32>,
      %swap3A_138 = vector.shape_cast %swap3A_137 : vector<1x1x16xf32> to vector<16xf32>
      %swap3A_139 = vector.shape_cast %broadcast_in_dim3A_132 : vector<16xf32> to vector<1x1x16xf32>
      tpu.vector_store %arg12[%swap3A_134, %swap3A_135, %swap3A_136], %swap3A_139 {strides = array<i32>} : memref<3x128x128xf32, #tpu.memory_space<vmem>>, vector<1x1x16xf32>,
      %broadcast_in_dim3A_140 = arith.constant 0.000000e+00 : f32
      %broadcast_in_dim3A_141 = vector.broadcast %broadcast_in_dim3A_140 : f32 to vector<16xf32>
      %swap3A_142 = arith.constant 0 : i32
      %swap3A_143 = arith.index_cast %swap3A_142 : i32 to index
      %swap3A_144 = arith.index_cast %scan3A_95 : i32 to index
      %swap3A_145 = arith.constant 80 : index
      %swap3A_146 = tpu.vector_load %arg12[%swap3A_143, %swap3A_144, %swap3A_145] {strides = array<i32>} : memref<3x128x128xf32, #tpu.memory_space<vmem>>, vector<1x1x16xf32>,
      %swap3A_147 = vector.shape_cast %swap3A_146 : vector<1x1x16xf32> to vector<16xf32>
      %swap3A_148 = vector.shape_cast %broadcast_in_dim3A_141 : vector<16xf32> to vector<1x1x16xf32>
      tpu.vector_store %arg12[%swap3A_143, %swap3A_144, %swap3A_145], %swap3A_148 {strides = array<i32>} : memref<3x128x128xf32, #tpu.memory_space<vmem>>, vector<1x1x16xf32>,
      %broadcast_in_dim3A_149 = arith.constant 0.000000e+00 : f32
      %broadcast_in_dim3A_150 = vector.broadcast %broadcast_in_dim3A_149 : f32 to vector<16xf32>
      %swap3A_151 = arith.constant 0 : i32
      %swap3A_152 = arith.index_cast %swap3A_151 : i32 to index
      %swap3A_153 = arith.index_cast %scan3A_95 : i32 to index
      %swap3A_154 = arith.constant 96 : index
      %swap3A_155 = tpu.vector_load %arg12[%swap3A_152, %swap3A_153, %swap3A_154] {strides = array<i32>} : memref<3x128x128xf32, #tpu.memory_space<vmem>>, vector<1x1x16xf32>,
      %swap3A_156 = vector.shape_cast %swap3A_155 : vector<1x1x16xf32> to vector<16xf32>
      %swap3A_157 = vector.shape_cast %broadcast_in_dim3A_150 : vector<16xf32> to vector<1x1x16xf32>
      tpu.vector_store %arg12[%swap3A_152, %swap3A_153, %swap3A_154], %swap3A_157 {strides = array<i32>} : memref<3x128x128xf32, #tpu.memory_space<vmem>>, vector<1x1x16xf32>,
      %broadcast_in_dim3A_158 = arith.constant 0.000000e+00 : f32
      %broadcast_in_dim3A_159 = vector.broadcast %broadcast_in_dim3A_158 : f32 to vector<16xf32>
      %swap3A_160 = arith.constant 0 : i32
      %swap3A_161 = arith.index_cast %swap3A_160 : i32 to index
      %swap3A_162 = arith.index_cast %scan3A_95 : i32 to index
      %swap3A_163 = arith.constant 112 : index
      %swap3A_164 = tpu.vector_load %arg12[%swap3A_161, %swap3A_162, %swap3A_163] {strides = array<i32>} : memref<3x128x128xf32, #tpu.memory_space<vmem>>, vector<1x1x16xf32>,
      %swap3A_165 = vector.shape_cast %swap3A_164 : vector<1x1x16xf32> to vector<16xf32>
      %swap3A_166 = vector.shape_cast %broadcast_in_dim3A_159 : vector<16xf32> to vector<1x1x16xf32>
      tpu.vector_store %arg12[%swap3A_161, %swap3A_162, %swap3A_163], %swap3A_166 {strides = array<i32>} : memref<3x128x128xf32, #tpu.memory_space<vmem>>, vector<1x1x16xf32>,
      %scan3A_167 = arith.constant 0 : i32
      scf.yield %scan3A_167 : i32
    }
    %scan3A_6 = arith.constant 128 : i32
    %mul3A_7 = arith.constant 632 : i32
    %mul3A_8 = arith.muli %arg1, %mul3A_7 : i32
    %add3A_9 = arith.constant 0 : i32
    %add3A_10 = arith.addi %mul3A_8, %add3A_9 : i32
    %run_scoped3A = arith.constant 0 : i32
    "tpu.region"() ({
      %run_scoped3A_95 = tpu.sem_alloc : memref<!tpu.dma_semaphore, #tpu.memory_space<semaphore_mem>>
      %dma_start3A_96 = arith.constant 0 : i32
      %dma_start3A_97 = arith.constant 0 : i32
      %dma_start3A_98 = tpu.memref_slice %arg12[%run_scoped3A, %dma_start3A_96, %dma_start3A_97] : memref<3x128x128xf32, #tpu.memory_space<vmem>> -> memref<1x128x128xf32, #tpu.memory_space<vmem>>
      %dma_start3A_99 = tpu.memref_squeeze %dma_start3A_98 : memref<1x128x128xf32, #tpu.memory_space<vmem>> -> memref<128x128xf32, #tpu.memory_space<vmem>>
      %dma_start3A_100 = arith.constant 0 : i32
      %dma_start3A_101 = tpu.memref_slice %arg13[%add3A_10, %dma_start3A_100] : memref<10112x128xf32, #tpu.memory_space<vmem_shared>> -> memref<128x128xf32, #tpu.memory_space<vmem_shared>>
      %dma_start3A_102 = arith.constant 0 : i32
      %dma_start3A_103 = tpu.memref_slice %arg13[%add3A_10, %dma_start3A_102] : memref<10112x128xf32, #tpu.memory_space<vmem_shared>> -> memref<128x128xf32, #tpu.memory_space<vmem_shared>>
      %dma_start3A_104 = arith.constant 0 : i32
      %dma_start3A_105 = arith.constant 0 : i32
      %dma_start3A_106 = tpu.memref_slice %arg12[%run_scoped3A, %dma_start3A_104, %dma_start3A_105] : memref<3x128x128xf32, #tpu.memory_space<vmem>> -> memref<1x128x128xf32, #tpu.memory_space<vmem>>
      %dma_start3A_107 = tpu.memref_squeeze %dma_start3A_106 : memref<1x128x128xf32, #tpu.memory_space<vmem>> -> memref<128x128xf32, #tpu.memory_space<vmem>>
      tpu.enqueue_dma source(%dma_start3A_107 : memref<128x128xf32, #tpu.memory_space<vmem>>) target(%dma_start3A_103 : memref<128x128xf32, #tpu.memory_space<vmem_shared>>) target_semaphore(%run_scoped3A_95 : memref<!tpu.dma_semaphore, #tpu.memory_space<semaphore_mem>>)
      %dma_wait3A_108 = arith.constant 0 : i32
      %dma_wait3A_109 = arith.constant 0 : i32
      %dma_wait3A_110 = tpu.memref_slice %arg12[%run_scoped3A, %dma_wait3A_108, %dma_wait3A_109] : memref<3x128x128xf32, #tpu.memory_space<vmem>> -> memref<1x128x128xf32, #tpu.memory_space<vmem>>
      %dma_wait3A_111 = tpu.memref_squeeze %dma_wait3A_110 : memref<1x128x128xf32, #tpu.memory_space<vmem>> -> memref<128x128xf32, #tpu.memory_space<vmem>>
      %dma_wait3A_112 = arith.constant 0 : i32
      %dma_wait3A_113 = tpu.memref_slice %arg13[%add3A_10, %dma_wait3A_112] : memref<10112x128xf32, #tpu.memory_space<vmem_shared>> -> memref<128x128xf32, #tpu.memory_space<vmem_shared>>
      %dma_wait3A_114 = arith.constant 0 : i32
      %dma_wait3A_115 = tpu.memref_slice %arg13[%add3A_10, %dma_wait3A_114] : memref<10112x128xf32, #tpu.memory_space<vmem_shared>> -> memref<128x128xf32, #tpu.memory_space<vmem_shared>>
      %dma_wait3A_116 = arith.constant 0 : i32
      %dma_wait3A_117 = arith.constant 0 : i32
      %dma_wait3A_118 = tpu.memref_slice %arg12[%run_scoped3A, %dma_wait3A_116, %dma_wait3A_117] : memref<3x128x128xf32, #tpu.memory_space<vmem>> -> memref<1x128x128xf32, #tpu.memory_space<vmem>>
      %dma_wait3A_119 = tpu.memref_squeeze %dma_wait3A_118 : memref<1x128x128xf32, #tpu.memory_space<vmem>> -> memref<128x128xf32, #tpu.memory_space<vmem>>
      tpu.wait_dma2 semaphore(%run_scoped3A_95 : memref<!tpu.dma_semaphore, #tpu.memory_space<semaphore_mem>>) src(%dma_wait3A_119 : memref<128x128xf32, #tpu.memory_space<vmem>>) dst(%dma_wait3A_115 : memref<128x128xf32, #tpu.memory_space<vmem_shared>>)
      tpu.yield
    }) : () -> ()
    %add3A_11 = arith.constant 128 : i32
    %add3A_12 = arith.addi %mul3A_8, %add3A_11 : i32
    %run_scoped3A_13 = arith.constant 0 : i32
    "tpu.region"() ({
      %run_scoped3A_95 = tpu.sem_alloc : memref<!tpu.dma_semaphore, #tpu.memory_space<semaphore_mem>>
      %dma_start3A_96 = arith.constant 0 : i32
      %dma_start3A_97 = arith.constant 0 : i32
      %dma_start3A_98 = tpu.memref_slice %arg12[%run_scoped3A_13, %dma_start3A_96, %dma_start3A_97] : memref<3x128x128xf32, #tpu.memory_space<vmem>> -> memref<1x128x128xf32, #tpu.memory_space<vmem>>
      %dma_start3A_99 = tpu.memref_squeeze %dma_start3A_98 : memref<1x128x128xf32, #tpu.memory_space<vmem>> -> memref<128x128xf32, #tpu.memory_space<vmem>>
      %dma_start3A_100 = arith.constant 0 : i32
      %dma_start3A_101 = tpu.memref_slice %arg13[%add3A_12, %dma_start3A_100] : memref<10112x128xf32, #tpu.memory_space<vmem_shared>> -> memref<128x128xf32, #tpu.memory_space<vmem_shared>>
      %dma_start3A_102 = arith.constant 0 : i32
      %dma_start3A_103 = tpu.memref_slice %arg13[%add3A_12, %dma_start3A_102] : memref<10112x128xf32, #tpu.memory_space<vmem_shared>> -> memref<128x128xf32, #tpu.memory_space<vmem_shared>>
      %dma_start3A_104 = arith.constant 0 : i32
      %dma_start3A_105 = arith.constant 0 : i32
      %dma_start3A_106 = tpu.memref_slice %arg12[%run_scoped3A_13, %dma_start3A_104, %dma_start3A_105] : memref<3x128x128xf32, #tpu.memory_space<vmem>> -> memref<1x128x128xf32, #tpu.memory_space<vmem>>
      %dma_start3A_107 = tpu.memref_squeeze %dma_start3A_106 : memref<1x128x128xf32, #tpu.memory_space<vmem>> -> memref<128x128xf32, #tpu.memory_space<vmem>>
      tpu.enqueue_dma source(%dma_start3A_107 : memref<128x128xf32, #tpu.memory_space<vmem>>) target(%dma_start3A_103 : memref<128x128xf32, #tpu.memory_space<vmem_shared>>) target_semaphore(%run_scoped3A_95 : memref<!tpu.dma_semaphore, #tpu.memory_space<semaphore_mem>>)
      %dma_wait3A_108 = arith.constant 0 : i32
      %dma_wait3A_109 = arith.constant 0 : i32
      %dma_wait3A_110 = tpu.memref_slice %arg12[%run_scoped3A_13, %dma_wait3A_108, %dma_wait3A_109] : memref<3x128x128xf32, #tpu.memory_space<vmem>> -> memref<1x128x128xf32, #tpu.memory_space<vmem>>
      %dma_wait3A_111 = tpu.memref_squeeze %dma_wait3A_110 : memref<1x128x128xf32, #tpu.memory_space<vmem>> -> memref<128x128xf32, #tpu.memory_space<vmem>>
      %dma_wait3A_112 = arith.constant 0 : i32
      %dma_wait3A_113 = tpu.memref_slice %arg13[%add3A_12, %dma_wait3A_112] : memref<10112x128xf32, #tpu.memory_space<vmem_shared>> -> memref<128x128xf32, #tpu.memory_space<vmem_shared>>
      %dma_wait3A_114 = arith.constant 0 : i32
      %dma_wait3A_115 = tpu.memref_slice %arg13[%add3A_12, %dma_wait3A_114] : memref<10112x128xf32, #tpu.memory_space<vmem_shared>> -> memref<128x128xf32, #tpu.memory_space<vmem_shared>>
      %dma_wait3A_116 = arith.constant 0 : i32
      %dma_wait3A_117 = arith.constant 0 : i32
      %dma_wait3A_118 = tpu.memref_slice %arg12[%run_scoped3A_13, %dma_wait3A_116, %dma_wait3A_117] : memref<3x128x128xf32, #tpu.memory_space<vmem>> -> memref<1x128x128xf32, #tpu.memory_space<vmem>>
      %dma_wait3A_119 = tpu.memref_squeeze %dma_wait3A_118 : memref<1x128x128xf32, #tpu.memory_space<vmem>> -> memref<128x128xf32, #tpu.memory_space<vmem>>
      tpu.wait_dma2 semaphore(%run_scoped3A_95 : memref<!tpu.dma_semaphore, #tpu.memory_space<semaphore_mem>>) src(%dma_wait3A_119 : memref<128x128xf32, #tpu.memory_space<vmem>>) dst(%dma_wait3A_115 : memref<128x128xf32, #tpu.memory_space<vmem_shared>>)
      tpu.yield
    }) : () -> ()
    %add3A_14 = arith.constant 256 : i32
    %add3A_15 = arith.addi %mul3A_8, %add3A_14 : i32
    %run_scoped3A_16 = arith.constant 0 : i32
    "tpu.region"() ({
      %run_scoped3A_95 = tpu.sem_alloc : memref<!tpu.dma_semaphore, #tpu.memory_space<semaphore_mem>>
      %dma_start3A_96 = arith.constant 0 : i32
      %dma_start3A_97 = arith.constant 0 : i32
      %dma_start3A_98 = tpu.memref_slice %arg12[%run_scoped3A_16, %dma_start3A_96, %dma_start3A_97] : memref<3x128x128xf32, #tpu.memory_space<vmem>> -> memref<1x128x128xf32, #tpu.memory_space<vmem>>
      %dma_start3A_99 = tpu.memref_squeeze %dma_start3A_98 : memref<1x128x128xf32, #tpu.memory_space<vmem>> -> memref<128x128xf32, #tpu.memory_space<vmem>>
      %dma_start3A_100 = arith.constant 0 : i32
      %dma_start3A_101 = tpu.memref_slice %arg13[%add3A_15, %dma_start3A_100] : memref<10112x128xf32, #tpu.memory_space<vmem_shared>> -> memref<128x128xf32, #tpu.memory_space<vmem_shared>>
      %dma_start3A_102 = arith.constant 0 : i32
      %dma_start3A_103 = tpu.memref_slice %arg13[%add3A_15, %dma_start3A_102] : memref<10112x128xf32, #tpu.memory_space<vmem_shared>> -> memref<128x128xf32, #tpu.memory_space<vmem_shared>>
      %dma_start3A_104 = arith.constant 0 : i32
      %dma_start3A_105 = arith.constant 0 : i32
      %dma_start3A_106 = tpu.memref_slice %arg12[%run_scoped3A_16, %dma_start3A_104, %dma_start3A_105] : memref<3x128x128xf32, #tpu.memory_space<vmem>> -> memref<1x128x128xf32, #tpu.memory_space<vmem>>
      %dma_start3A_107 = tpu.memref_squeeze %dma_start3A_106 : memref<1x128x128xf32, #tpu.memory_space<vmem>> -> memref<128x128xf32, #tpu.memory_space<vmem>>
      tpu.enqueue_dma source(%dma_start3A_107 : memref<128x128xf32, #tpu.memory_space<vmem>>) target(%dma_start3A_103 : memref<128x128xf32, #tpu.memory_space<vmem_shared>>) target_semaphore(%run_scoped3A_95 : memref<!tpu.dma_semaphore, #tpu.memory_space<semaphore_mem>>)
      %dma_wait3A_108 = arith.constant 0 : i32
      %dma_wait3A_109 = arith.constant 0 : i32
      %dma_wait3A_110 = tpu.memref_slice %arg12[%run_scoped3A_16, %dma_wait3A_108, %dma_wait3A_109] : memref<3x128x128xf32, #tpu.memory_space<vmem>> -> memref<1x128x128xf32, #tpu.memory_space<vmem>>
      %dma_wait3A_111 = tpu.memref_squeeze %dma_wait3A_110 : memref<1x128x128xf32, #tpu.memory_space<vmem>> -> memref<128x128xf32, #tpu.memory_space<vmem>>
      %dma_wait3A_112 = arith.constant 0 : i32
      %dma_wait3A_113 = tpu.memref_slice %arg13[%add3A_15, %dma_wait3A_112] : memref<10112x128xf32, #tpu.memory_space<vmem_shared>> -> memref<128x128xf32, #tpu.memory_space<vmem_shared>>
      %dma_wait3A_114 = arith.constant 0 : i32
      %dma_wait3A_115 = tpu.memref_slice %arg13[%add3A_15, %dma_wait3A_114] : memref<10112x128xf32, #tpu.memory_space<vmem_shared>> -> memref<128x128xf32, #tpu.memory_space<vmem_shared>>
      %dma_wait3A_116 = arith.constant 0 : i32
      %dma_wait3A_117 = arith.constant 0 : i32
      %dma_wait3A_118 = tpu.memref_slice %arg12[%run_scoped3A_16, %dma_wait3A_116, %dma_wait3A_117] : memref<3x128x128xf32, #tpu.memory_space<vmem>> -> memref<1x128x128xf32, #tpu.memory_space<vmem>>
      %dma_wait3A_119 = tpu.memref_squeeze %dma_wait3A_118 : memref<1x128x128xf32, #tpu.memory_space<vmem>> -> memref<128x128xf32, #tpu.memory_space<vmem>>
      tpu.wait_dma2 semaphore(%run_scoped3A_95 : memref<!tpu.dma_semaphore, #tpu.memory_space<semaphore_mem>>) src(%dma_wait3A_119 : memref<128x128xf32, #tpu.memory_space<vmem>>) dst(%dma_wait3A_115 : memref<128x128xf32, #tpu.memory_space<vmem_shared>>)
      tpu.yield
    }) : () -> ()
    %add3A_17 = arith.constant 384 : i32
    %add3A_18 = arith.addi %mul3A_8, %add3A_17 : i32
    %run_scoped3A_19 = arith.constant 0 : i32
    "tpu.region"() ({
      %run_scoped3A_95 = tpu.sem_alloc : memref<!tpu.dma_semaphore, #tpu.memory_space<semaphore_mem>>
      %dma_start3A_96 = arith.constant 0 : i32
      %dma_start3A_97 = arith.constant 0 : i32
      %dma_start3A_98 = tpu.memref_slice %arg12[%run_scoped3A_19, %dma_start3A_96, %dma_start3A_97] : memref<3x128x128xf32, #tpu.memory_space<vmem>> -> memref<1x128x128xf32, #tpu.memory_space<vmem>>
      %dma_start3A_99 = tpu.memref_squeeze %dma_start3A_98 : memref<1x128x128xf32, #tpu.memory_space<vmem>> -> memref<128x128xf32, #tpu.memory_space<vmem>>
      %dma_start3A_100 = arith.constant 0 : i32
      %dma_start3A_101 = tpu.memref_slice %arg13[%add3A_18, %dma_start3A_100] : memref<10112x128xf32, #tpu.memory_space<vmem_shared>> -> memref<128x128xf32, #tpu.memory_space<vmem_shared>>
      %dma_start3A_102 = arith.constant 0 : i32
      %dma_start3A_103 = tpu.memref_slice %arg13[%add3A_18, %dma_start3A_102] : memref<10112x128xf32, #tpu.memory_space<vmem_shared>> -> memref<128x128xf32, #tpu.memory_space<vmem_shared>>
      %dma_start3A_104 = arith.constant 0 : i32
      %dma_start3A_105 = arith.constant 0 : i32
      %dma_start3A_106 = tpu.memref_slice %arg12[%run_scoped3A_19, %dma_start3A_104, %dma_start3A_105] : memref<3x128x128xf32, #tpu.memory_space<vmem>> -> memref<1x128x128xf32, #tpu.memory_space<vmem>>
      %dma_start3A_107 = tpu.memref_squeeze %dma_start3A_106 : memref<1x128x128xf32, #tpu.memory_space<vmem>> -> memref<128x128xf32, #tpu.memory_space<vmem>>
      tpu.enqueue_dma source(%dma_start3A_107 : memref<128x128xf32, #tpu.memory_space<vmem>>) target(%dma_start3A_103 : memref<128x128xf32, #tpu.memory_space<vmem_shared>>) target_semaphore(%run_scoped3A_95 : memref<!tpu.dma_semaphore, #tpu.memory_space<semaphore_mem>>)
      %dma_wait3A_108 = arith.constant 0 : i32
      %dma_wait3A_109 = arith.constant 0 : i32
      %dma_wait3A_110 = tpu.memref_slice %arg12[%run_scoped3A_19, %dma_wait3A_108, %dma_wait3A_109] : memref<3x128x128xf32, #tpu.memory_space<vmem>> -> memref<1x128x128xf32, #tpu.memory_space<vmem>>
      %dma_wait3A_111 = tpu.memref_squeeze %dma_wait3A_110 : memref<1x128x128xf32, #tpu.memory_space<vmem>> -> memref<128x128xf32, #tpu.memory_space<vmem>>
      %dma_wait3A_112 = arith.constant 0 : i32
      %dma_wait3A_113 = tpu.memref_slice %arg13[%add3A_18, %dma_wait3A_112] : memref<10112x128xf32, #tpu.memory_space<vmem_shared>> -> memref<128x128xf32, #tpu.memory_space<vmem_shared>>
      %dma_wait3A_114 = arith.constant 0 : i32
      %dma_wait3A_115 = tpu.memref_slice %arg13[%add3A_18, %dma_wait3A_114] : memref<10112x128xf32, #tpu.memory_space<vmem_shared>> -> memref<128x128xf32, #tpu.memory_space<vmem_shared>>
      %dma_wait3A_116 = arith.constant 0 : i32
      %dma_wait3A_117 = arith.constant 0 : i32
      %dma_wait3A_118 = tpu.memref_slice %arg12[%run_scoped3A_19, %dma_wait3A_116, %dma_wait3A_117] : memref<3x128x128xf32, #tpu.memory_space<vmem>> -> memref<1x128x128xf32, #tpu.memory_space<vmem>>
      %dma_wait3A_119 = tpu.memref_squeeze %dma_wait3A_118 : memref<1x128x128xf32, #tpu.memory_space<vmem>> -> memref<128x128xf32, #tpu.memory_space<vmem>>
      tpu.wait_dma2 semaphore(%run_scoped3A_95 : memref<!tpu.dma_semaphore, #tpu.memory_space<semaphore_mem>>) src(%dma_wait3A_119 : memref<128x128xf32, #tpu.memory_space<vmem>>) dst(%dma_wait3A_115 : memref<128x128xf32, #tpu.memory_space<vmem_shared>>)
      tpu.yield
    }) : () -> ()
    %add3A_20 = arith.constant 632 : i32
    %add3A_21 = arith.addi %mul3A_8, %add3A_20 : i32
    %sub3A = arith.constant 120 : i32
    %sub3A_22 = arith.subi %add3A_21, %sub3A : i32
    %run_scoped3A_23 = arith.constant 0 : i32
    "tpu.region"() ({
      %run_scoped3A_95 = tpu.sem_alloc : memref<!tpu.dma_semaphore, #tpu.memory_space<semaphore_mem>>
      %dma_start3A_96 = arith.constant 0 : i32
      %dma_start3A_97 = arith.constant 0 : i32
      %dma_start3A_98 = tpu.memref_slice %arg12[%run_scoped3A_23, %dma_start3A_96, %dma_start3A_97] : memref<3x128x128xf32, #tpu.memory_space<vmem>> -> memref<1x120x128xf32, #tpu.memory_space<vmem>>
      %dma_start3A_99 = tpu.memref_squeeze %dma_start3A_98 : memref<1x120x128xf32, #tpu.memory_space<vmem>> -> memref<120x128xf32, #tpu.memory_space<vmem>>
      %dma_start3A_100 = arith.constant 0 : i32
      %dma_start3A_101 = tpu.memref_slice %arg13[%sub3A_22, %dma_start3A_100] : memref<10112x128xf32, #tpu.memory_space<vmem_shared>> -> memref<120x128xf32, #tpu.memory_space<vmem_shared>>
      %dma_start3A_102 = arith.constant 0 : i32
      %dma_start3A_103 = tpu.memref_slice %arg13[%sub3A_22, %dma_start3A_102] : memref<10112x128xf32, #tpu.memory_space<vmem_shared>> -> memref<120x128xf32, #tpu.memory_space<vmem_shared>>
      %dma_start3A_104 = arith.constant 0 : i32
      %dma_start3A_105 = arith.constant 0 : i32
      %dma_start3A_106 = tpu.memref_slice %arg12[%run_scoped3A_23, %dma_start3A_104, %dma_start3A_105] : memref<3x128x128xf32, #tpu.memory_space<vmem>> -> memref<1x120x128xf32, #tpu.memory_space<vmem>>
      %dma_start3A_107 = tpu.memref_squeeze %dma_start3A_106 : memref<1x120x128xf32, #tpu.memory_space<vmem>> -> memref<120x128xf32, #tpu.memory_space<vmem>>
      tpu.enqueue_dma source(%dma_start3A_107 : memref<120x128xf32, #tpu.memory_space<vmem>>) target(%dma_start3A_103 : memref<120x128xf32, #tpu.memory_space<vmem_shared>>) target_semaphore(%run_scoped3A_95 : memref<!tpu.dma_semaphore, #tpu.memory_space<semaphore_mem>>)
      %dma_wait3A_108 = arith.constant 0 : i32
      %dma_wait3A_109 = arith.constant 0 : i32
      %dma_wait3A_110 = tpu.memref_slice %arg12[%run_scoped3A_23, %dma_wait3A_108, %dma_wait3A_109] : memref<3x128x128xf32, #tpu.memory_space<vmem>> -> memref<1x120x128xf32, #tpu.memory_space<vmem>>
      %dma_wait3A_111 = tpu.memref_squeeze %dma_wait3A_110 : memref<1x120x128xf32, #tpu.memory_space<vmem>> -> memref<120x128xf32, #tpu.memory_space<vmem>>
      %dma_wait3A_112 = arith.constant 0 : i32
      %dma_wait3A_113 = tpu.memref_slice %arg13[%sub3A_22, %dma_wait3A_112] : memref<10112x128xf32, #tpu.memory_space<vmem_shared>> -> memref<120x128xf32, #tpu.memory_space<vmem_shared>>
      %dma_wait3A_114 = arith.constant 0 : i32
      %dma_wait3A_115 = tpu.memref_slice %arg13[%sub3A_22, %dma_wait3A_114] : memref<10112x128xf32, #tpu.memory_space<vmem_shared>> -> memref<120x128xf32, #tpu.memory_space<vmem_shared>>
      %dma_wait3A_116 = arith.constant 0 : i32
      %dma_wait3A_117 = arith.constant 0 : i32
      %dma_wait3A_118 = tpu.memref_slice %arg12[%run_scoped3A_23, %dma_wait3A_116, %dma_wait3A_117] : memref<3x128x128xf32, #tpu.memory_space<vmem>> -> memref<1x120x128xf32, #tpu.memory_space<vmem>>
      %dma_wait3A_119 = tpu.memref_squeeze %dma_wait3A_118 : memref<1x120x128xf32, #tpu.memory_space<vmem>> -> memref<120x128xf32, #tpu.memory_space<vmem>>
      tpu.wait_dma2 semaphore(%run_scoped3A_95 : memref<!tpu.dma_semaphore, #tpu.memory_space<semaphore_mem>>) src(%dma_wait3A_119 : memref<120x128xf32, #tpu.memory_space<vmem>>) dst(%dma_wait3A_115 : memref<120x128xf32, #tpu.memory_space<vmem_shared>>)
      tpu.yield
    }) : () -> ()
    %barrier3A = arith.constant 0 : index
    tpu.barrier barrier_id(%barrier3A)
    %lt3A = arith.constant 4 : i32
    %lt3A_24 = arith.cmpi slt, %add3A, %lt3A : i32
    %jit3A = arith.constant 1 : i32
    %jit3A_25 = arith.constant 0 : i32
    %select_n3A = arith.select %lt3A_24, %jit3A, %jit3A_25 : i32
    %add3A_26 = arith.constant 78 : i32
    %add3A_27 = arith.addi %add3A_26, %select_n3A : i32
    %mul3A_28 = arith.constant 9984 : i32
    %mul3A_29 = arith.muli %add3A, %mul3A_28 : i32
    %add3A_30 = arith.constant 0 : i32
    %add3A_31 = arith.addi %mul3A_29, %add3A_30 : i32
    %mul3A_32 = arith.constant 128 : i32
    %mul3A_33 = arith.muli %add3A, %mul3A_32 : i32
    %add3A_34 = arith.constant 319488 : i32
    %add3A_35 = arith.addi %add3A_34, %mul3A_33 : i32
    %jit3A_36 = arith.constant true
    %select_n3A_37 = arith.select %jit3A_36, %add3A_31, %add3A_35 : i32
    %dma_start3A = tpu.memref_slice %arg3[%select_n3A_37] : memref<320000xi32, #tpu.memory_space<hbm>> -> memref<128xi32, #tpu.memory_space<hbm>>
    %dma_start3A_38 = tpu.memref_slice %arg3[%select_n3A_37] : memref<320000xi32, #tpu.memory_space<hbm>> -> memref<128xi32, #tpu.memory_space<hbm>>
    tpu.enqueue_dma source(%dma_start3A_38 : memref<128xi32, #tpu.memory_space<hbm>>) target(%arg6 : memref<128xi32, #tpu.memory_space<vmem>>) target_semaphore(%arg14 : memref<!tpu.dma_semaphore, #tpu.memory_space<semaphore_mem>>)
    %dma_start3A_39 = tpu.memref_slice %arg4[%select_n3A_37] : memref<320000xi32, #tpu.memory_space<hbm>> -> memref<128xi32, #tpu.memory_space<hbm>>
    %dma_start3A_40 = tpu.memref_slice %arg4[%select_n3A_37] : memref<320000xi32, #tpu.memory_space<hbm>> -> memref<128xi32, #tpu.memory_space<hbm>>
    tpu.enqueue_dma source(%dma_start3A_40 : memref<128xi32, #tpu.memory_space<hbm>>) target(%arg9 : memref<128xi32, #tpu.memory_space<vmem>>) target_semaphore(%arg17 : memref<!tpu.dma_semaphore, #tpu.memory_space<semaphore_mem>>)
    %dma_wait3A = arith.constant 0 : i32
    %dma_wait3A_41 = tpu.memref_slice %arg3[%dma_wait3A] : memref<320000xi32, #tpu.memory_space<hbm>> -> memref<128xi32, #tpu.memory_space<hbm>>
    %dma_wait3A_42 = arith.constant 0 : i32
    %dma_wait3A_43 = tpu.memref_slice %arg3[%dma_wait3A_42] : memref<320000xi32, #tpu.memory_space<hbm>> -> memref<128xi32, #tpu.memory_space<hbm>>
    tpu.wait_dma2 semaphore(%arg14 : memref<!tpu.dma_semaphore, #tpu.memory_space<semaphore_mem>>) src(%dma_wait3A_43 : memref<128xi32, #tpu.memory_space<hbm>>) dst(%arg6 : memref<128xi32, #tpu.memory_space<vmem>>)
    %dma_wait3A_44 = arith.constant 0 : i32
    %dma_wait3A_45 = tpu.memref_slice %arg4[%dma_wait3A_44] : memref<320000xi32, #tpu.memory_space<hbm>> -> memref<128xi32, #tpu.memory_space<hbm>>
    %dma_wait3A_46 = arith.constant 0 : i32
    %dma_wait3A_47 = tpu.memref_slice %arg4[%dma_wait3A_46] : memref<320000xi32, #tpu.memory_space<hbm>> -> memref<128xi32, #tpu.memory_space<hbm>>
    tpu.wait_dma2 semaphore(%arg17 : memref<!tpu.dma_semaphore, #tpu.memory_space<semaphore_mem>>) src(%dma_wait3A_47 : memref<128xi32, #tpu.memory_space<hbm>>) dst(%arg9 : memref<128xi32, #tpu.memory_space<vmem>>)
    %dma_start3A_48 = arith.constant 0 : i32
    %dma_start3A_49 = arith.constant 0 : i32
    %dma_start3A_50 = arith.constant 0 : i32
    %dma_start3A_51 = tpu.memref_slice %arg12[%dma_start3A_48, %dma_start3A_49, %dma_start3A_50] : memref<3x128x128xf32, #tpu.memory_space<vmem>> -> memref<1x128x128xf32, #tpu.memory_space<vmem>>
    %dma_start3A_52 = tpu.memref_squeeze %dma_start3A_51 : memref<1x128x128xf32, #tpu.memory_space<vmem>> -> memref<128x128xf32, #tpu.memory_space<vmem>>
    %dma_start3A_53 = arith.constant 0 : i32
    %dma_start3A_54 = arith.constant 0 : i32
    %dma_start3A_55 = tpu.memref_slice %arg2[%dma_start3A_53, %dma_start3A_54] : memref<10000x128xf32, #tpu.memory_space<hbm>> -> memref<10000x128xf32, #tpu.memory_space<hbm>>
    tpu.enqueue_indirect_dma source(%dma_start3A_55 : memref<10000x128xf32, #tpu.memory_space<hbm>>) target(%dma_start3A_52 : memref<128x128xf32, #tpu.memory_space<vmem>>) offsets(%arg6 : memref<128xi32, #tpu.memory_space<vmem>>) semaphore(%arg20 : memref<!tpu.dma_semaphore, #tpu.memory_space<semaphore_mem>>)
    %gt3A = arith.constant 1 : i32
    %gt3A_56 = arith.cmpi sgt, %add3A_27, %gt3A : i32
    %convert_element_type3A = arith.extui %gt3A_56 : i1 to i32
    %cond3A = arith.constant 0 : i32
    %cond3A_57 = arith.cmpi ne, %convert_element_type3A, %cond3A : i32
    scf.if %cond3A_57 {
      %mul3A_95 = arith.constant 9984 : i32
      %mul3A_96 = arith.muli %add3A, %mul3A_95 : i32
      %add3A_97 = arith.constant 128 : i32
      %add3A_98 = arith.addi %mul3A_96, %add3A_97 : i32
      %mul3A_99 = arith.constant 128 : i32
      %mul3A_100 = arith.muli %add3A, %mul3A_99 : i32
      %add3A_101 = arith.constant 319488 : i32
      %add3A_102 = arith.addi %add3A_101, %mul3A_100 : i32
      %jit3A_103 = arith.constant true
      %select_n3A_104 = arith.select %jit3A_103, %add3A_98, %add3A_102 : i32
      %dma_start3A_105 = tpu.memref_slice %arg3[%select_n3A_104] : memref<320000xi32, #tpu.memory_space<hbm>> -> memref<128xi32, #tpu.memory_space<hbm>>
      %dma_start3A_106 = tpu.memref_slice %arg3[%select_n3A_104] : memref<320000xi32, #tpu.memory_space<hbm>> -> memref<128xi32, #tpu.memory_space<hbm>>
      tpu.enqueue_dma source(%dma_start3A_106 : memref<128xi32, #tpu.memory_space<hbm>>) target(%arg7 : memref<128xi32, #tpu.memory_space<vmem>>) target_semaphore(%arg15 : memref<!tpu.dma_semaphore, #tpu.memory_space<semaphore_mem>>)
      %dma_start3A_107 = tpu.memref_slice %arg4[%select_n3A_104] : memref<320000xi32, #tpu.memory_space<hbm>> -> memref<128xi32, #tpu.memory_space<hbm>>
      %dma_start3A_108 = tpu.memref_slice %arg4[%select_n3A_104] : memref<320000xi32, #tpu.memory_space<hbm>> -> memref<128xi32, #tpu.memory_space<hbm>>
      tpu.enqueue_dma source(%dma_start3A_108 : memref<128xi32, #tpu.memory_space<hbm>>) target(%arg10 : memref<128xi32, #tpu.memory_space<vmem>>) target_semaphore(%arg18 : memref<!tpu.dma_semaphore, #tpu.memory_space<semaphore_mem>>)
      %dma_wait3A_109 = arith.constant 0 : i32
      %dma_wait3A_110 = tpu.memref_slice %arg3[%dma_wait3A_109] : memref<320000xi32, #tpu.memory_space<hbm>> -> memref<128xi32, #tpu.memory_space<hbm>>
      %dma_wait3A_111 = arith.constant 0 : i32
      %dma_wait3A_112 = tpu.memref_slice %arg3[%dma_wait3A_111] : memref<320000xi32, #tpu.memory_space<hbm>> -> memref<128xi32, #tpu.memory_space<hbm>>
      tpu.wait_dma2 semaphore(%arg15 : memref<!tpu.dma_semaphore, #tpu.memory_space<semaphore_mem>>) src(%dma_wait3A_112 : memref<128xi32, #tpu.memory_space<hbm>>) dst(%arg7 : memref<128xi32, #tpu.memory_space<vmem>>)
      %dma_wait3A_113 = arith.constant 0 : i32
      %dma_wait3A_114 = tpu.memref_slice %arg4[%dma_wait3A_113] : memref<320000xi32, #tpu.memory_space<hbm>> -> memref<128xi32, #tpu.memory_space<hbm>>
      %dma_wait3A_115 = arith.constant 0 : i32
      %dma_wait3A_116 = tpu.memref_slice %arg4[%dma_wait3A_115] : memref<320000xi32, #tpu.memory_space<hbm>> -> memref<128xi32, #tpu.memory_space<hbm>>
      tpu.wait_dma2 semaphore(%arg18 : memref<!tpu.dma_semaphore, #tpu.memory_space<semaphore_mem>>) src(%dma_wait3A_116 : memref<128xi32, #tpu.memory_space<hbm>>) dst(%arg10 : memref<128xi32, #tpu.memory_space<vmem>>)
      %dma_start3A_117 = arith.constant 1 : i32
      %dma_start3A_118 = arith.constant 0 : i32
      %dma_start3A_119 = arith.constant 0 : i32
      %dma_start3A_120 = tpu.memref_slice %arg12[%dma_start3A_117, %dma_start3A_118, %dma_start3A_119] : memref<3x128x128xf32, #tpu.memory_space<vmem>> -> memref<1x128x128xf32, #tpu.memory_space<vmem>>
      %dma_start3A_121 = tpu.memref_squeeze %dma_start3A_120 : memref<1x128x128xf32, #tpu.memory_space<vmem>> -> memref<128x128xf32, #tpu.memory_space<vmem>>
      %dma_start3A_122 = arith.constant 0 : i32
      %dma_start3A_123 = arith.constant 0 : i32
      %dma_start3A_124 = tpu.memref_slice %arg2[%dma_start3A_122, %dma_start3A_123] : memref<10000x128xf32, #tpu.memory_space<hbm>> -> memref<10000x128xf32, #tpu.memory_space<hbm>>
      tpu.enqueue_indirect_dma source(%dma_start3A_124 : memref<10000x128xf32, #tpu.memory_space<hbm>>) target(%dma_start3A_121 : memref<128x128xf32, #tpu.memory_space<vmem>>) offsets(%arg7 : memref<128xi32, #tpu.memory_space<vmem>>) semaphore(%arg21 : memref<!tpu.dma_semaphore, #tpu.memory_space<semaphore_mem>>)
    } else {
    }
    %gt3A_58 = arith.constant 2 : i32
    %gt3A_59 = arith.cmpi sgt, %add3A_27, %gt3A_58 : i32
    %convert_element_type3A_60 = arith.extui %gt3A_59 : i1 to i32
    %cond3A_61 = arith.constant 0 : i32
    %cond3A_62 = arith.cmpi ne, %convert_element_type3A_60, %cond3A_61 : i32
    scf.if %cond3A_62 {
      %mul3A_95 = arith.constant 9984 : i32
      %mul3A_96 = arith.muli %add3A, %mul3A_95 : i32
      %add3A_97 = arith.constant 256 : i32
      %add3A_98 = arith.addi %mul3A_96, %add3A_97 : i32
      %mul3A_99 = arith.constant 128 : i32
      %mul3A_100 = arith.muli %add3A, %mul3A_99 : i32
      %add3A_101 = arith.constant 319488 : i32
      %add3A_102 = arith.addi %add3A_101, %mul3A_100 : i32
      %jit3A_103 = arith.constant true
      %select_n3A_104 = arith.select %jit3A_103, %add3A_98, %add3A_102 : i32
      %dma_start3A_105 = tpu.memref_slice %arg3[%select_n3A_104] : memref<320000xi32, #tpu.memory_space<hbm>> -> memref<128xi32, #tpu.memory_space<hbm>>
      %dma_start3A_106 = tpu.memref_slice %arg3[%select_n3A_104] : memref<320000xi32, #tpu.memory_space<hbm>> -> memref<128xi32, #tpu.memory_space<hbm>>
      tpu.enqueue_dma source(%dma_start3A_106 : memref<128xi32, #tpu.memory_space<hbm>>) target(%arg8 : memref<128xi32, #tpu.memory_space<vmem>>) target_semaphore(%arg16 : memref<!tpu.dma_semaphore, #tpu.memory_space<semaphore_mem>>)
      %dma_start3A_107 = tpu.memref_slice %arg4[%select_n3A_104] : memref<320000xi32, #tpu.memory_space<hbm>> -> memref<128xi32, #tpu.memory_space<hbm>>
      %dma_start3A_108 = tpu.memref_slice %arg4[%select_n3A_104] : memref<320000xi32, #tpu.memory_space<hbm>> -> memref<128xi32, #tpu.memory_space<hbm>>
      tpu.enqueue_dma source(%dma_start3A_108 : memref<128xi32, #tpu.memory_space<hbm>>) target(%arg11 : memref<128xi32, #tpu.memory_space<vmem>>) target_semaphore(%arg19 : memref<!tpu.dma_semaphore, #tpu.memory_space<semaphore_mem>>)
    } else {
    }
    %scan3A_63 = arith.constant 0 : i32
    %scan3A_64 = arith.constant 0 : i32
    %scan3A_65 = arith.constant 27 : i32
    %scan3A_66 = arith.addi %scan3A_64, %scan3A_65 : i32
    %scan3A_67 = arith.constant 1 : i32
    %scan3A_68 = scf.for %scan3A_95 = %scan3A_64 to %scan3A_66 step %scan3A_67 iter_args(%scan3A_96 = %scan3A_63) -> (i32)  : i32 {
      %mul3A_97 = arith.constant 3 : i32
      %mul3A_98 = arith.muli %mul3A_97, %scan3A_95 : i32
      %add3A_99 = arith.constant 0 : i32
      %add3A_100 = arith.addi %mul3A_98, %add3A_99 : i32
      %lt3A_101 = arith.cmpi slt, %add3A_100, %add3A_27 : i32
      %convert_element_type3A_102 = arith.extui %lt3A_101 : i1 to i32
      %cond3A_103 = arith.constant 0 : i32
      %cond3A_104 = arith.cmpi ne, %convert_element_type3A_102, %cond3A_103 : i32
      scf.if %cond3A_104 {
        %add3A_122 = arith.constant 2 : i32
        %add3A_123 = arith.addi %add3A_100, %add3A_122 : i32
        %lt3A_124 = arith.cmpi slt, %add3A_123, %add3A_27 : i32
        %convert_element_type3A_125 = arith.extui %lt3A_124 : i1 to i32
        %cond3A_126 = arith.constant 0 : i32
        %cond3A_127 = arith.cmpi ne, %convert_element_type3A_125, %cond3A_126 : i32
        scf.if %cond3A_127 {
          %dma_wait3A_143 = arith.constant 0 : i32
          %dma_wait3A_144 = tpu.memref_slice %arg3[%dma_wait3A_143] : memref<320000xi32, #tpu.memory_space<hbm>> -> memref<128xi32, #tpu.memory_space<hbm>>
          %dma_wait3A_145 = arith.constant 0 : i32
          %dma_wait3A_146 = tpu.memref_slice %arg3[%dma_wait3A_145] : memref<320000xi32, #tpu.memory_space<hbm>> -> memref<128xi32, #tpu.memory_space<hbm>>
          tpu.wait_dma2 semaphore(%arg16 : memref<!tpu.dma_semaphore, #tpu.memory_space<semaphore_mem>>) src(%dma_wait3A_146 : memref<128xi32, #tpu.memory_space<hbm>>) dst(%arg8 : memref<128xi32, #tpu.memory_space<vmem>>)
          %dma_wait3A_147 = arith.constant 0 : i32
          %dma_wait3A_148 = tpu.memref_slice %arg4[%dma_wait3A_147] : memref<320000xi32, #tpu.memory_space<hbm>> -> memref<128xi32, #tpu.memory_space<hbm>>
          %dma_wait3A_149 = arith.constant 0 : i32
          %dma_wait3A_150 = tpu.memref_slice %arg4[%dma_wait3A_149] : memref<320000xi32, #tpu.memory_space<hbm>> -> memref<128xi32, #tpu.memory_space<hbm>>
          tpu.wait_dma2 semaphore(%arg19 : memref<!tpu.dma_semaphore, #tpu.memory_space<semaphore_mem>>) src(%dma_wait3A_150 : memref<128xi32, #tpu.memory_space<hbm>>) dst(%arg11 : memref<128xi32, #tpu.memory_space<vmem>>)
          %dma_start3A_151 = arith.constant 2 : i32
          %dma_start3A_152 = arith.constant 0 : i32
          %dma_start3A_153 = arith.constant 0 : i32
          %dma_start3A_154 = tpu.memref_slice %arg12[%dma_start3A_151, %dma_start3A_152, %dma_start3A_153] : memref<3x128x128xf32, #tpu.memory_space<vmem>> -> memref<1x128x128xf32, #tpu.memory_space<vmem>>
          %dma_start3A_155 = tpu.memref_squeeze %dma_start3A_154 : memref<1x128x128xf32, #tpu.memory_space<vmem>> -> memref<128x128xf32, #tpu.memory_space<vmem>>
          %dma_start3A_156 = arith.constant 0 : i32
          %dma_start3A_157 = arith.constant 0 : i32
          %dma_start3A_158 = tpu.memref_slice %arg2[%dma_start3A_156, %dma_start3A_157] : memref<10000x128xf32, #tpu.memory_space<hbm>> -> memref<10000x128xf32, #tpu.memory_space<hbm>>
          tpu.enqueue_indirect_dma source(%dma_start3A_158 : memref<10000x128xf32, #tpu.memory_space<hbm>>) target(%dma_start3A_155 : memref<128x128xf32, #tpu.memory_space<vmem>>) offsets(%arg8 : memref<128xi32, #tpu.memory_space<vmem>>) semaphore(%arg22 : memref<!tpu.dma_semaphore, #tpu.memory_space<semaphore_mem>>)
        } else {
        }
        %dma_wait3A_128 = arith.constant 0 : i32
        %dma_wait3A_129 = arith.constant 0 : i32
        %dma_wait3A_130 = arith.constant 0 : i32
        %dma_wait3A_131 = tpu.memref_slice %arg12[%dma_wait3A_128, %dma_wait3A_129, %dma_wait3A_130] : memref<3x128x128xf32, #tpu.memory_space<vmem>> -> memref<1x128x128xf32, #tpu.memory_space<vmem>>
        %dma_wait3A_132 = tpu.memref_squeeze %dma_wait3A_131 : memref<1x128x128xf32, #tpu.memory_space<vmem>> -> memref<128x128xf32, #tpu.memory_space<vmem>>
        %dma_wait3A_133 = arith.constant 0 : i32
        %dma_wait3A_134 = arith.constant 0 : i32
        %dma_wait3A_135 = tpu.memref_slice %arg2[%dma_wait3A_133, %dma_wait3A_134] : memref<10000x128xf32, #tpu.memory_space<hbm>> -> memref<10000x128xf32, #tpu.memory_space<hbm>>
        tpu.wait_indirect_dma semaphore(%arg20 : memref<!tpu.dma_semaphore, #tpu.memory_space<semaphore_mem>>) src(%dma_wait3A_135 : memref<10000x128xf32, #tpu.memory_space<hbm>>) dst(%dma_wait3A_132 : memref<128x128xf32, #tpu.memory_space<vmem>>)
        %run_scoped3A_136 = arith.constant 0 : i32
        "tpu.region"() ({
          %run_scoped3A_143 = tpu.sem_alloc : memref<!tpu.dma_semaphore, #tpu.memory_space<semaphore_mem>>
          %dma_start3A_144 = arith.constant 0 : i32
          %dma_start3A_145 = arith.constant 0 : i32
          %dma_start3A_146 = tpu.memref_slice %arg12[%run_scoped3A_136, %dma_start3A_144, %dma_start3A_145] : memref<3x128x128xf32, #tpu.memory_space<vmem>> -> memref<1x128x128xf32, #tpu.memory_space<vmem>>
          %dma_start3A_147 = tpu.memref_squeeze %dma_start3A_146 : memref<1x128x128xf32, #tpu.memory_space<vmem>> -> memref<128x128xf32, #tpu.memory_space<vmem>>
          %dma_start3A_148 = arith.constant 0 : i32
          %dma_start3A_149 = arith.constant 0 : i32
          %dma_start3A_150 = tpu.memref_slice %arg13[%dma_start3A_148, %dma_start3A_149] : memref<10112x128xf32, #tpu.memory_space<vmem_shared>> -> memref<10112x128xf32, #tpu.memory_space<vmem_shared>>
          tpu.enqueue_indirect_dma source(%dma_start3A_147 : memref<128x128xf32, #tpu.memory_space<vmem>>) target(%dma_start3A_150 : memref<10112x128xf32, #tpu.memory_space<vmem_shared>>) offsets(%arg9 : memref<128xi32, #tpu.memory_space<vmem>>) semaphore(%run_scoped3A_143 : memref<!tpu.dma_semaphore, #tpu.memory_space<semaphore_mem>>) {add = true}
          %dma_wait3A_151 = arith.constant 0 : i32
          %dma_wait3A_152 = arith.constant 0 : i32
          %dma_wait3A_153 = tpu.memref_slice %arg12[%run_scoped3A_136, %dma_wait3A_151, %dma_wait3A_152] : memref<3x128x128xf32, #tpu.memory_space<vmem>> -> memref<1x128x128xf32, #tpu.memory_space<vmem>>
          %dma_wait3A_154 = tpu.memref_squeeze %dma_wait3A_153 : memref<1x128x128xf32, #tpu.memory_space<vmem>> -> memref<128x128xf32, #tpu.memory_space<vmem>>
          %dma_wait3A_155 = arith.constant 0 : i32
          %dma_wait3A_156 = arith.constant 0 : i32
          %dma_wait3A_157 = tpu.memref_slice %arg13[%dma_wait3A_155, %dma_wait3A_156] : memref<10112x128xf32, #tpu.memory_space<vmem_shared>> -> memref<10112x128xf32, #tpu.memory_space<vmem_shared>>
          tpu.wait_indirect_dma semaphore(%run_scoped3A_143 : memref<!tpu.dma_semaphore, #tpu.memory_space<semaphore_mem>>) src(%dma_wait3A_154 : memref<128x128xf32, #tpu.memory_space<vmem>>) dst(%dma_wait3A_157 : memref<10112x128xf32, #tpu.memory_space<vmem_shared>>)
          tpu.yield
        }) : () -> ()
        %add3A_137 = arith.constant 3 : i32
        %add3A_138 = arith.addi %add3A_100, %add3A_137 : i32
        %lt3A_139 = arith.cmpi slt, %add3A_138, %add3A_27 : i32
        %convert_element_type3A_140 = arith.extui %lt3A_139 : i1 to i32
        %cond3A_141 = arith.constant 0 : i32
        %cond3A_142 = arith.cmpi ne, %convert_element_type3A_140, %cond3A_141 : i32
        scf.if %cond3A_142 {
          %add3A_143 = arith.constant 3 : i32
          %add3A_144 = arith.addi %add3A_100, %add3A_143 : i32
          %lt3A_145 = arith.constant 78 : i32
          %lt3A_146 = arith.cmpi slt, %add3A_144, %lt3A_145 : i32
          %mul3A_147 = arith.constant 9984 : i32
          %mul3A_148 = arith.muli %add3A, %mul3A_147 : i32
          %mul3A_149 = arith.constant 128 : i32
          %mul3A_150 = arith.muli %add3A_144, %mul3A_149 : i32
          %add3A_151 = arith.addi %mul3A_148, %mul3A_150 : i32
          %mul3A_152 = arith.constant 128 : i32
          %mul3A_153 = arith.muli %add3A, %mul3A_152 : i32
          %add3A_154 = arith.constant 319488 : i32
          %add3A_155 = arith.addi %add3A_154, %mul3A_153 : i32
          %select_n3A_156 = arith.select %lt3A_146, %add3A_151, %add3A_155 : i32
          %dma_start3A_157 = tpu.memref_slice %arg3[%select_n3A_156] : memref<320000xi32, #tpu.memory_space<hbm>> -> memref<128xi32, #tpu.memory_space<hbm>>
          %dma_start3A_158 = tpu.memref_slice %arg3[%select_n3A_156] : memref<320000xi32, #tpu.memory_space<hbm>> -> memref<128xi32, #tpu.memory_space<hbm>>
          tpu.enqueue_dma source(%dma_start3A_158 : memref<128xi32, #tpu.memory_space<hbm>>) target(%arg6 : memref<128xi32, #tpu.memory_space<vmem>>) target_semaphore(%arg14 : memref<!tpu.dma_semaphore, #tpu.memory_space<semaphore_mem>>)
          %dma_start3A_159 = tpu.memref_slice %arg4[%select_n3A_156] : memref<320000xi32, #tpu.memory_space<hbm>> -> memref<128xi32, #tpu.memory_space<hbm>>
          %dma_start3A_160 = tpu.memref_slice %arg4[%select_n3A_156] : memref<320000xi32, #tpu.memory_space<hbm>> -> memref<128xi32, #tpu.memory_space<hbm>>
          tpu.enqueue_dma source(%dma_start3A_160 : memref<128xi32, #tpu.memory_space<hbm>>) target(%arg9 : memref<128xi32, #tpu.memory_space<vmem>>) target_semaphore(%arg17 : memref<!tpu.dma_semaphore, #tpu.memory_space<semaphore_mem>>)
        } else {
        }
      } else {
      }
      %mul3A_105 = arith.constant 3 : i32
      %mul3A_106 = arith.muli %mul3A_105, %scan3A_95 : i32
      %add3A_107 = arith.constant 1 : i32
      %add3A_108 = arith.addi %mul3A_106, %add3A_107 : i32
      %lt3A_109 = arith.cmpi slt, %add3A_108, %add3A_27 : i32
      %convert_element_type3A_110 = arith.extui %lt3A_109 : i1 to i32
      %cond3A_111 = arith.constant 0 : i32
      %cond3A_112 = arith.cmpi ne, %convert_element_type3A_110, %cond3A_111 : i32
      scf.if %cond3A_112 {
        %add3A_122 = arith.constant 2 : i32
        %add3A_123 = arith.addi %add3A_108, %add3A_122 : i32
        %lt3A_124 = arith.cmpi slt, %add3A_123, %add3A_27 : i32
        %convert_element_type3A_125 = arith.extui %lt3A_124 : i1 to i32
        %cond3A_126 = arith.constant 0 : i32
        %cond3A_127 = arith.cmpi ne, %convert_element_type3A_125, %cond3A_126 : i32
        scf.if %cond3A_127 {
          %dma_wait3A_143 = arith.constant 0 : i32
          %dma_wait3A_144 = tpu.memref_slice %arg3[%dma_wait3A_143] : memref<320000xi32, #tpu.memory_space<hbm>> -> memref<128xi32, #tpu.memory_space<hbm>>
          %dma_wait3A_145 = arith.constant 0 : i32
          %dma_wait3A_146 = tpu.memref_slice %arg3[%dma_wait3A_145] : memref<320000xi32, #tpu.memory_space<hbm>> -> memref<128xi32, #tpu.memory_space<hbm>>
          tpu.wait_dma2 semaphore(%arg14 : memref<!tpu.dma_semaphore, #tpu.memory_space<semaphore_mem>>) src(%dma_wait3A_146 : memref<128xi32, #tpu.memory_space<hbm>>) dst(%arg6 : memref<128xi32, #tpu.memory_space<vmem>>)
          %dma_wait3A_147 = arith.constant 0 : i32
          %dma_wait3A_148 = tpu.memref_slice %arg4[%dma_wait3A_147] : memref<320000xi32, #tpu.memory_space<hbm>> -> memref<128xi32, #tpu.memory_space<hbm>>
          %dma_wait3A_149 = arith.constant 0 : i32
          %dma_wait3A_150 = tpu.memref_slice %arg4[%dma_wait3A_149] : memref<320000xi32, #tpu.memory_space<hbm>> -> memref<128xi32, #tpu.memory_space<hbm>>
          tpu.wait_dma2 semaphore(%arg17 : memref<!tpu.dma_semaphore, #tpu.memory_space<semaphore_mem>>) src(%dma_wait3A_150 : memref<128xi32, #tpu.memory_space<hbm>>) dst(%arg9 : memref<128xi32, #tpu.memory_space<vmem>>)
          %dma_start3A_151 = arith.constant 0 : i32
          %dma_start3A_152 = arith.constant 0 : i32
          %dma_start3A_153 = arith.constant 0 : i32
          %dma_start3A_154 = tpu.memref_slice %arg12[%dma_start3A_151, %dma_start3A_152, %dma_start3A_153] : memref<3x128x128xf32, #tpu.memory_space<vmem>> -> memref<1x128x128xf32, #tpu.memory_space<vmem>>
          %dma_start3A_155 = tpu.memref_squeeze %dma_start3A_154 : memref<1x128x128xf32, #tpu.memory_space<vmem>> -> memref<128x128xf32, #tpu.memory_space<vmem>>
          %dma_start3A_156 = arith.constant 0 : i32
          %dma_start3A_157 = arith.constant 0 : i32
          %dma_start3A_158 = tpu.memref_slice %arg2[%dma_start3A_156, %dma_start3A_157] : memref<10000x128xf32, #tpu.memory_space<hbm>> -> memref<10000x128xf32, #tpu.memory_space<hbm>>
          tpu.enqueue_indirect_dma source(%dma_start3A_158 : memref<10000x128xf32, #tpu.memory_space<hbm>>) target(%dma_start3A_155 : memref<128x128xf32, #tpu.memory_space<vmem>>) offsets(%arg6 : memref<128xi32, #tpu.memory_space<vmem>>) semaphore(%arg20 : memref<!tpu.dma_semaphore, #tpu.memory_space<semaphore_mem>>)
        } else {
        }
        %dma_wait3A_128 = arith.constant 1 : i32
        %dma_wait3A_129 = arith.constant 0 : i32
        %dma_wait3A_130 = arith.constant 0 : i32
        %dma_wait3A_131 = tpu.memref_slice %arg12[%dma_wait3A_128, %dma_wait3A_129, %dma_wait3A_130] : memref<3x128x128xf32, #tpu.memory_space<vmem>> -> memref<1x128x128xf32, #tpu.memory_space<vmem>>
        %dma_wait3A_132 = tpu.memref_squeeze %dma_wait3A_131 : memref<1x128x128xf32, #tpu.memory_space<vmem>> -> memref<128x128xf32, #tpu.memory_space<vmem>>
        %dma_wait3A_133 = arith.constant 0 : i32
        %dma_wait3A_134 = arith.constant 0 : i32
        %dma_wait3A_135 = tpu.memref_slice %arg2[%dma_wait3A_133, %dma_wait3A_134] : memref<10000x128xf32, #tpu.memory_space<hbm>> -> memref<10000x128xf32, #tpu.memory_space<hbm>>
        tpu.wait_indirect_dma semaphore(%arg21 : memref<!tpu.dma_semaphore, #tpu.memory_space<semaphore_mem>>) src(%dma_wait3A_135 : memref<10000x128xf32, #tpu.memory_space<hbm>>) dst(%dma_wait3A_132 : memref<128x128xf32, #tpu.memory_space<vmem>>)
        %run_scoped3A_136 = arith.constant 1 : i32
        "tpu.region"() ({
          %run_scoped3A_143 = tpu.sem_alloc : memref<!tpu.dma_semaphore, #tpu.memory_space<semaphore_mem>>
          %dma_start3A_144 = arith.constant 0 : i32
          %dma_start3A_145 = arith.constant 0 : i32
          %dma_start3A_146 = tpu.memref_slice %arg12[%run_scoped3A_136, %dma_start3A_144, %dma_start3A_145] : memref<3x128x128xf32, #tpu.memory_space<vmem>> -> memref<1x128x128xf32, #tpu.memory_space<vmem>>
          %dma_start3A_147 = tpu.memref_squeeze %dma_start3A_146 : memref<1x128x128xf32, #tpu.memory_space<vmem>> -> memref<128x128xf32, #tpu.memory_space<vmem>>
          %dma_start3A_148 = arith.constant 0 : i32
          %dma_start3A_149 = arith.constant 0 : i32
          %dma_start3A_150 = tpu.memref_slice %arg13[%dma_start3A_148, %dma_start3A_149] : memref<10112x128xf32, #tpu.memory_space<vmem_shared>> -> memref<10112x128xf32, #tpu.memory_space<vmem_shared>>
          tpu.enqueue_indirect_dma source(%dma_start3A_147 : memref<128x128xf32, #tpu.memory_space<vmem>>) target(%dma_start3A_150 : memref<10112x128xf32, #tpu.memory_space<vmem_shared>>) offsets(%arg10 : memref<128xi32, #tpu.memory_space<vmem>>) semaphore(%run_scoped3A_143 : memref<!tpu.dma_semaphore, #tpu.memory_space<semaphore_mem>>) {add = true}
          %dma_wait3A_151 = arith.constant 0 : i32
          %dma_wait3A_152 = arith.constant 0 : i32
          %dma_wait3A_153 = tpu.memref_slice %arg12[%run_scoped3A_136, %dma_wait3A_151, %dma_wait3A_152] : memref<3x128x128xf32, #tpu.memory_space<vmem>> -> memref<1x128x128xf32, #tpu.memory_space<vmem>>
          %dma_wait3A_154 = tpu.memref_squeeze %dma_wait3A_153 : memref<1x128x128xf32, #tpu.memory_space<vmem>> -> memref<128x128xf32, #tpu.memory_space<vmem>>
          %dma_wait3A_155 = arith.constant 0 : i32
          %dma_wait3A_156 = arith.constant 0 : i32
          %dma_wait3A_157 = tpu.memref_slice %arg13[%dma_wait3A_155, %dma_wait3A_156] : memref<10112x128xf32, #tpu.memory_space<vmem_shared>> -> memref<10112x128xf32, #tpu.memory_space<vmem_shared>>
          tpu.wait_indirect_dma semaphore(%run_scoped3A_143 : memref<!tpu.dma_semaphore, #tpu.memory_space<semaphore_mem>>) src(%dma_wait3A_154 : memref<128x128xf32, #tpu.memory_space<vmem>>) dst(%dma_wait3A_157 : memref<10112x128xf32, #tpu.memory_space<vmem_shared>>)
          tpu.yield
        }) : () -> ()
        %add3A_137 = arith.constant 3 : i32
        %add3A_138 = arith.addi %add3A_108, %add3A_137 : i32
        %lt3A_139 = arith.cmpi slt, %add3A_138, %add3A_27 : i32
        %convert_element_type3A_140 = arith.extui %lt3A_139 : i1 to i32
        %cond3A_141 = arith.constant 0 : i32
        %cond3A_142 = arith.cmpi ne, %convert_element_type3A_140, %cond3A_141 : i32
        scf.if %cond3A_142 {
          %add3A_143 = arith.constant 3 : i32
          %add3A_144 = arith.addi %add3A_108, %add3A_143 : i32
          %lt3A_145 = arith.constant 78 : i32
          %lt3A_146 = arith.cmpi slt, %add3A_144, %lt3A_145 : i32
          %mul3A_147 = arith.constant 9984 : i32
          %mul3A_148 = arith.muli %add3A, %mul3A_147 : i32
          %mul3A_149 = arith.constant 128 : i32
          %mul3A_150 = arith.muli %add3A_144, %mul3A_149 : i32
          %add3A_151 = arith.addi %mul3A_148, %mul3A_150 : i32
          %mul3A_152 = arith.constant 128 : i32
          %mul3A_153 = arith.muli %add3A, %mul3A_152 : i32
          %add3A_154 = arith.constant 319488 : i32
          %add3A_155 = arith.addi %add3A_154, %mul3A_153 : i32
          %select_n3A_156 = arith.select %lt3A_146, %add3A_151, %add3A_155 : i32
          %dma_start3A_157 = tpu.memref_slice %arg3[%select_n3A_156] : memref<320000xi32, #tpu.memory_space<hbm>> -> memref<128xi32, #tpu.memory_space<hbm>>
          %dma_start3A_158 = tpu.memref_slice %arg3[%select_n3A_156] : memref<320000xi32, #tpu.memory_space<hbm>> -> memref<128xi32, #tpu.memory_space<hbm>>
          tpu.enqueue_dma source(%dma_start3A_158 : memref<128xi32, #tpu.memory_space<hbm>>) target(%arg7 : memref<128xi32, #tpu.memory_space<vmem>>) target_semaphore(%arg15 : memref<!tpu.dma_semaphore, #tpu.memory_space<semaphore_mem>>)
          %dma_start3A_159 = tpu.memref_slice %arg4[%select_n3A_156] : memref<320000xi32, #tpu.memory_space<hbm>> -> memref<128xi32, #tpu.memory_space<hbm>>
          %dma_start3A_160 = tpu.memref_slice %arg4[%select_n3A_156] : memref<320000xi32, #tpu.memory_space<hbm>> -> memref<128xi32, #tpu.memory_space<hbm>>
          tpu.enqueue_dma source(%dma_start3A_160 : memref<128xi32, #tpu.memory_space<hbm>>) target(%arg10 : memref<128xi32, #tpu.memory_space<vmem>>) target_semaphore(%arg18 : memref<!tpu.dma_semaphore, #tpu.memory_space<semaphore_mem>>)
        } else {
        }
      } else {
      }
      %mul3A_113 = arith.constant 3 : i32
      %mul3A_114 = arith.muli %mul3A_113, %scan3A_95 : i32
      %add3A_115 = arith.constant 2 : i32
      %add3A_116 = arith.addi %mul3A_114, %add3A_115 : i32
      %lt3A_117 = arith.cmpi slt, %add3A_116, %add3A_27 : i32
      %convert_element_type3A_118 = arith.extui %lt3A_117 : i1 to i32
      %cond3A_119 = arith.constant 0 : i32
      %cond3A_120 = arith.cmpi ne, %convert_element_type3A_118, %cond3A_119 : i32
      scf.if %cond3A_120 {
        %add3A_122 = arith.constant 2 : i32
        %add3A_123 = arith.addi %add3A_116, %add3A_122 : i32
        %lt3A_124 = arith.cmpi slt, %add3A_123, %add3A_27 : i32
        %convert_element_type3A_125 = arith.extui %lt3A_124 : i1 to i32
        %cond3A_126 = arith.constant 0 : i32
        %cond3A_127 = arith.cmpi ne, %convert_element_type3A_125, %cond3A_126 : i32
        scf.if %cond3A_127 {
          %dma_wait3A_143 = arith.constant 0 : i32
          %dma_wait3A_144 = tpu.memref_slice %arg3[%dma_wait3A_143] : memref<320000xi32, #tpu.memory_space<hbm>> -> memref<128xi32, #tpu.memory_space<hbm>>
          %dma_wait3A_145 = arith.constant 0 : i32
          %dma_wait3A_146 = tpu.memref_slice %arg3[%dma_wait3A_145] : memref<320000xi32, #tpu.memory_space<hbm>> -> memref<128xi32, #tpu.memory_space<hbm>>
          tpu.wait_dma2 semaphore(%arg15 : memref<!tpu.dma_semaphore, #tpu.memory_space<semaphore_mem>>) src(%dma_wait3A_146 : memref<128xi32, #tpu.memory_space<hbm>>) dst(%arg7 : memref<128xi32, #tpu.memory_space<vmem>>)
          %dma_wait3A_147 = arith.constant 0 : i32
          %dma_wait3A_148 = tpu.memref_slice %arg4[%dma_wait3A_147] : memref<320000xi32, #tpu.memory_space<hbm>> -> memref<128xi32, #tpu.memory_space<hbm>>
          %dma_wait3A_149 = arith.constant 0 : i32
          %dma_wait3A_150 = tpu.memref_slice %arg4[%dma_wait3A_149] : memref<320000xi32, #tpu.memory_space<hbm>> -> memref<128xi32, #tpu.memory_space<hbm>>
          tpu.wait_dma2 semaphore(%arg18 : memref<!tpu.dma_semaphore, #tpu.memory_space<semaphore_mem>>) src(%dma_wait3A_150 : memref<128xi32, #tpu.memory_space<hbm>>) dst(%arg10 : memref<128xi32, #tpu.memory_space<vmem>>)
          %dma_start3A_151 = arith.constant 1 : i32
          %dma_start3A_152 = arith.constant 0 : i32
          %dma_start3A_153 = arith.constant 0 : i32
          %dma_start3A_154 = tpu.memref_slice %arg12[%dma_start3A_151, %dma_start3A_152, %dma_start3A_153] : memref<3x128x128xf32, #tpu.memory_space<vmem>> -> memref<1x128x128xf32, #tpu.memory_space<vmem>>
          %dma_start3A_155 = tpu.memref_squeeze %dma_start3A_154 : memref<1x128x128xf32, #tpu.memory_space<vmem>> -> memref<128x128xf32, #tpu.memory_space<vmem>>
          %dma_start3A_156 = arith.constant 0 : i32
          %dma_start3A_157 = arith.constant 0 : i32
          %dma_start3A_158 = tpu.memref_slice %arg2[%dma_start3A_156, %dma_start3A_157] : memref<10000x128xf32, #tpu.memory_space<hbm>> -> memref<10000x128xf32, #tpu.memory_space<hbm>>
          tpu.enqueue_indirect_dma source(%dma_start3A_158 : memref<10000x128xf32, #tpu.memory_space<hbm>>) target(%dma_start3A_155 : memref<128x128xf32, #tpu.memory_space<vmem>>) offsets(%arg7 : memref<128xi32, #tpu.memory_space<vmem>>) semaphore(%arg21 : memref<!tpu.dma_semaphore, #tpu.memory_space<semaphore_mem>>)
        } else {
        }
        %dma_wait3A_128 = arith.constant 2 : i32
        %dma_wait3A_129 = arith.constant 0 : i32
        %dma_wait3A_130 = arith.constant 0 : i32
        %dma_wait3A_131 = tpu.memref_slice %arg12[%dma_wait3A_128, %dma_wait3A_129, %dma_wait3A_130] : memref<3x128x128xf32, #tpu.memory_space<vmem>> -> memref<1x128x128xf32, #tpu.memory_space<vmem>>
        %dma_wait3A_132 = tpu.memref_squeeze %dma_wait3A_131 : memref<1x128x128xf32, #tpu.memory_space<vmem>> -> memref<128x128xf32, #tpu.memory_space<vmem>>
        %dma_wait3A_133 = arith.constant 0 : i32
        %dma_wait3A_134 = arith.constant 0 : i32
        %dma_wait3A_135 = tpu.memref_slice %arg2[%dma_wait3A_133, %dma_wait3A_134] : memref<10000x128xf32, #tpu.memory_space<hbm>> -> memref<10000x128xf32, #tpu.memory_space<hbm>>
        tpu.wait_indirect_dma semaphore(%arg22 : memref<!tpu.dma_semaphore, #tpu.memory_space<semaphore_mem>>) src(%dma_wait3A_135 : memref<10000x128xf32, #tpu.memory_space<hbm>>) dst(%dma_wait3A_132 : memref<128x128xf32, #tpu.memory_space<vmem>>)
        %run_scoped3A_136 = arith.constant 2 : i32
        "tpu.region"() ({
          %run_scoped3A_143 = tpu.sem_alloc : memref<!tpu.dma_semaphore, #tpu.memory_space<semaphore_mem>>
          %dma_start3A_144 = arith.constant 0 : i32
          %dma_start3A_145 = arith.constant 0 : i32
          %dma_start3A_146 = tpu.memref_slice %arg12[%run_scoped3A_136, %dma_start3A_144, %dma_start3A_145] : memref<3x128x128xf32, #tpu.memory_space<vmem>> -> memref<1x128x128xf32, #tpu.memory_space<vmem>>
          %dma_start3A_147 = tpu.memref_squeeze %dma_start3A_146 : memref<1x128x128xf32, #tpu.memory_space<vmem>> -> memref<128x128xf32, #tpu.memory_space<vmem>>
          %dma_start3A_148 = arith.constant 0 : i32
          %dma_start3A_149 = arith.constant 0 : i32
          %dma_start3A_150 = tpu.memref_slice %arg13[%dma_start3A_148, %dma_start3A_149] : memref<10112x128xf32, #tpu.memory_space<vmem_shared>> -> memref<10112x128xf32, #tpu.memory_space<vmem_shared>>
          tpu.enqueue_indirect_dma source(%dma_start3A_147 : memref<128x128xf32, #tpu.memory_space<vmem>>) target(%dma_start3A_150 : memref<10112x128xf32, #tpu.memory_space<vmem_shared>>) offsets(%arg11 : memref<128xi32, #tpu.memory_space<vmem>>) semaphore(%run_scoped3A_143 : memref<!tpu.dma_semaphore, #tpu.memory_space<semaphore_mem>>) {add = true}
          %dma_wait3A_151 = arith.constant 0 : i32
          %dma_wait3A_152 = arith.constant 0 : i32
          %dma_wait3A_153 = tpu.memref_slice %arg12[%run_scoped3A_136, %dma_wait3A_151, %dma_wait3A_152] : memref<3x128x128xf32, #tpu.memory_space<vmem>> -> memref<1x128x128xf32, #tpu.memory_space<vmem>>
          %dma_wait3A_154 = tpu.memref_squeeze %dma_wait3A_153 : memref<1x128x128xf32, #tpu.memory_space<vmem>> -> memref<128x128xf32, #tpu.memory_space<vmem>>
          %dma_wait3A_155 = arith.constant 0 : i32
          %dma_wait3A_156 = arith.constant 0 : i32
          %dma_wait3A_157 = tpu.memref_slice %arg13[%dma_wait3A_155, %dma_wait3A_156] : memref<10112x128xf32, #tpu.memory_space<vmem_shared>> -> memref<10112x128xf32, #tpu.memory_space<vmem_shared>>
          tpu.wait_indirect_dma semaphore(%run_scoped3A_143 : memref<!tpu.dma_semaphore, #tpu.memory_space<semaphore_mem>>) src(%dma_wait3A_154 : memref<128x128xf32, #tpu.memory_space<vmem>>) dst(%dma_wait3A_157 : memref<10112x128xf32, #tpu.memory_space<vmem_shared>>)
          tpu.yield
        }) : () -> ()
        %add3A_137 = arith.constant 3 : i32
        %add3A_138 = arith.addi %add3A_116, %add3A_137 : i32
        %lt3A_139 = arith.cmpi slt, %add3A_138, %add3A_27 : i32
        %convert_element_type3A_140 = arith.extui %lt3A_139 : i1 to i32
        %cond3A_141 = arith.constant 0 : i32
        %cond3A_142 = arith.cmpi ne, %convert_element_type3A_140, %cond3A_141 : i32
        scf.if %cond3A_142 {
          %add3A_143 = arith.constant 3 : i32
          %add3A_144 = arith.addi %add3A_116, %add3A_143 : i32
          %lt3A_145 = arith.constant 78 : i32
          %lt3A_146 = arith.cmpi slt, %add3A_144, %lt3A_145 : i32
          %mul3A_147 = arith.constant 9984 : i32
          %mul3A_148 = arith.muli %add3A, %mul3A_147 : i32
          %mul3A_149 = arith.constant 128 : i32
          %mul3A_150 = arith.muli %add3A_144, %mul3A_149 : i32
          %add3A_151 = arith.addi %mul3A_148, %mul3A_150 : i32
          %mul3A_152 = arith.constant 128 : i32
          %mul3A_153 = arith.muli %add3A, %mul3A_152 : i32
          %add3A_154 = arith.constant 319488 : i32
          %add3A_155 = arith.addi %add3A_154, %mul3A_153 : i32
          %select_n3A_156 = arith.select %lt3A_146, %add3A_151, %add3A_155 : i32
          %dma_start3A_157 = tpu.memref_slice %arg3[%select_n3A_156] : memref<320000xi32, #tpu.memory_space<hbm>> -> memref<128xi32, #tpu.memory_space<hbm>>
          %dma_start3A_158 = tpu.memref_slice %arg3[%select_n3A_156] : memref<320000xi32, #tpu.memory_space<hbm>> -> memref<128xi32, #tpu.memory_space<hbm>>
          tpu.enqueue_dma source(%dma_start3A_158 : memref<128xi32, #tpu.memory_space<hbm>>) target(%arg8 : memref<128xi32, #tpu.memory_space<vmem>>) target_semaphore(%arg16 : memref<!tpu.dma_semaphore, #tpu.memory_space<semaphore_mem>>)
          %dma_start3A_159 = tpu.memref_slice %arg4[%select_n3A_156] : memref<320000xi32, #tpu.memory_space<hbm>> -> memref<128xi32, #tpu.memory_space<hbm>>
          %dma_start3A_160 = tpu.memref_slice %arg4[%select_n3A_156] : memref<320000xi32, #tpu.memory_space<hbm>> -> memref<128xi32, #tpu.memory_space<hbm>>
          tpu.enqueue_dma source(%dma_start3A_160 : memref<128xi32, #tpu.memory_space<hbm>>) target(%arg11 : memref<128xi32, #tpu.memory_space<vmem>>) target_semaphore(%arg19 : memref<!tpu.dma_semaphore, #tpu.memory_space<semaphore_mem>>)
        } else {
        }
      } else {
      }
      %scan3A_121 = arith.constant 0 : i32
      scf.yield %scan3A_121 : i32
    }
    %scan3A_69 = arith.constant 27 : i32
    %barrier3A_70 = arith.constant 0 : index
    tpu.barrier barrier_id(%barrier3A_70)
    %add3A_71 = arith.constant 0 : i32
    %add3A_72 = arith.addi %mul3A_8, %add3A_71 : i32
    %add3A_73 = arith.constant 0 : i32
    %add3A_74 = arith.addi %mul3A_8, %add3A_73 : i32
    "tpu.region"() ({
      %run_scoped3A_95 = tpu.sem_alloc : memref<!tpu.dma_semaphore, #tpu.memory_space<semaphore_mem>>
      %dma_start3A_96 = arith.constant 0 : i32
      %dma_start3A_97 = tpu.memref_slice %arg5[%arg0, %add3A_74, %dma_start3A_96] : memref<2x10112x128xf32, #tpu.memory_space<hbm>> -> memref<1x128x128xf32, #tpu.memory_space<hbm>>
      %dma_start3A_98 = tpu.memref_squeeze %dma_start3A_97 : memref<1x128x128xf32, #tpu.memory_space<hbm>> -> memref<128x128xf32, #tpu.memory_space<hbm>>
      %dma_start3A_99 = arith.constant 0 : i32
      %dma_start3A_100 = tpu.memref_slice %arg13[%add3A_72, %dma_start3A_99] : memref<10112x128xf32, #tpu.memory_space<vmem_shared>> -> memref<128x128xf32, #tpu.memory_space<vmem_shared>>
      tpu.enqueue_dma source(%dma_start3A_100 : memref<128x128xf32, #tpu.memory_space<vmem_shared>>) target(%dma_start3A_98 : memref<128x128xf32, #tpu.memory_space<hbm>>) target_semaphore(%run_scoped3A_95 : memref<!tpu.dma_semaphore, #tpu.memory_space<semaphore_mem>>)
      %dma_wait3A_101 = arith.constant 0 : i32
      %dma_wait3A_102 = tpu.memref_slice %arg5[%arg0, %add3A_74, %dma_wait3A_101] : memref<2x10112x128xf32, #tpu.memory_space<hbm>> -> memref<1x128x128xf32, #tpu.memory_space<hbm>>
      %dma_wait3A_103 = tpu.memref_squeeze %dma_wait3A_102 : memref<1x128x128xf32, #tpu.memory_space<hbm>> -> memref<128x128xf32, #tpu.memory_space<hbm>>
      %dma_wait3A_104 = arith.constant 0 : i32
      %dma_wait3A_105 = tpu.memref_slice %arg13[%add3A_72, %dma_wait3A_104] : memref<10112x128xf32, #tpu.memory_space<vmem_shared>> -> memref<128x128xf32, #tpu.memory_space<vmem_shared>>
      tpu.wait_dma2 semaphore(%run_scoped3A_95 : memref<!tpu.dma_semaphore, #tpu.memory_space<semaphore_mem>>) src(%dma_wait3A_105 : memref<128x128xf32, #tpu.memory_space<vmem_shared>>) dst(%dma_wait3A_103 : memref<128x128xf32, #tpu.memory_space<hbm>>)
      tpu.yield
    }) : () -> ()
    %add3A_75 = arith.constant 128 : i32
    %add3A_76 = arith.addi %mul3A_8, %add3A_75 : i32
    %add3A_77 = arith.constant 128 : i32
    %add3A_78 = arith.addi %mul3A_8, %add3A_77 : i32
    "tpu.region"() ({
      %run_scoped3A_95 = tpu.sem_alloc : memref<!tpu.dma_semaphore, #tpu.memory_space<semaphore_mem>>
      %dma_start3A_96 = arith.constant 0 : i32
      %dma_start3A_97 = tpu.memref_slice %arg5[%arg0, %add3A_78, %dma_start3A_96] : memref<2x10112x128xf32, #tpu.memory_space<hbm>> -> memref<1x128x128xf32, #tpu.memory_space<hbm>>
      %dma_start3A_98 = tpu.memref_squeeze %dma_start3A_97 : memref<1x128x128xf32, #tpu.memory_space<hbm>> -> memref<128x128xf32, #tpu.memory_space<hbm>>
      %dma_start3A_99 = arith.constant 0 : i32
      %dma_start3A_100 = tpu.memref_slice %arg13[%add3A_76, %dma_start3A_99] : memref<10112x128xf32, #tpu.memory_space<vmem_shared>> -> memref<128x128xf32, #tpu.memory_space<vmem_shared>>
      tpu.enqueue_dma source(%dma_start3A_100 : memref<128x128xf32, #tpu.memory_space<vmem_shared>>) target(%dma_start3A_98 : memref<128x128xf32, #tpu.memory_space<hbm>>) target_semaphore(%run_scoped3A_95 : memref<!tpu.dma_semaphore, #tpu.memory_space<semaphore_mem>>)
      %dma_wait3A_101 = arith.constant 0 : i32
      %dma_wait3A_102 = tpu.memref_slice %arg5[%arg0, %add3A_78, %dma_wait3A_101] : memref<2x10112x128xf32, #tpu.memory_space<hbm>> -> memref<1x128x128xf32, #tpu.memory_space<hbm>>
      %dma_wait3A_103 = tpu.memref_squeeze %dma_wait3A_102 : memref<1x128x128xf32, #tpu.memory_space<hbm>> -> memref<128x128xf32, #tpu.memory_space<hbm>>
      %dma_wait3A_104 = arith.constant 0 : i32
      %dma_wait3A_105 = tpu.memref_slice %arg13[%add3A_76, %dma_wait3A_104] : memref<10112x128xf32, #tpu.memory_space<vmem_shared>> -> memref<128x128xf32, #tpu.memory_space<vmem_shared>>
      tpu.wait_dma2 semaphore(%run_scoped3A_95 : memref<!tpu.dma_semaphore, #tpu.memory_space<semaphore_mem>>) src(%dma_wait3A_105 : memref<128x128xf32, #tpu.memory_space<vmem_shared>>) dst(%dma_wait3A_103 : memref<128x128xf32, #tpu.memory_space<hbm>>)
      tpu.yield
    }) : () -> ()
    %add3A_79 = arith.constant 256 : i32
    %add3A_80 = arith.addi %mul3A_8, %add3A_79 : i32
    %add3A_81 = arith.constant 256 : i32
    %add3A_82 = arith.addi %mul3A_8, %add3A_81 : i32
    "tpu.region"() ({
      %run_scoped3A_95 = tpu.sem_alloc : memref<!tpu.dma_semaphore, #tpu.memory_space<semaphore_mem>>
      %dma_start3A_96 = arith.constant 0 : i32
      %dma_start3A_97 = tpu.memref_slice %arg5[%arg0, %add3A_82, %dma_start3A_96] : memref<2x10112x128xf32, #tpu.memory_space<hbm>> -> memref<1x128x128xf32, #tpu.memory_space<hbm>>
      %dma_start3A_98 = tpu.memref_squeeze %dma_start3A_97 : memref<1x128x128xf32, #tpu.memory_space<hbm>> -> memref<128x128xf32, #tpu.memory_space<hbm>>
      %dma_start3A_99 = arith.constant 0 : i32
      %dma_start3A_100 = tpu.memref_slice %arg13[%add3A_80, %dma_start3A_99] : memref<10112x128xf32, #tpu.memory_space<vmem_shared>> -> memref<128x128xf32, #tpu.memory_space<vmem_shared>>
      tpu.enqueue_dma source(%dma_start3A_100 : memref<128x128xf32, #tpu.memory_space<vmem_shared>>) target(%dma_start3A_98 : memref<128x128xf32, #tpu.memory_space<hbm>>) target_semaphore(%run_scoped3A_95 : memref<!tpu.dma_semaphore, #tpu.memory_space<semaphore_mem>>)
      %dma_wait3A_101 = arith.constant 0 : i32
      %dma_wait3A_102 = tpu.memref_slice %arg5[%arg0, %add3A_82, %dma_wait3A_101] : memref<2x10112x128xf32, #tpu.memory_space<hbm>> -> memref<1x128x128xf32, #tpu.memory_space<hbm>>
      %dma_wait3A_103 = tpu.memref_squeeze %dma_wait3A_102 : memref<1x128x128xf32, #tpu.memory_space<hbm>> -> memref<128x128xf32, #tpu.memory_space<hbm>>
      %dma_wait3A_104 = arith.constant 0 : i32
      %dma_wait3A_105 = tpu.memref_slice %arg13[%add3A_80, %dma_wait3A_104] : memref<10112x128xf32, #tpu.memory_space<vmem_shared>> -> memref<128x128xf32, #tpu.memory_space<vmem_shared>>
      tpu.wait_dma2 semaphore(%run_scoped3A_95 : memref<!tpu.dma_semaphore, #tpu.memory_space<semaphore_mem>>) src(%dma_wait3A_105 : memref<128x128xf32, #tpu.memory_space<vmem_shared>>) dst(%dma_wait3A_103 : memref<128x128xf32, #tpu.memory_space<hbm>>)
      tpu.yield
    }) : () -> ()
    %add3A_83 = arith.constant 384 : i32
    %add3A_84 = arith.addi %mul3A_8, %add3A_83 : i32
    %add3A_85 = arith.constant 384 : i32
    %add3A_86 = arith.addi %mul3A_8, %add3A_85 : i32
    "tpu.region"() ({
      %run_scoped3A_95 = tpu.sem_alloc : memref<!tpu.dma_semaphore, #tpu.memory_space<semaphore_mem>>
      %dma_start3A_96 = arith.constant 0 : i32
      %dma_start3A_97 = tpu.memref_slice %arg5[%arg0, %add3A_86, %dma_start3A_96] : memref<2x10112x128xf32, #tpu.memory_space<hbm>> -> memref<1x128x128xf32, #tpu.memory_space<hbm>>
      %dma_start3A_98 = tpu.memref_squeeze %dma_start3A_97 : memref<1x128x128xf32, #tpu.memory_space<hbm>> -> memref<128x128xf32, #tpu.memory_space<hbm>>
      %dma_start3A_99 = arith.constant 0 : i32
      %dma_start3A_100 = tpu.memref_slice %arg13[%add3A_84, %dma_start3A_99] : memref<10112x128xf32, #tpu.memory_space<vmem_shared>> -> memref<128x128xf32, #tpu.memory_space<vmem_shared>>
      tpu.enqueue_dma source(%dma_start3A_100 : memref<128x128xf32, #tpu.memory_space<vmem_shared>>) target(%dma_start3A_98 : memref<128x128xf32, #tpu.memory_space<hbm>>) target_semaphore(%run_scoped3A_95 : memref<!tpu.dma_semaphore, #tpu.memory_space<semaphore_mem>>)
      %dma_wait3A_101 = arith.constant 0 : i32
      %dma_wait3A_102 = tpu.memref_slice %arg5[%arg0, %add3A_86, %dma_wait3A_101] : memref<2x10112x128xf32, #tpu.memory_space<hbm>> -> memref<1x128x128xf32, #tpu.memory_space<hbm>>
      %dma_wait3A_103 = tpu.memref_squeeze %dma_wait3A_102 : memref<1x128x128xf32, #tpu.memory_space<hbm>> -> memref<128x128xf32, #tpu.memory_space<hbm>>
      %dma_wait3A_104 = arith.constant 0 : i32
      %dma_wait3A_105 = tpu.memref_slice %arg13[%add3A_84, %dma_wait3A_104] : memref<10112x128xf32, #tpu.memory_space<vmem_shared>> -> memref<128x128xf32, #tpu.memory_space<vmem_shared>>
      tpu.wait_dma2 semaphore(%run_scoped3A_95 : memref<!tpu.dma_semaphore, #tpu.memory_space<semaphore_mem>>) src(%dma_wait3A_105 : memref<128x128xf32, #tpu.memory_space<vmem_shared>>) dst(%dma_wait3A_103 : memref<128x128xf32, #tpu.memory_space<hbm>>)
      tpu.yield
    }) : () -> ()
    %add3A_87 = arith.constant 632 : i32
    %add3A_88 = arith.addi %mul3A_8, %add3A_87 : i32
    %sub3A_89 = arith.constant 120 : i32
    %sub3A_90 = arith.subi %add3A_88, %sub3A_89 : i32
    %add3A_91 = arith.constant 632 : i32
    %add3A_92 = arith.addi %mul3A_8, %add3A_91 : i32
    %sub3A_93 = arith.constant 120 : i32
    %sub3A_94 = arith.subi %add3A_92, %sub3A_93 : i32
    "tpu.region"() ({
      %run_scoped3A_95 = tpu.sem_alloc : memref<!tpu.dma_semaphore, #tpu.memory_space<semaphore_mem>>
      %dma_start3A_96 = arith.constant 0 : i32
      %dma_start3A_97 = tpu.memref_slice %arg5[%arg0, %sub3A_94, %dma_start3A_96] : memref<2x10112x128xf32, #tpu.memory_space<hbm>> -> memref<1x120x128xf32, #tpu.memory_space<hbm>>
      %dma_start3A_98 = tpu.memref_squeeze %dma_start3A_97 : memref<1x120x128xf32, #tpu.memory_space<hbm>> -> memref<120x128xf32, #tpu.memory_space<hbm>>
      %dma_start3A_99 = arith.constant 0 : i32
      %dma_start3A_100 = tpu.memref_slice %arg13[%sub3A_90, %dma_start3A_99] : memref<10112x128xf32, #tpu.memory_space<vmem_shared>> -> memref<120x128xf32, #tpu.memory_space<vmem_shared>>
      tpu.enqueue_dma source(%dma_start3A_100 : memref<120x128xf32, #tpu.memory_space<vmem_shared>>) target(%dma_start3A_98 : memref<120x128xf32, #tpu.memory_space<hbm>>) target_semaphore(%run_scoped3A_95 : memref<!tpu.dma_semaphore, #tpu.memory_space<semaphore_mem>>)
      %dma_wait3A_101 = arith.constant 0 : i32
      %dma_wait3A_102 = tpu.memref_slice %arg5[%arg0, %sub3A_94, %dma_wait3A_101] : memref<2x10112x128xf32, #tpu.memory_space<hbm>> -> memref<1x120x128xf32, #tpu.memory_space<hbm>>
      %dma_wait3A_103 = tpu.memref_squeeze %dma_wait3A_102 : memref<1x120x128xf32, #tpu.memory_space<hbm>> -> memref<120x128xf32, #tpu.memory_space<hbm>>
      %dma_wait3A_104 = arith.constant 0 : i32
      %dma_wait3A_105 = tpu.memref_slice %arg13[%sub3A_90, %dma_wait3A_104] : memref<10112x128xf32, #tpu.memory_space<vmem_shared>> -> memref<120x128xf32, #tpu.memory_space<vmem_shared>>
      tpu.wait_dma2 semaphore(%run_scoped3A_95 : memref<!tpu.dma_semaphore, #tpu.memory_space<semaphore_mem>>) src(%dma_wait3A_105 : memref<120x128xf32, #tpu.memory_space<vmem_shared>>) dst(%dma_wait3A_103 : memref<120x128xf32, #tpu.memory_space<hbm>>)
      tpu.yield
    }) : () -> ()
    return
  }
}

#map = affine_map<(d0, d1) -> (0, 0)>
#map1 = affine_map<(d0, d1) -> (0)>
module attributes {stable_mosaic.version = 14 : i64} {
  func.func @_sc_split(%arg0: i32, %arg1: i32, %arg2: memref<2x320000xi32, #tpu.memory_space<hbm>>, %arg3: memref<320000xi32, #tpu.memory_space<hbm>>, %arg4: memref<320000xi32, #tpu.memory_space<hbm>>, %arg5: memref<2x9984xi32, #tpu.memory_space<vmem>>, %arg6: memref<2x128xi32, #tpu.memory_space<vmem>>) attributes {dimension_semantics = [#tpu.dimension_semantics<core_parallel>, #tpu.dimension_semantics<subcore_parallel>], iteration_bounds = array<i64: 2, 16>, scalar_prefetch = 0 : i64, scratch_operands = 2 : i64, tpu.core_type = #tpu.core_type<sc_vector_subcore>, window_params = [{transform_indices = #map}, {transform_indices = #map1}, {transform_indices = #map1}]} {
    %mul3A = arith.constant 16 : i32
    %mul3A_0 = arith.muli %arg0, %mul3A : i32
    %add3A = arith.addi %mul3A_0, %arg1 : i32
    %mul3A_1 = arith.constant 9984 : i32
    %mul3A_2 = arith.muli %add3A, %mul3A_1 : i32
    "tpu.region"() ({
      %run_scoped3A_10 = tpu.sem_alloc : memref<!tpu.dma_semaphore, #tpu.memory_space<semaphore_mem>>
      %dma_start3A = arith.constant 0 : i32
      %dma_start3A_11 = tpu.memref_slice %arg2[%dma_start3A, %mul3A_2] : memref<2x320000xi32, #tpu.memory_space<hbm>> -> memref<2x9984xi32, #tpu.memory_space<hbm>>
      %dma_start3A_12 = arith.constant 0 : i32
      %dma_start3A_13 = tpu.memref_slice %arg2[%dma_start3A_12, %mul3A_2] : memref<2x320000xi32, #tpu.memory_space<hbm>> -> memref<2x9984xi32, #tpu.memory_space<hbm>>
      tpu.enqueue_dma source(%dma_start3A_13 : memref<2x9984xi32, #tpu.memory_space<hbm>>) target(%arg5 : memref<2x9984xi32, #tpu.memory_space<vmem>>) target_semaphore(%run_scoped3A_10 : memref<!tpu.dma_semaphore, #tpu.memory_space<semaphore_mem>>)
      %dma_wait3A = arith.constant 0 : i32
      %dma_wait3A_14 = tpu.memref_slice %arg2[%dma_wait3A, %mul3A_2] : memref<2x320000xi32, #tpu.memory_space<hbm>> -> memref<2x9984xi32, #tpu.memory_space<hbm>>
      %dma_wait3A_15 = arith.constant 0 : i32
      %dma_wait3A_16 = tpu.memref_slice %arg2[%dma_wait3A_15, %mul3A_2] : memref<2x320000xi32, #tpu.memory_space<hbm>> -> memref<2x9984xi32, #tpu.memory_space<hbm>>
      tpu.wait_dma2 semaphore(%run_scoped3A_10 : memref<!tpu.dma_semaphore, #tpu.memory_space<semaphore_mem>>) src(%dma_wait3A_16 : memref<2x9984xi32, #tpu.memory_space<hbm>>) dst(%arg5 : memref<2x9984xi32, #tpu.memory_space<vmem>>)
      tpu.yield
    }) : () -> ()
    %mul3A_3 = arith.constant 9984 : i32
    %mul3A_4 = arith.muli %add3A, %mul3A_3 : i32
    %run_scoped3A = arith.constant 0 : i32
    "tpu.region"() ({
      %run_scoped3A_10 = tpu.sem_alloc : memref<!tpu.dma_semaphore, #tpu.memory_space<semaphore_mem>>
      %dma_start3A = arith.constant 0 : i32
      %dma_start3A_11 = tpu.memref_slice %arg5[%run_scoped3A, %dma_start3A] : memref<2x9984xi32, #tpu.memory_space<vmem>> -> memref<1x9984xi32, #tpu.memory_space<vmem>>
      %dma_start3A_12 = tpu.memref_squeeze %dma_start3A_11 : memref<1x9984xi32, #tpu.memory_space<vmem>> -> memref<9984xi32, #tpu.memory_space<vmem>>
      %dma_start3A_13 = tpu.memref_slice %arg3[%mul3A_4] : memref<320000xi32, #tpu.memory_space<hbm>> -> memref<9984xi32, #tpu.memory_space<hbm>>
      %dma_start3A_14 = tpu.memref_slice %arg3[%mul3A_4] : memref<320000xi32, #tpu.memory_space<hbm>> -> memref<9984xi32, #tpu.memory_space<hbm>>
      %dma_start3A_15 = arith.constant 0 : i32
      %dma_start3A_16 = tpu.memref_slice %arg5[%run_scoped3A, %dma_start3A_15] : memref<2x9984xi32, #tpu.memory_space<vmem>> -> memref<1x9984xi32, #tpu.memory_space<vmem>>
      %dma_start3A_17 = tpu.memref_squeeze %dma_start3A_16 : memref<1x9984xi32, #tpu.memory_space<vmem>> -> memref<9984xi32, #tpu.memory_space<vmem>>
      tpu.enqueue_dma source(%dma_start3A_17 : memref<9984xi32, #tpu.memory_space<vmem>>) target(%dma_start3A_14 : memref<9984xi32, #tpu.memory_space<hbm>>) target_semaphore(%run_scoped3A_10 : memref<!tpu.dma_semaphore, #tpu.memory_space<semaphore_mem>>)
      %dma_wait3A = arith.constant 0 : i32
      %dma_wait3A_18 = tpu.memref_slice %arg5[%run_scoped3A, %dma_wait3A] : memref<2x9984xi32, #tpu.memory_space<vmem>> -> memref<1x9984xi32, #tpu.memory_space<vmem>>
      %dma_wait3A_19 = tpu.memref_squeeze %dma_wait3A_18 : memref<1x9984xi32, #tpu.memory_space<vmem>> -> memref<9984xi32, #tpu.memory_space<vmem>>
      %dma_wait3A_20 = tpu.memref_slice %arg3[%mul3A_4] : memref<320000xi32, #tpu.memory_space<hbm>> -> memref<9984xi32, #tpu.memory_space<hbm>>
      %dma_wait3A_21 = tpu.memref_slice %arg3[%mul3A_4] : memref<320000xi32, #tpu.memory_space<hbm>> -> memref<9984xi32, #tpu.memory_space<hbm>>
      %dma_wait3A_22 = arith.constant 0 : i32
      %dma_wait3A_23 = tpu.memref_slice %arg5[%run_scoped3A, %dma_wait3A_22] : memref<2x9984xi32, #tpu.memory_space<vmem>> -> memref<1x9984xi32, #tpu.memory_space<vmem>>
      %dma_wait3A_24 = tpu.memref_squeeze %dma_wait3A_23 : memref<1x9984xi32, #tpu.memory_space<vmem>> -> memref<9984xi32, #tpu.memory_space<vmem>>
      tpu.wait_dma2 semaphore(%run_scoped3A_10 : memref<!tpu.dma_semaphore, #tpu.memory_space<semaphore_mem>>) src(%dma_wait3A_24 : memref<9984xi32, #tpu.memory_space<vmem>>) dst(%dma_wait3A_21 : memref<9984xi32, #tpu.memory_space<hbm>>)
      tpu.yield
    }) : () -> ()
    %mul3A_5 = arith.constant 9984 : i32
    %mul3A_6 = arith.muli %add3A, %mul3A_5 : i32
    %run_scoped3A_7 = arith.constant 1 : i32
    "tpu.region"() ({
      %run_scoped3A_10 = tpu.sem_alloc : memref<!tpu.dma_semaphore, #tpu.memory_space<semaphore_mem>>
      %dma_start3A = arith.constant 0 : i32
      %dma_start3A_11 = tpu.memref_slice %arg5[%run_scoped3A_7, %dma_start3A] : memref<2x9984xi32, #tpu.memory_space<vmem>> -> memref<1x9984xi32, #tpu.memory_space<vmem>>
      %dma_start3A_12 = tpu.memref_squeeze %dma_start3A_11 : memref<1x9984xi32, #tpu.memory_space<vmem>> -> memref<9984xi32, #tpu.memory_space<vmem>>
      %dma_start3A_13 = tpu.memref_slice %arg4[%mul3A_6] : memref<320000xi32, #tpu.memory_space<hbm>> -> memref<9984xi32, #tpu.memory_space<hbm>>
      %dma_start3A_14 = tpu.memref_slice %arg4[%mul3A_6] : memref<320000xi32, #tpu.memory_space<hbm>> -> memref<9984xi32, #tpu.memory_space<hbm>>
      %dma_start3A_15 = arith.constant 0 : i32
      %dma_start3A_16 = tpu.memref_slice %arg5[%run_scoped3A_7, %dma_start3A_15] : memref<2x9984xi32, #tpu.memory_space<vmem>> -> memref<1x9984xi32, #tpu.memory_space<vmem>>
      %dma_start3A_17 = tpu.memref_squeeze %dma_start3A_16 : memref<1x9984xi32, #tpu.memory_space<vmem>> -> memref<9984xi32, #tpu.memory_space<vmem>>
      tpu.enqueue_dma source(%dma_start3A_17 : memref<9984xi32, #tpu.memory_space<vmem>>) target(%dma_start3A_14 : memref<9984xi32, #tpu.memory_space<hbm>>) target_semaphore(%run_scoped3A_10 : memref<!tpu.dma_semaphore, #tpu.memory_space<semaphore_mem>>)
      %dma_wait3A = arith.constant 0 : i32
      %dma_wait3A_18 = tpu.memref_slice %arg5[%run_scoped3A_7, %dma_wait3A] : memref<2x9984xi32, #tpu.memory_space<vmem>> -> memref<1x9984xi32, #tpu.memory_space<vmem>>
      %dma_wait3A_19 = tpu.memref_squeeze %dma_wait3A_18 : memref<1x9984xi32, #tpu.memory_space<vmem>> -> memref<9984xi32, #tpu.memory_space<vmem>>
      %dma_wait3A_20 = tpu.memref_slice %arg4[%mul3A_6] : memref<320000xi32, #tpu.memory_space<hbm>> -> memref<9984xi32, #tpu.memory_space<hbm>>
      %dma_wait3A_21 = tpu.memref_slice %arg4[%mul3A_6] : memref<320000xi32, #tpu.memory_space<hbm>> -> memref<9984xi32, #tpu.memory_space<hbm>>
      %dma_wait3A_22 = arith.constant 0 : i32
      %dma_wait3A_23 = tpu.memref_slice %arg5[%run_scoped3A_7, %dma_wait3A_22] : memref<2x9984xi32, #tpu.memory_space<vmem>> -> memref<1x9984xi32, #tpu.memory_space<vmem>>
      %dma_wait3A_24 = tpu.memref_squeeze %dma_wait3A_23 : memref<1x9984xi32, #tpu.memory_space<vmem>> -> memref<9984xi32, #tpu.memory_space<vmem>>
      tpu.wait_dma2 semaphore(%run_scoped3A_10 : memref<!tpu.dma_semaphore, #tpu.memory_space<semaphore_mem>>) src(%dma_wait3A_24 : memref<9984xi32, #tpu.memory_space<vmem>>) dst(%dma_wait3A_21 : memref<9984xi32, #tpu.memory_space<hbm>>)
      tpu.yield
    }) : () -> ()
    %lt3A = arith.constant 4 : i32
    %lt3A_8 = arith.cmpi slt, %add3A, %lt3A : i32
    %convert_element_type3A = arith.extui %lt3A_8 : i1 to i32
    %cond3A = arith.constant 0 : i32
    %cond3A_9 = arith.cmpi ne, %convert_element_type3A, %cond3A : i32
    scf.if %cond3A_9 {
      %mul3A_10 = arith.constant 128 : i32
      %mul3A_11 = arith.muli %add3A, %mul3A_10 : i32
      %add3A_12 = arith.constant 319488 : i32
      %add3A_13 = arith.addi %add3A_12, %mul3A_11 : i32
      "tpu.region"() ({
        %run_scoped3A_24 = tpu.sem_alloc : memref<!tpu.dma_semaphore, #tpu.memory_space<semaphore_mem>>
        %dma_start3A = arith.constant 0 : i32
        %dma_start3A_25 = tpu.memref_slice %arg2[%dma_start3A, %add3A_13] : memref<2x320000xi32, #tpu.memory_space<hbm>> -> memref<2x128xi32, #tpu.memory_space<hbm>>
        %dma_start3A_26 = arith.constant 0 : i32
        %dma_start3A_27 = tpu.memref_slice %arg2[%dma_start3A_26, %add3A_13] : memref<2x320000xi32, #tpu.memory_space<hbm>> -> memref<2x128xi32, #tpu.memory_space<hbm>>
        tpu.enqueue_dma source(%dma_start3A_27 : memref<2x128xi32, #tpu.memory_space<hbm>>) target(%arg6 : memref<2x128xi32, #tpu.memory_space<vmem>>) target_semaphore(%run_scoped3A_24 : memref<!tpu.dma_semaphore, #tpu.memory_space<semaphore_mem>>)
        %dma_wait3A = arith.constant 0 : i32
        %dma_wait3A_28 = tpu.memref_slice %arg2[%dma_wait3A, %add3A_13] : memref<2x320000xi32, #tpu.memory_space<hbm>> -> memref<2x128xi32, #tpu.memory_space<hbm>>
        %dma_wait3A_29 = arith.constant 0 : i32
        %dma_wait3A_30 = tpu.memref_slice %arg2[%dma_wait3A_29, %add3A_13] : memref<2x320000xi32, #tpu.memory_space<hbm>> -> memref<2x128xi32, #tpu.memory_space<hbm>>
        tpu.wait_dma2 semaphore(%run_scoped3A_24 : memref<!tpu.dma_semaphore, #tpu.memory_space<semaphore_mem>>) src(%dma_wait3A_30 : memref<2x128xi32, #tpu.memory_space<hbm>>) dst(%arg6 : memref<2x128xi32, #tpu.memory_space<vmem>>)
        tpu.yield
      }) : () -> ()
      %mul3A_14 = arith.constant 128 : i32
      %mul3A_15 = arith.muli %add3A, %mul3A_14 : i32
      %add3A_16 = arith.constant 319488 : i32
      %add3A_17 = arith.addi %add3A_16, %mul3A_15 : i32
      %run_scoped3A_18 = arith.constant 0 : i32
      "tpu.region"() ({
        %run_scoped3A_24 = tpu.sem_alloc : memref<!tpu.dma_semaphore, #tpu.memory_space<semaphore_mem>>
        %dma_start3A = arith.constant 0 : i32
        %dma_start3A_25 = tpu.memref_slice %arg6[%run_scoped3A_18, %dma_start3A] : memref<2x128xi32, #tpu.memory_space<vmem>> -> memref<1x128xi32, #tpu.memory_space<vmem>>
        %dma_start3A_26 = tpu.memref_squeeze %dma_start3A_25 : memref<1x128xi32, #tpu.memory_space<vmem>> -> memref<128xi32, #tpu.memory_space<vmem>>
        %dma_start3A_27 = tpu.memref_slice %arg3[%add3A_17] : memref<320000xi32, #tpu.memory_space<hbm>> -> memref<128xi32, #tpu.memory_space<hbm>>
        %dma_start3A_28 = tpu.memref_slice %arg3[%add3A_17] : memref<320000xi32, #tpu.memory_space<hbm>> -> memref<128xi32, #tpu.memory_space<hbm>>
        %dma_start3A_29 = arith.constant 0 : i32
        %dma_start3A_30 = tpu.memref_slice %arg6[%run_scoped3A_18, %dma_start3A_29] : memref<2x128xi32, #tpu.memory_space<vmem>> -> memref<1x128xi32, #tpu.memory_space<vmem>>
        %dma_start3A_31 = tpu.memref_squeeze %dma_start3A_30 : memref<1x128xi32, #tpu.memory_space<vmem>> -> memref<128xi32, #tpu.memory_space<vmem>>
        tpu.enqueue_dma source(%dma_start3A_31 : memref<128xi32, #tpu.memory_space<vmem>>) target(%dma_start3A_28 : memref<128xi32, #tpu.memory_space<hbm>>) target_semaphore(%run_scoped3A_24 : memref<!tpu.dma_semaphore, #tpu.memory_space<semaphore_mem>>)
        %dma_wait3A = arith.constant 0 : i32
        %dma_wait3A_32 = tpu.memref_slice %arg6[%run_scoped3A_18, %dma_wait3A] : memref<2x128xi32, #tpu.memory_space<vmem>> -> memref<1x128xi32, #tpu.memory_space<vmem>>
        %dma_wait3A_33 = tpu.memref_squeeze %dma_wait3A_32 : memref<1x128xi32, #tpu.memory_space<vmem>> -> memref<128xi32, #tpu.memory_space<vmem>>
        %dma_wait3A_34 = tpu.memref_slice %arg3[%add3A_17] : memref<320000xi32, #tpu.memory_space<hbm>> -> memref<128xi32, #tpu.memory_space<hbm>>
        %dma_wait3A_35 = tpu.memref_slice %arg3[%add3A_17] : memref<320000xi32, #tpu.memory_space<hbm>> -> memref<128xi32, #tpu.memory_space<hbm>>
        %dma_wait3A_36 = arith.constant 0 : i32
        %dma_wait3A_37 = tpu.memref_slice %arg6[%run_scoped3A_18, %dma_wait3A_36] : memref<2x128xi32, #tpu.memory_space<vmem>> -> memref<1x128xi32, #tpu.memory_space<vmem>>
        %dma_wait3A_38 = tpu.memref_squeeze %dma_wait3A_37 : memref<1x128xi32, #tpu.memory_space<vmem>> -> memref<128xi32, #tpu.memory_space<vmem>>
        tpu.wait_dma2 semaphore(%run_scoped3A_24 : memref<!tpu.dma_semaphore, #tpu.memory_space<semaphore_mem>>) src(%dma_wait3A_38 : memref<128xi32, #tpu.memory_space<vmem>>) dst(%dma_wait3A_35 : memref<128xi32, #tpu.memory_space<hbm>>)
        tpu.yield
      }) : () -> ()
      %mul3A_19 = arith.constant 128 : i32
      %mul3A_20 = arith.muli %add3A, %mul3A_19 : i32
      %add3A_21 = arith.constant 319488 : i32
      %add3A_22 = arith.addi %add3A_21, %mul3A_20 : i32
      %run_scoped3A_23 = arith.constant 1 : i32
      "tpu.region"() ({
        %run_scoped3A_24 = tpu.sem_alloc : memref<!tpu.dma_semaphore, #tpu.memory_space<semaphore_mem>>
        %dma_start3A = arith.constant 0 : i32
        %dma_start3A_25 = tpu.memref_slice %arg6[%run_scoped3A_23, %dma_start3A] : memref<2x128xi32, #tpu.memory_space<vmem>> -> memref<1x128xi32, #tpu.memory_space<vmem>>
        %dma_start3A_26 = tpu.memref_squeeze %dma_start3A_25 : memref<1x128xi32, #tpu.memory_space<vmem>> -> memref<128xi32, #tpu.memory_space<vmem>>
        %dma_start3A_27 = tpu.memref_slice %arg4[%add3A_22] : memref<320000xi32, #tpu.memory_space<hbm>> -> memref<128xi32, #tpu.memory_space<hbm>>
        %dma_start3A_28 = tpu.memref_slice %arg4[%add3A_22] : memref<320000xi32, #tpu.memory_space<hbm>> -> memref<128xi32, #tpu.memory_space<hbm>>
        %dma_start3A_29 = arith.constant 0 : i32
        %dma_start3A_30 = tpu.memref_slice %arg6[%run_scoped3A_23, %dma_start3A_29] : memref<2x128xi32, #tpu.memory_space<vmem>> -> memref<1x128xi32, #tpu.memory_space<vmem>>
        %dma_start3A_31 = tpu.memref_squeeze %dma_start3A_30 : memref<1x128xi32, #tpu.memory_space<vmem>> -> memref<128xi32, #tpu.memory_space<vmem>>
        tpu.enqueue_dma source(%dma_start3A_31 : memref<128xi32, #tpu.memory_space<vmem>>) target(%dma_start3A_28 : memref<128xi32, #tpu.memory_space<hbm>>) target_semaphore(%run_scoped3A_24 : memref<!tpu.dma_semaphore, #tpu.memory_space<semaphore_mem>>)
        %dma_wait3A = arith.constant 0 : i32
        %dma_wait3A_32 = tpu.memref_slice %arg6[%run_scoped3A_23, %dma_wait3A] : memref<2x128xi32, #tpu.memory_space<vmem>> -> memref<1x128xi32, #tpu.memory_space<vmem>>
        %dma_wait3A_33 = tpu.memref_squeeze %dma_wait3A_32 : memref<1x128xi32, #tpu.memory_space<vmem>> -> memref<128xi32, #tpu.memory_space<vmem>>
        %dma_wait3A_34 = tpu.memref_slice %arg4[%add3A_22] : memref<320000xi32, #tpu.memory_space<hbm>> -> memref<128xi32, #tpu.memory_space<hbm>>
        %dma_wait3A_35 = tpu.memref_slice %arg4[%add3A_22] : memref<320000xi32, #tpu.memory_space<hbm>> -> memref<128xi32, #tpu.memory_space<hbm>>
        %dma_wait3A_36 = arith.constant 0 : i32
        %dma_wait3A_37 = tpu.memref_slice %arg6[%run_scoped3A_23, %dma_wait3A_36] : memref<2x128xi32, #tpu.memory_space<vmem>> -> memref<1x128xi32, #tpu.memory_space<vmem>>
        %dma_wait3A_38 = tpu.memref_squeeze %dma_wait3A_37 : memref<1x128xi32, #tpu.memory_space<vmem>> -> memref<128xi32, #tpu.memory_space<vmem>>
        tpu.wait_dma2 semaphore(%run_scoped3A_24 : memref<!tpu.dma_semaphore, #tpu.memory_space<semaphore_mem>>) src(%dma_wait3A_38 : memref<128xi32, #tpu.memory_space<vmem>>) dst(%dma_wait3A_35 : memref<128xi32, #tpu.memory_space<hbm>>)
        tpu.yield
      }) : () -> ()
    } else {
    }
    return
  }
}

#map = affine_map<(d0, d1) -> (0)>
#map1 = affine_map<(d0, d1) -> (0, 0, 0)>
module attributes {stable_mosaic.version = 14 : i64} {
  func.func @_sc_hist(%arg0: i32, %arg1: i32, %arg2: memref<320000xi32, #tpu.memory_space<hbm>>, %arg3: memref<320000xi32, #tpu.memory_space<hbm>>, %arg4: memref<2x1x10240xf32, #tpu.memory_space<hbm>>, %arg5: memref<2x1x10240xf32, #tpu.memory_space<hbm>>, %arg6: memref<10112xi32, #tpu.memory_space<vmem>>, %arg7: memref<10112xi32, #tpu.memory_space<vmem>>, %arg8: memref<128xi32, #tpu.memory_space<vmem>>, %arg9: memref<128xi32, #tpu.memory_space<vmem>>, %arg10: memref<640xf32, #tpu.memory_space<vmem>>, %arg11: memref<128xf32, #tpu.memory_space<vmem>>, %arg12: memref<10240xf32, #tpu.memory_space<vmem_shared>>, %arg13: memref<10240xf32, #tpu.memory_space<vmem_shared>>) attributes {dimension_semantics = [#tpu.dimension_semantics<core_parallel>, #tpu.dimension_semantics<subcore_parallel>], iteration_bounds = array<i64: 2, 16>, scalar_prefetch = 0 : i64, scratch_operands = 8 : i64, tpu.core_type = #tpu.core_type<sc_vector_subcore>, window_params = [{transform_indices = #map}, {transform_indices = #map}, {transform_indices = #map1}, {transform_indices = #map1}]} {
    %mul3A = arith.constant 16 : i32
    %mul3A_0 = arith.muli %arg0, %mul3A : i32
    %add3A = arith.addi %mul3A_0, %arg1 : i32
    %broadcast_in_dim3A = arith.constant 0.000000e+00 : f32
    %broadcast_in_dim3A_1 = vector.broadcast %broadcast_in_dim3A : f32 to vector<16xf32>
    %scan3A = arith.constant 0 : i32
    %scan3A_2 = arith.constant 0 : i32
    %scan3A_3 = arith.constant 40 : i32
    %scan3A_4 = arith.addi %scan3A_2, %scan3A_3 : i32
    %scan3A_5 = arith.constant 1 : i32
    %scan3A_6 = scf.for %scan3A_43 = %scan3A_2 to %scan3A_4 step %scan3A_5 iter_args(%scan3A_44 = %scan3A) -> (i32)  : i32 {
      %mul3A_45 = arith.constant 16 : i32
      %mul3A_46 = arith.muli %scan3A_43, %mul3A_45 : i32
      %swap3A = arith.index_cast %mul3A_46 : i32 to index
      %swap3A_47 = tpu.vector_load %arg10[%swap3A] {strides = array<i32>} : memref<640xf32, #tpu.memory_space<vmem>>, vector<16xf32>,
      %swap3A_48 = vector.shape_cast %swap3A_47 : vector<16xf32> to vector<16xf32>
      %swap3A_49 = vector.shape_cast %broadcast_in_dim3A_1 : vector<16xf32> to vector<16xf32>
      tpu.vector_store %arg10[%swap3A], %swap3A_49 {strides = array<i32>} : memref<640xf32, #tpu.memory_space<vmem>>, vector<16xf32>,
      %scan3A_50 = arith.constant 0 : i32
      scf.yield %scan3A_50 : i32
    }
    %scan3A_7 = arith.constant 40 : i32
    %broadcast_in_dim3A_8 = arith.constant 1.000000e+00 : f32
    %broadcast_in_dim3A_9 = vector.broadcast %broadcast_in_dim3A_8 : f32 to vector<16xf32>
    %scan3A_10 = arith.constant 0 : i32
    %scan3A_11 = arith.constant 0 : i32
    %scan3A_12 = arith.constant 8 : i32
    %scan3A_13 = arith.addi %scan3A_11, %scan3A_12 : i32
    %scan3A_14 = arith.constant 1 : i32
    %scan3A_15 = scf.for %scan3A_43 = %scan3A_11 to %scan3A_13 step %scan3A_14 iter_args(%scan3A_44 = %scan3A_10) -> (i32)  : i32 {
      %mul3A_45 = arith.constant 16 : i32
      %mul3A_46 = arith.muli %scan3A_43, %mul3A_45 : i32
      %swap3A = arith.index_cast %mul3A_46 : i32 to index
      %swap3A_47 = tpu.vector_load %arg11[%swap3A] {strides = array<i32>} : memref<128xf32, #tpu.memory_space<vmem>>, vector<16xf32>,
      %swap3A_48 = vector.shape_cast %swap3A_47 : vector<16xf32> to vector<16xf32>
      %swap3A_49 = vector.shape_cast %broadcast_in_dim3A_9 : vector<16xf32> to vector<16xf32>
      tpu.vector_store %arg11[%swap3A], %swap3A_49 {strides = array<i32>} : memref<128xf32, #tpu.memory_space<vmem>>, vector<16xf32>,
      %scan3A_50 = arith.constant 0 : i32
      scf.yield %scan3A_50 : i32
    }
    %scan3A_16 = arith.constant 8 : i32
    %mul3A_17 = arith.constant 640 : i32
    %mul3A_18 = arith.muli %arg1, %mul3A_17 : i32
    "tpu.region"() ({
      %run_scoped3A_43 = tpu.sem_alloc : memref<!tpu.dma_semaphore, #tpu.memory_space<semaphore_mem>>
      %dma_start3A = tpu.memref_slice %arg12[%mul3A_18] : memref<10240xf32, #tpu.memory_space<vmem_shared>> -> memref<640xf32, #tpu.memory_space<vmem_shared>>
      %dma_start3A_44 = tpu.memref_slice %arg12[%mul3A_18] : memref<10240xf32, #tpu.memory_space<vmem_shared>> -> memref<640xf32, #tpu.memory_space<vmem_shared>>
      tpu.enqueue_dma source(%arg10 : memref<640xf32, #tpu.memory_space<vmem>>) target(%dma_start3A_44 : memref<640xf32, #tpu.memory_space<vmem_shared>>) target_semaphore(%run_scoped3A_43 : memref<!tpu.dma_semaphore, #tpu.memory_space<semaphore_mem>>)
      %dma_wait3A = tpu.memref_slice %arg12[%mul3A_18] : memref<10240xf32, #tpu.memory_space<vmem_shared>> -> memref<640xf32, #tpu.memory_space<vmem_shared>>
      %dma_wait3A_45 = tpu.memref_slice %arg12[%mul3A_18] : memref<10240xf32, #tpu.memory_space<vmem_shared>> -> memref<640xf32, #tpu.memory_space<vmem_shared>>
      tpu.wait_dma2 semaphore(%run_scoped3A_43 : memref<!tpu.dma_semaphore, #tpu.memory_space<semaphore_mem>>) src(%arg10 : memref<640xf32, #tpu.memory_space<vmem>>) dst(%dma_wait3A_45 : memref<640xf32, #tpu.memory_space<vmem_shared>>)
      tpu.yield
    }) : () -> ()
    "tpu.region"() ({
      %run_scoped3A_43 = tpu.sem_alloc : memref<!tpu.dma_semaphore, #tpu.memory_space<semaphore_mem>>
      %dma_start3A = tpu.memref_slice %arg13[%mul3A_18] : memref<10240xf32, #tpu.memory_space<vmem_shared>> -> memref<640xf32, #tpu.memory_space<vmem_shared>>
      %dma_start3A_44 = tpu.memref_slice %arg13[%mul3A_18] : memref<10240xf32, #tpu.memory_space<vmem_shared>> -> memref<640xf32, #tpu.memory_space<vmem_shared>>
      tpu.enqueue_dma source(%arg10 : memref<640xf32, #tpu.memory_space<vmem>>) target(%dma_start3A_44 : memref<640xf32, #tpu.memory_space<vmem_shared>>) target_semaphore(%run_scoped3A_43 : memref<!tpu.dma_semaphore, #tpu.memory_space<semaphore_mem>>)
      %dma_wait3A = tpu.memref_slice %arg13[%mul3A_18] : memref<10240xf32, #tpu.memory_space<vmem_shared>> -> memref<640xf32, #tpu.memory_space<vmem_shared>>
      %dma_wait3A_45 = tpu.memref_slice %arg13[%mul3A_18] : memref<10240xf32, #tpu.memory_space<vmem_shared>> -> memref<640xf32, #tpu.memory_space<vmem_shared>>
      tpu.wait_dma2 semaphore(%run_scoped3A_43 : memref<!tpu.dma_semaphore, #tpu.memory_space<semaphore_mem>>) src(%arg10 : memref<640xf32, #tpu.memory_space<vmem>>) dst(%dma_wait3A_45 : memref<640xf32, #tpu.memory_space<vmem_shared>>)
      tpu.yield
    }) : () -> ()
    %barrier3A = arith.constant 0 : index
    tpu.barrier barrier_id(%barrier3A)
    %mul3A_19 = arith.constant 9984 : i32
    %mul3A_20 = arith.muli %add3A, %mul3A_19 : i32
    "tpu.region"() ({
      %run_scoped3A_43 = tpu.sem_alloc : memref<!tpu.dma_semaphore, #tpu.memory_space<semaphore_mem>>
      %dma_start3A = arith.constant 0 : i32
      %dma_start3A_44 = tpu.memref_slice %arg6[%dma_start3A] : memref<10112xi32, #tpu.memory_space<vmem>> -> memref<9984xi32, #tpu.memory_space<vmem>>
      %dma_start3A_45 = tpu.memref_slice %arg2[%mul3A_20] : memref<320000xi32, #tpu.memory_space<hbm>> -> memref<9984xi32, #tpu.memory_space<hbm>>
      %dma_start3A_46 = arith.constant 0 : i32
      %dma_start3A_47 = tpu.memref_slice %arg6[%dma_start3A_46] : memref<10112xi32, #tpu.memory_space<vmem>> -> memref<9984xi32, #tpu.memory_space<vmem>>
      %dma_start3A_48 = tpu.memref_slice %arg2[%mul3A_20] : memref<320000xi32, #tpu.memory_space<hbm>> -> memref<9984xi32, #tpu.memory_space<hbm>>
      tpu.enqueue_dma source(%dma_start3A_48 : memref<9984xi32, #tpu.memory_space<hbm>>) target(%dma_start3A_47 : memref<9984xi32, #tpu.memory_space<vmem>>) target_semaphore(%run_scoped3A_43 : memref<!tpu.dma_semaphore, #tpu.memory_space<semaphore_mem>>)
      %dma_wait3A = arith.constant 0 : i32
      %dma_wait3A_49 = tpu.memref_slice %arg6[%dma_wait3A] : memref<10112xi32, #tpu.memory_space<vmem>> -> memref<9984xi32, #tpu.memory_space<vmem>>
      %dma_wait3A_50 = tpu.memref_slice %arg2[%mul3A_20] : memref<320000xi32, #tpu.memory_space<hbm>> -> memref<9984xi32, #tpu.memory_space<hbm>>
      %dma_wait3A_51 = arith.constant 0 : i32
      %dma_wait3A_52 = tpu.memref_slice %arg6[%dma_wait3A_51] : memref<10112xi32, #tpu.memory_space<vmem>> -> memref<9984xi32, #tpu.memory_space<vmem>>
      %dma_wait3A_53 = tpu.memref_slice %arg2[%mul3A_20] : memref<320000xi32, #tpu.memory_space<hbm>> -> memref<9984xi32, #tpu.memory_space<hbm>>
      tpu.wait_dma2 semaphore(%run_scoped3A_43 : memref<!tpu.dma_semaphore, #tpu.memory_space<semaphore_mem>>) src(%dma_wait3A_53 : memref<9984xi32, #tpu.memory_space<hbm>>) dst(%dma_wait3A_52 : memref<9984xi32, #tpu.memory_space<vmem>>)
      tpu.yield
    }) : () -> ()
    %mul3A_21 = arith.constant 9984 : i32
    %mul3A_22 = arith.muli %add3A, %mul3A_21 : i32
    "tpu.region"() ({
      %run_scoped3A_43 = tpu.sem_alloc : memref<!tpu.dma_semaphore, #tpu.memory_space<semaphore_mem>>
      %dma_start3A = arith.constant 0 : i32
      %dma_start3A_44 = tpu.memref_slice %arg7[%dma_start3A] : memref<10112xi32, #tpu.memory_space<vmem>> -> memref<9984xi32, #tpu.memory_space<vmem>>
      %dma_start3A_45 = tpu.memref_slice %arg3[%mul3A_22] : memref<320000xi32, #tpu.memory_space<hbm>> -> memref<9984xi32, #tpu.memory_space<hbm>>
      %dma_start3A_46 = arith.constant 0 : i32
      %dma_start3A_47 = tpu.memref_slice %arg7[%dma_start3A_46] : memref<10112xi32, #tpu.memory_space<vmem>> -> memref<9984xi32, #tpu.memory_space<vmem>>
      %dma_start3A_48 = tpu.memref_slice %arg3[%mul3A_22] : memref<320000xi32, #tpu.memory_space<hbm>> -> memref<9984xi32, #tpu.memory_space<hbm>>
      tpu.enqueue_dma source(%dma_start3A_48 : memref<9984xi32, #tpu.memory_space<hbm>>) target(%dma_start3A_47 : memref<9984xi32, #tpu.memory_space<vmem>>) target_semaphore(%run_scoped3A_43 : memref<!tpu.dma_semaphore, #tpu.memory_space<semaphore_mem>>)
      %dma_wait3A = arith.constant 0 : i32
      %dma_wait3A_49 = tpu.memref_slice %arg7[%dma_wait3A] : memref<10112xi32, #tpu.memory_space<vmem>> -> memref<9984xi32, #tpu.memory_space<vmem>>
      %dma_wait3A_50 = tpu.memref_slice %arg3[%mul3A_22] : memref<320000xi32, #tpu.memory_space<hbm>> -> memref<9984xi32, #tpu.memory_space<hbm>>
      %dma_wait3A_51 = arith.constant 0 : i32
      %dma_wait3A_52 = tpu.memref_slice %arg7[%dma_wait3A_51] : memref<10112xi32, #tpu.memory_space<vmem>> -> memref<9984xi32, #tpu.memory_space<vmem>>
      %dma_wait3A_53 = tpu.memref_slice %arg3[%mul3A_22] : memref<320000xi32, #tpu.memory_space<hbm>> -> memref<9984xi32, #tpu.memory_space<hbm>>
      tpu.wait_dma2 semaphore(%run_scoped3A_43 : memref<!tpu.dma_semaphore, #tpu.memory_space<semaphore_mem>>) src(%dma_wait3A_53 : memref<9984xi32, #tpu.memory_space<hbm>>) dst(%dma_wait3A_52 : memref<9984xi32, #tpu.memory_space<vmem>>)
      tpu.yield
    }) : () -> ()
    %lt3A = arith.constant 4 : i32
    %lt3A_23 = arith.cmpi slt, %add3A, %lt3A : i32
    %jit3A = arith.constant 1 : i32
    %jit3A_24 = arith.constant 0 : i32
    %select_n3A = arith.select %lt3A_23, %jit3A, %jit3A_24 : i32
    %add3A_25 = arith.constant 78 : i32
    %add3A_26 = arith.addi %add3A_25, %select_n3A : i32
    %lt3A_27 = arith.constant 4 : i32
    %lt3A_28 = arith.cmpi slt, %add3A, %lt3A_27 : i32
    %convert_element_type3A = arith.extui %lt3A_28 : i1 to i32
    %cond3A = arith.constant 0 : i32
    %cond3A_29 = arith.cmpi ne, %convert_element_type3A, %cond3A : i32
    scf.if %cond3A_29 {
      %mul3A_43 = arith.constant 128 : i32
      %mul3A_44 = arith.muli %add3A, %mul3A_43 : i32
      %add3A_45 = arith.constant 319488 : i32
      %add3A_46 = arith.addi %add3A_45, %mul3A_44 : i32
      "tpu.region"() ({
        %run_scoped3A_51 = tpu.sem_alloc : memref<!tpu.dma_semaphore, #tpu.memory_space<semaphore_mem>>
        %dma_start3A = arith.constant 9984 : i32
        %dma_start3A_52 = tpu.memref_slice %arg6[%dma_start3A] : memref<10112xi32, #tpu.memory_space<vmem>> -> memref<128xi32, #tpu.memory_space<vmem>>
        %dma_start3A_53 = tpu.memref_slice %arg2[%add3A_46] : memref<320000xi32, #tpu.memory_space<hbm>> -> memref<128xi32, #tpu.memory_space<hbm>>
        %dma_start3A_54 = arith.constant 9984 : i32
        %dma_start3A_55 = tpu.memref_slice %arg6[%dma_start3A_54] : memref<10112xi32, #tpu.memory_space<vmem>> -> memref<128xi32, #tpu.memory_space<vmem>>
        %dma_start3A_56 = tpu.memref_slice %arg2[%add3A_46] : memref<320000xi32, #tpu.memory_space<hbm>> -> memref<128xi32, #tpu.memory_space<hbm>>
        tpu.enqueue_dma source(%dma_start3A_56 : memref<128xi32, #tpu.memory_space<hbm>>) target(%dma_start3A_55 : memref<128xi32, #tpu.memory_space<vmem>>) target_semaphore(%run_scoped3A_51 : memref<!tpu.dma_semaphore, #tpu.memory_space<semaphore_mem>>)
        %dma_wait3A = arith.constant 9984 : i32
        %dma_wait3A_57 = tpu.memref_slice %arg6[%dma_wait3A] : memref<10112xi32, #tpu.memory_space<vmem>> -> memref<128xi32, #tpu.memory_space<vmem>>
        %dma_wait3A_58 = tpu.memref_slice %arg2[%add3A_46] : memref<320000xi32, #tpu.memory_space<hbm>> -> memref<128xi32, #tpu.memory_space<hbm>>
        %dma_wait3A_59 = arith.constant 9984 : i32
        %dma_wait3A_60 = tpu.memref_slice %arg6[%dma_wait3A_59] : memref<10112xi32, #tpu.memory_space<vmem>> -> memref<128xi32, #tpu.memory_space<vmem>>
        %dma_wait3A_61 = tpu.memref_slice %arg2[%add3A_46] : memref<320000xi32, #tpu.memory_space<hbm>> -> memref<128xi32, #tpu.memory_space<hbm>>
        tpu.wait_dma2 semaphore(%run_scoped3A_51 : memref<!tpu.dma_semaphore, #tpu.memory_space<semaphore_mem>>) src(%dma_wait3A_61 : memref<128xi32, #tpu.memory_space<hbm>>) dst(%dma_wait3A_60 : memref<128xi32, #tpu.memory_space<vmem>>)
        tpu.yield
      }) : () -> ()
      %mul3A_47 = arith.constant 128 : i32
      %mul3A_48 = arith.muli %add3A, %mul3A_47 : i32
      %add3A_49 = arith.constant 319488 : i32
      %add3A_50 = arith.addi %add3A_49, %mul3A_48 : i32
      "tpu.region"() ({
        %run_scoped3A_51 = tpu.sem_alloc : memref<!tpu.dma_semaphore, #tpu.memory_space<semaphore_mem>>
        %dma_start3A = arith.constant 9984 : i32
        %dma_start3A_52 = tpu.memref_slice %arg7[%dma_start3A] : memref<10112xi32, #tpu.memory_space<vmem>> -> memref<128xi32, #tpu.memory_space<vmem>>
        %dma_start3A_53 = tpu.memref_slice %arg3[%add3A_50] : memref<320000xi32, #tpu.memory_space<hbm>> -> memref<128xi32, #tpu.memory_space<hbm>>
        %dma_start3A_54 = arith.constant 9984 : i32
        %dma_start3A_55 = tpu.memref_slice %arg7[%dma_start3A_54] : memref<10112xi32, #tpu.memory_space<vmem>> -> memref<128xi32, #tpu.memory_space<vmem>>
        %dma_start3A_56 = tpu.memref_slice %arg3[%add3A_50] : memref<320000xi32, #tpu.memory_space<hbm>> -> memref<128xi32, #tpu.memory_space<hbm>>
        tpu.enqueue_dma source(%dma_start3A_56 : memref<128xi32, #tpu.memory_space<hbm>>) target(%dma_start3A_55 : memref<128xi32, #tpu.memory_space<vmem>>) target_semaphore(%run_scoped3A_51 : memref<!tpu.dma_semaphore, #tpu.memory_space<semaphore_mem>>)
        %dma_wait3A = arith.constant 9984 : i32
        %dma_wait3A_57 = tpu.memref_slice %arg7[%dma_wait3A] : memref<10112xi32, #tpu.memory_space<vmem>> -> memref<128xi32, #tpu.memory_space<vmem>>
        %dma_wait3A_58 = tpu.memref_slice %arg3[%add3A_50] : memref<320000xi32, #tpu.memory_space<hbm>> -> memref<128xi32, #tpu.memory_space<hbm>>
        %dma_wait3A_59 = arith.constant 9984 : i32
        %dma_wait3A_60 = tpu.memref_slice %arg7[%dma_wait3A_59] : memref<10112xi32, #tpu.memory_space<vmem>> -> memref<128xi32, #tpu.memory_space<vmem>>
        %dma_wait3A_61 = tpu.memref_slice %arg3[%add3A_50] : memref<320000xi32, #tpu.memory_space<hbm>> -> memref<128xi32, #tpu.memory_space<hbm>>
        tpu.wait_dma2 semaphore(%run_scoped3A_51 : memref<!tpu.dma_semaphore, #tpu.memory_space<semaphore_mem>>) src(%dma_wait3A_61 : memref<128xi32, #tpu.memory_space<hbm>>) dst(%dma_wait3A_60 : memref<128xi32, #tpu.memory_space<vmem>>)
        tpu.yield
      }) : () -> ()
    } else {
    }
    %while3A = arith.constant 0 : i32
    %while3A_30 = arith.constant 0 : i32
    %while3A_31 = arith.subi %add3A_26, %while3A : i32
    %while3A_32 = arith.addi %while3A, %while3A_31 : i32
    %while3A_33 = arith.constant 1 : i32
    %while3A_34 = arith.divsi %while3A_31, %while3A_33 : i32
    %while3A_35 = arith.muli %while3A_34, %while3A_33 : i32
    %while3A_36 = arith.addi %while3A, %while3A_35 : i32
    %while3A_37 = arith.constant 1 : i32
    %while3A_38 = scf.for %while3A_43 = %while3A to %while3A_36 step %while3A_37 iter_args(%while3A_44 = %while3A_30) -> (i32)  : i32 {
      %mul3A_45 = arith.constant 128 : i32
      %mul3A_46 = arith.muli %while3A_43, %mul3A_45 : i32
      %add3A_47 = arith.constant 0 : i32
      %add3A_48 = arith.addi %mul3A_46, %add3A_47 : i32
      %get3A = arith.index_cast %add3A_48 : i32 to index
      %get3A_49 = tpu.vector_load %arg6[%get3A] {strides = array<i32>} : memref<10112xi32, #tpu.memory_space<vmem>>, vector<16xi32>,
      %get3A_50 = vector.shape_cast %get3A_49 : vector<16xi32> to vector<16xi32>
      %swap3A = arith.constant 0 : index
      %swap3A_51 = tpu.vector_load %arg8[%swap3A] {strides = array<i32>} : memref<128xi32, #tpu.memory_space<vmem>>, vector<16xi32>,
      %swap3A_52 = vector.shape_cast %swap3A_51 : vector<16xi32> to vector<16xi32>
      %swap3A_53 = vector.shape_cast %get3A_50 : vector<16xi32> to vector<16xi32>
      tpu.vector_store %arg8[%swap3A], %swap3A_53 {strides = array<i32>} : memref<128xi32, #tpu.memory_space<vmem>>, vector<16xi32>,
      %add3A_54 = arith.constant 16 : i32
      %add3A_55 = arith.addi %mul3A_46, %add3A_54 : i32
      %get3A_56 = arith.index_cast %add3A_55 : i32 to index
      %get3A_57 = tpu.vector_load %arg6[%get3A_56] {strides = array<i32>} : memref<10112xi32, #tpu.memory_space<vmem>>, vector<16xi32>,
      %get3A_58 = vector.shape_cast %get3A_57 : vector<16xi32> to vector<16xi32>
      %swap3A_59 = arith.constant 16 : index
      %swap3A_60 = tpu.vector_load %arg8[%swap3A_59] {strides = array<i32>} : memref<128xi32, #tpu.memory_space<vmem>>, vector<16xi32>,
      %swap3A_61 = vector.shape_cast %swap3A_60 : vector<16xi32> to vector<16xi32>
      %swap3A_62 = vector.shape_cast %get3A_58 : vector<16xi32> to vector<16xi32>
      tpu.vector_store %arg8[%swap3A_59], %swap3A_62 {strides = array<i32>} : memref<128xi32, #tpu.memory_space<vmem>>, vector<16xi32>,
      %add3A_63 = arith.constant 32 : i32
      %add3A_64 = arith.addi %mul3A_46, %add3A_63 : i32
      %get3A_65 = arith.index_cast %add3A_64 : i32 to index
      %get3A_66 = tpu.vector_load %arg6[%get3A_65] {strides = array<i32>} : memref<10112xi32, #tpu.memory_space<vmem>>, vector<16xi32>,
      %get3A_67 = vector.shape_cast %get3A_66 : vector<16xi32> to vector<16xi32>
      %swap3A_68 = arith.constant 32 : index
      %swap3A_69 = tpu.vector_load %arg8[%swap3A_68] {strides = array<i32>} : memref<128xi32, #tpu.memory_space<vmem>>, vector<16xi32>,
      %swap3A_70 = vector.shape_cast %swap3A_69 : vector<16xi32> to vector<16xi32>
      %swap3A_71 = vector.shape_cast %get3A_67 : vector<16xi32> to vector<16xi32>
      tpu.vector_store %arg8[%swap3A_68], %swap3A_71 {strides = array<i32>} : memref<128xi32, #tpu.memory_space<vmem>>, vector<16xi32>,
      %add3A_72 = arith.constant 48 : i32
      %add3A_73 = arith.addi %mul3A_46, %add3A_72 : i32
      %get3A_74 = arith.index_cast %add3A_73 : i32 to index
      %get3A_75 = tpu.vector_load %arg6[%get3A_74] {strides = array<i32>} : memref<10112xi32, #tpu.memory_space<vmem>>, vector<16xi32>,
      %get3A_76 = vector.shape_cast %get3A_75 : vector<16xi32> to vector<16xi32>
      %swap3A_77 = arith.constant 48 : index
      %swap3A_78 = tpu.vector_load %arg8[%swap3A_77] {strides = array<i32>} : memref<128xi32, #tpu.memory_space<vmem>>, vector<16xi32>,
      %swap3A_79 = vector.shape_cast %swap3A_78 : vector<16xi32> to vector<16xi32>
      %swap3A_80 = vector.shape_cast %get3A_76 : vector<16xi32> to vector<16xi32>
      tpu.vector_store %arg8[%swap3A_77], %swap3A_80 {strides = array<i32>} : memref<128xi32, #tpu.memory_space<vmem>>, vector<16xi32>,
      %add3A_81 = arith.constant 64 : i32
      %add3A_82 = arith.addi %mul3A_46, %add3A_81 : i32
      %get3A_83 = arith.index_cast %add3A_82 : i32 to index
      %get3A_84 = tpu.vector_load %arg6[%get3A_83] {strides = array<i32>} : memref<10112xi32, #tpu.memory_space<vmem>>, vector<16xi32>,
      %get3A_85 = vector.shape_cast %get3A_84 : vector<16xi32> to vector<16xi32>
      %swap3A_86 = arith.constant 64 : index
      %swap3A_87 = tpu.vector_load %arg8[%swap3A_86] {strides = array<i32>} : memref<128xi32, #tpu.memory_space<vmem>>, vector<16xi32>,
      %swap3A_88 = vector.shape_cast %swap3A_87 : vector<16xi32> to vector<16xi32>
      %swap3A_89 = vector.shape_cast %get3A_85 : vector<16xi32> to vector<16xi32>
      tpu.vector_store %arg8[%swap3A_86], %swap3A_89 {strides = array<i32>} : memref<128xi32, #tpu.memory_space<vmem>>, vector<16xi32>,
      %add3A_90 = arith.constant 80 : i32
      %add3A_91 = arith.addi %mul3A_46, %add3A_90 : i32
      %get3A_92 = arith.index_cast %add3A_91 : i32 to index
      %get3A_93 = tpu.vector_load %arg6[%get3A_92] {strides = array<i32>} : memref<10112xi32, #tpu.memory_space<vmem>>, vector<16xi32>,
      %get3A_94 = vector.shape_cast %get3A_93 : vector<16xi32> to vector<16xi32>
      %swap3A_95 = arith.constant 80 : index
      %swap3A_96 = tpu.vector_load %arg8[%swap3A_95] {strides = array<i32>} : memref<128xi32, #tpu.memory_space<vmem>>, vector<16xi32>,
      %swap3A_97 = vector.shape_cast %swap3A_96 : vector<16xi32> to vector<16xi32>
      %swap3A_98 = vector.shape_cast %get3A_94 : vector<16xi32> to vector<16xi32>
      tpu.vector_store %arg8[%swap3A_95], %swap3A_98 {strides = array<i32>} : memref<128xi32, #tpu.memory_space<vmem>>, vector<16xi32>,
      %add3A_99 = arith.constant 96 : i32
      %add3A_100 = arith.addi %mul3A_46, %add3A_99 : i32
      %get3A_101 = arith.index_cast %add3A_100 : i32 to index
      %get3A_102 = tpu.vector_load %arg6[%get3A_101] {strides = array<i32>} : memref<10112xi32, #tpu.memory_space<vmem>>, vector<16xi32>,
      %get3A_103 = vector.shape_cast %get3A_102 : vector<16xi32> to vector<16xi32>
      %swap3A_104 = arith.constant 96 : index
      %swap3A_105 = tpu.vector_load %arg8[%swap3A_104] {strides = array<i32>} : memref<128xi32, #tpu.memory_space<vmem>>, vector<16xi32>,
      %swap3A_106 = vector.shape_cast %swap3A_105 : vector<16xi32> to vector<16xi32>
      %swap3A_107 = vector.shape_cast %get3A_103 : vector<16xi32> to vector<16xi32>
      tpu.vector_store %arg8[%swap3A_104], %swap3A_107 {strides = array<i32>} : memref<128xi32, #tpu.memory_space<vmem>>, vector<16xi32>,
      %add3A_108 = arith.constant 112 : i32
      %add3A_109 = arith.addi %mul3A_46, %add3A_108 : i32
      %get3A_110 = arith.index_cast %add3A_109 : i32 to index
      %get3A_111 = tpu.vector_load %arg6[%get3A_110] {strides = array<i32>} : memref<10112xi32, #tpu.memory_space<vmem>>, vector<16xi32>,
      %get3A_112 = vector.shape_cast %get3A_111 : vector<16xi32> to vector<16xi32>
      %swap3A_113 = arith.constant 112 : index
      %swap3A_114 = tpu.vector_load %arg8[%swap3A_113] {strides = array<i32>} : memref<128xi32, #tpu.memory_space<vmem>>, vector<16xi32>,
      %swap3A_115 = vector.shape_cast %swap3A_114 : vector<16xi32> to vector<16xi32>
      %swap3A_116 = vector.shape_cast %get3A_112 : vector<16xi32> to vector<16xi32>
      tpu.vector_store %arg8[%swap3A_113], %swap3A_116 {strides = array<i32>} : memref<128xi32, #tpu.memory_space<vmem>>, vector<16xi32>,
      %mul3A_117 = arith.constant 128 : i32
      %mul3A_118 = arith.muli %while3A_43, %mul3A_117 : i32
      %add3A_119 = arith.constant 0 : i32
      %add3A_120 = arith.addi %mul3A_118, %add3A_119 : i32
      %get3A_121 = arith.index_cast %add3A_120 : i32 to index
      %get3A_122 = tpu.vector_load %arg7[%get3A_121] {strides = array<i32>} : memref<10112xi32, #tpu.memory_space<vmem>>, vector<16xi32>,
      %get3A_123 = vector.shape_cast %get3A_122 : vector<16xi32> to vector<16xi32>
      %swap3A_124 = arith.constant 0 : index
      %swap3A_125 = tpu.vector_load %arg9[%swap3A_124] {strides = array<i32>} : memref<128xi32, #tpu.memory_space<vmem>>, vector<16xi32>,
      %swap3A_126 = vector.shape_cast %swap3A_125 : vector<16xi32> to vector<16xi32>
      %swap3A_127 = vector.shape_cast %get3A_123 : vector<16xi32> to vector<16xi32>
      tpu.vector_store %arg9[%swap3A_124], %swap3A_127 {strides = array<i32>} : memref<128xi32, #tpu.memory_space<vmem>>, vector<16xi32>,
      %add3A_128 = arith.constant 16 : i32
      %add3A_129 = arith.addi %mul3A_118, %add3A_128 : i32
      %get3A_130 = arith.index_cast %add3A_129 : i32 to index
      %get3A_131 = tpu.vector_load %arg7[%get3A_130] {strides = array<i32>} : memref<10112xi32, #tpu.memory_space<vmem>>, vector<16xi32>,
      %get3A_132 = vector.shape_cast %get3A_131 : vector<16xi32> to vector<16xi32>
      %swap3A_133 = arith.constant 16 : index
      %swap3A_134 = tpu.vector_load %arg9[%swap3A_133] {strides = array<i32>} : memref<128xi32, #tpu.memory_space<vmem>>, vector<16xi32>,
      %swap3A_135 = vector.shape_cast %swap3A_134 : vector<16xi32> to vector<16xi32>
      %swap3A_136 = vector.shape_cast %get3A_132 : vector<16xi32> to vector<16xi32>
      tpu.vector_store %arg9[%swap3A_133], %swap3A_136 {strides = array<i32>} : memref<128xi32, #tpu.memory_space<vmem>>, vector<16xi32>,
      %add3A_137 = arith.constant 32 : i32
      %add3A_138 = arith.addi %mul3A_118, %add3A_137 : i32
      %get3A_139 = arith.index_cast %add3A_138 : i32 to index
      %get3A_140 = tpu.vector_load %arg7[%get3A_139] {strides = array<i32>} : memref<10112xi32, #tpu.memory_space<vmem>>, vector<16xi32>,
      %get3A_141 = vector.shape_cast %get3A_140 : vector<16xi32> to vector<16xi32>
      %swap3A_142 = arith.constant 32 : index
      %swap3A_143 = tpu.vector_load %arg9[%swap3A_142] {strides = array<i32>} : memref<128xi32, #tpu.memory_space<vmem>>, vector<16xi32>,
      %swap3A_144 = vector.shape_cast %swap3A_143 : vector<16xi32> to vector<16xi32>
      %swap3A_145 = vector.shape_cast %get3A_141 : vector<16xi32> to vector<16xi32>
      tpu.vector_store %arg9[%swap3A_142], %swap3A_145 {strides = array<i32>} : memref<128xi32, #tpu.memory_space<vmem>>, vector<16xi32>,
      %add3A_146 = arith.constant 48 : i32
      %add3A_147 = arith.addi %mul3A_118, %add3A_146 : i32
      %get3A_148 = arith.index_cast %add3A_147 : i32 to index
      %get3A_149 = tpu.vector_load %arg7[%get3A_148] {strides = array<i32>} : memref<10112xi32, #tpu.memory_space<vmem>>, vector<16xi32>,
      %get3A_150 = vector.shape_cast %get3A_149 : vector<16xi32> to vector<16xi32>
      %swap3A_151 = arith.constant 48 : index
      %swap3A_152 = tpu.vector_load %arg9[%swap3A_151] {strides = array<i32>} : memref<128xi32, #tpu.memory_space<vmem>>, vector<16xi32>,
      %swap3A_153 = vector.shape_cast %swap3A_152 : vector<16xi32> to vector<16xi32>
      %swap3A_154 = vector.shape_cast %get3A_150 : vector<16xi32> to vector<16xi32>
      tpu.vector_store %arg9[%swap3A_151], %swap3A_154 {strides = array<i32>} : memref<128xi32, #tpu.memory_space<vmem>>, vector<16xi32>,
      %add3A_155 = arith.constant 64 : i32
      %add3A_156 = arith.addi %mul3A_118, %add3A_155 : i32
      %get3A_157 = arith.index_cast %add3A_156 : i32 to index
      %get3A_158 = tpu.vector_load %arg7[%get3A_157] {strides = array<i32>} : memref<10112xi32, #tpu.memory_space<vmem>>, vector<16xi32>,
      %get3A_159 = vector.shape_cast %get3A_158 : vector<16xi32> to vector<16xi32>
      %swap3A_160 = arith.constant 64 : index
      %swap3A_161 = tpu.vector_load %arg9[%swap3A_160] {strides = array<i32>} : memref<128xi32, #tpu.memory_space<vmem>>, vector<16xi32>,
      %swap3A_162 = vector.shape_cast %swap3A_161 : vector<16xi32> to vector<16xi32>
      %swap3A_163 = vector.shape_cast %get3A_159 : vector<16xi32> to vector<16xi32>
      tpu.vector_store %arg9[%swap3A_160], %swap3A_163 {strides = array<i32>} : memref<128xi32, #tpu.memory_space<vmem>>, vector<16xi32>,
      %add3A_164 = arith.constant 80 : i32
      %add3A_165 = arith.addi %mul3A_118, %add3A_164 : i32
      %get3A_166 = arith.index_cast %add3A_165 : i32 to index
      %get3A_167 = tpu.vector_load %arg7[%get3A_166] {strides = array<i32>} : memref<10112xi32, #tpu.memory_space<vmem>>, vector<16xi32>,
      %get3A_168 = vector.shape_cast %get3A_167 : vector<16xi32> to vector<16xi32>
      %swap3A_169 = arith.constant 80 : index
      %swap3A_170 = tpu.vector_load %arg9[%swap3A_169] {strides = array<i32>} : memref<128xi32, #tpu.memory_space<vmem>>, vector<16xi32>,
      %swap3A_171 = vector.shape_cast %swap3A_170 : vector<16xi32> to vector<16xi32>
      %swap3A_172 = vector.shape_cast %get3A_168 : vector<16xi32> to vector<16xi32>
      tpu.vector_store %arg9[%swap3A_169], %swap3A_172 {strides = array<i32>} : memref<128xi32, #tpu.memory_space<vmem>>, vector<16xi32>,
      %add3A_173 = arith.constant 96 : i32
      %add3A_174 = arith.addi %mul3A_118, %add3A_173 : i32
      %get3A_175 = arith.index_cast %add3A_174 : i32 to index
      %get3A_176 = tpu.vector_load %arg7[%get3A_175] {strides = array<i32>} : memref<10112xi32, #tpu.memory_space<vmem>>, vector<16xi32>,
      %get3A_177 = vector.shape_cast %get3A_176 : vector<16xi32> to vector<16xi32>
      %swap3A_178 = arith.constant 96 : index
      %swap3A_179 = tpu.vector_load %arg9[%swap3A_178] {strides = array<i32>} : memref<128xi32, #tpu.memory_space<vmem>>, vector<16xi32>,
      %swap3A_180 = vector.shape_cast %swap3A_179 : vector<16xi32> to vector<16xi32>
      %swap3A_181 = vector.shape_cast %get3A_177 : vector<16xi32> to vector<16xi32>
      tpu.vector_store %arg9[%swap3A_178], %swap3A_181 {strides = array<i32>} : memref<128xi32, #tpu.memory_space<vmem>>, vector<16xi32>,
      %add3A_182 = arith.constant 112 : i32
      %add3A_183 = arith.addi %mul3A_118, %add3A_182 : i32
      %get3A_184 = arith.index_cast %add3A_183 : i32 to index
      %get3A_185 = tpu.vector_load %arg7[%get3A_184] {strides = array<i32>} : memref<10112xi32, #tpu.memory_space<vmem>>, vector<16xi32>,
      %get3A_186 = vector.shape_cast %get3A_185 : vector<16xi32> to vector<16xi32>
      %swap3A_187 = arith.constant 112 : index
      %swap3A_188 = tpu.vector_load %arg9[%swap3A_187] {strides = array<i32>} : memref<128xi32, #tpu.memory_space<vmem>>, vector<16xi32>,
      %swap3A_189 = vector.shape_cast %swap3A_188 : vector<16xi32> to vector<16xi32>
      %swap3A_190 = vector.shape_cast %get3A_186 : vector<16xi32> to vector<16xi32>
      tpu.vector_store %arg9[%swap3A_187], %swap3A_190 {strides = array<i32>} : memref<128xi32, #tpu.memory_space<vmem>>, vector<16xi32>,
      "tpu.region"() ({
        %run_scoped3A_192 = tpu.sem_alloc : memref<!tpu.dma_semaphore, #tpu.memory_space<semaphore_mem>>
        %dma_start3A = arith.constant 0 : i32
        %dma_start3A_193 = tpu.memref_slice %arg12[%dma_start3A] : memref<10240xf32, #tpu.memory_space<vmem_shared>> -> memref<10240xf32, #tpu.memory_space<vmem_shared>>
        tpu.enqueue_indirect_dma source(%arg11 : memref<128xf32, #tpu.memory_space<vmem>>) target(%dma_start3A_193 : memref<10240xf32, #tpu.memory_space<vmem_shared>>) offsets(%arg8 : memref<128xi32, #tpu.memory_space<vmem>>) semaphore(%run_scoped3A_192 : memref<!tpu.dma_semaphore, #tpu.memory_space<semaphore_mem>>) {add = true}
        %dma_wait3A = arith.constant 0 : i32
        %dma_wait3A_194 = tpu.memref_slice %arg12[%dma_wait3A] : memref<10240xf32, #tpu.memory_space<vmem_shared>> -> memref<10240xf32, #tpu.memory_space<vmem_shared>>
        tpu.wait_indirect_dma semaphore(%run_scoped3A_192 : memref<!tpu.dma_semaphore, #tpu.memory_space<semaphore_mem>>) src(%arg11 : memref<128xf32, #tpu.memory_space<vmem>>) dst(%dma_wait3A_194 : memref<10240xf32, #tpu.memory_space<vmem_shared>>)
        tpu.yield
      }) : () -> ()
      "tpu.region"() ({
        %run_scoped3A_192 = tpu.sem_alloc : memref<!tpu.dma_semaphore, #tpu.memory_space<semaphore_mem>>
        %dma_start3A = arith.constant 0 : i32
        %dma_start3A_193 = tpu.memref_slice %arg13[%dma_start3A] : memref<10240xf32, #tpu.memory_space<vmem_shared>> -> memref<10240xf32, #tpu.memory_space<vmem_shared>>
        tpu.enqueue_indirect_dma source(%arg11 : memref<128xf32, #tpu.memory_space<vmem>>) target(%dma_start3A_193 : memref<10240xf32, #tpu.memory_space<vmem_shared>>) offsets(%arg9 : memref<128xi32, #tpu.memory_space<vmem>>) semaphore(%run_scoped3A_192 : memref<!tpu.dma_semaphore, #tpu.memory_space<semaphore_mem>>) {add = true}
        %dma_wait3A = arith.constant 0 : i32
        %dma_wait3A_194 = tpu.memref_slice %arg13[%dma_wait3A] : memref<10240xf32, #tpu.memory_space<vmem_shared>> -> memref<10240xf32, #tpu.memory_space<vmem_shared>>
        tpu.wait_indirect_dma semaphore(%run_scoped3A_192 : memref<!tpu.dma_semaphore, #tpu.memory_space<semaphore_mem>>) src(%arg11 : memref<128xf32, #tpu.memory_space<vmem>>) dst(%dma_wait3A_194 : memref<10240xf32, #tpu.memory_space<vmem_shared>>)
        tpu.yield
      }) : () -> ()
      %while3A_191 = arith.constant 0 : i32
      scf.yield %while3A_191 : i32
    }
    %while3A_39 = arith.constant 1 : i32
    %while3A_40 = scf.for %while3A_43 = %while3A_36 to %while3A_32 step %while3A_39 iter_args(%while3A_44 = %while3A_38) -> (i32)  : i32 {
      %mul3A_45 = arith.constant 128 : i32
      %mul3A_46 = arith.muli %while3A_43, %mul3A_45 : i32
      %add3A_47 = arith.constant 0 : i32
      %add3A_48 = arith.addi %mul3A_46, %add3A_47 : i32
      %get3A = arith.index_cast %add3A_48 : i32 to index
      %get3A_49 = tpu.vector_load %arg6[%get3A] {strides = array<i32>} : memref<10112xi32, #tpu.memory_space<vmem>>, vector<16xi32>,
      %get3A_50 = vector.shape_cast %get3A_49 : vector<16xi32> to vector<16xi32>
      %swap3A = arith.constant 0 : index
      %swap3A_51 = tpu.vector_load %arg8[%swap3A] {strides = array<i32>} : memref<128xi32, #tpu.memory_space<vmem>>, vector<16xi32>,
      %swap3A_52 = vector.shape_cast %swap3A_51 : vector<16xi32> to vector<16xi32>
      %swap3A_53 = vector.shape_cast %get3A_50 : vector<16xi32> to vector<16xi32>
      tpu.vector_store %arg8[%swap3A], %swap3A_53 {strides = array<i32>} : memref<128xi32, #tpu.memory_space<vmem>>, vector<16xi32>,
      %add3A_54 = arith.constant 16 : i32
      %add3A_55 = arith.addi %mul3A_46, %add3A_54 : i32
      %get3A_56 = arith.index_cast %add3A_55 : i32 to index
      %get3A_57 = tpu.vector_load %arg6[%get3A_56] {strides = array<i32>} : memref<10112xi32, #tpu.memory_space<vmem>>, vector<16xi32>,
      %get3A_58 = vector.shape_cast %get3A_57 : vector<16xi32> to vector<16xi32>
      %swap3A_59 = arith.constant 16 : index
      %swap3A_60 = tpu.vector_load %arg8[%swap3A_59] {strides = array<i32>} : memref<128xi32, #tpu.memory_space<vmem>>, vector<16xi32>,
      %swap3A_61 = vector.shape_cast %swap3A_60 : vector<16xi32> to vector<16xi32>
      %swap3A_62 = vector.shape_cast %get3A_58 : vector<16xi32> to vector<16xi32>
      tpu.vector_store %arg8[%swap3A_59], %swap3A_62 {strides = array<i32>} : memref<128xi32, #tpu.memory_space<vmem>>, vector<16xi32>,
      %add3A_63 = arith.constant 32 : i32
      %add3A_64 = arith.addi %mul3A_46, %add3A_63 : i32
      %get3A_65 = arith.index_cast %add3A_64 : i32 to index
      %get3A_66 = tpu.vector_load %arg6[%get3A_65] {strides = array<i32>} : memref<10112xi32, #tpu.memory_space<vmem>>, vector<16xi32>,
      %get3A_67 = vector.shape_cast %get3A_66 : vector<16xi32> to vector<16xi32>
      %swap3A_68 = arith.constant 32 : index
      %swap3A_69 = tpu.vector_load %arg8[%swap3A_68] {strides = array<i32>} : memref<128xi32, #tpu.memory_space<vmem>>, vector<16xi32>,
      %swap3A_70 = vector.shape_cast %swap3A_69 : vector<16xi32> to vector<16xi32>
      %swap3A_71 = vector.shape_cast %get3A_67 : vector<16xi32> to vector<16xi32>
      tpu.vector_store %arg8[%swap3A_68], %swap3A_71 {strides = array<i32>} : memref<128xi32, #tpu.memory_space<vmem>>, vector<16xi32>,
      %add3A_72 = arith.constant 48 : i32
      %add3A_73 = arith.addi %mul3A_46, %add3A_72 : i32
      %get3A_74 = arith.index_cast %add3A_73 : i32 to index
      %get3A_75 = tpu.vector_load %arg6[%get3A_74] {strides = array<i32>} : memref<10112xi32, #tpu.memory_space<vmem>>, vector<16xi32>,
      %get3A_76 = vector.shape_cast %get3A_75 : vector<16xi32> to vector<16xi32>
      %swap3A_77 = arith.constant 48 : index
      %swap3A_78 = tpu.vector_load %arg8[%swap3A_77] {strides = array<i32>} : memref<128xi32, #tpu.memory_space<vmem>>, vector<16xi32>,
      %swap3A_79 = vector.shape_cast %swap3A_78 : vector<16xi32> to vector<16xi32>
      %swap3A_80 = vector.shape_cast %get3A_76 : vector<16xi32> to vector<16xi32>
      tpu.vector_store %arg8[%swap3A_77], %swap3A_80 {strides = array<i32>} : memref<128xi32, #tpu.memory_space<vmem>>, vector<16xi32>,
      %add3A_81 = arith.constant 64 : i32
      %add3A_82 = arith.addi %mul3A_46, %add3A_81 : i32
      %get3A_83 = arith.index_cast %add3A_82 : i32 to index
      %get3A_84 = tpu.vector_load %arg6[%get3A_83] {strides = array<i32>} : memref<10112xi32, #tpu.memory_space<vmem>>, vector<16xi32>,
      %get3A_85 = vector.shape_cast %get3A_84 : vector<16xi32> to vector<16xi32>
      %swap3A_86 = arith.constant 64 : index
      %swap3A_87 = tpu.vector_load %arg8[%swap3A_86] {strides = array<i32>} : memref<128xi32, #tpu.memory_space<vmem>>, vector<16xi32>,
      %swap3A_88 = vector.shape_cast %swap3A_87 : vector<16xi32> to vector<16xi32>
      %swap3A_89 = vector.shape_cast %get3A_85 : vector<16xi32> to vector<16xi32>
      tpu.vector_store %arg8[%swap3A_86], %swap3A_89 {strides = array<i32>} : memref<128xi32, #tpu.memory_space<vmem>>, vector<16xi32>,
      %add3A_90 = arith.constant 80 : i32
      %add3A_91 = arith.addi %mul3A_46, %add3A_90 : i32
      %get3A_92 = arith.index_cast %add3A_91 : i32 to index
      %get3A_93 = tpu.vector_load %arg6[%get3A_92] {strides = array<i32>} : memref<10112xi32, #tpu.memory_space<vmem>>, vector<16xi32>,
      %get3A_94 = vector.shape_cast %get3A_93 : vector<16xi32> to vector<16xi32>
      %swap3A_95 = arith.constant 80 : index
      %swap3A_96 = tpu.vector_load %arg8[%swap3A_95] {strides = array<i32>} : memref<128xi32, #tpu.memory_space<vmem>>, vector<16xi32>,
      %swap3A_97 = vector.shape_cast %swap3A_96 : vector<16xi32> to vector<16xi32>
      %swap3A_98 = vector.shape_cast %get3A_94 : vector<16xi32> to vector<16xi32>
      tpu.vector_store %arg8[%swap3A_95], %swap3A_98 {strides = array<i32>} : memref<128xi32, #tpu.memory_space<vmem>>, vector<16xi32>,
      %add3A_99 = arith.constant 96 : i32
      %add3A_100 = arith.addi %mul3A_46, %add3A_99 : i32
      %get3A_101 = arith.index_cast %add3A_100 : i32 to index
      %get3A_102 = tpu.vector_load %arg6[%get3A_101] {strides = array<i32>} : memref<10112xi32, #tpu.memory_space<vmem>>, vector<16xi32>,
      %get3A_103 = vector.shape_cast %get3A_102 : vector<16xi32> to vector<16xi32>
      %swap3A_104 = arith.constant 96 : index
      %swap3A_105 = tpu.vector_load %arg8[%swap3A_104] {strides = array<i32>} : memref<128xi32, #tpu.memory_space<vmem>>, vector<16xi32>,
      %swap3A_106 = vector.shape_cast %swap3A_105 : vector<16xi32> to vector<16xi32>
      %swap3A_107 = vector.shape_cast %get3A_103 : vector<16xi32> to vector<16xi32>
      tpu.vector_store %arg8[%swap3A_104], %swap3A_107 {strides = array<i32>} : memref<128xi32, #tpu.memory_space<vmem>>, vector<16xi32>,
      %add3A_108 = arith.constant 112 : i32
      %add3A_109 = arith.addi %mul3A_46, %add3A_108 : i32
      %get3A_110 = arith.index_cast %add3A_109 : i32 to index
      %get3A_111 = tpu.vector_load %arg6[%get3A_110] {strides = array<i32>} : memref<10112xi32, #tpu.memory_space<vmem>>, vector<16xi32>,
      %get3A_112 = vector.shape_cast %get3A_111 : vector<16xi32> to vector<16xi32>
      %swap3A_113 = arith.constant 112 : index
      %swap3A_114 = tpu.vector_load %arg8[%swap3A_113] {strides = array<i32>} : memref<128xi32, #tpu.memory_space<vmem>>, vector<16xi32>,
      %swap3A_115 = vector.shape_cast %swap3A_114 : vector<16xi32> to vector<16xi32>
      %swap3A_116 = vector.shape_cast %get3A_112 : vector<16xi32> to vector<16xi32>
      tpu.vector_store %arg8[%swap3A_113], %swap3A_116 {strides = array<i32>} : memref<128xi32, #tpu.memory_space<vmem>>, vector<16xi32>,
      %mul3A_117 = arith.constant 128 : i32
      %mul3A_118 = arith.muli %while3A_43, %mul3A_117 : i32
      %add3A_119 = arith.constant 0 : i32
      %add3A_120 = arith.addi %mul3A_118, %add3A_119 : i32
      %get3A_121 = arith.index_cast %add3A_120 : i32 to index
      %get3A_122 = tpu.vector_load %arg7[%get3A_121] {strides = array<i32>} : memref<10112xi32, #tpu.memory_space<vmem>>, vector<16xi32>,
      %get3A_123 = vector.shape_cast %get3A_122 : vector<16xi32> to vector<16xi32>
      %swap3A_124 = arith.constant 0 : index
      %swap3A_125 = tpu.vector_load %arg9[%swap3A_124] {strides = array<i32>} : memref<128xi32, #tpu.memory_space<vmem>>, vector<16xi32>,
      %swap3A_126 = vector.shape_cast %swap3A_125 : vector<16xi32> to vector<16xi32>
      %swap3A_127 = vector.shape_cast %get3A_123 : vector<16xi32> to vector<16xi32>
      tpu.vector_store %arg9[%swap3A_124], %swap3A_127 {strides = array<i32>} : memref<128xi32, #tpu.memory_space<vmem>>, vector<16xi32>,
      %add3A_128 = arith.constant 16 : i32
      %add3A_129 = arith.addi %mul3A_118, %add3A_128 : i32
      %get3A_130 = arith.index_cast %add3A_129 : i32 to index
      %get3A_131 = tpu.vector_load %arg7[%get3A_130] {strides = array<i32>} : memref<10112xi32, #tpu.memory_space<vmem>>, vector<16xi32>,
      %get3A_132 = vector.shape_cast %get3A_131 : vector<16xi32> to vector<16xi32>
      %swap3A_133 = arith.constant 16 : index
      %swap3A_134 = tpu.vector_load %arg9[%swap3A_133] {strides = array<i32>} : memref<128xi32, #tpu.memory_space<vmem>>, vector<16xi32>,
      %swap3A_135 = vector.shape_cast %swap3A_134 : vector<16xi32> to vector<16xi32>
      %swap3A_136 = vector.shape_cast %get3A_132 : vector<16xi32> to vector<16xi32>
      tpu.vector_store %arg9[%swap3A_133], %swap3A_136 {strides = array<i32>} : memref<128xi32, #tpu.memory_space<vmem>>, vector<16xi32>,
      %add3A_137 = arith.constant 32 : i32
      %add3A_138 = arith.addi %mul3A_118, %add3A_137 : i32
      %get3A_139 = arith.index_cast %add3A_138 : i32 to index
      %get3A_140 = tpu.vector_load %arg7[%get3A_139] {strides = array<i32>} : memref<10112xi32, #tpu.memory_space<vmem>>, vector<16xi32>,
      %get3A_141 = vector.shape_cast %get3A_140 : vector<16xi32> to vector<16xi32>
      %swap3A_142 = arith.constant 32 : index
      %swap3A_143 = tpu.vector_load %arg9[%swap3A_142] {strides = array<i32>} : memref<128xi32, #tpu.memory_space<vmem>>, vector<16xi32>,
      %swap3A_144 = vector.shape_cast %swap3A_143 : vector<16xi32> to vector<16xi32>
      %swap3A_145 = vector.shape_cast %get3A_141 : vector<16xi32> to vector<16xi32>
      tpu.vector_store %arg9[%swap3A_142], %swap3A_145 {strides = array<i32>} : memref<128xi32, #tpu.memory_space<vmem>>, vector<16xi32>,
      %add3A_146 = arith.constant 48 : i32
      %add3A_147 = arith.addi %mul3A_118, %add3A_146 : i32
      %get3A_148 = arith.index_cast %add3A_147 : i32 to index
      %get3A_149 = tpu.vector_load %arg7[%get3A_148] {strides = array<i32>} : memref<10112xi32, #tpu.memory_space<vmem>>, vector<16xi32>,
      %get3A_150 = vector.shape_cast %get3A_149 : vector<16xi32> to vector<16xi32>
      %swap3A_151 = arith.constant 48 : index
      %swap3A_152 = tpu.vector_load %arg9[%swap3A_151] {strides = array<i32>} : memref<128xi32, #tpu.memory_space<vmem>>, vector<16xi32>,
      %swap3A_153 = vector.shape_cast %swap3A_152 : vector<16xi32> to vector<16xi32>
      %swap3A_154 = vector.shape_cast %get3A_150 : vector<16xi32> to vector<16xi32>
      tpu.vector_store %arg9[%swap3A_151], %swap3A_154 {strides = array<i32>} : memref<128xi32, #tpu.memory_space<vmem>>, vector<16xi32>,
      %add3A_155 = arith.constant 64 : i32
      %add3A_156 = arith.addi %mul3A_118, %add3A_155 : i32
      %get3A_157 = arith.index_cast %add3A_156 : i32 to index
      %get3A_158 = tpu.vector_load %arg7[%get3A_157] {strides = array<i32>} : memref<10112xi32, #tpu.memory_space<vmem>>, vector<16xi32>,
      %get3A_159 = vector.shape_cast %get3A_158 : vector<16xi32> to vector<16xi32>
      %swap3A_160 = arith.constant 64 : index
      %swap3A_161 = tpu.vector_load %arg9[%swap3A_160] {strides = array<i32>} : memref<128xi32, #tpu.memory_space<vmem>>, vector<16xi32>,
      %swap3A_162 = vector.shape_cast %swap3A_161 : vector<16xi32> to vector<16xi32>
      %swap3A_163 = vector.shape_cast %get3A_159 : vector<16xi32> to vector<16xi32>
      tpu.vector_store %arg9[%swap3A_160], %swap3A_163 {strides = array<i32>} : memref<128xi32, #tpu.memory_space<vmem>>, vector<16xi32>,
      %add3A_164 = arith.constant 80 : i32
      %add3A_165 = arith.addi %mul3A_118, %add3A_164 : i32
      %get3A_166 = arith.index_cast %add3A_165 : i32 to index
      %get3A_167 = tpu.vector_load %arg7[%get3A_166] {strides = array<i32>} : memref<10112xi32, #tpu.memory_space<vmem>>, vector<16xi32>,
      %get3A_168 = vector.shape_cast %get3A_167 : vector<16xi32> to vector<16xi32>
      %swap3A_169 = arith.constant 80 : index
      %swap3A_170 = tpu.vector_load %arg9[%swap3A_169] {strides = array<i32>} : memref<128xi32, #tpu.memory_space<vmem>>, vector<16xi32>,
      %swap3A_171 = vector.shape_cast %swap3A_170 : vector<16xi32> to vector<16xi32>
      %swap3A_172 = vector.shape_cast %get3A_168 : vector<16xi32> to vector<16xi32>
      tpu.vector_store %arg9[%swap3A_169], %swap3A_172 {strides = array<i32>} : memref<128xi32, #tpu.memory_space<vmem>>, vector<16xi32>,
      %add3A_173 = arith.constant 96 : i32
      %add3A_174 = arith.addi %mul3A_118, %add3A_173 : i32
      %get3A_175 = arith.index_cast %add3A_174 : i32 to index
      %get3A_176 = tpu.vector_load %arg7[%get3A_175] {strides = array<i32>} : memref<10112xi32, #tpu.memory_space<vmem>>, vector<16xi32>,
      %get3A_177 = vector.shape_cast %get3A_176 : vector<16xi32> to vector<16xi32>
      %swap3A_178 = arith.constant 96 : index
      %swap3A_179 = tpu.vector_load %arg9[%swap3A_178] {strides = array<i32>} : memref<128xi32, #tpu.memory_space<vmem>>, vector<16xi32>,
      %swap3A_180 = vector.shape_cast %swap3A_179 : vector<16xi32> to vector<16xi32>
      %swap3A_181 = vector.shape_cast %get3A_177 : vector<16xi32> to vector<16xi32>
      tpu.vector_store %arg9[%swap3A_178], %swap3A_181 {strides = array<i32>} : memref<128xi32, #tpu.memory_space<vmem>>, vector<16xi32>,
      %add3A_182 = arith.constant 112 : i32
      %add3A_183 = arith.addi %mul3A_118, %add3A_182 : i32
      %get3A_184 = arith.index_cast %add3A_183 : i32 to index
      %get3A_185 = tpu.vector_load %arg7[%get3A_184] {strides = array<i32>} : memref<10112xi32, #tpu.memory_space<vmem>>, vector<16xi32>,
      %get3A_186 = vector.shape_cast %get3A_185 : vector<16xi32> to vector<16xi32>
      %swap3A_187 = arith.constant 112 : index
      %swap3A_188 = tpu.vector_load %arg9[%swap3A_187] {strides = array<i32>} : memref<128xi32, #tpu.memory_space<vmem>>, vector<16xi32>,
      %swap3A_189 = vector.shape_cast %swap3A_188 : vector<16xi32> to vector<16xi32>
      %swap3A_190 = vector.shape_cast %get3A_186 : vector<16xi32> to vector<16xi32>
      tpu.vector_store %arg9[%swap3A_187], %swap3A_190 {strides = array<i32>} : memref<128xi32, #tpu.memory_space<vmem>>, vector<16xi32>,
      "tpu.region"() ({
        %run_scoped3A_192 = tpu.sem_alloc : memref<!tpu.dma_semaphore, #tpu.memory_space<semaphore_mem>>
        %dma_start3A = arith.constant 0 : i32
        %dma_start3A_193 = tpu.memref_slice %arg12[%dma_start3A] : memref<10240xf32, #tpu.memory_space<vmem_shared>> -> memref<10240xf32, #tpu.memory_space<vmem_shared>>
        tpu.enqueue_indirect_dma source(%arg11 : memref<128xf32, #tpu.memory_space<vmem>>) target(%dma_start3A_193 : memref<10240xf32, #tpu.memory_space<vmem_shared>>) offsets(%arg8 : memref<128xi32, #tpu.memory_space<vmem>>) semaphore(%run_scoped3A_192 : memref<!tpu.dma_semaphore, #tpu.memory_space<semaphore_mem>>) {add = true}
        %dma_wait3A = arith.constant 0 : i32
        %dma_wait3A_194 = tpu.memref_slice %arg12[%dma_wait3A] : memref<10240xf32, #tpu.memory_space<vmem_shared>> -> memref<10240xf32, #tpu.memory_space<vmem_shared>>
        tpu.wait_indirect_dma semaphore(%run_scoped3A_192 : memref<!tpu.dma_semaphore, #tpu.memory_space<semaphore_mem>>) src(%arg11 : memref<128xf32, #tpu.memory_space<vmem>>) dst(%dma_wait3A_194 : memref<10240xf32, #tpu.memory_space<vmem_shared>>)
        tpu.yield
      }) : () -> ()
      "tpu.region"() ({
        %run_scoped3A_192 = tpu.sem_alloc : memref<!tpu.dma_semaphore, #tpu.memory_space<semaphore_mem>>
        %dma_start3A = arith.constant 0 : i32
        %dma_start3A_193 = tpu.memref_slice %arg13[%dma_start3A] : memref<10240xf32, #tpu.memory_space<vmem_shared>> -> memref<10240xf32, #tpu.memory_space<vmem_shared>>
        tpu.enqueue_indirect_dma source(%arg11 : memref<128xf32, #tpu.memory_space<vmem>>) target(%dma_start3A_193 : memref<10240xf32, #tpu.memory_space<vmem_shared>>) offsets(%arg9 : memref<128xi32, #tpu.memory_space<vmem>>) semaphore(%run_scoped3A_192 : memref<!tpu.dma_semaphore, #tpu.memory_space<semaphore_mem>>) {add = true}
        %dma_wait3A = arith.constant 0 : i32
        %dma_wait3A_194 = tpu.memref_slice %arg13[%dma_wait3A] : memref<10240xf32, #tpu.memory_space<vmem_shared>> -> memref<10240xf32, #tpu.memory_space<vmem_shared>>
        tpu.wait_indirect_dma semaphore(%run_scoped3A_192 : memref<!tpu.dma_semaphore, #tpu.memory_space<semaphore_mem>>) src(%arg11 : memref<128xf32, #tpu.memory_space<vmem>>) dst(%dma_wait3A_194 : memref<10240xf32, #tpu.memory_space<vmem_shared>>)
        tpu.yield
      }) : () -> ()
      %while3A_191 = arith.constant 0 : i32
      scf.yield %while3A_191 : i32
    }
    %barrier3A_41 = arith.constant 0 : index
    tpu.barrier barrier_id(%barrier3A_41)
    %run_scoped3A = arith.constant 0 : i32
    "tpu.region"() ({
      %run_scoped3A_43 = tpu.sem_alloc : memref<!tpu.dma_semaphore, #tpu.memory_space<semaphore_mem>>
      %dma_start3A = tpu.memref_slice %arg4[%arg0, %run_scoped3A, %mul3A_18] : memref<2x1x10240xf32, #tpu.memory_space<hbm>> -> memref<1x1x640xf32, #tpu.memory_space<hbm>>
      %dma_start3A_44 = tpu.memref_squeeze %dma_start3A : memref<1x1x640xf32, #tpu.memory_space<hbm>> -> memref<640xf32, #tpu.memory_space<hbm>>
      %dma_start3A_45 = tpu.memref_slice %arg12[%mul3A_18] : memref<10240xf32, #tpu.memory_space<vmem_shared>> -> memref<640xf32, #tpu.memory_space<vmem_shared>>
      tpu.enqueue_dma source(%dma_start3A_45 : memref<640xf32, #tpu.memory_space<vmem_shared>>) target(%dma_start3A_44 : memref<640xf32, #tpu.memory_space<hbm>>) target_semaphore(%run_scoped3A_43 : memref<!tpu.dma_semaphore, #tpu.memory_space<semaphore_mem>>)
      %dma_wait3A = tpu.memref_slice %arg4[%arg0, %run_scoped3A, %mul3A_18] : memref<2x1x10240xf32, #tpu.memory_space<hbm>> -> memref<1x1x640xf32, #tpu.memory_space<hbm>>
      %dma_wait3A_46 = tpu.memref_squeeze %dma_wait3A : memref<1x1x640xf32, #tpu.memory_space<hbm>> -> memref<640xf32, #tpu.memory_space<hbm>>
      %dma_wait3A_47 = tpu.memref_slice %arg12[%mul3A_18] : memref<10240xf32, #tpu.memory_space<vmem_shared>> -> memref<640xf32, #tpu.memory_space<vmem_shared>>
      tpu.wait_dma2 semaphore(%run_scoped3A_43 : memref<!tpu.dma_semaphore, #tpu.memory_space<semaphore_mem>>) src(%dma_wait3A_47 : memref<640xf32, #tpu.memory_space<vmem_shared>>) dst(%dma_wait3A_46 : memref<640xf32, #tpu.memory_space<hbm>>)
      tpu.yield
    }) : () -> ()
    %run_scoped3A_42 = arith.constant 0 : i32
    "tpu.region"() ({
      %run_scoped3A_43 = tpu.sem_alloc : memref<!tpu.dma_semaphore, #tpu.memory_space<semaphore_mem>>
      %dma_start3A = tpu.memref_slice %arg5[%arg0, %run_scoped3A_42, %mul3A_18] : memref<2x1x10240xf32, #tpu.memory_space<hbm>> -> memref<1x1x640xf32, #tpu.memory_space<hbm>>
      %dma_start3A_44 = tpu.memref_squeeze %dma_start3A : memref<1x1x640xf32, #tpu.memory_space<hbm>> -> memref<640xf32, #tpu.memory_space<hbm>>
      %dma_start3A_45 = tpu.memref_slice %arg13[%mul3A_18] : memref<10240xf32, #tpu.memory_space<vmem_shared>> -> memref<640xf32, #tpu.memory_space<vmem_shared>>
      tpu.enqueue_dma source(%dma_start3A_45 : memref<640xf32, #tpu.memory_space<vmem_shared>>) target(%dma_start3A_44 : memref<640xf32, #tpu.memory_space<hbm>>) target_semaphore(%run_scoped3A_43 : memref<!tpu.dma_semaphore, #tpu.memory_space<semaphore_mem>>)
      %dma_wait3A = tpu.memref_slice %arg5[%arg0, %run_scoped3A_42, %mul3A_18] : memref<2x1x10240xf32, #tpu.memory_space<hbm>> -> memref<1x1x640xf32, #tpu.memory_space<hbm>>
      %dma_wait3A_46 = tpu.memref_squeeze %dma_wait3A : memref<1x1x640xf32, #tpu.memory_space<hbm>> -> memref<640xf32, #tpu.memory_space<hbm>>
      %dma_wait3A_47 = tpu.memref_slice %arg13[%mul3A_18] : memref<10240xf32, #tpu.memory_space<vmem_shared>> -> memref<640xf32, #tpu.memory_space<vmem_shared>>
      tpu.wait_dma2 semaphore(%run_scoped3A_43 : memref<!tpu.dma_semaphore, #tpu.memory_space<semaphore_mem>>) src(%dma_wait3A_47 : memref<640xf32, #tpu.memory_space<vmem_shared>>) dst(%dma_wait3A_46 : memref<640xf32, #tpu.memory_space<hbm>>)
      tpu.yield
    }) : () -> ()
    return
  }
}

module attributes {stable_mosaic.version = 14 : i64} {
  func.func @_prep_body(%arg0: memref<2x1x10240xf32, #tpu.memory_space<vmem>>, %arg1: memref<10000x128xf32, #tpu.memory_space<vmem>>, %arg2: memref<10000x128xf32, #tpu.memory_space<vmem>>) attributes {dimension_semantics = [], scalar_prefetch = 0 : i64, scratch_operands = 0 : i64, tpu.core_type = #tpu.core_type<tc>} {
    %get3A = arith.constant 0 : index
    %get3A_0 = arith.constant 0 : index
    %get3A_1 = arith.constant 0 : index
    %get3A_2 = vector.load %arg0[%get3A, %get3A_0, %get3A_1] : memref<2x1x10240xf32, #tpu.memory_space<vmem>>, vector<1x1x10000xf32>
    %get3A_3 = vector.shape_cast %get3A_2 : vector<1x1x10000xf32> to vector<10000xf32>
    %get3A_4 = arith.constant 1 : index
    %get3A_5 = arith.constant 0 : index
    %get3A_6 = arith.constant 0 : index
    %get3A_7 = vector.load %arg0[%get3A_4, %get3A_5, %get3A_6] : memref<2x1x10240xf32, #tpu.memory_space<vmem>>, vector<1x1x10000xf32>
    %get3A_8 = vector.shape_cast %get3A_7 : vector<1x1x10000xf32> to vector<10000xf32>
    %add3A = arith.addf %get3A_3, %get3A_8 : vector<10000xf32>
    %max3A = arith.constant 1.000000e+00 : f32
    %max3A_9 = vector.broadcast %max3A : f32 to vector<10000xf32>
    %max3A_10 = arith.maximumf %add3A, %max3A_9 : vector<10000xf32>
    %rsqrt3A = math.rsqrt %max3A_10 : vector<10000xf32>
    %get3A_11 = arith.constant 0 : index
    %get3A_12 = arith.constant 0 : index
    %get3A_13 = vector.load %arg1[%get3A_11, %get3A_12] : memref<10000x128xf32, #tpu.memory_space<vmem>>, vector<10000x128xf32>
    %broadcast_in_dim3A = vector.shape_cast %rsqrt3A : vector<10000xf32> to vector<10000x1xf32>
    %mul3A = vector.broadcast %broadcast_in_dim3A : vector<10000x1xf32> to vector<10000x128xf32>
    %mul3A_14 = arith.mulf %get3A_13, %mul3A : vector<10000x128xf32>
    %swap3A = arith.constant 0 : index
    %swap3A_15 = arith.constant 0 : index
    %swap3A_16 = vector.load %arg2[%swap3A, %swap3A_15] : memref<10000x128xf32, #tpu.memory_space<vmem>>, vector<10000x128xf32>
    tpu.vector_store %arg2[%swap3A, %swap3A_15], %mul3A_14 {strides = array<i32>} : memref<10000x128xf32, #tpu.memory_space<vmem>>, vector<10000x128xf32>,
    return
  }
}

module attributes {stable_mosaic.version = 14 : i64} {
  func.func @_final_body(%arg0: memref<2x10112x128xf32, #tpu.memory_space<vmem>>, %arg1: memref<2x10240x16xf32, #tpu.memory_space<vmem>>, %arg2: memref<128x128xf32, #tpu.memory_space<vmem>>, %arg3: memref<16x128xf32, #tpu.memory_space<vmem>>, %arg4: memref<1x128xf32, #tpu.memory_space<vmem>>, %arg5: memref<2x1x10240xf32, #tpu.memory_space<vmem>>, %arg6: memref<10000x128xf32, #tpu.memory_space<vmem>>) attributes {dimension_semantics = [], scalar_prefetch = 0 : i64, scratch_operands = 0 : i64, tpu.core_type = #tpu.core_type<tc>} {
    %get3A = arith.constant 0 : index
    %get3A_0 = arith.constant 0 : index
    %get3A_1 = arith.constant 0 : index
    %get3A_2 = vector.load %arg0[%get3A, %get3A_0, %get3A_1] : memref<2x10112x128xf32, #tpu.memory_space<vmem>>, vector<1x10000x128xf32>
    %get3A_3 = vector.shape_cast %get3A_2 : vector<1x10000x128xf32> to vector<10000x128xf32>
    %get3A_4 = arith.constant 1 : index
    %get3A_5 = arith.constant 0 : index
    %get3A_6 = arith.constant 0 : index
    %get3A_7 = vector.load %arg0[%get3A_4, %get3A_5, %get3A_6] : memref<2x10112x128xf32, #tpu.memory_space<vmem>>, vector<1x10000x128xf32>
    %get3A_8 = vector.shape_cast %get3A_7 : vector<1x10000x128xf32> to vector<10000x128xf32>
    %add3A = arith.addf %get3A_3, %get3A_8 : vector<10000x128xf32>
    %get3A_9 = arith.constant 0 : index
    %get3A_10 = arith.constant 0 : index
    %get3A_11 = arith.constant 0 : index
    %get3A_12 = vector.load %arg1[%get3A_9, %get3A_10, %get3A_11] : memref<2x10240x16xf32, #tpu.memory_space<vmem>>, vector<1x10000x16xf32>
    %get3A_13 = vector.shape_cast %get3A_12 : vector<1x10000x16xf32> to vector<10000x16xf32>
    %get3A_14 = arith.constant 1 : index
    %get3A_15 = arith.constant 0 : index
    %get3A_16 = arith.constant 0 : index
    %get3A_17 = vector.load %arg1[%get3A_14, %get3A_15, %get3A_16] : memref<2x10240x16xf32, #tpu.memory_space<vmem>>, vector<1x10000x16xf32>
    %get3A_18 = vector.shape_cast %get3A_17 : vector<1x10000x16xf32> to vector<10000x16xf32>
    %add3A_19 = arith.addf %get3A_13, %get3A_18 : vector<10000x16xf32>
    %get3A_20 = arith.constant 0 : index
    %get3A_21 = arith.constant 0 : index
    %get3A_22 = vector.load %arg2[%get3A_20, %get3A_21] : memref<128x128xf32, #tpu.memory_space<vmem>>, vector<128x128xf32>
    %dot_general3A = arith.constant dense<0.000000e+00> : vector<10000x128xf32>
    %dot_general3A_23 = tpu.matmul %add3A, %get3A_22, %dot_general3A {dimension_numbers = #tpu.dot_dimension_numbers<[1], [0], [0], [1], [0, 0, 1, 1], [], []>, transpose_lhs_hint = false} : vector<10000x128xf32>, vector<128x128xf32>, vector<10000x128xf32> -> vector<10000x128xf32>
    %get3A_24 = arith.constant 0 : index
    %get3A_25 = arith.constant 0 : index
    %get3A_26 = vector.load %arg3[%get3A_24, %get3A_25] : memref<16x128xf32, #tpu.memory_space<vmem>>, vector<16x128xf32>
    %dot_general3A_27 = arith.constant dense<0.000000e+00> : vector<10000x128xf32>
    %dot_general3A_28 = tpu.matmul %add3A_19, %get3A_26, %dot_general3A_27 {dimension_numbers = #tpu.dot_dimension_numbers<[1], [0], [0], [1], [0, 0, 1, 1], [], []>, transpose_lhs_hint = false} : vector<10000x16xf32>, vector<16x128xf32>, vector<10000x128xf32> -> vector<10000x128xf32>
    %add3A_29 = arith.addf %dot_general3A_23, %dot_general3A_28 : vector<10000x128xf32>
    %get3A_30 = arith.constant 0 : index
    %get3A_31 = arith.constant 0 : index
    %get3A_32 = arith.constant 0 : index
    %get3A_33 = vector.load %arg5[%get3A_30, %get3A_31, %get3A_32] : memref<2x1x10240xf32, #tpu.memory_space<vmem>>, vector<1x1x10000xf32>
    %get3A_34 = vector.shape_cast %get3A_33 : vector<1x1x10000xf32> to vector<10000xf32>
    %get3A_35 = arith.constant 1 : index
    %get3A_36 = arith.constant 0 : index
    %get3A_37 = arith.constant 0 : index
    %get3A_38 = vector.load %arg5[%get3A_35, %get3A_36, %get3A_37] : memref<2x1x10240xf32, #tpu.memory_space<vmem>>, vector<1x1x10000xf32>
    %get3A_39 = vector.shape_cast %get3A_38 : vector<1x1x10000xf32> to vector<10000xf32>
    %add3A_40 = arith.addf %get3A_34, %get3A_39 : vector<10000xf32>
    %max3A = arith.constant 1.000000e+00 : f32
    %max3A_41 = vector.broadcast %max3A : f32 to vector<10000xf32>
    %max3A_42 = arith.maximumf %add3A_40, %max3A_41 : vector<10000xf32>
    %rsqrt3A = math.rsqrt %max3A_42 : vector<10000xf32>
    %broadcast_in_dim3A = vector.shape_cast %rsqrt3A : vector<10000xf32> to vector<10000x1xf32>
    %mul3A = vector.broadcast %broadcast_in_dim3A : vector<10000x1xf32> to vector<10000x128xf32>
    %mul3A_43 = arith.mulf %add3A_29, %mul3A : vector<10000x128xf32>
    %get3A_44 = arith.constant 0 : index
    %get3A_45 = arith.constant 0 : index
    %get3A_46 = vector.load %arg4[%get3A_44, %get3A_45] : memref<1x128xf32, #tpu.memory_space<vmem>>, vector<1x128xf32>
    %add3A_47 = vector.broadcast %get3A_46 : vector<1x128xf32> to vector<10000x128xf32>
    %add3A_48 = arith.addf %mul3A_43, %add3A_47 : vector<10000x128xf32>
    %swap3A = arith.constant 0 : index
    %swap3A_49 = arith.constant 0 : index
    %swap3A_50 = vector.load %arg6[%swap3A, %swap3A_49] : memref<10000x128xf32, #tpu.memory_space<vmem>>, vector<10000x128xf32>
    tpu.vector_store %arg6[%swap3A, %swap3A_49], %add3A_48 {strides = array<i32>} : memref<10000x128xf32, #tpu.memory_space<vmem>>, vector<10000x128xf32>,
    return
  }
}

</mosaic_0001>

<sc_bundles>
// kernel: kernel.11.cloned.1.call-start
scs
__scs_entry_jumppad:
0x0: {  	(pc) =	sbr.rel $0x88, $3  }
0x1: {  	(tag) =	ssettag $0x0;
	lr =	simm.s32 $0x1  }
0x2: {  	[smem:$0x3F9C] =	sst lr;
	_ =	strace $0xD0000000  }
0x3: {  	_ = 	snop  }
0x4: {  	_ = 	snop  }
0x5: {  	_ = 	snop  }
0x6: {  	_ = 	snop  }
0x7: {  	_ = 	snop  }
__scs_overlays_trampoline_lowered:
0x8: {  	[smem:$0x3FAB] =	sst s0  }
0x9: {  	[smem:$0x3FAC] =	sst s1  }
0xa: {  	[smem:$0x3FAD] =	sst s2  }
0xb: {  	[smem:$0x3FAE] =	sst s3  }
0xc: {  	[smem:$0x3FAF] =	sst s4  }
0xd: {  	[smem:$0x3FB0] =	sst s5  }
0xe: {  	[smem:$0x3FB1] =	sst s6  }
0xf: {  	[smem:$0x3FB2] =	sst s7  }
0x10: {  	[smem:$0x3FB3] =	sst s8  }
0x11: {  	[smem:$0x3FB4] =	sst s9;
	s0 =	simm.s32 @!p0 $0x0  }
0x12: {  	s1 =	sld [smem:$0x3F9A];
	s0 =	simm.s32 @p0 $0x1  }
0x13: {  	[smem:$0x3FB5] =	sst s0;
	s0 =	simm.s32 @!p1 $0x0  }
0x14: {  	s2 =	sld [smem:$0x3F99];
	s0 =	simm.s32 @p1 $0x1  }
0x15: {  	[smem:$0x3FB6] =	sst s0;
	s0 =	simm.s32 @!p2 $0x0  }
0x16: {  	s3 =	sld [smem:$0x3FDB];
	s0 =	simm.s32 @p2 $0x1  }
0x17: {  	s4 =	simm.s32 $0x1BF5;
	[smem:$0x3FB8] =	sst s0  }
0x18: {  	s0 =	sld [smem:$0x3F9B];
	_ =	swait.ge [sflag:s4], $0x0  }
0x19: {  	s7 =	sld [smem:$0x3F9C]  }
0x1a: {  	s8 =	sadd.s32 $0xFFFFE003, lr  }
0x1b: {  	s9 =	sadd.s32 $0xFFFFFEF7, lr;
	s5 =	simm.s32 $0xFFFFFFFF;
	p2 =	slt.u32 s8, $0xFFFFF086  }
0x1c: {  	p1 =	slt.u32 s9, $0xF7A;
	s5 =	simm.s32 @!p2 $0x0  }
0x1d: {  	s5 =	simm.s32 @p1 $0x1;
	p0 =	seq.s32 s7, s2  }
0x1e: {  	s7 =	smul.u32 @!p0 $0xF7A, s2;
	p2 =	seq.s32 @!p0 s5, $0x0  }
0x1f: {  	s9 =	smul.u32 $0xF7A, s1;
	s8 =	simm.s32 @!p0 $0x1BF5;
	p2 =	por !p2, p0  }
0x20: {  	[sflag:s8] =	ssyncset.s32 @!p0 $0xFFFFF086;
	s6 =	sadd.s32 @!p0 s3, s7;
	s7 =	simm.s32 @!p0 $0x108  }
0x21: {  	s3 =	sadd.s32 s3, s9;
	s6 =	sadd.s32 @!p0 $0x88, s6;
	s7 =	simm.s32 @p2 $0x1082  }
0x22: {  	[simem:s7], [sflag:s8] =	dma.local @!p0 [hbm:s6], $0xF7A  }
0x23: {  	s9 =	sor.u32 $0xD0000000, s2;
	s6 =	simm.s32 $0x108;
	_ =	swait.ge @!p0 [sflag:s8], $0x0  }
0x24: {  	s3 =	sadd.s32 $0x88, s3;
	s6 =	simm.s32 @!p1 $0x1082;
	[sflag:s4] =	ssyncset.s32 $0xFFFFF086  }
0x25: {  	[simem:s6], [sflag:s4] =	dma.local [hbm:s3], $0xF7A  }
0x26: {  	[smem:$0x3F9C] =	sst s1;
	(tag) =	ssettag s2;
	_ =	strace s9  }
0x27: {  	s1 =	sld [smem:$0x3FAC]  }
0x28: {  	s2 =	sld [smem:$0x3FAD]  }
0x29: {  	s4 =	sld [smem:$0x3FAF]  }
0x2a: {  	p0 =	seq.s32 s5, $0x0;
	s5 =	sld [smem:$0x3FB0]  }
0x2b: {  	s6 =	sld [smem:$0x3FB1]  }
0x2c: {  	s7 =	sld [smem:$0x3FB2]  }
0x2d: {  	s3 =	simm.s32 $0x108;
	s8 =	sld [smem:$0x3FB3]  }
0x2e: {  	s3 =	simm.s32 @!p0 $0x1082;
	s9 =	sld [smem:$0x3FB4]  }
0x2f: {  	lr =	sadd.s32 s0, s3;
	s0 =	sld [smem:$0x3FAB]  }
0x30: {  	s3 =	sld [smem:$0x3FAE]  }
0x31: {  	[smem:$0x3FB7] =	sst s10  }
0x32: {  	s10 =	sld [smem:$0x3FB5];
	_ =	sdelay $0x3  }
0x33: {  	p0 =	seq.s32 s10, $0x1;
	s10 =	sld [smem:$0x3FB7];
	_ =	sdelay $0x3  }
0x34: {  	[smem:$0x3FB7] =	sst s10  }
0x35: {  	s10 =	sld [smem:$0x3FB6];
	_ =	sdelay $0x3  }
0x36: {  	p1 =	seq.s32 s10, $0x1;
	s10 =	sld [smem:$0x3FB7];
	_ =	sdelay $0x3  }
0x37: {  	[smem:$0x3FB7] =	sst s10  }
0x38: {  	s10 =	sld [smem:$0x3FB8]  }
0x39: {  	_ = 	snop;
	(pc) =	sbr.ind lr, $3  }
0x3a: {  	_ = 	snop  }
0x3b: {  	_ = 	snop  }
0x3c: {  	p2 =	seq.s32 s10, $0x1;
	s10 =	sld [smem:$0x3FB7]  }
0x3d: {  	_ =	shalt  }
0x3e: {  	_ =	shalt  }
0x3f: {  	_ =	shalt  }
0x40: {  	_ =	shalt  }
0x41: {  	_ =	shalt  }
0x42: {  	_ =	shalt  }
0x43: {  	_ =	shalt  }
0x44: {  	_ =	shalt  }
0x45: {  	_ =	shalt  }
0x46: {  	_ =	shalt  }
0x47: {  	_ =	shalt  }
0x48: {  	_ =	shalt  }
0x49: {  	_ =	shalt  }
0x4a: {  	_ =	shalt  }
0x4b: {  	_ =	shalt  }
0x4c: {  	_ =	shalt  }
0x4d: {  	_ =	shalt  }
0x4e: {  	_ =	shalt  }
0x4f: {  	_ =	shalt  }
0x50: {  	_ =	shalt  }
0x51: {  	_ =	shalt  }
0x52: {  	_ =	shalt  }
0x53: {  	_ =	shalt  }
0x54: {  	_ =	shalt  }
0x55: {  	_ =	shalt  }
0x56: {  	_ =	shalt  }
0x57: {  	_ =	shalt  }
0x58: {  	_ =	shalt  }
0x59: {  	_ =	shalt  }
0x5a: {  	_ =	shalt  }
0x5b: {  	_ =	shalt  }
0x5c: {  	_ =	shalt  }
0x5d: {  	_ =	shalt  }
0x5e: {  	_ =	shalt  }
0x5f: {  	_ =	shalt  }
0x60: {  	_ =	shalt  }
0x61: {  	_ =	shalt  }
0x62: {  	_ =	shalt  }
0x63: {  	_ =	shalt  }
0x64: {  	_ =	shalt  }
0x65: {  	_ =	shalt  }
0x66: {  	_ =	shalt  }
0x67: {  	_ =	shalt  }
0x68: {  	_ =	shalt  }
0x69: {  	_ =	shalt  }
0x6a: {  	_ =	shalt  }
0x6b: {  	_ =	shalt  }
0x6c: {  	_ =	shalt  }
0x6d: {  	_ =	shalt  }
0x6e: {  	_ =	shalt  }
0x6f: {  	_ =	shalt  }
0x70: {  	_ =	shalt  }
0x71: {  	_ =	shalt  }
0x72: {  	_ =	shalt  }
0x73: {  	_ =	shalt  }
0x74: {  	_ =	shalt  }
0x75: {  	_ =	shalt  }
0x76: {  	_ =	shalt  }
0x77: {  	_ =	shalt  }
0x78: {  	_ =	shalt  }
0x79: {  	_ =	shalt  }
0x7a: {  	_ =	shalt  }
0x7b: {  	_ =	shalt  }
0x7c: {  	_ =	shalt  }
0x7d: {  	_ =	shalt  }
0x7e: {  	_ =	shalt  }
0x7f: {  	_ =	shalt  }
0x80: {  	_ =	shalt  }
0x81: {  	_ =	shalt  }
0x82: {  	_ =	shalt  }
0x83: {  	_ =	shalt  }
0x84: {  	_ =	shalt  }
0x85: {  	_ =	shalt  }
0x86: {  	_ =	shalt  }
0x87: {  	_ =	shalt  }
.Lfunc_end0:
.L_simem_size_0:
called_computation.1_lowered:
.L_overlay_start_0:
0x88: {  	s2 =	sld [smem:$0x3FD9]  }
0x89: {  	s3 =	sld [smem:$0x3FFE];
	_ =	sdelay $0x1  }
0x8a: {  	s1 =	srdreg.scid  }
0x8b: {  	s0 =	sand.u32 $0x1, s1  }
0x8c: {  	s17 =	sshll.u32 s0, $0xA;
	s2 =	sadd.s32 s3, s2  }
0x8d: {  	s2 =	sadd.s32 s2, s17  }
0x8e: {  	[smem:$0x3FC3] =	sst s2  }
0x8f: {  	_ = 	snop  }
0x90: {  	s2 =	sld [smem:$0x3FD0];
	(tm) =	ssettm $0x1  }
0x91: {  	s18 =	sld [smem:$0x3FFB];
	_ =	sdelay $0x3  }
0x92: {  	_ =	strace s18  }
0x93: {  	s3 =	sld [smem:$0x3FFC];
	_ =	sdelay $0x3  }
0x94: {  	_ =	strace s3  }
0x95: {  	s3 =	sld [smem:$0x3FFD];
	_ =	sdelay $0x3  }
0x96: {  	_ =	strace s3  }
0x97: {  	_ =	strace $0x8FFFFFFF  }
0x98: {  	s19 =	sld [smem:$0x3FDB];
	_ =	sdelay $0x1  }
0x99: {  	s4 =	simm.s32 $_scs_section_size  }
0x9a: {  	s5 =	simm.s32 $_size__tile_overlayer_lowered;
	s6 =	simm.s32 $_tile_overlayer_lowered  }
0x9b: {  	s22 =	simm.s32 $0x1BFF;
	s21 =	sshll.u32 s6, $0x1;
	s3 =	sadd.s32 s4, s19  }
0x9c: {  	s7 =	simm.s32 $0x0;
	s20 =	sshll.u32 s5, $0x1;
	s5 =	sadd.s32 s21, s3  }
0x9d: {  	[timem:s7], [sflag:s22] =	dma.local [hbm:s5], s20  }
0x9e: {  	_ =	swait.ge [sflag:s22], s20  }
0x9f: {  	s4 =	ssub.s32 $0x0, s20;
	[sflag:s22] =	ssyncset.done $0x0  }
0xa0: {  	[sflag:s22] =	ssyncadd.s32 s4;
	_ =	sdelay $0x1  }
0xa1: {  	s23 =	simm.s32 $0x1B8B  }
0xa2: {  	_ =	swait.ge [sflag:s23], $0x1  }
0xa3: {  	[sflag:s23] =	ssyncset.done $0x0  }
0xa4: {  	s25 =	simm.s32 $0x1B8E;
	s24 =	sld [smem:$0x3FFE];
	[sflag:s23] =	ssyncadd.s32 $0xFFFFFFFF  }
0xa5: {  	s26 =	simm.s32 $execute0_lowered;
	[smem:$0x3FD2] =	sst s25  }
0xa6: {  	s5 =	sshll.u32 s26, $0x1;
	_ =	strace $0x80000049;
	[dreg:$0x1] =	wrdreg $0xFFFFFFFF  }
0xa7: {  	s28 =	simm.s32 $_size_execute0_lowered;
	s3 =	sadd.s32 s3, s5;
	[dreg:$0x0] =	wrdreg $0x0  }
0xa8: {  	s5 =	sshll.u32 s28, $0x1;
	[dreg:$0x2] =	wrdreg s3  }
0xa9: {  	[dreg:$0x3] =	wrdreg s5  }
0xaa: {  	[dreg:$0x4] =	wrdreg $0xC0  }
0xab: {  	_ =	task [dreg:s7], $0x5FFFF  }
0xac: {  	[dreg:$0x1] =	wrdreg $0xFFFFFFFF  }
0xad: {  	[dreg:$0x0] =	wrdreg $0x60  }
0xae: {  	[dreg:$0x2] =	wrdreg s24  }
0xaf: {  	[dreg:$0x3] =	wrdreg s2  }
0xb0: {  	[dreg:$0x4] =	wrdreg $0x53000  }
0xb1: {  	[dreg:$0x5] =	wrdreg $0x55800  }
0xb2: {  	[dreg:$0x6] =	wrdreg $0x9  }
0xb3: {  	_ =	task.clear_ibuf [dreg:s7], $0x7FFFF;
	_ =	strace $0x90000049  }
0xb4: {  	s29 =	simm.s32 $0x9;
	_ =	strace $0x8000004B  }
0xb5: {  	_ =	swait.ge [sflag:s29], $0x1  }
0xb6: {  	[sflag:s29] =	ssyncadd.s32 $0xFFFFFFFF  }
0xb7: {  	_ =	strace $0x9000004B  }
0xb8: {  	_ =	sfence  }
0xb9: {  	s30 =	sld [smem:$0x0];
	_ =	sdelay $0x2  }
0xba: {  	s31 =	sshll.u32 s1, $0xD;
	s1 =	sshrl.u32 s1, $0x2  }
0xbb: {  	s3 =	sand.u32 $0x4000, s31;
	s1 =	sadd.s32 s1, s30  }
0xbc: {  	s0 =	sor.u32 s3, s0;
	s1 =	sshll.u32 s1, $0x11  }
0xbd: {  	s0 =	sor.u32 s1, s0  }
0xbe: {  	s0 =	sadd.s32 $0x8F2B, s0  }
0xbf: {  	[sflag:s0] =	ssyncadd.remote.s32 $0x1  }
0xc0: {  	_ =	sfence.sel $0xFFFF  }
0xc1: {  	[dreg:$0x0] =	wrdreg $0xFFFFFFFF;
	(pc) =	sbr.abs _section_cstart, $3  }
0xc2: {  	[dreg:$0x1] =	wrdreg $0xFFFFFFFF  }
0xc3: {  	_ =	task.clear_ibuf [dreg:s7], $0x2FFFF;
	_ =	strace $0x9FFFFFFF  }
0xc4: {  	(tm) =	ssettm $0x7FFFFFFF  }
0xc5: {  	_ =	shalt  }
tec
execute0_lowered:
.L_overlay_start_1:
0x0: {  	(tag) =	ssettag $0x1  }
0x1: {  	s5 =	rddreg [dreg:$0x0]  }
0x2: {  	s12 =	rddreg [dreg:$0x1]  }
0x3: {  	s2 =	rddreg [dreg:$0x2]  }
0x4: {  	s3 =	rddreg [dreg:$0x3]  }
0x5: {  	s0 =	rddreg [dreg:$0x4]  }
0x6: {  	s6 =	srdreg.scid;
	s1 =	stileid.u32;
	s4 =	simm.s32 $0x0  }
0x7: {  	s18 =	simm.s32 $0x80;
	s19 =	simm.s32 $0x4F00;
	s20 =	simm.s32 $0x5280  }
0x8: {  	s21 =	simm.s32 $0x4F80;
	s22 =	simm.s32 $0x0;
	s6 =	sand.u32 $0x1, s6  }
0x9: {  	s7 =	smul.u32 $0x280, s1;
	[smem:$0x7FF] =	sst s4;
	s10 =	sadd.s32 $0x4000, s5  }
0xa: {  	s11 =	sadd.s32 $0xDE00, s5;
	s17 =	sshll.u32 s1, $0x4;
	s8 =	smul.u32 $0x2800, s6  }
0xb: {  	_ =	strace $0x8000004A;
	s9 =	sshll.u32 s6, $0x4;
	s6 =	ssub.s32 $0x2, s6  }
0xc: {  	s17 =	sor.u32 $0x9C00, s17;
	s15 =	sor.u32 s1, s9;
	s30 =	sshrl.u32 s6, $0x1  }
0xd: {  	s9 =	simm.s32 $0x4F;
	s8 =	sadd.s32 s7, s8;
	s31 =	smul.u32 $0x4E0, s15  }
0xe: {  	s16 =	ssub.s32 s6, s30;
	s6 =	sadd.s32 s7, s3;
	p0 =	slt.u32 s15, $0x4  }
0xf: {  	s13 =	sshrl.u32 s8, $0x3;
	s9 =	simm.s32 @!p0 $0x4E;
	p0 =	sgt.u32 s15, $0x3  }
0x10: {  	s15 =	simm.s32 $0x5000;
	s14 =	sadd.s32 s13, s5;
	s5 =	sadd.s32 s7, s2  }
0x11: {  	s7 =	sadd.s32 s10, s31;
	s8 =	sadd.s32 s11, s31;
	s10 =	sadd.s32 s10, s17  }
0x12: {  	s11 =	sadd.s32 s11, s17;
	s12 =	sadd.s32 s12, s13;
	s17 =	simm.s32 $0x2780  }
0x13: {  	v0 =	vimm.f32 $0.0e+00;
	v1 =	vimm.f32 $1.000000000e+00;
	s13 =	sadd.s32 $0x17C00, s14;
	s14 =	smax.u32 s16, $0x1;
	s16 =	simm.s32 $0x1  }
.LBB2_1:
0x14: {  	[tilespmem:$0x5000] =	vst v0  }
0x15: {  	[tilespmem:$0x5010] =	vst v0  }
0x16: {  	[tilespmem:$0x5020] =	vst v0  }
0x17: {  	[tilespmem:$0x5030] =	vst v0  }
0x18: {  	[tilespmem:$0x5040] =	vst v0  }
0x19: {  	[tilespmem:$0x5050] =	vst v0  }
0x1a: {  	[tilespmem:$0x5060] =	vst v0  }
0x1b: {  	[tilespmem:$0x5070] =	vst v0  }
0x1c: {  	[tilespmem:$0x5080] =	vst v0  }
0x1d: {  	[tilespmem:$0x5090] =	vst v0  }
0x1e: {  	[tilespmem:$0x50A0] =	vst v0  }
0x1f: {  	[tilespmem:$0x50B0] =	vst v0  }
0x20: {  	[tilespmem:$0x50C0] =	vst v0  }
0x21: {  	[tilespmem:$0x50D0] =	vst v0  }
0x22: {  	[tilespmem:$0x50E0] =	vst v0  }
0x23: {  	[tilespmem:$0x50F0] =	vst v0  }
0x24: {  	[tilespmem:$0x5100] =	vst v0  }
0x25: {  	[tilespmem:$0x5110] =	vst v0  }
0x26: {  	[tilespmem:$0x5120] =	vst v0  }
0x27: {  	[tilespmem:$0x5130] =	vst v0  }
0x28: {  	[tilespmem:$0x5140] =	vst v0  }
0x29: {  	[tilespmem:$0x5150] =	vst v0  }
0x2a: {  	[tilespmem:$0x5160] =	vst v0  }
0x2b: {  	[tilespmem:$0x5170] =	vst v0  }
0x2c: {  	[tilespmem:$0x5180] =	vst v0  }
0x2d: {  	[tilespmem:$0x5190] =	vst v0  }
0x2e: {  	[tilespmem:$0x51A0] =	vst v0  }
0x2f: {  	[tilespmem:$0x51B0] =	vst v0  }
0x30: {  	[tilespmem:$0x51C0] =	vst v0  }
0x31: {  	[tilespmem:$0x51D0] =	vst v0  }
0x32: {  	[tilespmem:$0x51E0] =	vst v0  }
0x33: {  	[tilespmem:$0x51F0] =	vst v0  }
0x34: {  	[tilespmem:$0x5200] =	vst v0  }
0x35: {  	[tilespmem:$0x5210] =	vst v0  }
0x36: {  	[tilespmem:$0x5220] =	vst v0  }
0x37: {  	[tilespmem:$0x5230] =	vst v0  }
0x38: {  	[tilespmem:$0x5240] =	vst v0  }
0x39: {  	[tilespmem:$0x5250] =	vst v0  }
0x3a: {  	[tilespmem:$0x5260] =	vst v0  }
0x3b: {  	[tilespmem:$0x5270] =	vst v0  }
0x3c: {  	[tilespmem:$0x5280] =	vst v1  }
0x3d: {  	[tilespmem:$0x5290] =	vst v1  }
0x3e: {  	[tilespmem:$0x52A0] =	vst v1  }
0x3f: {  	[tilespmem:$0x52B0] =	vst v1  }
0x40: {  	[tilespmem:$0x52C0] =	vst v1  }
0x41: {  	[tilespmem:$0x52D0] =	vst v1  }
0x42: {  	[tilespmem:$0x52E0] =	vst v1  }
0x43: {  	[tilespmem:$0x52F0] =	vst v1  }
0x44: {  	[spmem:s5] =	stream.linear.scatter [tilespmem:s15], [sflag:$0x1], $0x280, $0x38;
	[tilespmem:$0x5800] =	vst v63  }
0x45: {  	_ =	swait.ge [sflag:s16], $0x280  }
0x46: {  	[sflag:s16] =	ssyncset.done $0x0  }
0x47: {  	[sflag:s16] =	ssyncadd.s32 $0xFFFFFD80  }
0x48: {  	[spmem:s6] =	stream.linear.scatter [tilespmem:s15], [sflag:$0x1], $0x280, $0x38;
	[tilespmem:$0x5800] =	vst v63  }
0x49: {  	_ =	swait.ge [sflag:s16], $0x280  }
0x4a: {  	[sflag:s16] =	ssyncset.done $0x0  }
0x4b: {  	[sflag:s16] =	ssyncadd.s32 $0xFFFFFD80  }
0x4c: {  	[bflag:$0x0] =	sbarrier.arrive $0xFFFF  }
0x4d: {  	[tilespmem:s4], [sflag:$0x1] =	stream.linear.gather [hbm4b:s7+s4], $0x2700, $0x38;
	[tilespmem:$0x5800] =	vst v63  }
0x4e: {  	_ =	swait.ge [sflag:s16], $0x2700  }
0x4f: {  	[sflag:s16] =	ssyncset.done $0x0  }
0x50: {  	[sflag:s16] =	ssyncadd.s32 $0xFFFFD900  }
0x51: {  	[tilespmem:s17], [sflag:$0x1] =	stream.linear.gather [hbm4b:s8+s4], $0x2700, $0x38;
	[tilespmem:$0x5800] =	vst v63  }
0x52: {  	_ =	swait.ge [sflag:s16], $0x2700  }
0x53: {  	[sflag:s16] =	ssyncset.done $0x0  }
0x54: {  	s23 =	simm.s32 @!p0 $0x0;
	s24 =	simm.s32 @!p0 $0x2700;
	[sflag:s16] =	ssyncadd.s32 $0xFFFFD900  }
0x55: {  	[tilespmem:s24], [sflag:$0x1] =	stream.linear.gather @!p0 [hbm4b:s10+s23], $0x80, $0x38;
	[tilespmem:$0x5800] =	vst v63  }
0x56: {  	s24 =	simm.s32 @!p0 $0x1  }
0x57: {  	_ =	swait.ge @!p0 [sflag:s24], $0x80  }
0x58: {  	[sflag:s24] =	ssyncset.done @!p0 $0x0  }
0x59: {  	s25 =	simm.s32 @!p0 $0x4E80;
	[sflag:s24] =	ssyncadd.s32 @!p0 $0xFFFFFF80  }
0x5a: {  	[tilespmem:s25], [sflag:$0x1] =	stream.linear.gather @!p0 [hbm4b:s11+s23], $0x80, $0x38;
	[tilespmem:$0x5800] =	vst v63  }
0x5b: {  	_ =	swait.ge @!p0 [sflag:s24], $0x80  }
0x5c: {  	[sflag:s24] =	ssyncset.done @!p0 $0x0  }
0x5d: {  	s23 =	simm.s32 $0x40;
	[sflag:s24] =	ssyncadd.s32 @!p0 $0xFFFFFF80  }
0x5e: {  	v2 =	vld [tilespmem:s23+$0xFFFFFFC0];
	_ =	sdelay $0x4  }
0x5f: {  	[tilespmem:$0x4F00] =	vst v2  }
0x60: {  	v2 =	vld [tilespmem:s23+$0xFFFFFFD0];
	_ =	sdelay $0x4  }
0x61: {  	[tilespmem:$0x4F10] =	vst v2  }
0x62: {  	v2 =	vld [tilespmem:s23+$0xFFFFFFE0];
	_ =	sdelay $0x4  }
0x63: {  	[tilespmem:$0x4F20] =	vst v2  }
0x64: {  	v2 =	vld [tilespmem:s23+$0xFFFFFFF0];
	_ =	sdelay $0x4  }
0x65: {  	[tilespmem:$0x4F30] =	vst v2  }
0x66: {  	v2 =	vld [tilespmem:s23+$0x0];
	_ =	sdelay $0x4  }
0x67: {  	[tilespmem:$0x4F40] =	vst v2  }
0x68: {  	v2 =	vld [tilespmem:s23+$0x10];
	_ =	sdelay $0x4  }
0x69: {  	[tilespmem:$0x4F50] =	vst v2  }
0x6a: {  	v2 =	vld [tilespmem:s23+$0x20];
	_ =	sdelay $0x4  }
0x6b: {  	[tilespmem:$0x4F60] =	vst v2  }
0x6c: {  	v2 =	vld [tilespmem:s23+$0x30];
	_ =	sdelay $0x4  }
0x6d: {  	s24 =	simm.s32 $0x27C0;
	[tilespmem:$0x4F70] =	vst v2  }
0x6e: {  	v2 =	vld [tilespmem:s24+$0xFFFFFFC0];
	_ =	sdelay $0x4  }
0x6f: {  	[tilespmem:$0x4F80] =	vst v2  }
0x70: {  	v2 =	vld [tilespmem:s24+$0xFFFFFFD0];
	_ =	sdelay $0x4  }
0x71: {  	[tilespmem:$0x4F90] =	vst v2  }
0x72: {  	v2 =	vld [tilespmem:s24+$0xFFFFFFE0];
	_ =	sdelay $0x4  }
0x73: {  	[tilespmem:$0x4FA0] =	vst v2  }
0x74: {  	v2 =	vld [tilespmem:s24+$0xFFFFFFF0];
	_ =	sdelay $0x4  }
0x75: {  	[tilespmem:$0x4FB0] =	vst v2  }
0x76: {  	v2 =	vld [tilespmem:s24+$0x0];
	_ =	sdelay $0x4  }
0x77: {  	[tilespmem:$0x4FC0] =	vst v2  }
0x78: {  	v2 =	vld [tilespmem:s24+$0x10];
	_ =	sdelay $0x4  }
0x79: {  	[tilespmem:$0x4FD0] =	vst v2  }
0x7a: {  	v2 =	vld [tilespmem:s24+$0x20];
	_ =	sdelay $0x4  }
0x7b: {  	[tilespmem:$0x4FE0] =	vst v2  }
0x7c: {  	v2 =	vld [tilespmem:s24+$0x30];
	_ =	sdelay $0x4  }
0x7d: {  	[tilespmem:$0x4FF0] =	vst v2  }
0x7e: {  	[spmem:s2] =	stream.indirect.scatter.add.f32 [tilespmem:s20], [sflag:$0x1], $0x1, s19, s18, $0xb8;
	[tilespmem:$0x5800] =	vst v63  }
0x7f: {  	p1 =	sne.s32 s9, $0x1;
	_ =	swait.ge [sflag:s16], $0x80  }
.Ltmp0:
0x80: {  	[sflag:s16] =	ssyncset.done $0x0;
	(pc) =	sbr.rel @!p1 .LBB2_3-.Ltmp0, $4  }
0x81: {  	[sflag:s16] =	ssyncadd.s32 $0xFFFFFF80  }
0x82: {  	[spmem:s3] =	stream.indirect.scatter.add.f32 [tilespmem:s20], [sflag:$0x1], $0x1, s21, s18, $0xb8;
	[tilespmem:$0x5800] =	vst v63  }
0x83: {  	_ =	swait.ge [sflag:s16], $0x80  }
0x84: {  	s25 =	sadd.s32 $0xFFFFFFFF, s9;
	[sflag:s16] =	ssyncset.done $0x0  }
.LBB2_2:
0x85: {  	[sflag:s16] =	ssyncadd.s32 $0xFFFFFF80;
	s23 =	sadd.s32 $0x80, s23;
	s24 =	sadd.s32 $0x80, s24  }
0x86: {  	p1 =	sne.s32 s25, $0x1;
	s25 =	sadd.s32 $0xFFFFFFFF, s25;
	v2 =	vld [tilespmem:s23+$0xFFFFFFC0];
	_ =	sdelay $0x4  }
0x87: {  	[tilespmem:$0x4F00] =	vst v2  }
0x88: {  	v2 =	vld [tilespmem:s23+$0xFFFFFFD0];
	_ =	sdelay $0x4  }
0x89: {  	[tilespmem:$0x4F10] =	vst v2  }
0x8a: {  	v2 =	vld [tilespmem:s23+$0xFFFFFFE0];
	_ =	sdelay $0x4  }
0x8b: {  	[tilespmem:$0x4F20] =	vst v2  }
0x8c: {  	v2 =	vld [tilespmem:s23+$0xFFFFFFF0];
	_ =	sdelay $0x4  }
0x8d: {  	[tilespmem:$0x4F30] =	vst v2  }
0x8e: {  	v2 =	vld [tilespmem:s23+$0x0];
	_ =	sdelay $0x4  }
0x8f: {  	[tilespmem:$0x4F40] =	vst v2  }
0x90: {  	v2 =	vld [tilespmem:s23+$0x10];
	_ =	sdelay $0x4  }
0x91: {  	[tilespmem:$0x4F50] =	vst v2  }
0x92: {  	v2 =	vld [tilespmem:s23+$0x20];
	_ =	sdelay $0x4  }
0x93: {  	[tilespmem:$0x4F60] =	vst v2  }
0x94: {  	v2 =	vld [tilespmem:s23+$0x30];
	_ =	sdelay $0x4  }
0x95: {  	[tilespmem:$0x4F70] =	vst v2  }
0x96: {  	v2 =	vld [tilespmem:s24+$0xFFFFFFC0];
	_ =	sdelay $0x4  }
0x97: {  	[tilespmem:$0x4F80] =	vst v2  }
0x98: {  	v2 =	vld [tilespmem:s24+$0xFFFFFFD0];
	_ =	sdelay $0x4  }
0x99: {  	[tilespmem:$0x4F90] =	vst v2  }
0x9a: {  	v2 =	vld [tilespmem:s24+$0xFFFFFFE0];
	_ =	sdelay $0x4  }
0x9b: {  	[tilespmem:$0x4FA0] =	vst v2  }
0x9c: {  	v2 =	vld [tilespmem:s24+$0xFFFFFFF0];
	_ =	sdelay $0x4  }
0x9d: {  	[tilespmem:$0x4FB0] =	vst v2  }
0x9e: {  	v2 =	vld [tilespmem:s24+$0x0];
	_ =	sdelay $0x4  }
0x9f: {  	[tilespmem:$0x4FC0] =	vst v2  }
0xa0: {  	v2 =	vld [tilespmem:s24+$0x10];
	_ =	sdelay $0x4  }
0xa1: {  	[tilespmem:$0x4FD0] =	vst v2  }
0xa2: {  	v2 =	vld [tilespmem:s24+$0x20];
	_ =	sdelay $0x4  }
0xa3: {  	[tilespmem:$0x4FE0] =	vst v2  }
0xa4: {  	v2 =	vld [tilespmem:s24+$0x30];
	_ =	sdelay $0x4  }
0xa5: {  	[tilespmem:$0x4FF0] =	vst v2  }
0xa6: {  	[spmem:s2] =	stream.indirect.scatter.add.f32 [tilespmem:s20], [sflag:$0x1], $0x1, s19, s18, $0xb8;
	[tilespmem:$0x5800] =	vst v63  }
0xa7: {  	_ =	swait.ge [sflag:s16], $0x80  }
.Ltmp1:
0xa8: {  	[sflag:s16] =	ssyncset.done $0x0;
	(pc) =	sbr.rel @p1 .LBB2_2-.Ltmp1, $4  }
0xa9: {  	[sflag:s16] =	ssyncadd.s32 $0xFFFFFF80  }
0xaa: {  	[spmem:s3] =	stream.indirect.scatter.add.f32 [tilespmem:s20], [sflag:$0x1], $0x1, s21, s18, $0xb8;
	[tilespmem:$0x5800] =	vst v63  }
0xab: {  	_ =	swait.ge [sflag:s16], $0x80  }
0xac: {  	[sflag:s16] =	ssyncset.done $0x0  }
.LBB2_3:
0xad: {  	[sflag:s16] =	ssyncadd.s32 $0xFFFFFF80;
	s23 =	sshll.u32 s1, $0x6  }
0xae: {  	s24 =	sshrl.u32 s5, $0x3;
	[bflag:$0x0] =	sbarrier.arrive $0xFFFF;
	s23 =	sor.u32 $0x1C01, s23  }
0xaf: {  	[hbm:s12], [sflag:s23] =	dma.local [spmem:s24], $0x50  }
0xb0: {  	s22 =	sadd.s32 $0x1, s22;
	_ =	swait.ge [sflag:s16], $0x50  }
0xb1: {  	p1 =	sne.s32 s22, s14;
	[sflag:s16] =	ssyncset.done $0x0  }
.Ltmp2:
0xb2: {  	s31 =	sshrl.u32 s6, $0x3;
	[sflag:s16] =	ssyncadd.s32 $0xFFFFFFB0;
	(pc) =	sbr.rel @p1 .LBB2_1-.Ltmp2, $4  }
0xb3: {  	[hbm:s13], [sflag:s23] =	dma.local [spmem:s31], $0x50  }
0xb4: {  	_ =	swait.ge [sflag:s16], $0x50  }
0xb5: {  	[sflag:s16] =	ssyncset.done $0x0  }
0xb6: {  	[sflag:s16] =	ssyncadd.s32 $0xFFFFFFB0  }
0xb7: {  	_ =	sfence.sel $0x180000  }
0xb8: {  	[bflag:$0x0] =	sbarrier.arrive $0xFFFF  }
0xb9: {  	p0 =	sne.s32 s1, $0x0;
	_ =	strace $0x9000004A  }
0xba: {  	s0 =	sadd.s32 @!p0 $0x100000, s0;
	[bflag:$0x2] =	sbarrier.arrive $0xFFFF  }
0xbb: {  	[sflag:s0] =	ssyncadd.tile.s32 @!p0 $0x1;
	_ =	shalt  }
.Lfunc_end2:
_tile_overlayer_lowered:
.L_overlay_start_2:
0xbc: {  	(tag) =	ssettag $0x2  }
0xbd: {  	s0 =	rddreg [dreg:$0x0];
	s2 =	stileid.u32  }
0xbe: {  	s1 =	rddreg [dreg:$0x1];
	p0 =	sne.s32 s2, $0x0  }
0xbf: {  	s3 =	rddreg [dreg:$0x2];
	[bflag:$0x3] =	sbarrier.arrive $0xFFFF;
	s2 =	simm.s32 @!p0 $0x1C01  }
0xc0: {  	[timem:s3], [sflag:s2] =	dma.local @!p0 [hbm:s0], s1  }
0xc1: {  	s0 =	simm.s32 @!p0 $0x1  }
0xc2: {  	_ =	swait.ge @!p0 [sflag:s0], s1  }
0xc3: {  	s1 =	ssub.s32 @!p0 $0x0, s1;
	[sflag:s0] =	ssyncset.done @!p0 $0x0  }
0xc4: {  	[sflag:s0] =	ssyncadd.s32 @!p0 s1  }
0xc5: {  	[bflag:$0x3] =	sbarrier.arrive $0xFFFF  }
0xc6: {  	_ =	shalt  }

// kernel: kernel.14.cloned.1.call-start
scs
__scs_entry_jumppad:
0x0: {  	(pc) =	sbr.rel $0x88, $3  }
0x1: {  	(tag) =	ssettag $0x0;
	lr =	simm.s32 $0x1  }
0x2: {  	[smem:$0x3F9C] =	sst lr;
	_ =	strace $0xD0000000  }
0x3: {  	_ = 	snop  }
0x4: {  	_ = 	snop  }
0x5: {  	_ = 	snop  }
0x6: {  	_ = 	snop  }
0x7: {  	_ = 	snop  }
__scs_overlays_trampoline_lowered:
0x8: {  	[smem:$0x3FAB] =	sst s0  }
0x9: {  	[smem:$0x3FAC] =	sst s1  }
0xa: {  	[smem:$0x3FAD] =	sst s2  }
0xb: {  	[smem:$0x3FAE] =	sst s3  }
0xc: {  	[smem:$0x3FAF] =	sst s4  }
0xd: {  	[smem:$0x3FB0] =	sst s5  }
0xe: {  	[smem:$0x3FB1] =	sst s6  }
0xf: {  	[smem:$0x3FB2] =	sst s7  }
0x10: {  	[smem:$0x3FB3] =	sst s8  }
0x11: {  	[smem:$0x3FB4] =	sst s9;
	s0 =	simm.s32 @!p0 $0x0  }
0x12: {  	s1 =	sld [smem:$0x3F9A];
	s0 =	simm.s32 @p0 $0x1  }
0x13: {  	[smem:$0x3FB5] =	sst s0;
	s0 =	simm.s32 @!p1 $0x0  }
0x14: {  	s2 =	sld [smem:$0x3F99];
	s0 =	simm.s32 @p1 $0x1  }
0x15: {  	[smem:$0x3FB6] =	sst s0;
	s0 =	simm.s32 @!p2 $0x0  }
0x16: {  	s3 =	sld [smem:$0x3FDB];
	s0 =	simm.s32 @p2 $0x1  }
0x17: {  	s4 =	simm.s32 $0x1BF5;
	[smem:$0x3FB8] =	sst s0  }
0x18: {  	s0 =	sld [smem:$0x3F9B];
	_ =	swait.ge [sflag:s4], $0x0  }
0x19: {  	s7 =	sld [smem:$0x3F9C]  }
0x1a: {  	s8 =	sadd.s32 $0xFFFFE003, lr  }
0x1b: {  	s9 =	sadd.s32 $0xFFFFFEF7, lr;
	s5 =	simm.s32 $0xFFFFFFFF;
	p2 =	slt.u32 s8, $0xFFFFF086  }
0x1c: {  	p1 =	slt.u32 s9, $0xF7A;
	s5 =	simm.s32 @!p2 $0x0  }
0x1d: {  	s5 =	simm.s32 @p1 $0x1;
	p0 =	seq.s32 s7, s2  }
0x1e: {  	s7 =	smul.u32 @!p0 $0xF7A, s2;
	p2 =	seq.s32 @!p0 s5, $0x0  }
0x1f: {  	s9 =	smul.u32 $0xF7A, s1;
	s8 =	simm.s32 @!p0 $0x1BF5;
	p2 =	por !p2, p0  }
0x20: {  	[sflag:s8] =	ssyncset.s32 @!p0 $0xFFFFF086;
	s6 =	sadd.s32 @!p0 s3, s7;
	s7 =	simm.s32 @!p0 $0x108  }
0x21: {  	s3 =	sadd.s32 s3, s9;
	s6 =	sadd.s32 @!p0 $0x88, s6;
	s7 =	simm.s32 @p2 $0x1082  }
0x22: {  	[simem:s7], [sflag:s8] =	dma.local @!p0 [hbm:s6], $0xF7A  }
0x23: {  	s9 =	sor.u32 $0xD0000000, s2;
	s6 =	simm.s32 $0x108;
	_ =	swait.ge @!p0 [sflag:s8], $0x0  }
0x24: {  	s3 =	sadd.s32 $0x88, s3;
	s6 =	simm.s32 @!p1 $0x1082;
	[sflag:s4] =	ssyncset.s32 $0xFFFFF086  }
0x25: {  	[simem:s6], [sflag:s4] =	dma.local [hbm:s3], $0xF7A  }
0x26: {  	[smem:$0x3F9C] =	sst s1;
	(tag) =	ssettag s2;
	_ =	strace s9  }
0x27: {  	s1 =	sld [smem:$0x3FAC]  }
0x28: {  	s2 =	sld [smem:$0x3FAD]  }
0x29: {  	s4 =	sld [smem:$0x3FAF]  }
0x2a: {  	p0 =	seq.s32 s5, $0x0;
	s5 =	sld [smem:$0x3FB0]  }
0x2b: {  	s6 =	sld [smem:$0x3FB1]  }
0x2c: {  	s7 =	sld [smem:$0x3FB2]  }
0x2d: {  	s3 =	simm.s32 $0x108;
	s8 =	sld [smem:$0x3FB3]  }
0x2e: {  	s3 =	simm.s32 @!p0 $0x1082;
	s9 =	sld [smem:$0x3FB4]  }
0x2f: {  	lr =	sadd.s32 s0, s3;
	s0 =	sld [smem:$0x3FAB]  }
0x30: {  	s3 =	sld [smem:$0x3FAE]  }
0x31: {  	[smem:$0x3FB7] =	sst s10  }
0x32: {  	s10 =	sld [smem:$0x3FB5];
	_ =	sdelay $0x3  }
0x33: {  	p0 =	seq.s32 s10, $0x1;
	s10 =	sld [smem:$0x3FB7];
	_ =	sdelay $0x3  }
0x34: {  	[smem:$0x3FB7] =	sst s10  }
0x35: {  	s10 =	sld [smem:$0x3FB6];
	_ =	sdelay $0x3  }
0x36: {  	p1 =	seq.s32 s10, $0x1;
	s10 =	sld [smem:$0x3FB7];
	_ =	sdelay $0x3  }
0x37: {  	[smem:$0x3FB7] =	sst s10  }
0x38: {  	s10 =	sld [smem:$0x3FB8]  }
0x39: {  	_ = 	snop;
	(pc) =	sbr.ind lr, $3  }
0x3a: {  	_ = 	snop  }
0x3b: {  	_ = 	snop  }
0x3c: {  	p2 =	seq.s32 s10, $0x1;
	s10 =	sld [smem:$0x3FB7]  }
0x3d: {  	_ =	shalt  }
0x3e: {  	_ =	shalt  }
0x3f: {  	_ =	shalt  }
0x40: {  	_ =	shalt  }
0x41: {  	_ =	shalt  }
0x42: {  	_ =	shalt  }
0x43: {  	_ =	shalt  }
0x44: {  	_ =	shalt  }
0x45: {  	_ =	shalt  }
0x46: {  	_ =	shalt  }
0x47: {  	_ =	shalt  }
0x48: {  	_ =	shalt  }
0x49: {  	_ =	shalt  }
0x4a: {  	_ =	shalt  }
0x4b: {  	_ =	shalt  }
0x4c: {  	_ =	shalt  }
0x4d: {  	_ =	shalt  }
0x4e: {  	_ =	shalt  }
0x4f: {  	_ =	shalt  }
0x50: {  	_ =	shalt  }
0x51: {  	_ =	shalt  }
0x52: {  	_ =	shalt  }
0x53: {  	_ =	shalt  }
0x54: {  	_ =	shalt  }
0x55: {  	_ =	shalt  }
0x56: {  	_ =	shalt  }
0x57: {  	_ =	shalt  }
0x58: {  	_ =	shalt  }
0x59: {  	_ =	shalt  }
0x5a: {  	_ =	shalt  }
0x5b: {  	_ =	shalt  }
0x5c: {  	_ =	shalt  }
0x5d: {  	_ =	shalt  }
0x5e: {  	_ =	shalt  }
0x5f: {  	_ =	shalt  }
0x60: {  	_ =	shalt  }
0x61: {  	_ =	shalt  }
0x62: {  	_ =	shalt  }
0x63: {  	_ =	shalt  }
0x64: {  	_ =	shalt  }
0x65: {  	_ =	shalt  }
0x66: {  	_ =	shalt  }
0x67: {  	_ =	shalt  }
0x68: {  	_ =	shalt  }
0x69: {  	_ =	shalt  }
0x6a: {  	_ =	shalt  }
0x6b: {  	_ =	shalt  }
0x6c: {  	_ =	shalt  }
0x6d: {  	_ =	shalt  }
0x6e: {  	_ =	shalt  }
0x6f: {  	_ =	shalt  }
0x70: {  	_ =	shalt  }
0x71: {  	_ =	shalt  }
0x72: {  	_ =	shalt  }
0x73: {  	_ =	shalt  }
0x74: {  	_ =	shalt  }
0x75: {  	_ =	shalt  }
0x76: {  	_ =	shalt  }
0x77: {  	_ =	shalt  }
0x78: {  	_ =	shalt  }
0x79: {  	_ =	shalt  }
0x7a: {  	_ =	shalt  }
0x7b: {  	_ =	shalt  }
0x7c: {  	_ =	shalt  }
0x7d: {  	_ =	shalt  }
0x7e: {  	_ =	shalt  }
0x7f: {  	_ =	shalt  }
0x80: {  	_ =	shalt  }
0x81: {  	_ =	shalt  }
0x82: {  	_ =	shalt  }
0x83: {  	_ =	shalt  }
0x84: {  	_ =	shalt  }
0x85: {  	_ =	shalt  }
0x86: {  	_ =	shalt  }
0x87: {  	_ =	shalt  }
.Lfunc_end0:
.L_simem_size_0:
called_computation.2_lowered:
.L_overlay_start_0:
0x88: {  	s2 =	sld [smem:$0x3FD9]  }
0x89: {  	s3 =	sld [smem:$0x3FFE];
	_ =	sdelay $0x1  }
0x8a: {  	s1 =	srdreg.scid  }
0x8b: {  	s0 =	sand.u32 $0x1, s1  }
0x8c: {  	s17 =	sshll.u32 s0, $0xA;
	s2 =	sadd.s32 s3, s2  }
0x8d: {  	s2 =	sadd.s32 s2, s17  }
0x8e: {  	[smem:$0x3FC3] =	sst s2  }
0x8f: {  	_ = 	snop  }
0x90: {  	s2 =	sld [smem:$0x3FD0];
	(tm) =	ssettm $0x1  }
0x91: {  	s18 =	sld [smem:$0x3FFB];
	_ =	sdelay $0x3  }
0x92: {  	_ =	strace s18  }
0x93: {  	s3 =	sld [smem:$0x3FFC];
	_ =	sdelay $0x3  }
0x94: {  	_ =	strace s3  }
0x95: {  	s3 =	sld [smem:$0x3FFD];
	_ =	sdelay $0x3  }
0x96: {  	_ =	strace s3  }
0x97: {  	_ =	strace $0x8FFFFFFF  }
0x98: {  	s19 =	sld [smem:$0x3FDB];
	_ =	sdelay $0x1  }
0x99: {  	s4 =	simm.s32 $_scs_section_size  }
0x9a: {  	s5 =	simm.s32 $_size__tile_overlayer_lowered;
	s6 =	simm.s32 $_tile_overlayer_lowered  }
0x9b: {  	s22 =	simm.s32 $0x1BFF;
	s21 =	sshll.u32 s6, $0x1;
	s3 =	sadd.s32 s4, s19  }
0x9c: {  	s7 =	simm.s32 $0x0;
	s20 =	sshll.u32 s5, $0x1;
	s5 =	sadd.s32 s21, s3  }
0x9d: {  	[timem:s7], [sflag:s22] =	dma.local [hbm:s5], s20  }
0x9e: {  	_ =	swait.ge [sflag:s22], s20  }
0x9f: {  	s4 =	ssub.s32 $0x0, s20;
	[sflag:s22] =	ssyncset.done $0x0  }
0xa0: {  	[sflag:s22] =	ssyncadd.s32 s4;
	_ =	sdelay $0x1  }
0xa1: {  	s23 =	simm.s32 $0x1B8B  }
0xa2: {  	_ =	swait.ge [sflag:s23], $0x1  }
0xa3: {  	[sflag:s23] =	ssyncset.done $0x0  }
0xa4: {  	s25 =	simm.s32 $0x1B8E;
	s24 =	sld [smem:$0x3FFE];
	[sflag:s23] =	ssyncadd.s32 $0xFFFFFFFF  }
0xa5: {  	s26 =	simm.s32 $execute0_lowered;
	[smem:$0x3FD2] =	sst s25  }
0xa6: {  	s5 =	sshll.u32 s26, $0x1;
	_ =	strace $0x8000004C;
	[dreg:$0x1] =	wrdreg $0xFFFFFFFF  }
0xa7: {  	s28 =	simm.s32 $_size_execute0_lowered;
	s3 =	sadd.s32 s3, s5;
	[dreg:$0x0] =	wrdreg $0x0  }
0xa8: {  	s5 =	sshll.u32 s28, $0x1;
	[dreg:$0x2] =	wrdreg s3  }
0xa9: {  	[dreg:$0x3] =	wrdreg s5  }
0xaa: {  	[dreg:$0x4] =	wrdreg $0xC0  }
0xab: {  	_ =	task [dreg:s7], $0x5FFFF  }
0xac: {  	[dreg:$0x1] =	wrdreg $0xFFFFFFFF  }
0xad: {  	[dreg:$0x0] =	wrdreg $0x60  }
0xae: {  	[dreg:$0x2] =	wrdreg s2  }
0xaf: {  	[dreg:$0x3] =	wrdreg s24  }
0xb0: {  	[dreg:$0x4] =	wrdreg $0xC3000  }
0xb1: {  	[dreg:$0x5] =	wrdreg $0x9  }
0xb2: {  	_ =	task.clear_ibuf [dreg:s7], $0x6FFFF;
	_ =	strace $0x9000004C  }
0xb3: {  	s29 =	simm.s32 $0x9;
	_ =	strace $0x8000004E  }
0xb4: {  	_ =	swait.ge [sflag:s29], $0x1  }
0xb5: {  	[sflag:s29] =	ssyncadd.s32 $0xFFFFFFFF  }
0xb6: {  	_ =	strace $0x9000004E  }
0xb7: {  	_ =	sfence  }
0xb8: {  	s30 =	sld [smem:$0x0];
	_ =	sdelay $0x2  }
0xb9: {  	s31 =	sshll.u32 s1, $0xD;
	s1 =	sshrl.u32 s1, $0x2  }
0xba: {  	s3 =	sand.u32 $0x4000, s31;
	s1 =	sadd.s32 s1, s30  }
0xbb: {  	s0 =	sor.u32 s3, s0;
	s1 =	sshll.u32 s1, $0x11  }
0xbc: {  	s0 =	sor.u32 s1, s0  }
0xbd: {  	s0 =	sadd.s32 $0x8F2B, s0  }
0xbe: {  	[sflag:s0] =	ssyncadd.remote.s32 $0x1  }
0xbf: {  	_ =	sfence.sel $0xFFFF  }
0xc0: {  	[dreg:$0x0] =	wrdreg $0xFFFFFFFF;
	(pc) =	sbr.abs _section_cstart, $3  }
0xc1: {  	[dreg:$0x1] =	wrdreg $0xFFFFFFFF  }
0xc2: {  	_ =	task.clear_ibuf [dreg:s7], $0x2FFFF;
	_ =	strace $0x9FFFFFFF  }
0xc3: {  	(tm) =	ssettm $0x7FFFFFFF  }
tec
execute0_lowered:
.L_overlay_start_1:
0x0: {  	(tag) =	ssettag $0x1  }
0x1: {  	s1 =	rddreg [dreg:$0x0]  }
0x2: {  	s0 =	rddreg [dreg:$0x1]  }
0x3: {  	s2 =	rddreg [dreg:$0x2];
	s4 =	simm.s32 $0x0;
	s3 =	srdreg.scid  }
0x4: {  	s23 =	stileid.u32;
	s10 =	simm.s32 $0x4F;
	s29 =	simm.s32 $0x300  }
0x5: {  	s30 =	simm.s32 $0xA;
	[smem:$0x7FF] =	sst s4;
	s3 =	sand.u32 $0x1, s3  }
0x6: {  	s5 =	sadd.s32 $0x4000, s0;
	s8 =	smul.u32 $0x4F000, s23;
	s6 =	sadd.s32 $0xDE00, s0  }
0x7: {  	s13 =	smul.u32 $0x13C00, s23;
	s0 =	sadd.s32 $0x18600, s0;
	_ =	strace $0x8000004D  }
0x8: {  	s7 =	ssub.s32 $0x2, s3;
	s24 =	sshll.u32 s3, $0x4;
	s22 =	smul.u32 $0x13C000, s3  }
0x9: {  	s3 =	smul.u32 $0x27000, s3;
	s9 =	sshrl.u32 s7, $0x1;
	s15 =	sor.u32 s23, s24  }
0xa: {  	s25 =	sshrl.u32 s8, $0x2;
	s16 =	sadd.s32 $0x4000, s13;
	s17 =	sadd.s32 $0x8000, s13  }
0xb: {  	s18 =	sadd.s32 $0xC000, s13;
	s19 =	sadd.s32 $0x10000, s13;
	s14 =	ssub.s32 s7, s9  }
0xc: {  	s7 =	sadd.s32 s25, s2;
	s8 =	sadd.s32 s16, s2;
	s9 =	sadd.s32 s17, s2  }
0xd: {  	p0 =	slt.u32 s15, $0x4;
	s12 =	smul.u32 $0x2700, s15;
	s11 =	sadd.s32 s18, s2  }
0xe: {  	s13 =	sadd.s32 s13, s22;
	s16 =	sadd.s32 s22, s16;
	s17 =	sadd.s32 s22, s17  }
0xf: {  	s25 =	sadd.s32 s22, s18;
	s10 =	simm.s32 @!p0 $0x4E;
	s13 =	sshrl.u32 s13, $0x3  }
0x10: {  	s16 =	sshrl.u32 s16, $0x3;
	s20 =	sadd.s32 $0xFFFFFFFF, s10;
	s21 =	sshrl.u32 s12, $0x3  }
0x11: {  	s26 =	sadd.s32 $0xFFFFFFFD, s10;
	s31 =	sadd.s32 $0xFFFFFFFC, s10;
	[dreg:$0x4] =	wrdreg s20  }
0x12: {  	s12 =	sadd.s32 s19, s2;
	s13 =	sadd.s32 s0, s13;
	[dreg:$0x5] =	wrdreg s26  }
0x13: {  	s16 =	sadd.s32 s0, s16;
	s28 =	sadd.s32 $0xFFFFFFFE, s10;
	[dreg:$0x6] =	wrdreg s31  }
0x14: {  	s24 =	sadd.s32 s5, s21;
	s20 =	sor.u32 $0x10, s21;
	[dreg:$0x8] =	wrdreg s13  }
0x15: {  	[dreg:$0x9] =	wrdreg s16;
	s26 =	sadd.s32 s22, s19;
	s16 =	sshrl.u32 s25, $0x3  }
0x16: {  	s31 =	smul.u32 $0x2700, s23;
	[dreg:$0x7] =	wrdreg s24;
	s16 =	sadd.s32 s0, s16  }
0x17: {  	s25 =	sshll.u32 s15, $0x7;
	s22 =	sadd.s32 s5, s20;
	[dreg:$0xb] =	wrdreg s16  }
0x18: {  	s24 =	sshrl.u32 s17, $0x3;
	s23 =	sadd.s32 s6, s20;
	[dreg:$0xe] =	wrdreg s22  }
0x19: {  	s17 =	sshrl.u32 s26, $0x3;
	s13 =	sadd.s32 s0, s24;
	[dreg:$0xf] =	wrdreg s23  }
0x1a: {  	s0 =	sadd.s32 s0, s17;
	s17 =	sadd.s32 s6, s21;
	[dreg:$0xa] =	wrdreg s13  }
0x1b: {  	s19 =	sadd.s32 s31, s3;
	s24 =	sadd.s32 $0x20, s21;
	[dreg:$0xc] =	wrdreg s0  }
0x1c: {  	s31 =	smax.u32 s14, $0x1;
	s14 =	simm.s32 $0x5;
	[dreg:$0xd] =	wrdreg s17  }
0x1d: {  	s26 =	sadd.s32 s5, s24;
	s3 =	sadd.s32 s6, s24;
	[dreg:$0x12] =	wrdreg s31  }
0x1e: {  	s24 =	sor.u32 $0x4E000, s25;
	s19 =	sadd.s32 $0x280, s19;
	[dreg:$0x10] =	wrdreg s26  }
0x1f: {  	v0 =	vimm.f32 $0.0e+00;
	s13 =	simm.s32 $0x2;
	[dreg:$0x11] =	wrdreg s3;
	s3 =	simm.s32 $0x80  }
.LBB2_1:
0x20: {  	s15 =	simm.s32 $0x0;
	s16 =	simm.s32 $0x200  }
.LBB2_2:
0x21: {  	p0 =	sne.s32 s16, $0xFE00;
	[tilespmem:s15+$0x370] =	vst v0  }
0x22: {  	[tilespmem:s15+$0x300] =	vst v0  }
0x23: {  	[tilespmem:s15+$0x310] =	vst v0  }
.Ltmp0:
0x24: {  	[tilespmem:s15+$0x320] =	vst v0;
	(pc) =	sbr.rel @p0 .LBB2_2-.Ltmp0, $4  }
0x25: {  	[tilespmem:s15+$0x330] =	vst v0  }
0x26: {  	[tilespmem:s15+$0x340] =	vst v0  }
0x27: {  	[tilespmem:s15+$0x350] =	vst v0  }
0x28: {  	[tilespmem:s15+$0x360] =	vst v0;
	s15 =	sshra.s32 s16, $0x2;
	s16 =	sadd.s32 $0x200, s16  }
0x29: {  	[tilespmem:s15+$0x370] =	vst v0  }
0x2a: {  	[tilespmem:s15+$0x300] =	vst v0  }
0x2b: {  	[tilespmem:s15+$0x310] =	vst v0  }
0x2c: {  	[tilespmem:s15+$0x320] =	vst v0  }
0x2d: {  	[tilespmem:s15+$0x330] =	vst v0  }
0x2e: {  	[tilespmem:s15+$0x340] =	vst v0  }
0x2f: {  	[tilespmem:s15+$0x350] =	vst v0  }
0x30: {  	[tilespmem:s15+$0x360] =	vst v0  }
0x31: {  	[spmem:s7] =	stream.linear.scatter [tilespmem:s29], [sflag:$0xA], $0x4000, $0x38;
	[tilespmem:$0x1FF00] =	vst v63  }
0x32: {  	_ =	swait.ge [sflag:s30], $0x4000  }
0x33: {  	[sflag:s30] =	ssyncset.done $0x0  }
0x34: {  	[sflag:s30] =	ssyncadd.s32 $0xFFFFC000  }
0x35: {  	[spmem:s8] =	stream.linear.scatter [tilespmem:s29], [sflag:$0xA], $0x4000, $0x38;
	[tilespmem:$0x1FF00] =	vst v63  }
0x36: {  	_ =	swait.ge [sflag:s30], $0x4000  }
0x37: {  	[sflag:s30] =	ssyncset.done $0x0  }
0x38: {  	[sflag:s30] =	ssyncadd.s32 $0xFFFFC000  }
0x39: {  	[spmem:s9] =	stream.linear.scatter [tilespmem:s29], [sflag:$0xA], $0x4000, $0x38;
	[tilespmem:$0x1FF00] =	vst v63  }
0x3a: {  	_ =	swait.ge [sflag:s30], $0x4000  }
0x3b: {  	[sflag:s30] =	ssyncset.done $0x0  }
0x3c: {  	[sflag:s30] =	ssyncadd.s32 $0xFFFFC000  }
0x3d: {  	[spmem:s11] =	stream.linear.scatter [tilespmem:s29], [sflag:$0xA], $0x4000, $0x38;
	[tilespmem:$0x1FF00] =	vst v63  }
0x3e: {  	_ =	swait.ge [sflag:s30], $0x4000  }
0x3f: {  	[sflag:s30] =	ssyncset.done $0x0  }
0x40: {  	[sflag:s30] =	ssyncadd.s32 $0xFFFFC000  }
0x41: {  	[spmem:s12] =	stream.linear.scatter [tilespmem:s29], [sflag:$0xA], $0x3C00, $0x38;
	[tilespmem:$0x1FF00] =	vst v63  }
0x42: {  	_ =	swait.ge [sflag:s30], $0x3C00  }
0x43: {  	[sflag:s30] =	ssyncset.done $0x0  }
0x44: {  	[sflag:s30] =	ssyncadd.s32 $0xFFFFC400  }
0x45: {  	[bflag:$0x0] =	sbarrier.arrive $0xFFFF  }
0x46: {  	s15 =	simm.s32 $0x0;
	s0 =	rddreg [dreg:$0x7]  }
0x47: {  	[tilespmem:s15], [sflag:$0x1] =	stream.linear.gather [hbm4b:s0+s15], $0x80, $0x38;
	[tilespmem:$0x1FF00] =	vst v63  }
0x48: {  	s16 =	simm.s32 $0x180;
	s31 =	simm.s32 $0x1;
	s26 =	rddreg [dreg:$0xd]  }
0x49: {  	[tilespmem:s16], [sflag:$0x4] =	stream.linear.gather [hbm4b:s26+s15], $0x80, $0x38;
	[tilespmem:$0x1FF00] =	vst v63  }
0x4a: {  	_ =	swait.ge [sflag:s31], $0x80  }
0x4b: {  	[sflag:s31] =	ssyncset.done $0x0  }
0x4c: {  	s16 =	simm.s32 $0x4;
	[sflag:s31] =	ssyncadd.s32 $0xFFFFFF80  }
0x4d: {  	_ =	swait.ge [sflag:s16], $0x80  }
0x4e: {  	[sflag:s16] =	ssyncset.done $0x0  }
0x4f: {  	[sflag:s16] =	ssyncadd.s32 $0xFFFFFF80  }
0x50: {  	[tilespmem:s29], [sflag:$0x7] =	stream.indirect.gather [hbm4b:s1+s3], $0x80, s15, s3, $0xb8;
	[tilespmem:$0x1FF00] =	vst v63  }
0x51: {  	s17 =	rddreg [dreg:$0xe]  }
0x52: {  	[tilespmem:s3], [sflag:$0x2] =	stream.linear.gather [hbm4b:s17+s15], $0x80, $0x38;
	[tilespmem:$0x1FF00] =	vst v63  }
0x53: {  	s20 =	simm.s32 $0x200;
	s18 =	rddreg [dreg:$0xf]  }
0x54: {  	[tilespmem:s20], [sflag:$0x5] =	stream.linear.gather [hbm4b:s18+s15], $0x80, $0x38;
	[tilespmem:$0x1FF00] =	vst v63  }
0x55: {  	_ =	swait.ge [sflag:s13], $0x80  }
0x56: {  	[sflag:s13] =	ssyncset.done $0x0  }
0x57: {  	[sflag:s13] =	ssyncadd.s32 $0xFFFFFF80  }
0x58: {  	_ =	swait.ge [sflag:s14], $0x80  }
0x59: {  	p1 =	sle.u32 s10, $0x0;
	[sflag:s14] =	ssyncset.done $0x0  }
0x5a: {  	s21 =	simm.s32 $0x4300;
	p0 =	por p1, p1;
	[sflag:s14] =	ssyncadd.s32 $0xFFFFFF80  }
0x5b: {  	[tilespmem:s21], [sflag:$0x8] =	stream.indirect.gather [hbm4b:s1+s3], $0x80, s3, s3, $0xb8;
	[tilespmem:$0x1FF00] =	vst v63  }
0x5c: {  	s23 =	simm.s32 $0x100;
	p2 =	sle.u32 @!p0 s28, $0x0;
	s22 =	rddreg [dreg:$0x10]  }
0x5d: {  	[tilespmem:s23], [sflag:$0x3] =	stream.linear.gather [hbm4b:s22+s15], $0x80, $0x38;
	[tilespmem:$0x1FF00] =	vst v63  }
0x5e: {  	p2 =	por p2, p0;
	s26 =	simm.s32 $0x280;
	s25 =	rddreg [dreg:$0x11]  }
0x5f: {  	[tilespmem:s26], [sflag:$0x6] =	stream.linear.gather [hbm4b:s25+s15], $0x80, $0x38;
	[tilespmem:$0x1FF00] =	vst v63  }
0x60: {  	s15 =	simm.s32 @!p2 $0x3  }
0x61: {  	p1 =	sle.u32 @!p1 s10, $0x3;
	_ =	swait.ge @!p2 [sflag:s15], $0x80  }
0x62: {  	p3 =	por p1, p1;
	[sflag:s15] =	ssyncset.done @!p2 $0x0  }
0x63: {  	p1 =	por p3, p0;
	s18 =	simm.s32 @!p2 $0x6;
	[sflag:s15] =	ssyncadd.s32 @!p2 $0xFFFFFF80  }
0x64: {  	p4 =	por @!p1 $0x1, $0x1;
	_ =	swait.ge @!p2 [sflag:s18], $0x80  }
0x65: {  	s16 =	simm.s32 @!p2 $0x80;
	s17 =	simm.s32 @!p2 $0x100;
	[sflag:s18] =	ssyncset.done @!p2 $0x0  }
0x66: {  	s20 =	simm.s32 @!p0 $0x300;
	[sflag:s18] =	ssyncadd.s32 @!p2 $0xFFFFFF80;
	s18 =	simm.s32 @!p2 $0x8300  }
0x67: {  	[tilespmem:s18], [sflag:$0x9] =	stream.indirect.gather @!p2 [hbm4b:s1+s16], $0x80, s17, s16, $0xb8;
	[tilespmem:$0x1FF00] =	vst v63  }
0x68: {  	s21 =	simm.s32 @!p0 $0x7;
	s15 =	simm.s32 @!p0 $0xA;
	p2 =	por @!p0 !p4, p3  }
0x69: {  	s16 =	sadd.s32 @!p1 $0xFFFFFF00, s19;
	s17 =	simm.s32 @!p0 $0x180;
	_ =	swait.ge @!p0 [sflag:s21], $0x4000  }
0x6a: {  	s18 =	smov.u32 s24;
	p2 =	por !p2, p0;
	[sflag:s21] =	ssyncset.done @!p0 $0x0  }
0x6b: {  	s18 =	smov.u32 @p2 s16;
	s16 =	simm.s32 @!p0 $0x80;
	[sflag:s21] =	ssyncadd.s32 @!p0 $0xFFFFC000  }
0x6c: {  	[spmem:s2] =	stream.indirect.scatter.add.f32 @!p0 [tilespmem:s20], [sflag:$0xA], $0x80, s17, s16, $0xb8;
	[tilespmem:$0x1FF00] =	vst v63  }
0x6d: {  	s16 =	sshrl.u32 @!p1 s18, $0x3;
	_ =	swait.ge @!p0 [sflag:s15], $0x4000  }
0x6e: {  	s21 =	simm.s32 @!p1 $0x0;
	s17 =	sadd.s32 @!p1 s5, s16;
	[sflag:s15] =	ssyncset.done @!p0 $0x0  }
0x6f: {  	s16 =	sadd.s32 @!p1 s6, s16;
	[sflag:s15] =	ssyncadd.s32 @!p0 $0xFFFFC000;
	p0 =	sle.u32 s10, $0x3  }
0x70: {  	[tilespmem:s21], [sflag:$0x1] =	stream.linear.gather @!p1 [hbm4b:s17+s21], $0x80, $0x38;
	[tilespmem:$0x1FF00] =	vst v63  }
0x71: {  	s31 =	rddreg [dreg:$0x4];
	p5 =	sle.u32 @!p0 s10, $0x6;
	s17 =	simm.s32 @!p1 $0x180  }
0x72: {  	[tilespmem:s17], [sflag:$0x4] =	stream.linear.gather @!p1 [hbm4b:s16+s21], $0x80, $0x38;
	[tilespmem:$0x1FF00] =	vst v63  }
0x73: {  	s20 =	rddreg [dreg:$0x5];
	p3 =	sle.u32 s31, $0x0;
	p1 =	por p5, p5  }
0x74: {  	p2 =	sle.u32 @!p3 s20, $0x0;
	s0 =	simm.s32 @!p1 $0x0  }
0x75: {  	s26 =	smov.u32 s19;
	p4 =	por p2, p3;
	s0 =	simm.s32 @p1 $0x1  }
0x76: {  	s18 =	simm.s32 $0x6;
	s20 =	simm.s32 @!p4 $0x1;
	[smem:$0x7FD] =	sst s0  }
0x77: {  	s15 =	simm.s32 $0x3;
	p6 =	sle.u32 @!p3 s10, $0x4;
	_ =	swait.ge @!p4 [sflag:s20], $0x80  }
0x78: {  	p0 =	por p0, p0;
	p2 =	sle.u32 s28, $0x0;
	[sflag:s20] =	ssyncset.done @!p4 $0x0  }
0x79: {  	s16 =	simm.s32 @!p4 $0x4;
	s17 =	simm.s32 @!p3 $0xA;
	[sflag:s20] =	ssyncadd.s32 @!p4 $0xFFFFFF80  }
0x7a: {  	s21 =	simm.s32 @!p3 $0x8;
	s22 =	simm.s32 @!p4 $0x80;
	_ =	swait.ge @!p4 [sflag:s16], $0x80  }
0x7b: {  	s23 =	simm.s32 @!p4 $0x0;
	p5 =	por p6, p3;
	[sflag:s16] =	ssyncset.done @!p4 $0x0  }
0x7c: {  	s20 =	simm.s32 @!p4 $0x300;
	[sflag:s16] =	ssyncadd.s32 @!p4 $0xFFFFFF80;
	s16 =	simm.s32 @!p3 $0x4300  }
0x7d: {  	[tilespmem:s20], [sflag:$0x7] =	stream.indirect.gather @!p4 [hbm4b:s1+s22], $0x80, s23, s22, $0xb8;
	[tilespmem:$0x1FF00] =	vst v63  }
0x7e: {  	s20 =	simm.s32 @!p3 $0x200;
	p4 =	por @!p5 $0x1, $0x1;
	_ =	swait.ge @!p3 [sflag:s21], $0x4000  }
0x7f: {  	s22 =	simm.s32 @!p3 $0x80;
	p4 =	por @!p3 !p4, p6;
	[sflag:s21] =	ssyncset.done @!p3 $0x0  }
0x80: {  	p4 =	por !p4, p3;
	[sflag:s21] =	ssyncadd.s32 @!p3 $0xFFFFC000;
	s21 =	sadd.s32 @!p5 $0xFFFFFF80, s19  }
0x81: {  	[spmem:s2] =	stream.indirect.scatter.add.f32 @!p3 [tilespmem:s16], [sflag:$0xA], $0x80, s20, s22, $0xb8;
	[tilespmem:$0x1FF00] =	vst v63  }
0x82: {  	s16 =	smov.u32 s24;
	s20 =	simm.s32 @!p5 $0x80;
	_ =	swait.ge @!p3 [sflag:s17], $0x4000  }
0x83: {  	s22 =	simm.s32 @!p5 $0x0;
	s16 =	smov.u32 @p4 s21;
	[sflag:s17] =	ssyncset.done @!p3 $0x0  }
0x84: {  	s21 =	sshrl.u32 @!p5 s16, $0x3;
	s16 =	rddreg [dreg:$0x6];
	[sflag:s17] =	ssyncadd.s32 @!p3 $0xFFFFC000  }
0x85: {  	s17 =	sadd.s32 @!p5 s5, s21;
	p3 =	sle.u32 @!p2 s16, $0x0;
	s16 =	sadd.s32 $0x180, s19  }
0x86: {  	[tilespmem:s20], [sflag:$0x2] =	stream.linear.gather @!p5 [hbm4b:s17+s22], $0x80, $0x38;
	[tilespmem:$0x1FF00] =	vst v63  }
0x87: {  	s17 =	simm.s32 @!p5 $0x200;
	p6 =	por p3, p2;
	p3 =	sle.u32 @!p2 s10, $0x5  }
0x88: {  	s20 =	sadd.s32 @!p5 s6, s21;
	s21 =	simm.s32 @!p2 $0x8300;
	s23 =	simm.s32 @!p6 $0x2  }
0x89: {  	[tilespmem:s17], [sflag:$0x5] =	stream.linear.gather @!p5 [hbm4b:s20+s22], $0x80, $0x38;
	[tilespmem:$0x1FF00] =	vst v63  }
0x8a: {  	p4 =	por p3, p2;
	s25 =	simm.s32 @!p6 $0x4300;
	_ =	swait.ge @!p6 [sflag:s23], $0x80  }
0x8b: {  	p5 =	por @!p4 $0x1, $0x1;
	s17 =	simm.s32 $0x1;
	[sflag:s23] =	ssyncset.done @!p6 $0x0  }
0x8c: {  	p3 =	por @!p2 !p5, p3;
	[sflag:s23] =	ssyncadd.s32 @!p6 $0xFFFFFF80;
	s23 =	simm.s32 @!p6 $0x5  }
0x8d: {  	s22 =	simm.s32 @!p2 $0x9;
	p3 =	por !p3, p2;
	_ =	swait.ge @!p6 [sflag:s23], $0x80  }
.LBB2_4:
0x8e: {  	p5 =	sge.u32 s18, s10;
	s20 =	smov.u32 s15;
	s15 =	smov.u32 s18  }
0x8f: {  	[sflag:s23] =	ssyncset.done @!p6 $0x0;
	s18 =	sadd.s32 $0x3, s18;
	s0 =	sadd.s32 @!p5 $0x3, s15  }
0x90: {  	[sflag:s23] =	ssyncadd.s32 @!p6 $0xFFFFFF80;
	s23 =	simm.s32 @!p6 $0x80;
	p1 =	sne.s32 s18, $0x51  }
0x91: {  	[tilespmem:s25], [sflag:$0x8] =	stream.indirect.gather @!p6 [hbm4b:s1+s23], $0x80, s23, s23, $0xb8;
	[tilespmem:$0x1FF00] =	vst v63  }
0x92: {  	p6 =	sge.u32 @!p5 s0, s10;
	s0 =	simm.s32 @!p1 $0x0  }
0x93: {  	s0 =	simm.s32 @p1 $0x1  }
0x94: {  	[smem:$0x7FC] =	sst s0  }
0x95: {  	s23 =	simm.s32 @!p2 $0x280;
	s25 =	smov.u32 s24;
	_ =	swait.ge @!p2 [sflag:s22], $0x4000  }
0x96: {  	s25 =	smov.u32 @p3 s26;
	p3 =	sge.u32 @!p0 s20, s28;
	[sflag:s22] =	ssyncset.done @!p2 $0x0  }
0x97: {  	s0 =	simm.s32 @!p2 $0x80;
	[sflag:s22] =	ssyncadd.s32 @!p2 $0xFFFFC000;
	s22 =	simm.s32 @!p2 $0xA  }
0x98: {  	[spmem:s2] =	stream.indirect.scatter.add.f32 @!p2 [tilespmem:s21], [sflag:$0xA], $0x80, s23, s0, $0xb8;
	[tilespmem:$0x1FF00] =	vst v63  }
0x99: {  	p3 =	por p3, p0;
	_ =	swait.ge @!p2 [sflag:s22], $0x4000  }
0x9a: {  	s0 =	sshrl.u32 @!p4 s25, $0x3;
	s21 =	simm.s32 @!p4 $0x100;
	[sflag:s22] =	ssyncset.done @!p2 $0x0  }
0x9b: {  	s23 =	simm.s32 @!p4 $0x0;
	[sflag:s22] =	ssyncadd.s32 @!p2 $0xFFFFC000;
	s22 =	sadd.s32 @!p4 s5, s0  }
0x9c: {  	[tilespmem:s21], [sflag:$0x3] =	stream.linear.gather @!p4 [hbm4b:s22+s23], $0x80, $0x38;
	[tilespmem:$0x1FF00] =	vst v63  }
0x9d: {  	s0 =	sadd.s32 @!p4 s6, s0;
	s21 =	simm.s32 @!p3 $0x3;
	s22 =	simm.s32 @!p4 $0x280  }
0x9e: {  	[tilespmem:s22], [sflag:$0x6] =	stream.linear.gather @!p4 [hbm4b:s0+s23], $0x80, $0x38;
	[tilespmem:$0x1FF00] =	vst v63  }
0x9f: {  	_ =	swait.ge @!p3 [sflag:s21], $0x80  }
0xa0: {  	s25 =	sld [smem:$0x7FD]  }
0xa1: {  	[sflag:s21] =	ssyncset.done @!p3 $0x0  }
0xa2: {  	s31 =	simm.s32 @!p0 $0x7;
	s23 =	simm.s32 @!p3 $0x6;
	[sflag:s21] =	ssyncadd.s32 @!p3 $0xFFFFFF80  }
0xa3: {  	s0 =	simm.s32 @!p3 $0x80;
	_ =	swait.ge @!p3 [sflag:s23], $0x80;
	p1 =	seq.s32 s25, $0x1  }
0xa4: {  	s22 =	simm.s32 @!p3 $0x100;
	[sflag:s23] =	ssyncset.done @!p3 $0x0;
	p2 =	por p1, p0  }
0xa5: {  	[sflag:s23] =	ssyncadd.s32 @!p3 $0xFFFFFF80;
	s23 =	simm.s32 @!p3 $0x8300;
	p4 =	slt.u32 @!p2 s17, $0x19  }
0xa6: {  	[tilespmem:s23], [sflag:$0x9] =	stream.indirect.gather @!p3 [hbm4b:s1+s0], $0x80, s22, s0, $0xb8;
	[tilespmem:$0x1FF00] =	vst v63  }
0xa7: {  	s25 =	simm.s32 @!p0 $0x300;
	s0 =	sadd.s32 @!p2 $0xFFFFFF00, s16;
	p1 =	por @!p0 !p4, p1  }
0xa8: {  	s23 =	smov.u32 s24;
	_ =	swait.ge @!p0 [sflag:s31], $0x4000;
	p1 =	por !p1, p0  }
0xa9: {  	s22 =	simm.s32 @!p0 $0x180;
	[sflag:s31] =	ssyncset.done @!p0 $0x0;
	s23 =	smov.u32 @p1 s0  }
0xaa: {  	[sflag:s31] =	ssyncadd.s32 @!p0 $0xFFFFC000;
	s0 =	simm.s32 @!p0 $0x80;
	p1 =	por p6, p6  }
0xab: {  	[spmem:s2] =	stream.indirect.scatter.add.f32 @!p0 [tilespmem:s25], [sflag:$0xA], $0x80, s22, s0, $0xb8;
	[tilespmem:$0x1FF00] =	vst v63  }
0xac: {  	s21 =	simm.s32 @!p0 $0xA;
	s22 =	simm.s32 @!p1 $0x0  }
0xad: {  	_ =	swait.ge @!p0 [sflag:s21], $0x4000;
	s22 =	simm.s32 @p1 $0x1  }
0xae: {  	s23 =	sshrl.u32 @!p2 s23, $0x3;
	[smem:$0x7FD] =	sst s22  }
0xaf: {  	s0 =	sadd.s32 @!p2 s5, s23;
	s22 =	sadd.s32 @!p2 s6, s23;
	s23 =	rddreg [dreg:$0x5]  }
0xb0: {  	[sflag:s21] =	ssyncset.done @!p0 $0x0;
	s31 =	rddreg [dreg:$0x4]  }
0xb1: {  	[sflag:s21] =	ssyncadd.s32 @!p0 $0xFFFFC000;
	s21 =	simm.s32 @!p2 $0x0;
	p4 =	sge.u32 s20, s31  }
0xb2: {  	[tilespmem:s21], [sflag:$0x1] =	stream.linear.gather @!p2 [hbm4b:s0+s21], $0x80, $0x38;
	[tilespmem:$0x1FF00] =	vst v63  }
0xb3: {  	p3 =	sge.u32 @!p4 s20, s23  }
0xb4: {  	p0 =	por p5, p5;
	s0 =	sadd.s32 @!p4 $0x4, s20;
	p6 =	por p3, p4  }
0xb5: {  	p5 =	sge.u32 @!p4 s0, s10;
	s0 =	simm.s32 @!p2 $0x180;
	s23 =	simm.s32 @!p6 $0x1  }
0xb6: {  	[tilespmem:s0], [sflag:$0x4] =	stream.linear.gather @!p2 [hbm4b:s22+s21], $0x80, $0x38;
	[tilespmem:$0x1FF00] =	vst v63  }
0xb7: {  	_ =	swait.ge @!p6 [sflag:s23], $0x80  }
0xb8: {  	[sflag:s23] =	ssyncset.done @!p6 $0x0  }
0xb9: {  	s0 =	simm.s32 @!p6 $0x4;
	s21 =	simm.s32 @!p4 $0xA;
	[sflag:s23] =	ssyncadd.s32 @!p6 $0xFFFFFF80  }
0xba: {  	p2 =	sge.u32 s20, s28;
	s22 =	simm.s32 @!p6 $0x300;
	_ =	swait.ge @!p6 [sflag:s0], $0x80  }
0xbb: {  	s25 =	simm.s32 @!p6 $0x80;
	s31 =	simm.s32 @!p6 $0x0;
	[sflag:s0] =	ssyncset.done @!p6 $0x0  }
0xbc: {  	p3 =	por p5, p4;
	s23 =	simm.s32 @!p4 $0x8;
	[sflag:s0] =	ssyncadd.s32 @!p6 $0xFFFFFF80  }
0xbd: {  	[tilespmem:s22], [sflag:$0x7] =	stream.indirect.gather @!p6 [hbm4b:s1+s25], $0x80, s31, s25, $0xb8;
	[tilespmem:$0x1FF00] =	vst v63  }
0xbe: {  	s0 =	simm.s32 @!p4 $0x4300;
	p6 =	slt.u32 @!p3 s17, $0x19;
	_ =	swait.ge @!p4 [sflag:s23], $0x4000  }
0xbf: {  	s22 =	simm.s32 @!p4 $0x200;
	p5 =	por @!p4 !p6, p5;
	[sflag:s23] =	ssyncset.done @!p4 $0x0  }
0xc0: {  	s25 =	simm.s32 @!p4 $0x80;
	p5 =	por !p5, p4;
	[sflag:s23] =	ssyncadd.s32 @!p4 $0xFFFFC000  }
0xc1: {  	[spmem:s2] =	stream.indirect.scatter.add.f32 @!p4 [tilespmem:s0], [sflag:$0xA], $0x80, s22, s25, $0xb8;
	[tilespmem:$0x1FF00] =	vst v63  }
0xc2: {  	s23 =	sadd.s32 @!p3 $0xFFFFFF80, s16;
	s0 =	smov.u32 s24;
	s22 =	simm.s32 @!p3 $0x80  }
0xc3: {  	s25 =	simm.s32 @!p3 $0x0;
	_ =	swait.ge @!p4 [sflag:s21], $0x4000;
	s0 =	smov.u32 @p5 s23  }
0xc4: {  	[sflag:s21] =	ssyncset.done @!p4 $0x0;
	s0 =	sshrl.u32 @!p3 s0, $0x3;
	s23 =	rddreg [dreg:$0x6]  }
0xc5: {  	[sflag:s21] =	ssyncadd.s32 @!p4 $0xFFFFC000;
	s21 =	sadd.s32 @!p3 s5, s0;
	p4 =	sge.u32 @!p2 s20, s23  }
0xc6: {  	[tilespmem:s22], [sflag:$0x2] =	stream.linear.gather @!p3 [hbm4b:s21+s25], $0x80, $0x38;
	[tilespmem:$0x1FF00] =	vst v63  }
0xc7: {  	s20 =	sadd.s32 @!p2 $0x5, s20;
	s0 =	sadd.s32 @!p3 s6, s0;
	p6 =	por p4, p2  }
0xc8: {  	s21 =	simm.s32 @!p3 $0x200;
	p5 =	sge.u32 @!p2 s20, s10;
	s20 =	simm.s32 @!p6 $0x2  }
0xc9: {  	[tilespmem:s21], [sflag:$0x5] =	stream.linear.gather @!p3 [hbm4b:s0+s25], $0x80, $0x38;
	[tilespmem:$0x1FF00] =	vst v63  }
0xca: {  	_ =	swait.ge @!p6 [sflag:s20], $0x80  }
0xcb: {  	[sflag:s20] =	ssyncset.done @!p6 $0x0  }
0xcc: {  	s23 =	simm.s32 @!p6 $0x5;
	[sflag:s20] =	ssyncadd.s32 @!p6 $0xFFFFFF80  }
0xcd: {  	_ =	swait.ge @!p6 [sflag:s23], $0x80  }
0xce: {  	s31 =	sld [smem:$0x7FC];
	_ =	sdelay $0x2  }
0xcf: {  	p1 =	seq.s32 s31, $0x1  }
.Ltmp1:
0xd0: {  	_ = 	snop;
	(pc) =	sbr.rel @p1 .LBB2_4-.Ltmp1, $4  }
0xd1: {  	p4 =	por p5, p2  }
0xd2: {  	s26 =	smov.u32 s16;
	s16 =	sadd.s32 $0x180, s16;
	p3 =	slt.u32 @!p4 s17, $0x19  }
0xd3: {  	s22 =	simm.s32 @!p2 $0x9;
	s17 =	sadd.s32 $0x1, s17;
	p3 =	por @!p2 !p3, p5  }
0xd4: {  	s21 =	simm.s32 @!p2 $0x8300;
	s25 =	simm.s32 @!p6 $0x4300;
	p3 =	por !p3, p2  }
0xd5: {  	[sflag:s23] =	ssyncset.done @!p6 $0x0  }
0xd6: {  	s0 =	simm.s32 @!p6 $0x80;
	[sflag:s23] =	ssyncadd.s32 @!p6 $0xFFFFFF80  }
0xd7: {  	[tilespmem:s25], [sflag:$0x8] =	stream.indirect.gather @!p6 [hbm4b:s1+s0], $0x80, s0, s0, $0xb8;
	[tilespmem:$0x1FF00] =	vst v63  }
0xd8: {  	s18 =	smov.u32 s24;
	s20 =	simm.s32 @!p2 $0x280;
	_ =	swait.ge @!p2 [sflag:s22], $0x4000  }
0xd9: {  	s18 =	smov.u32 @p3 s26;
	p3 =	sge.u32 @!p0 s15, s28;
	[sflag:s22] =	ssyncset.done @!p2 $0x0  }
0xda: {  	s0 =	simm.s32 @!p2 $0x80;
	[sflag:s22] =	ssyncadd.s32 @!p2 $0xFFFFC000;
	s22 =	simm.s32 @!p2 $0xA  }
0xdb: {  	[spmem:s2] =	stream.indirect.scatter.add.f32 @!p2 [tilespmem:s21], [sflag:$0xA], $0x80, s20, s0, $0xb8;
	[tilespmem:$0x1FF00] =	vst v63  }
0xdc: {  	p3 =	por p3, p0;
	_ =	swait.ge @!p2 [sflag:s22], $0x4000  }
0xdd: {  	s0 =	sshrl.u32 @!p4 s18, $0x3;
	s18 =	simm.s32 @!p4 $0x100;
	[sflag:s22] =	ssyncset.done @!p2 $0x0  }
0xde: {  	s21 =	simm.s32 @!p4 $0x0;
	s20 =	sadd.s32 @!p4 s5, s0;
	[sflag:s22] =	ssyncadd.s32 @!p2 $0xFFFFC000  }
0xdf: {  	[tilespmem:s18], [sflag:$0x3] =	stream.linear.gather @!p4 [hbm4b:s20+s21], $0x80, $0x38;
	[tilespmem:$0x1FF00] =	vst v63  }
0xe0: {  	s0 =	sadd.s32 @!p4 s6, s0;
	s18 =	simm.s32 @!p3 $0x3;
	s20 =	simm.s32 @!p4 $0x280  }
0xe1: {  	[tilespmem:s20], [sflag:$0x6] =	stream.linear.gather @!p4 [hbm4b:s0+s21], $0x80, $0x38;
	[tilespmem:$0x1FF00] =	vst v63  }
0xe2: {  	_ =	swait.ge @!p3 [sflag:s18], $0x80  }
0xe3: {  	s22 =	sld [smem:$0x7FD]  }
0xe4: {  	[sflag:s18] =	ssyncset.done @!p3 $0x0  }
0xe5: {  	s0 =	simm.s32 @!p3 $0x80;
	s20 =	simm.s32 @!p3 $0x6;
	[sflag:s18] =	ssyncadd.s32 @!p3 $0xFFFFFF80  }
0xe6: {  	s21 =	simm.s32 @!p0 $0xA;
	_ =	swait.ge @!p3 [sflag:s20], $0x80;
	p1 =	seq.s32 s22, $0x1  }
0xe7: {  	s18 =	simm.s32 @!p3 $0x100;
	[sflag:s20] =	ssyncset.done @!p3 $0x0;
	p2 =	por p1, p0  }
0xe8: {  	[sflag:s20] =	ssyncadd.s32 @!p3 $0xFFFFFF80;
	s20 =	simm.s32 @!p3 $0x8300;
	p4 =	slt.u32 @!p2 s17, $0x19  }
0xe9: {  	[tilespmem:s20], [sflag:$0x9] =	stream.indirect.gather @!p3 [hbm4b:s1+s0], $0x80, s18, s0, $0xb8;
	[tilespmem:$0x1FF00] =	vst v63  }
0xea: {  	s22 =	simm.s32 @!p0 $0x7;
	s0 =	sadd.s32 @!p2 $0xFFFFFF00, s16;
	p1 =	por @!p0 !p4, p1  }
0xeb: {  	s18 =	smov.u32 s24;
	_ =	swait.ge @!p0 [sflag:s22], $0x4000;
	p1 =	por !p1, p0  }
0xec: {  	s20 =	simm.s32 @!p0 $0x300;
	[sflag:s22] =	ssyncset.done @!p0 $0x0;
	s18 =	smov.u32 @p1 s0  }
0xed: {  	s0 =	simm.s32 @!p0 $0x180;
	[sflag:s22] =	ssyncadd.s32 @!p0 $0xFFFFC000;
	s22 =	simm.s32 @!p0 $0x80  }
0xee: {  	[spmem:s2] =	stream.indirect.scatter.add.f32 @!p0 [tilespmem:s20], [sflag:$0xA], $0x80, s0, s22, $0xb8;
	[tilespmem:$0x1FF00] =	vst v63  }
0xef: {  	_ =	swait.ge @!p0 [sflag:s21], $0x4000  }
0xf0: {  	s0 =	sshrl.u32 @!p2 s18, $0x3;
	s23 =	rddreg [dreg:$0x4]  }
0xf1: {  	s18 =	sadd.s32 @!p2 s5, s0;
	[sflag:s21] =	ssyncset.done @!p0 $0x0;
	s22 =	rddreg [dreg:$0x5]  }
0xf2: {  	[sflag:s21] =	ssyncadd.s32 @!p0 $0xFFFFC000;
	s21 =	simm.s32 @!p2 $0x0;
	p0 =	sge.u32 s15, s23  }
0xf3: {  	[tilespmem:s21], [sflag:$0x1] =	stream.linear.gather @!p2 [hbm4b:s18+s21], $0x80, $0x38;
	[tilespmem:$0x1FF00] =	vst v63  }
0xf4: {  	p1 =	sge.u32 @!p0 s15, s22  }
0xf5: {  	p1 =	por p1, p0  }
0xf6: {  	s0 =	sadd.s32 @!p2 s6, s0;
	s18 =	simm.s32 @!p2 $0x180;
	s20 =	simm.s32 @!p1 $0x1  }
0xf7: {  	[tilespmem:s18], [sflag:$0x4] =	stream.linear.gather @!p2 [hbm4b:s0+s21], $0x80, $0x38;
	[tilespmem:$0x1FF00] =	vst v63  }
0xf8: {  	_ =	swait.ge @!p1 [sflag:s20], $0x80  }
0xf9: {  	[sflag:s20] =	ssyncset.done @!p1 $0x0  }
0xfa: {  	s18 =	simm.s32 @!p1 $0x4;
	[sflag:s20] =	ssyncadd.s32 @!p1 $0xFFFFFF80  }
0xfb: {  	s0 =	sadd.s32 @!p0 $0x4, s15;
	_ =	swait.ge @!p1 [sflag:s18], $0x80  }
0xfc: {  	s21 =	simm.s32 @!p1 $0x80;
	p2 =	sge.u32 @!p0 s0, s10;
	[sflag:s18] =	ssyncset.done @!p1 $0x0  }
0xfd: {  	s0 =	simm.s32 @!p1 $0x300;
	[sflag:s18] =	ssyncadd.s32 @!p1 $0xFFFFFF80;
	s18 =	simm.s32 @!p1 $0x0  }
0xfe: {  	[tilespmem:s0], [sflag:$0x7] =	stream.indirect.gather @!p1 [hbm4b:s1+s21], $0x80, s18, s21, $0xb8;
	[tilespmem:$0x1FF00] =	vst v63  }
0xff: {  	s20 =	simm.s32 @!p0 $0x8;
	p1 =	por p2, p0  }
0x100: {  	s0 =	simm.s32 @!p0 $0x4300;
	_ =	swait.ge @!p0 [sflag:s20], $0x4000;
	p3 =	slt.u32 @!p1 s17, $0x19  }
0x101: {  	s18 =	simm.s32 @!p0 $0x200;
	[sflag:s20] =	ssyncset.done @!p0 $0x0;
	p2 =	por @!p0 !p3, p2  }
0x102: {  	s21 =	simm.s32 @!p0 $0x80;
	[sflag:s20] =	ssyncadd.s32 @!p0 $0xFFFFC000;
	p2 =	por !p2, p0  }
0x103: {  	[spmem:s2] =	stream.indirect.scatter.add.f32 @!p0 [tilespmem:s0], [sflag:$0xA], $0x80, s18, s21, $0xb8;
	[tilespmem:$0x1FF00] =	vst v63  }
0x104: {  	s20 =	smov.u32 s24;
	s0 =	simm.s32 @!p0 $0xA;
	s18 =	sadd.s32 @!p1 $0xFFFFFF80, s16  }
0x105: {  	s21 =	simm.s32 @!p1 $0x0;
	_ =	swait.ge @!p0 [sflag:s0], $0x4000;
	s20 =	smov.u32 @p2 s18  }
0x106: {  	s18 =	simm.s32 @!p1 $0x80;
	[sflag:s0] =	ssyncset.done @!p0 $0x0;
	s20 =	sshrl.u32 @!p1 s20, $0x3  }
0x107: {  	[sflag:s0] =	ssyncadd.s32 @!p0 $0xFFFFC000;
	s0 =	sadd.s32 @!p1 s5, s20;
	s20 =	sadd.s32 @!p1 s6, s20  }
0x108: {  	[tilespmem:s18], [sflag:$0x2] =	stream.linear.gather @!p1 [hbm4b:s0+s21], $0x80, $0x38;
	[tilespmem:$0x1FF00] =	vst v63  }
0x109: {  	p0 =	sge.u32 s15, s28;
	s0 =	rddreg [dreg:$0x6];
	s18 =	simm.s32 @!p1 $0x200  }
0x10a: {  	[tilespmem:s18], [sflag:$0x5] =	stream.linear.gather @!p1 [hbm4b:s20+s21], $0x80, $0x38;
	[tilespmem:$0x1FF00] =	vst v63  }
0x10b: {  	p1 =	sge.u32 @!p0 s15, s0  }
0x10c: {  	p1 =	por p1, p0  }
0x10d: {  	s0 =	simm.s32 @!p1 $0x2  }
0x10e: {  	_ =	swait.ge @!p1 [sflag:s0], $0x80  }
0x10f: {  	[sflag:s0] =	ssyncset.done @!p1 $0x0  }
0x110: {  	[sflag:s0] =	ssyncadd.s32 @!p1 $0xFFFFFF80;
	s0 =	simm.s32 @!p1 $0x5  }
0x111: {  	s15 =	sadd.s32 @!p0 $0x5, s15;
	_ =	swait.ge @!p1 [sflag:s0], $0x80  }
0x112: {  	p2 =	sge.u32 @!p0 s15, s10;
	[sflag:s0] =	ssyncset.done @!p1 $0x0  }
0x113: {  	s15 =	simm.s32 @!p1 $0x4300;
	[sflag:s0] =	ssyncadd.s32 @!p1 $0xFFFFFF80;
	s0 =	simm.s32 @!p1 $0x80  }
0x114: {  	[tilespmem:s15], [sflag:$0x8] =	stream.indirect.gather @!p1 [hbm4b:s1+s0], $0x80, s0, s0, $0xb8;
	[tilespmem:$0x1FF00] =	vst v63  }
0x115: {  	s0 =	simm.s32 @!p0 $0x9  }
0x116: {  	p1 =	por p2, p0;
	s15 =	simm.s32 @!p0 $0x8300;
	_ =	swait.ge @!p0 [sflag:s0], $0x4000  }
0x117: {  	p3 =	slt.u32 @!p1 s17, $0x19;
	s17 =	simm.s32 @!p0 $0x80;
	[sflag:s0] =	ssyncset.done @!p0 $0x0  }
0x118: {  	p2 =	por @!p0 !p3, p2;
	[sflag:s0] =	ssyncadd.s32 @!p0 $0xFFFFC000;
	s0 =	simm.s32 @!p0 $0x280  }
0x119: {  	[spmem:s2] =	stream.indirect.scatter.add.f32 @!p0 [tilespmem:s15], [sflag:$0xA], $0x80, s0, s17, $0xb8;
	[tilespmem:$0x1FF00] =	vst v63  }
0x11a: {  	p2 =	por !p2, p0;
	s0 =	simm.s32 @!p0 $0xA;
	s15 =	smov.u32 s24  }
0x11b: {  	s15 =	smov.u32 @p2 s16;
	_ =	swait.ge @!p0 [sflag:s0], $0x4000  }
0x11c: {  	s17 =	simm.s32 @!p1 $0x0;
	s15 =	sshrl.u32 @!p1 s15, $0x3;
	[sflag:s0] =	ssyncset.done @!p0 $0x0  }
0x11d: {  	s16 =	simm.s32 @!p1 $0x100;
	[sflag:s0] =	ssyncadd.s32 @!p0 $0xFFFFC000;
	s0 =	sadd.s32 @!p1 s5, s15  }
0x11e: {  	[tilespmem:s16], [sflag:$0x3] =	stream.linear.gather @!p1 [hbm4b:s0+s17], $0x80, $0x38;
	[tilespmem:$0x1FF00] =	vst v63  }
0x11f: {  	s25 =	stileid.u32;
	s0 =	sadd.s32 @!p1 s6, s15;
	s15 =	simm.s32 @!p1 $0x280  }
0x120: {  	[tilespmem:s15], [sflag:$0x6] =	stream.linear.gather @!p1 [hbm4b:s0+s17], $0x80, $0x38;
	[tilespmem:$0x1FF00] =	vst v63  }
0x121: {  	s0 =	sshll.u32 s25, $0x6;
	[bflag:$0x0] =	sbarrier.arrive $0xFFFF  }
0x122: {  	s26 =	sshrl.u32 s7, $0x3;
	s0 =	sor.u32 $0x1C0A, s0;
	s31 =	rddreg [dreg:$0x8]  }
0x123: {  	[hbm:s31], [sflag:s0] =	dma.local [spmem:s26], $0x800  }
0x124: {  	_ =	swait.ge [sflag:s30], $0x800  }
0x125: {  	[sflag:s30] =	ssyncset.done $0x0  }
0x126: {  	s17 =	sshrl.u32 s8, $0x3;
	s18 =	rddreg [dreg:$0x9];
	[sflag:s30] =	ssyncadd.s32 $0xFFFFF800  }
0x127: {  	[hbm:s18], [sflag:s0] =	dma.local [spmem:s17], $0x800  }
0x128: {  	_ =	swait.ge [sflag:s30], $0x800  }
0x129: {  	[sflag:s30] =	ssyncset.done $0x0  }
0x12a: {  	s20 =	sshrl.u32 s9, $0x3;
	s21 =	rddreg [dreg:$0xa];
	[sflag:s30] =	ssyncadd.s32 $0xFFFFF800  }
0x12b: {  	[hbm:s21], [sflag:s0] =	dma.local [spmem:s20], $0x800  }
0x12c: {  	_ =	swait.ge [sflag:s30], $0x800  }
0x12d: {  	[sflag:s30] =	ssyncset.done $0x0  }
0x12e: {  	s22 =	sshrl.u32 s11, $0x3;
	s23 =	rddreg [dreg:$0xb];
	[sflag:s30] =	ssyncadd.s32 $0xFFFFF800  }
0x12f: {  	[hbm:s23], [sflag:s0] =	dma.local [spmem:s22], $0x800  }
0x130: {  	_ =	swait.ge [sflag:s30], $0x800  }
0x131: {  	[sflag:s30] =	ssyncset.done $0x0  }
0x132: {  	s25 =	sshrl.u32 s12, $0x3;
	s26 =	rddreg [dreg:$0xc];
	[sflag:s30] =	ssyncadd.s32 $0xFFFFF800  }
0x133: {  	[hbm:s26], [sflag:s0] =	dma.local [spmem:s25], $0x780  }
0x134: {  	_ =	swait.ge [sflag:s30], $0x780  }
0x135: {  	s4 =	sadd.s32 $0x1, s4;
	s31 =	rddreg [dreg:$0x12]  }
0x136: {  	p0 =	sne.s32 s4, s31  }
.Ltmp2:
0x137: {  	_ = 	snop;
	(pc) =	sbr.rel @p0 .LBB2_1-.Ltmp2, $3  }
0x138: {  	_ =	sdelay $0x1  }
0x139: {  	[sflag:s30] =	ssyncset.done $0x0  }
0x13a: {  	[sflag:s30] =	ssyncadd.s32 $0xFFFFF880  }
0x13b: {  	_ =	sfence.sel $0x180000  }
0x13c: {  	[bflag:$0x0] =	sbarrier.arrive $0xFFFF  }
0x13d: {  	_ =	strace $0x9000004D  }
0x13e: {  	s0 =	stileid.u32;
	[bflag:$0x2] =	sbarrier.arrive $0xFFFF  }
0x13f: {  	p0 =	sne.s32 s0, $0x0;
	s0 =	rddreg [dreg:$0x3]  }
0x140: {  	s0 =	sadd.s32 @!p0 $0x100000, s0  }
0x141: {  	[sflag:s0] =	ssyncadd.tile.s32 @!p0 $0x1;
	_ =	shalt  }
.Lfunc_end2:
_tile_overlayer_lowered:
.L_overlay_start_2:
0x142: {  	(tag) =	ssettag $0x2  }
0x143: {  	s0 =	rddreg [dreg:$0x0];
	s2 =	stileid.u32  }
0x144: {  	s1 =	rddreg [dreg:$0x1];
	p0 =	sne.s32 s2, $0x0  }
0x145: {  	s3 =	rddreg [dreg:$0x2];
	[bflag:$0x3] =	sbarrier.arrive $0xFFFF;
	s2 =	simm.s32 @!p0 $0x1C0A  }
0x146: {  	[timem:s3], [sflag:s2] =	dma.local @!p0 [hbm:s0], s1  }
0x147: {  	s0 =	simm.s32 @!p0 $0xA  }
0x148: {  	_ =	swait.ge @!p0 [sflag:s0], s1  }
0x149: {  	s1 =	ssub.s32 @!p0 $0x0, s1;
	[sflag:s0] =	ssyncset.done @!p0 $0x0  }
0x14a: {  	[sflag:s0] =	ssyncadd.s32 @!p0 s1  }
0x14b: {  	[bflag:$0x3] =	sbarrier.arrive $0xFFFF  }
0x14c: {  	_ =	shalt  }

// kernel: kernel.17.cloned.1.call-start
scs
__scs_entry_jumppad:
0x0: {  	(pc) =	sbr.rel $0x88, $3  }
0x1: {  	(tag) =	ssettag $0x0;
	lr =	simm.s32 $0x1  }
0x2: {  	[smem:$0x3F9C] =	sst lr;
	_ =	strace $0xD0000000  }
0x3: {  	_ = 	snop  }
0x4: {  	_ = 	snop  }
0x5: {  	_ = 	snop  }
0x6: {  	_ = 	snop  }
0x7: {  	_ = 	snop  }
__scs_overlays_trampoline_lowered:
0x8: {  	[smem:$0x3FAB] =	sst s0  }
0x9: {  	[smem:$0x3FAC] =	sst s1  }
0xa: {  	[smem:$0x3FAD] =	sst s2  }
0xb: {  	[smem:$0x3FAE] =	sst s3  }
0xc: {  	[smem:$0x3FAF] =	sst s4  }
0xd: {  	[smem:$0x3FB0] =	sst s5  }
0xe: {  	[smem:$0x3FB1] =	sst s6  }
0xf: {  	[smem:$0x3FB2] =	sst s7  }
0x10: {  	[smem:$0x3FB3] =	sst s8  }
0x11: {  	[smem:$0x3FB4] =	sst s9;
	s0 =	simm.s32 @!p0 $0x0  }
0x12: {  	s1 =	sld [smem:$0x3F9A];
	s0 =	simm.s32 @p0 $0x1  }
0x13: {  	[smem:$0x3FB5] =	sst s0;
	s0 =	simm.s32 @!p1 $0x0  }
0x14: {  	s2 =	sld [smem:$0x3F99];
	s0 =	simm.s32 @p1 $0x1  }
0x15: {  	[smem:$0x3FB6] =	sst s0;
	s0 =	simm.s32 @!p2 $0x0  }
0x16: {  	s3 =	sld [smem:$0x3FDB];
	s0 =	simm.s32 @p2 $0x1  }
0x17: {  	s4 =	simm.s32 $0x1BF5;
	[smem:$0x3FB8] =	sst s0  }
0x18: {  	s0 =	sld [smem:$0x3F9B];
	_ =	swait.ge [sflag:s4], $0x0  }
0x19: {  	s7 =	sld [smem:$0x3F9C]  }
0x1a: {  	s8 =	sadd.s32 $0xFFFFE003, lr  }
0x1b: {  	s9 =	sadd.s32 $0xFFFFFEF7, lr;
	s5 =	simm.s32 $0xFFFFFFFF;
	p2 =	slt.u32 s8, $0xFFFFF086  }
0x1c: {  	p1 =	slt.u32 s9, $0xF7A;
	s5 =	simm.s32 @!p2 $0x0  }
0x1d: {  	s5 =	simm.s32 @p1 $0x1;
	p0 =	seq.s32 s7, s2  }
0x1e: {  	s7 =	smul.u32 @!p0 $0xF7A, s2;
	p2 =	seq.s32 @!p0 s5, $0x0  }
0x1f: {  	s9 =	smul.u32 $0xF7A, s1;
	s8 =	simm.s32 @!p0 $0x1BF5;
	p2 =	por !p2, p0  }
0x20: {  	[sflag:s8] =	ssyncset.s32 @!p0 $0xFFFFF086;
	s6 =	sadd.s32 @!p0 s3, s7;
	s7 =	simm.s32 @!p0 $0x108  }
0x21: {  	s3 =	sadd.s32 s3, s9;
	s6 =	sadd.s32 @!p0 $0x88, s6;
	s7 =	simm.s32 @p2 $0x1082  }
0x22: {  	[simem:s7], [sflag:s8] =	dma.local @!p0 [hbm:s6], $0xF7A  }
0x23: {  	s9 =	sor.u32 $0xD0000000, s2;
	s6 =	simm.s32 $0x108;
	_ =	swait.ge @!p0 [sflag:s8], $0x0  }
0x24: {  	s3 =	sadd.s32 $0x88, s3;
	s6 =	simm.s32 @!p1 $0x1082;
	[sflag:s4] =	ssyncset.s32 $0xFFFFF086  }
0x25: {  	[simem:s6], [sflag:s4] =	dma.local [hbm:s3], $0xF7A  }
0x26: {  	[smem:$0x3F9C] =	sst s1;
	(tag) =	ssettag s2;
	_ =	strace s9  }
0x27: {  	s1 =	sld [smem:$0x3FAC]  }
0x28: {  	s2 =	sld [smem:$0x3FAD]  }
0x29: {  	s4 =	sld [smem:$0x3FAF]  }
0x2a: {  	p0 =	seq.s32 s5, $0x0;
	s5 =	sld [smem:$0x3FB0]  }
0x2b: {  	s6 =	sld [smem:$0x3FB1]  }
0x2c: {  	s7 =	sld [smem:$0x3FB2]  }
0x2d: {  	s3 =	simm.s32 $0x108;
	s8 =	sld [smem:$0x3FB3]  }
0x2e: {  	s3 =	simm.s32 @!p0 $0x1082;
	s9 =	sld [smem:$0x3FB4]  }
0x2f: {  	lr =	sadd.s32 s0, s3;
	s0 =	sld [smem:$0x3FAB]  }
0x30: {  	s3 =	sld [smem:$0x3FAE]  }
0x31: {  	[smem:$0x3FB7] =	sst s10  }
0x32: {  	s10 =	sld [smem:$0x3FB5];
	_ =	sdelay $0x3  }
0x33: {  	p0 =	seq.s32 s10, $0x1;
	s10 =	sld [smem:$0x3FB7];
	_ =	sdelay $0x3  }
0x34: {  	[smem:$0x3FB7] =	sst s10  }
0x35: {  	s10 =	sld [smem:$0x3FB6];
	_ =	sdelay $0x3  }
0x36: {  	p1 =	seq.s32 s10, $0x1;
	s10 =	sld [smem:$0x3FB7];
	_ =	sdelay $0x3  }
0x37: {  	[smem:$0x3FB7] =	sst s10  }
0x38: {  	s10 =	sld [smem:$0x3FB8]  }
0x39: {  	_ = 	snop;
	(pc) =	sbr.ind lr, $3  }
0x3a: {  	_ = 	snop  }
0x3b: {  	_ = 	snop  }
0x3c: {  	p2 =	seq.s32 s10, $0x1;
	s10 =	sld [smem:$0x3FB7]  }
0x3d: {  	_ =	shalt  }
0x3e: {  	_ =	shalt  }
0x3f: {  	_ =	shalt  }
0x40: {  	_ =	shalt  }
0x41: {  	_ =	shalt  }
0x42: {  	_ =	shalt  }
0x43: {  	_ =	shalt  }
0x44: {  	_ =	shalt  }
0x45: {  	_ =	shalt  }
0x46: {  	_ =	shalt  }
0x47: {  	_ =	shalt  }
0x48: {  	_ =	shalt  }
0x49: {  	_ =	shalt  }
0x4a: {  	_ =	shalt  }
0x4b: {  	_ =	shalt  }
0x4c: {  	_ =	shalt  }
0x4d: {  	_ =	shalt  }
0x4e: {  	_ =	shalt  }
0x4f: {  	_ =	shalt  }
0x50: {  	_ =	shalt  }
0x51: {  	_ =	shalt  }
0x52: {  	_ =	shalt  }
0x53: {  	_ =	shalt  }
0x54: {  	_ =	shalt  }
0x55: {  	_ =	shalt  }
0x56: {  	_ =	shalt  }
0x57: {  	_ =	shalt  }
0x58: {  	_ =	shalt  }
0x59: {  	_ =	shalt  }
0x5a: {  	_ =	shalt  }
0x5b: {  	_ =	shalt  }
0x5c: {  	_ =	shalt  }
0x5d: {  	_ =	shalt  }
0x5e: {  	_ =	shalt  }
0x5f: {  	_ =	shalt  }
0x60: {  	_ =	shalt  }
0x61: {  	_ =	shalt  }
0x62: {  	_ =	shalt  }
0x63: {  	_ =	shalt  }
0x64: {  	_ =	shalt  }
0x65: {  	_ =	shalt  }
0x66: {  	_ =	shalt  }
0x67: {  	_ =	shalt  }
0x68: {  	_ =	shalt  }
0x69: {  	_ =	shalt  }
0x6a: {  	_ =	shalt  }
0x6b: {  	_ =	shalt  }
0x6c: {  	_ =	shalt  }
0x6d: {  	_ =	shalt  }
0x6e: {  	_ =	shalt  }
0x6f: {  	_ =	shalt  }
0x70: {  	_ =	shalt  }
0x71: {  	_ =	shalt  }
0x72: {  	_ =	shalt  }
0x73: {  	_ =	shalt  }
0x74: {  	_ =	shalt  }
0x75: {  	_ =	shalt  }
0x76: {  	_ =	shalt  }
0x77: {  	_ =	shalt  }
0x78: {  	_ =	shalt  }
0x79: {  	_ =	shalt  }
0x7a: {  	_ =	shalt  }
0x7b: {  	_ =	shalt  }
0x7c: {  	_ =	shalt  }
0x7d: {  	_ =	shalt  }
0x7e: {  	_ =	shalt  }
0x7f: {  	_ =	shalt  }
0x80: {  	_ =	shalt  }
0x81: {  	_ =	shalt  }
0x82: {  	_ =	shalt  }
0x83: {  	_ =	shalt  }
0x84: {  	_ =	shalt  }
0x85: {  	_ =	shalt  }
0x86: {  	_ =	shalt  }
0x87: {  	_ =	shalt  }
.Lfunc_end0:
.L_simem_size_0:
called_computation.3_lowered:
.L_overlay_start_0:
0x88: {  	s2 =	sld [smem:$0x3FD9]  }
0x89: {  	s3 =	sld [smem:$0x3FFE];
	_ =	sdelay $0x1  }
0x8a: {  	s1 =	srdreg.scid  }
0x8b: {  	s0 =	sand.u32 $0x1, s1  }
0x8c: {  	s17 =	sshll.u32 s0, $0xA;
	s2 =	sadd.s32 s3, s2  }
0x8d: {  	s2 =	sadd.s32 s2, s17  }
0x8e: {  	[smem:$0x3FC3] =	sst s2  }
0x8f: {  	_ = 	snop  }
0x90: {  	s2 =	sld [smem:$0x3FD0];
	(tm) =	ssettm $0x1  }
0x91: {  	s18 =	sld [smem:$0x3FFB];
	_ =	sdelay $0x3  }
0x92: {  	_ =	strace s18  }
0x93: {  	s3 =	sld [smem:$0x3FFC];
	_ =	sdelay $0x3  }
0x94: {  	_ =	strace s3  }
0x95: {  	s3 =	sld [smem:$0x3FFD];
	_ =	sdelay $0x3  }
0x96: {  	_ =	strace s3  }
0x97: {  	_ =	strace $0x8FFFFFFF  }
0x98: {  	s19 =	sld [smem:$0x3FDB];
	_ =	sdelay $0x1  }
0x99: {  	s4 =	simm.s32 $_scs_section_size  }
0x9a: {  	s5 =	simm.s32 $_size__tile_overlayer_lowered;
	s6 =	simm.s32 $_tile_overlayer_lowered  }
0x9b: {  	s22 =	simm.s32 $0x1BFF;
	s21 =	sshll.u32 s6, $0x1;
	s3 =	sadd.s32 s4, s19  }
0x9c: {  	s7 =	simm.s32 $0x0;
	s20 =	sshll.u32 s5, $0x1;
	s5 =	sadd.s32 s21, s3  }
0x9d: {  	[timem:s7], [sflag:s22] =	dma.local [hbm:s5], s20  }
0x9e: {  	_ =	swait.ge [sflag:s22], s20  }
0x9f: {  	s4 =	ssub.s32 $0x0, s20;
	[sflag:s22] =	ssyncset.done $0x0  }
0xa0: {  	[sflag:s22] =	ssyncadd.s32 s4;
	_ =	sdelay $0x1  }
0xa1: {  	s23 =	simm.s32 $0x1B8B  }
0xa2: {  	_ =	swait.ge [sflag:s23], $0x1  }
0xa3: {  	[sflag:s23] =	ssyncset.done $0x0  }
0xa4: {  	s25 =	simm.s32 $0x1B8E;
	s24 =	sld [smem:$0x3FFE];
	[sflag:s23] =	ssyncadd.s32 $0xFFFFFFFF  }
0xa5: {  	s26 =	simm.s32 $execute0_lowered;
	[smem:$0x3FD2] =	sst s25  }
0xa6: {  	s5 =	sshll.u32 s26, $0x1;
	_ =	strace $0x8000004F;
	[dreg:$0x1] =	wrdreg $0xFFFFFFFF  }
0xa7: {  	s28 =	simm.s32 $_size_execute0_lowered;
	s3 =	sadd.s32 s3, s5;
	[dreg:$0x0] =	wrdreg $0x0  }
0xa8: {  	s5 =	sshll.u32 s28, $0x1;
	[dreg:$0x2] =	wrdreg s3  }
0xa9: {  	[dreg:$0x3] =	wrdreg s5  }
0xaa: {  	[dreg:$0x4] =	wrdreg $0xC0  }
0xab: {  	_ =	task [dreg:s7], $0x5FFFF  }
0xac: {  	[dreg:$0x1] =	wrdreg $0xFFFFFFFF  }
0xad: {  	[dreg:$0x0] =	wrdreg $0x60  }
0xae: {  	[dreg:$0x2] =	wrdreg s24  }
0xaf: {  	[dreg:$0x3] =	wrdreg s2  }
0xb0: {  	[dreg:$0x4] =	wrdreg $0x40800  }
0xb1: {  	[dreg:$0x5] =	wrdreg $0x9  }
0xb2: {  	_ =	task.clear_ibuf [dreg:s7], $0x6FFFF;
	_ =	strace $0x9000004F  }
0xb3: {  	s29 =	simm.s32 $0x9;
	_ =	strace $0x80000051  }
0xb4: {  	_ =	swait.ge [sflag:s29], $0x1  }
0xb5: {  	[sflag:s29] =	ssyncadd.s32 $0xFFFFFFFF  }
0xb6: {  	_ =	strace $0x90000051  }
0xb7: {  	_ =	sfence  }
0xb8: {  	s30 =	sld [smem:$0x0];
	_ =	sdelay $0x2  }
0xb9: {  	s31 =	sshll.u32 s1, $0xD;
	s1 =	sshrl.u32 s1, $0x2  }
0xba: {  	s3 =	sand.u32 $0x4000, s31;
	s1 =	sadd.s32 s1, s30  }
0xbb: {  	s0 =	sor.u32 s3, s0;
	s1 =	sshll.u32 s1, $0x11  }
0xbc: {  	s0 =	sor.u32 s1, s0  }
0xbd: {  	s0 =	sadd.s32 $0x8F2B, s0  }
0xbe: {  	[sflag:s0] =	ssyncadd.remote.s32 $0x1  }
0xbf: {  	_ =	sfence.sel $0xFFFF  }
0xc0: {  	[dreg:$0x0] =	wrdreg $0xFFFFFFFF;
	(pc) =	sbr.abs _section_cstart, $3  }
0xc1: {  	[dreg:$0x1] =	wrdreg $0xFFFFFFFF  }
0xc2: {  	_ =	task.clear_ibuf [dreg:s7], $0x2FFFF;
	_ =	strace $0x9FFFFFFF  }
0xc3: {  	(tm) =	ssettm $0x7FFFFFFF  }
tec
execute0_lowered:
.L_overlay_start_1:
0x0: {  	(tag) =	ssettag $0x1  }
0x1: {  	s0 =	rddreg [dreg:$0x0]  }
0x2: {  	s3 =	rddreg [dreg:$0x1]  }
0x3: {  	s1 =	rddreg [dreg:$0x2]  }
0x4: {  	s2 =	simm.s32 $0x0;
	s5 =	srdreg.scid;
	s10 =	stileid.u32  }
0x5: {  	s18 =	simm.s32 $0x4;
	s28 =	simm.s32 $0x5;
	s29 =	simm.s32 $0x2  }
0x6: {  	s30 =	simm.s32 $0x0;
	[smem:$0x7FF] =	sst s2;
	s4 =	sadd.s32 $0xDE00, s0  }
0x7: {  	s8 =	sand.u32 $0x1, s5;
	s9 =	smul.u32 $0x2800, s10;
	s5 =	sadd.s32 $0x549600, s0  }
0x8: {  	_ =	strace $0x80000050;
	s6 =	ssub.s32 $0x2, s8;
	s7 =	sshll.u32 s8, $0x4  }
0x9: {  	s14 =	smul.u32 $0x28000, s8;
	s19 =	sshrl.u32 s6, $0x1;
	s10 =	sor.u32 s10, s7  }
0xa: {  	s7 =	simm.s32 $0x4F;
	s13 =	sadd.s32 $0x800, s9;
	s15 =	sadd.s32 $0x1000, s9  }
0xb: {  	s16 =	sadd.s32 $0x1800, s9;
	s0 =	ssub.s32 s6, s19;
	s11 =	smul.u32 $0x4E00, s10  }
0xc: {  	s6 =	sadd.s32 s9, s1;
	p0 =	slt.u32 s10, $0x4;
	s8 =	smul.u32 $0x2700, s10  }
0xd: {  	s10 =	sshll.u32 s10, $0x7;
	s20 =	sadd.s32 s9, s14;
	s12 =	sadd.s32 s14, s13  }
0xe: {  	s22 =	sadd.s32 s13, s1;
	s24 =	sadd.s32 s14, s15;
	s9 =	sadd.s32 $0x2000, s9  }
0xf: {  	s17 =	sadd.s32 s14, s16;
	s23 =	sadd.s32 s15, s1;
	s19 =	simm.s32 $0x80  }
0x10: {  	s7 =	simm.s32 @!p0 $0x4E;
	s10 =	sor.u32 $0x4E000, s10;
	s21 =	sshrl.u32 s12, $0x3  }
0x11: {  	s13 =	sshrl.u32 s24, $0x3;
	s14 =	sadd.s32 s14, s9;
	s25 =	sshrl.u32 s17, $0x3  }
0x12: {  	s24 =	sadd.s32 s16, s1;
	s31 =	sadd.s32 s9, s1;
	s16 =	smax.u32 s0, $0x1  }
0x13: {  	s22 =	sshrl.u32 s22, $0x3;
	s23 =	sshrl.u32 s23, $0x3;
	s11 =	sadd.s32 s5, s11  }
.Ltmp0:
0x14: {  	s12 =	sadd.s32 s3, s21;
	s13 =	sadd.s32 s3, s13;
	(pc) =	sbr.rel .LBB2_1-.Ltmp0, $4  }
0x15: {  	s26 =	sshrl.u32 s14, $0x3;
	s14 =	sadd.s32 s3, s25;
	s21 =	simm.s32 $0x3  }
0x16: {  	s24 =	sshrl.u32 s24, $0x3;
	[dreg:$0x4] =	wrdreg s11;
	s11 =	sshrl.u32 s20, $0x3  }
0x17: {  	s25 =	sshrl.u32 s31, $0x3;
	s15 =	sadd.s32 s3, s26;
	s11 =	sadd.s32 s3, s11  }
0x18: {  	v0 =	vimm.f32 $0.0e+00;
	s20 =	simm.s32 $0x1;
	s26 =	simm.s32 $0x1080;
	[dreg:$0x5] =	wrdreg s11  }
.LBB2_13:
0x19: {  	s0 =	stileid.u32  }
0x1a: {  	[bflag:$0x0] =	sbarrier.arrive $0xFFFF;
	s0 =	sshll.u32 s0, $0x6  }
0x1b: {  	s3 =	sshrl.u32 s6, $0x3;
	s9 =	rddreg [dreg:$0x5];
	s0 =	sor.u32 $0x1C04, s0  }
0x1c: {  	[hbm:s9], [sflag:s0] =	dma.local [spmem:s3], $0x100  }
0x1d: {  	_ =	swait.ge [sflag:s18], $0x100  }
0x1e: {  	[sflag:s18] =	ssyncset.done $0x0  }
0x1f: {  	[sflag:s18] =	ssyncadd.s32 $0xFFFFFF00  }
0x20: {  	[hbm:s12], [sflag:s0] =	dma.local [spmem:s22], $0x100  }
0x21: {  	_ =	swait.ge [sflag:s18], $0x100  }
0x22: {  	[sflag:s18] =	ssyncset.done $0x0  }
0x23: {  	[sflag:s18] =	ssyncadd.s32 $0xFFFFFF00  }
0x24: {  	[hbm:s13], [sflag:s0] =	dma.local [spmem:s23], $0x100  }
0x25: {  	_ =	swait.ge [sflag:s18], $0x100  }
0x26: {  	[sflag:s18] =	ssyncset.done $0x0  }
0x27: {  	[sflag:s18] =	ssyncadd.s32 $0xFFFFFF00  }
0x28: {  	[hbm:s14], [sflag:s0] =	dma.local [spmem:s24], $0x100  }
0x29: {  	s30 =	sadd.s32 $0x1, s30;
	_ =	swait.ge [sflag:s18], $0x100  }
0x2a: {  	p0 =	sne.s32 s30, s16;
	[sflag:s18] =	ssyncset.done $0x0  }
.Ltmp1:
0x2b: {  	[sflag:s18] =	ssyncadd.s32 $0xFFFFFF00;
	(pc) =	sbr.rel @!p0 .LBB2_14-.Ltmp1, $4  }
0x2c: {  	[hbm:s15], [sflag:s0] =	dma.local [spmem:s25], $0x100  }
0x2d: {  	_ =	swait.ge [sflag:s18], $0x100  }
0x2e: {  	[sflag:s18] =	ssyncset.done $0x0  }
0x2f: {  	[sflag:s18] =	ssyncadd.s32 $0xFFFFFF00  }
.LBB2_1:
0x30: {  	s0 =	simm.s32 $0x40;
	s3 =	simm.s32 $0x0  }
.LBB2_2:
0x31: {  	p0 =	sne.s32 s0, $0x9FC0;
	[tilespmem:s3+$0x1880] =	vst v0;
	s3 =	smov.u32 s0;
	s0 =	sadd.s32 $0x40, s0  }
.Ltmp2:
0x32: {  	(pc) =	sbr.rel @p0 .LBB2_2-.Ltmp2, $2  }
0x33: {  	_ =	sdelay $0x2  }
0x34: {  	s3 =	sshra.s32 s3, $0x2  }
0x35: {  	[tilespmem:s3+$0x1880] =	vst v0;
	s0 =	simm.s32 $0x1880  }
0x36: {  	[spmem:s6] =	stream.linear.scatter [tilespmem:s0], [sflag:$0x4], $0x2800, $0x38;
	[tilespmem:$0x6880] =	vst v63  }
0x37: {  	_ =	swait.ge [sflag:s18], $0x2800  }
.Ltmp3:
0x38: {  	[sflag:s18] =	ssyncset.done $0x0;
	(pc) =	sbr.rel .LBB2_4-.Ltmp3, $4  }
0x39: {  	[sflag:s18] =	ssyncadd.s32 $0xFFFFD800  }
0x3a: {  	[bflag:$0x0] =	sbarrier.arrive $0xFFFF  }
0x3b: {  	s31 =	simm.s32 $0x0;
	s17 =	rddreg [dreg:$0x4]  }
0x3c: {  	[tilespmem:s19], [sflag:$0x1] =	stream.linear.gather [hbm4b:s17+s31], $0x800, $0x38;
	[tilespmem:$0x6880] =	vst v63  }
.LBB2_12:
0x3d: {  	s31 =	sadd.s32 $0x1, s31  }
0x3e: {  	p0 =	sne.s32 s31, $0x28  }
.Ltmp4:
0x3f: {  	_ = 	snop;
	(pc) =	sbr.rel @!p0 .LBB2_13-.Ltmp4, $1  }
0x40: {  	_ =	sdelay $0x3  }
.LBB2_4:
0x41: {  	s3 =	sshll.u32 s31, $0x1  }
0x42: {  	p1 =	sge.u32 s3, s7  }
.Ltmp5:
0x43: {  	_ = 	snop;
	(pc) =	sbr.rel @p1 .LBB2_8-.Ltmp5, $3  }
0x44: {  	_ =	sdelay $0x1  }
0x45: {  	s0 =	sshllo.u32 s31, $0x1  }
0x46: {  	p0 =	sge.u32 s0, s7  }
0x47: {  	p1 =	seq.s32 @!p0 s31, $0x27;
	s9 =	sshll.u32 @!p0 s0, $0x7  }
0x48: {  	s11 =	smov.u32 s10;
	s9 =	sadd.s32 @!p0 s8, s9;
	p1 =	por !p1, p0  }
0x49: {  	s11 =	smov.u32 @p1 s9  }
0x4a: {  	s9 =	sshll.u32 @!p0 s11, $0x1  }
0x4b: {  	s9 =	sand.u32 @!p0 $0x1FFFFF00, s9  }
0x4c: {  	s17 =	simm.s32 @!p0 $0x880;
	s11 =	simm.s32 @!p0 $0x0;
	s9 =	sadd.s32 @!p0 s5, s9  }
0x4d: {  	[tilespmem:s17], [sflag:$0x2] =	stream.linear.gather @!p0 [hbm4b:s9+s11], $0x800, $0x38;
	[tilespmem:$0x6880] =	vst v63  }
0x4e: {  	s11 =	sshll.u32 s31, $0x8  }
0x4f: {  	p1 =	seq.s32 s31, $0x27;
	s9 =	sadd.s32 s8, s11  }
0x50: {  	s9 =	smov.u32 @p1 s10  }
0x51: {  	s9 =	sshrl.u32 s9, $0x3  }
0x52: {  	s17 =	simm.s32 $0x0;
	s9 =	sadd.s32 s4, s9  }
0x53: {  	[tilespmem:s17], [sflag:$0x3] =	stream.linear.gather [hbm4b:s9+s17], $0x80, $0x38;
	[tilespmem:$0x6880] =	vst v63  }
0x54: {  	_ =	swait.ge [sflag:s20], $0x800  }
0x55: {  	[sflag:s20] =	ssyncset.done $0x0  }
0x56: {  	s17 =	simm.s32 $0x0;
	[sflag:s20] =	ssyncadd.s32 $0xFFFFF800  }
0x57: {  	v4 =	vld [tilespmem:s17+$0xF0]  }
0x58: {  	v5 =	vld [tilespmem:s17+$0x80]  }
0x59: {  	v6 =	vld [tilespmem:s17+$0x90]  }
0x5a: {  	v3 =	vld [tilespmem:s17+$0xA0]  }
0x5b: {  	v1 =	vld [tilespmem:s17+$0xB0]  }
0x5c: {  	v2 =	vld [tilespmem:s17+$0xC0];
	[tilespmem:s17+$0x10F0] =	vst v4  }
0x5d: {  	[tilespmem:s17+$0x1080] =	vst v5;
	v4 =	vld [tilespmem:s17+$0xD0]  }
0x5e: {  	s11 =	simm.s32 $0x400;
	s9 =	simm.s32 $0x80;
	[tilespmem:s17+$0x1090] =	vst v6;
	v5 =	vld [tilespmem:s17+$0xE0]  }
.LBB2_6:
0x5f: {  	p1 =	sne.s32 s11, $0x1E00;
	v6 =	vld [tilespmem:s9+$0xF0];
	[tilespmem:s17+$0x10A0] =	vst v3  }
0x60: {  	v7 =	vld [tilespmem:s9+$0x80];
	[tilespmem:s17+$0x10B0] =	vst v1  }
0x61: {  	v8 =	vld [tilespmem:s9+$0x90];
	[tilespmem:s17+$0x10C0] =	vst v2  }
.Ltmp6:
0x62: {  	v3 =	vld [tilespmem:s9+$0xA0];
	[tilespmem:s17+$0x10D0] =	vst v4;
	(pc) =	sbr.rel @p1 .LBB2_6-.Ltmp6, $4  }
0x63: {  	v1 =	vld [tilespmem:s9+$0xB0];
	[tilespmem:s17+$0x10E0] =	vst v5;
	s17 =	smov.u32 s9  }
0x64: {  	v2 =	vld [tilespmem:s17+$0xC0];
	[tilespmem:s17+$0x10F0] =	vst v6  }
0x65: {  	[tilespmem:s17+$0x1080] =	vst v7;
	v4 =	vld [tilespmem:s17+$0xD0]  }
0x66: {  	s9 =	sshra.s32 s11, $0x2;
	s11 =	sadd.s32 $0x200, s11;
	[tilespmem:s17+$0x1090] =	vst v8;
	v5 =	vld [tilespmem:s17+$0xE0]  }
0x67: {  	v6 =	vld [tilespmem:s9+$0xF0];
	[tilespmem:s17+$0x10A0] =	vst v3  }
0x68: {  	v3 =	vld [tilespmem:s9+$0x80];
	[tilespmem:s17+$0x10B0] =	vst v1  }
0x69: {  	v1 =	vld [tilespmem:s9+$0x90];
	[tilespmem:s17+$0x10C0] =	vst v2  }
0x6a: {  	v2 =	vld [tilespmem:s9+$0xA0];
	[tilespmem:s17+$0x10D0] =	vst v4  }
0x6b: {  	v4 =	vld [tilespmem:s9+$0xB0];
	[tilespmem:s17+$0x10E0] =	vst v5  }
0x6c: {  	v5 =	vld [tilespmem:s9+$0xC0];
	[tilespmem:s9+$0x10F0] =	vst v6  }
0x6d: {  	[tilespmem:s9+$0x1080] =	vst v3;
	v3 =	vld [tilespmem:s9+$0xD0]  }
0x6e: {  	[tilespmem:s9+$0x1090] =	vst v1;
	v1 =	vld [tilespmem:s9+$0xE0]  }
0x6f: {  	[tilespmem:s9+$0x10A0] =	vst v2  }
0x70: {  	[tilespmem:s9+$0x10B0] =	vst v4  }
0x71: {  	[tilespmem:s9+$0x10C0] =	vst v5  }
0x72: {  	[tilespmem:s9+$0x10D0] =	vst v3  }
0x73: {  	[tilespmem:s9+$0x10E0] =	vst v1  }
0x74: {  	_ =	swait.ge [sflag:s21], $0x80  }
0x75: {  	[sflag:s21] =	ssyncset.done $0x0  }
0x76: {  	[sflag:s21] =	ssyncadd.s32 $0xFFFFFF80  }
0x77: {  	[spmem:s1] =	stream.indirect.scatter.add.f32 [tilespmem:s26], [sflag:$0x5], $0x10, s2, s19, $0xb8;
	[tilespmem:$0x6880] =	vst v63  }
0x78: {  	_ =	swait.ge [sflag:s28], $0x800  }
0x79: {  	[sflag:s28] =	ssyncset.done $0x0  }
0x7a: {  	[sflag:s28] =	ssyncadd.s32 $0xFFFFF800  }
.LBB2_8:
.Ltmp7:
0x7b: {  	(pc) =	sbr.rel @p0 .LBB2_12-.Ltmp7, $1  }
0x7c: {  	_ =	sdelay $0x3  }
0x7d: {  	s3 =	sadd.s32 $0x2, s3  }
0x7e: {  	p0 =	sge.u32 s3, s7  }
0x7f: {  	p1 =	slt.u32 @!p0 s31, $0x26;
	s3 =	sshll.u32 @!p0 s3, $0x7  }
0x80: {  	s3 =	sadd.s32 @!p0 s8, s3;
	p1 =	por !p1, p0  }
0x81: {  	s3 =	smov.u32 @p1 s10  }
0x82: {  	s3 =	sshll.u32 @!p0 s3, $0x1  }
0x83: {  	s0 =	sshll.u32 s0, $0x7;
	s3 =	sand.u32 @!p0 $0x1FFFFF00, s3  }
0x84: {  	s9 =	simm.s32 @!p0 $0x0;
	s11 =	simm.s32 @!p0 $0x80;
	s3 =	sadd.s32 @!p0 s5, s3  }
0x85: {  	[tilespmem:s11], [sflag:$0x1] =	stream.linear.gather @!p0 [hbm4b:s3+s9], $0x800, $0x38;
	[tilespmem:$0x6880] =	vst v63  }
0x86: {  	s0 =	sadd.s32 s8, s0;
	p0 =	seq.s32 s31, $0x27  }
0x87: {  	s0 =	smov.u32 @p0 s10  }
0x88: {  	s0 =	sshrl.u32 s0, $0x3  }
0x89: {  	s0 =	sadd.s32 s4, s0  }
0x8a: {  	[tilespmem:s2], [sflag:$0x3] =	stream.linear.gather [hbm4b:s0+s2], $0x80, $0x38;
	[tilespmem:$0x6880] =	vst v63  }
0x8b: {  	_ =	swait.ge [sflag:s29], $0x800  }
0x8c: {  	[sflag:s29] =	ssyncset.done $0x0  }
0x8d: {  	s0 =	simm.s32 $0x40;
	[sflag:s29] =	ssyncadd.s32 $0xFFFFF800  }
0x8e: {  	v4 =	vld [tilespmem:s0+$0x8B0]  }
0x8f: {  	v5 =	vld [tilespmem:s0+$0x840]  }
0x90: {  	v6 =	vld [tilespmem:s0+$0x850]  }
0x91: {  	v3 =	vld [tilespmem:s0+$0x860]  }
0x92: {  	v1 =	vld [tilespmem:s0+$0x870]  }
0x93: {  	v2 =	vld [tilespmem:s0+$0x880];
	[tilespmem:s0+$0x10B0] =	vst v4  }
0x94: {  	[tilespmem:s0+$0x1040] =	vst v5;
	v4 =	vld [tilespmem:s0+$0x890]  }
0x95: {  	s3 =	simm.s32 $0xC0;
	s9 =	simm.s32 $0x500;
	[tilespmem:s0+$0x1050] =	vst v6;
	v5 =	vld [tilespmem:s0+$0x8A0]  }
.LBB2_10:
0x96: {  	p0 =	sne.s32 s9, $0x1F00;
	v6 =	vld [tilespmem:s3+$0x8B0];
	[tilespmem:s0+$0x1060] =	vst v3  }
0x97: {  	v7 =	vld [tilespmem:s3+$0x840];
	[tilespmem:s0+$0x1070] =	vst v1  }
0x98: {  	v8 =	vld [tilespmem:s3+$0x850];
	[tilespmem:s0+$0x1080] =	vst v2  }
.Ltmp8:
0x99: {  	v3 =	vld [tilespmem:s3+$0x860];
	[tilespmem:s0+$0x1090] =	vst v4;
	(pc) =	sbr.rel @p0 .LBB2_10-.Ltmp8, $4  }
0x9a: {  	v1 =	vld [tilespmem:s3+$0x870];
	[tilespmem:s0+$0x10A0] =	vst v5;
	s0 =	smov.u32 s3  }
0x9b: {  	v2 =	vld [tilespmem:s0+$0x880];
	[tilespmem:s0+$0x10B0] =	vst v6  }
0x9c: {  	[tilespmem:s0+$0x1040] =	vst v7;
	v4 =	vld [tilespmem:s0+$0x890]  }
0x9d: {  	s3 =	sshra.s32 s9, $0x2;
	s9 =	sadd.s32 $0x200, s9;
	[tilespmem:s0+$0x1050] =	vst v8;
	v5 =	vld [tilespmem:s0+$0x8A0]  }
0x9e: {  	v6 =	vld [tilespmem:s3+$0x8B0];
	[tilespmem:s0+$0x1060] =	vst v3  }
0x9f: {  	v3 =	vld [tilespmem:s3+$0x840];
	[tilespmem:s0+$0x1070] =	vst v1  }
0xa0: {  	v1 =	vld [tilespmem:s3+$0x850];
	[tilespmem:s0+$0x1080] =	vst v2  }
0xa1: {  	v2 =	vld [tilespmem:s3+$0x860];
	[tilespmem:s0+$0x1090] =	vst v4  }
0xa2: {  	v4 =	vld [tilespmem:s3+$0x870];
	[tilespmem:s0+$0x10A0] =	vst v5  }
0xa3: {  	v5 =	vld [tilespmem:s3+$0x880];
	[tilespmem:s3+$0x10B0] =	vst v6  }
0xa4: {  	[tilespmem:s3+$0x1040] =	vst v3;
	v3 =	vld [tilespmem:s3+$0x890]  }
0xa5: {  	[tilespmem:s3+$0x1050] =	vst v1;
	v1 =	vld [tilespmem:s3+$0x8A0]  }
0xa6: {  	[tilespmem:s3+$0x1060] =	vst v2  }
0xa7: {  	[tilespmem:s3+$0x1070] =	vst v4  }
0xa8: {  	[tilespmem:s3+$0x1080] =	vst v5  }
0xa9: {  	[tilespmem:s3+$0x1090] =	vst v3  }
0xaa: {  	[tilespmem:s3+$0x10A0] =	vst v1  }
0xab: {  	_ =	swait.ge [sflag:s21], $0x80  }
0xac: {  	[sflag:s21] =	ssyncset.done $0x0  }
.Ltmp9:
0xad: {  	[sflag:s21] =	ssyncadd.s32 $0xFFFFFF80;
	(pc) =	sbr.rel .LBB2_12-.Ltmp9, $4  }
0xae: {  	[spmem:s1] =	stream.indirect.scatter.add.f32 [tilespmem:s26], [sflag:$0x4], $0x10, s2, s19, $0xb8;
	[tilespmem:$0x6880] =	vst v63  }
0xaf: {  	_ =	swait.ge [sflag:s18], $0x800  }
0xb0: {  	[sflag:s18] =	ssyncset.done $0x0  }
0xb1: {  	[sflag:s18] =	ssyncadd.s32 $0xFFFFF800  }
.LBB2_14:
0xb2: {  	_ =	sfence.sel $0x180000  }
0xb3: {  	[bflag:$0x0] =	sbarrier.arrive $0xFFFF  }
0xb4: {  	_ =	strace $0x90000050  }
0xb5: {  	s0 =	stileid.u32;
	[bflag:$0x2] =	sbarrier.arrive $0xFFFF  }
0xb6: {  	p0 =	sne.s32 s0, $0x0;
	s0 =	rddreg [dreg:$0x3]  }
0xb7: {  	s0 =	sadd.s32 @!p0 $0x100000, s0  }
0xb8: {  	[sflag:s0] =	ssyncadd.tile.s32 @!p0 $0x1;
	_ =	shalt  }
.Lfunc_end2:
_tile_overlayer_lowered:
.L_overlay_start_2:
0xb9: {  	(tag) =	ssettag $0x2  }
0xba: {  	s0 =	rddreg [dreg:$0x0];
	s2 =	stileid.u32  }
0xbb: {  	s1 =	rddreg [dreg:$0x1];
	p0 =	sne.s32 s2, $0x0  }
0xbc: {  	s3 =	rddreg [dreg:$0x2];
	[bflag:$0x3] =	sbarrier.arrive $0xFFFF;
	s2 =	simm.s32 @!p0 $0x1C04  }
0xbd: {  	[timem:s3], [sflag:s2] =	dma.local @!p0 [hbm:s0], s1  }
0xbe: {  	s0 =	simm.s32 @!p0 $0x4  }
0xbf: {  	_ =	swait.ge @!p0 [sflag:s0], s1  }
0xc0: {  	s1 =	ssub.s32 @!p0 $0x0, s1;
	[sflag:s0] =	ssyncset.done @!p0 $0x0  }
0xc1: {  	[sflag:s0] =	ssyncadd.s32 @!p0 s1  }
0xc2: {  	[bflag:$0x3] =	sbarrier.arrive $0xFFFF  }
0xc3: {  	_ =	shalt  }

// kernel: kernel.8.cloned.1.call-start
scs
__scs_entry_jumppad:
0x0: {  	(pc) =	sbr.rel $0x88, $3  }
0x1: {  	(tag) =	ssettag $0x0;
	lr =	simm.s32 $0x1  }
0x2: {  	[smem:$0x3F9C] =	sst lr;
	_ =	strace $0xD0000000  }
0x3: {  	_ = 	snop  }
0x4: {  	_ = 	snop  }
0x5: {  	_ = 	snop  }
0x6: {  	_ = 	snop  }
0x7: {  	_ = 	snop  }
__scs_overlays_trampoline_lowered:
0x8: {  	[smem:$0x3FAB] =	sst s0  }
0x9: {  	[smem:$0x3FAC] =	sst s1  }
0xa: {  	[smem:$0x3FAD] =	sst s2  }
0xb: {  	[smem:$0x3FAE] =	sst s3  }
0xc: {  	[smem:$0x3FAF] =	sst s4  }
0xd: {  	[smem:$0x3FB0] =	sst s5  }
0xe: {  	[smem:$0x3FB1] =	sst s6  }
0xf: {  	[smem:$0x3FB2] =	sst s7  }
0x10: {  	[smem:$0x3FB3] =	sst s8  }
0x11: {  	[smem:$0x3FB4] =	sst s9;
	s0 =	simm.s32 @!p0 $0x0  }
0x12: {  	s1 =	sld [smem:$0x3F9A];
	s0 =	simm.s32 @p0 $0x1  }
0x13: {  	[smem:$0x3FB5] =	sst s0;
	s0 =	simm.s32 @!p1 $0x0  }
0x14: {  	s2 =	sld [smem:$0x3F99];
	s0 =	simm.s32 @p1 $0x1  }
0x15: {  	[smem:$0x3FB6] =	sst s0;
	s0 =	simm.s32 @!p2 $0x0  }
0x16: {  	s3 =	sld [smem:$0x3FDB];
	s0 =	simm.s32 @p2 $0x1  }
0x17: {  	s4 =	simm.s32 $0x1BF5;
	[smem:$0x3FB8] =	sst s0  }
0x18: {  	s0 =	sld [smem:$0x3F9B];
	_ =	swait.ge [sflag:s4], $0x0  }
0x19: {  	s7 =	sld [smem:$0x3F9C]  }
0x1a: {  	s8 =	sadd.s32 $0xFFFFE003, lr  }
0x1b: {  	s9 =	sadd.s32 $0xFFFFFEF7, lr;
	s5 =	simm.s32 $0xFFFFFFFF;
	p2 =	slt.u32 s8, $0xFFFFF086  }
0x1c: {  	p1 =	slt.u32 s9, $0xF7A;
	s5 =	simm.s32 @!p2 $0x0  }
0x1d: {  	s5 =	simm.s32 @p1 $0x1;
	p0 =	seq.s32 s7, s2  }
0x1e: {  	s7 =	smul.u32 @!p0 $0xF7A, s2;
	p2 =	seq.s32 @!p0 s5, $0x0  }
0x1f: {  	s9 =	smul.u32 $0xF7A, s1;
	s8 =	simm.s32 @!p0 $0x1BF5;
	p2 =	por !p2, p0  }
0x20: {  	[sflag:s8] =	ssyncset.s32 @!p0 $0xFFFFF086;
	s6 =	sadd.s32 @!p0 s3, s7;
	s7 =	simm.s32 @!p0 $0x108  }
0x21: {  	s3 =	sadd.s32 s3, s9;
	s6 =	sadd.s32 @!p0 $0x88, s6;
	s7 =	simm.s32 @p2 $0x1082  }
0x22: {  	[simem:s7], [sflag:s8] =	dma.local @!p0 [hbm:s6], $0xF7A  }
0x23: {  	s9 =	sor.u32 $0xD0000000, s2;
	s6 =	simm.s32 $0x108;
	_ =	swait.ge @!p0 [sflag:s8], $0x0  }
0x24: {  	s3 =	sadd.s32 $0x88, s3;
	s6 =	simm.s32 @!p1 $0x1082;
	[sflag:s4] =	ssyncset.s32 $0xFFFFF086  }
0x25: {  	[simem:s6], [sflag:s4] =	dma.local [hbm:s3], $0xF7A  }
0x26: {  	[smem:$0x3F9C] =	sst s1;
	(tag) =	ssettag s2;
	_ =	strace s9  }
0x27: {  	s1 =	sld [smem:$0x3FAC]  }
0x28: {  	s2 =	sld [smem:$0x3FAD]  }
0x29: {  	s4 =	sld [smem:$0x3FAF]  }
0x2a: {  	p0 =	seq.s32 s5, $0x0;
	s5 =	sld [smem:$0x3FB0]  }
0x2b: {  	s6 =	sld [smem:$0x3FB1]  }
0x2c: {  	s7 =	sld [smem:$0x3FB2]  }
0x2d: {  	s3 =	simm.s32 $0x108;
	s8 =	sld [smem:$0x3FB3]  }
0x2e: {  	s3 =	simm.s32 @!p0 $0x1082;
	s9 =	sld [smem:$0x3FB4]  }
0x2f: {  	lr =	sadd.s32 s0, s3;
	s0 =	sld [smem:$0x3FAB]  }
0x30: {  	s3 =	sld [smem:$0x3FAE]  }
0x31: {  	[smem:$0x3FB7] =	sst s10  }
0x32: {  	s10 =	sld [smem:$0x3FB5];
	_ =	sdelay $0x3  }
0x33: {  	p0 =	seq.s32 s10, $0x1;
	s10 =	sld [smem:$0x3FB7];
	_ =	sdelay $0x3  }
0x34: {  	[smem:$0x3FB7] =	sst s10  }
0x35: {  	s10 =	sld [smem:$0x3FB6];
	_ =	sdelay $0x3  }
0x36: {  	p1 =	seq.s32 s10, $0x1;
	s10 =	sld [smem:$0x3FB7];
	_ =	sdelay $0x3  }
0x37: {  	[smem:$0x3FB7] =	sst s10  }
0x38: {  	s10 =	sld [smem:$0x3FB8]  }
0x39: {  	_ = 	snop;
	(pc) =	sbr.ind lr, $3  }
0x3a: {  	_ = 	snop  }
0x3b: {  	_ = 	snop  }
0x3c: {  	p2 =	seq.s32 s10, $0x1;
	s10 =	sld [smem:$0x3FB7]  }
0x3d: {  	_ =	shalt  }
0x3e: {  	_ =	shalt  }
0x3f: {  	_ =	shalt  }
0x40: {  	_ =	shalt  }
0x41: {  	_ =	shalt  }
0x42: {  	_ =	shalt  }
0x43: {  	_ =	shalt  }
0x44: {  	_ =	shalt  }
0x45: {  	_ =	shalt  }
0x46: {  	_ =	shalt  }
0x47: {  	_ =	shalt  }
0x48: {  	_ =	shalt  }
0x49: {  	_ =	shalt  }
0x4a: {  	_ =	shalt  }
0x4b: {  	_ =	shalt  }
0x4c: {  	_ =	shalt  }
0x4d: {  	_ =	shalt  }
0x4e: {  	_ =	shalt  }
0x4f: {  	_ =	shalt  }
0x50: {  	_ =	shalt  }
0x51: {  	_ =	shalt  }
0x52: {  	_ =	shalt  }
0x53: {  	_ =	shalt  }
0x54: {  	_ =	shalt  }
0x55: {  	_ =	shalt  }
0x56: {  	_ =	shalt  }
0x57: {  	_ =	shalt  }
0x58: {  	_ =	shalt  }
0x59: {  	_ =	shalt  }
0x5a: {  	_ =	shalt  }
0x5b: {  	_ =	shalt  }
0x5c: {  	_ =	shalt  }
0x5d: {  	_ =	shalt  }
0x5e: {  	_ =	shalt  }
0x5f: {  	_ =	shalt  }
0x60: {  	_ =	shalt  }
0x61: {  	_ =	shalt  }
0x62: {  	_ =	shalt  }
0x63: {  	_ =	shalt  }
0x64: {  	_ =	shalt  }
0x65: {  	_ =	shalt  }
0x66: {  	_ =	shalt  }
0x67: {  	_ =	shalt  }
0x68: {  	_ =	shalt  }
0x69: {  	_ =	shalt  }
0x6a: {  	_ =	shalt  }
0x6b: {  	_ =	shalt  }
0x6c: {  	_ =	shalt  }
0x6d: {  	_ =	shalt  }
0x6e: {  	_ =	shalt  }
0x6f: {  	_ =	shalt  }
0x70: {  	_ =	shalt  }
0x71: {  	_ =	shalt  }
0x72: {  	_ =	shalt  }
0x73: {  	_ =	shalt  }
0x74: {  	_ =	shalt  }
0x75: {  	_ =	shalt  }
0x76: {  	_ =	shalt  }
0x77: {  	_ =	shalt  }
0x78: {  	_ =	shalt  }
0x79: {  	_ =	shalt  }
0x7a: {  	_ =	shalt  }
0x7b: {  	_ =	shalt  }
0x7c: {  	_ =	shalt  }
0x7d: {  	_ =	shalt  }
0x7e: {  	_ =	shalt  }
0x7f: {  	_ =	shalt  }
0x80: {  	_ =	shalt  }
0x81: {  	_ =	shalt  }
0x82: {  	_ =	shalt  }
0x83: {  	_ =	shalt  }
0x84: {  	_ =	shalt  }
0x85: {  	_ =	shalt  }
0x86: {  	_ =	shalt  }
0x87: {  	_ =	shalt  }
.Lfunc_end0:
.L_simem_size_0:
called_computation_lowered:
.L_overlay_start_0:
0x88: {  	s2 =	sld [smem:$0x3FD9]  }
0x89: {  	s3 =	sld [smem:$0x3FFE];
	_ =	sdelay $0x1  }
0x8a: {  	s1 =	srdreg.scid  }
0x8b: {  	s0 =	sand.u32 $0x1, s1  }
0x8c: {  	s17 =	sshll.u32 s0, $0xA;
	s2 =	sadd.s32 s3, s2  }
0x8d: {  	s2 =	sadd.s32 s2, s17  }
0x8e: {  	[smem:$0x3FC3] =	sst s2  }
0x8f: {  	_ = 	snop  }
0x90: {  	s2 =	sld [smem:$0x3FC8];
	(tm) =	ssettm $0x1  }
0x91: {  	s18 =	sld [smem:$0x3FFB];
	_ =	sdelay $0x3  }
0x92: {  	_ =	strace s18  }
0x93: {  	s3 =	sld [smem:$0x3FFC];
	_ =	sdelay $0x3  }
0x94: {  	_ =	strace s3  }
0x95: {  	s3 =	sld [smem:$0x3FFD];
	_ =	sdelay $0x3  }
0x96: {  	_ =	strace s3  }
0x97: {  	_ =	strace $0x8FFFFFFF  }
0x98: {  	s19 =	sld [smem:$0x3FDB];
	_ =	sdelay $0x1  }
0x99: {  	s4 =	simm.s32 $_scs_section_size  }
0x9a: {  	s5 =	simm.s32 $_size__tile_overlayer_lowered;
	s6 =	simm.s32 $_tile_overlayer_lowered  }
0x9b: {  	s22 =	simm.s32 $0x1BFF;
	s21 =	sshll.u32 s6, $0x1;
	s3 =	sadd.s32 s4, s19  }
0x9c: {  	s7 =	simm.s32 $0x0;
	s20 =	sshll.u32 s5, $0x1;
	s5 =	sadd.s32 s21, s3  }
0x9d: {  	[timem:s7], [sflag:s22] =	dma.local [hbm:s5], s20  }
0x9e: {  	_ =	swait.ge [sflag:s22], s20  }
0x9f: {  	s4 =	ssub.s32 $0x0, s20;
	[sflag:s22] =	ssyncset.done $0x0  }
0xa0: {  	[sflag:s22] =	ssyncadd.s32 s4;
	_ =	sdelay $0x1  }
0xa1: {  	s23 =	simm.s32 $0x1B8B  }
0xa2: {  	_ =	swait.ge [sflag:s23], $0x1  }
0xa3: {  	[sflag:s23] =	ssyncset.done $0x0  }
0xa4: {  	s25 =	simm.s32 $0x1B8E;
	s24 =	sld [smem:$0x3FFE];
	[sflag:s23] =	ssyncadd.s32 $0xFFFFFFFF  }
0xa5: {  	s26 =	simm.s32 $execute0_lowered;
	[smem:$0x3FD2] =	sst s25  }
0xa6: {  	s5 =	sshll.u32 s26, $0x1;
	_ =	strace $0x80000046;
	[dreg:$0x1] =	wrdreg $0xFFFFFFFF  }
0xa7: {  	s28 =	simm.s32 $_size_execute0_lowered;
	s3 =	sadd.s32 s3, s5;
	[dreg:$0x0] =	wrdreg $0x0  }
0xa8: {  	s5 =	sshll.u32 s28, $0x1;
	[dreg:$0x2] =	wrdreg s3  }
0xa9: {  	[dreg:$0x3] =	wrdreg s5  }
0xaa: {  	[dreg:$0x4] =	wrdreg $0xC0  }
0xab: {  	_ =	task [dreg:s7], $0x5FFFF  }
0xac: {  	[dreg:$0x1] =	wrdreg $0xFFFFFFFF  }
0xad: {  	[dreg:$0x0] =	wrdreg $0x60  }
0xae: {  	[dreg:$0x2] =	wrdreg s2  }
0xaf: {  	[dreg:$0x3] =	wrdreg s24  }
0xb0: {  	[dreg:$0x4] =	wrdreg $0x9  }
0xb1: {  	_ =	task.clear_ibuf [dreg:s7], $0x5FFFF;
	_ =	strace $0x90000046  }
0xb2: {  	s29 =	simm.s32 $0x9;
	_ =	strace $0x80000048  }
0xb3: {  	_ =	swait.ge [sflag:s29], $0x1  }
0xb4: {  	[sflag:s29] =	ssyncadd.s32 $0xFFFFFFFF  }
0xb5: {  	_ =	strace $0x90000048  }
0xb6: {  	_ =	sfence  }
0xb7: {  	s30 =	sld [smem:$0x0];
	_ =	sdelay $0x2  }
0xb8: {  	s31 =	sshll.u32 s1, $0xD;
	s1 =	sshrl.u32 s1, $0x2  }
0xb9: {  	s3 =	sand.u32 $0x4000, s31;
	s1 =	sadd.s32 s1, s30  }
0xba: {  	s0 =	sor.u32 s3, s0;
	s1 =	sshll.u32 s1, $0x11  }
0xbb: {  	s0 =	sor.u32 s1, s0  }
0xbc: {  	s0 =	sadd.s32 $0x8F2B, s0  }
0xbd: {  	[sflag:s0] =	ssyncadd.remote.s32 $0x1  }
0xbe: {  	_ =	sfence.sel $0xFFFF  }
0xbf: {  	[dreg:$0x0] =	wrdreg $0xFFFFFFFF;
	(pc) =	sbr.abs _section_cstart, $3  }
0xc0: {  	[dreg:$0x1] =	wrdreg $0xFFFFFFFF  }
0xc1: {  	_ =	task.clear_ibuf [dreg:s7], $0x2FFFF;
	_ =	strace $0x9FFFFFFF  }
0xc2: {  	(tm) =	ssettm $0x7FFFFFFF  }
0xc3: {  	_ =	shalt  }
tec
execute0_lowered:
.L_overlay_start_1:
0x0: {  	(tag) =	ssettag $0x1  }
0x1: {  	s6 =	rddreg [dreg:$0x0]  }
0x2: {  	s3 =	rddreg [dreg:$0x1]  }
0x3: {  	s1 =	srdreg.scid;
	s0 =	rddreg [dreg:$0x2]  }
0x4: {  	s2 =	simm.s32 $0x0;
	s4 =	sand.u32 $0x1, s1;
	s1 =	stileid.u32  }
0x5: {  	[smem:$0x7FF] =	sst s2;
	s7 =	sadd.s32 $0x4000, s3;
	s5 =	sshll.u32 s4, $0x4  }
0x6: {  	s10 =	sadd.s32 $0xDE00, s3;
	_ =	strace $0x80000047;
	s11 =	sor.u32 s1, s5  }
0x7: {  	s4 =	ssub.s32 $0x2, s4;
	s31 =	sor.u32 $0x9C0, s1;
	s5 =	smul.u32 $0x9C0, s11  }
0x8: {  	s8 =	sshrl.u32 s4, $0x1;
	s13 =	sshll.u32 s31, $0x5;
	s9 =	smul.u32 $0x4E0, s11  }
0x9: {  	s12 =	ssub.s32 s4, s8;
	s8 =	sshll.u32 s31, $0x4;
	p0 =	sgt.u32 s11, $0x3  }
0xa: {  	s11 =	simm.s32 $0x0;
	s3 =	sadd.s32 s6, s5;
	s4 =	sadd.s32 s7, s9  }
0xb: {  	s5 =	sadd.s32 s10, s9;
	s6 =	sadd.s32 s6, s13;
	s7 =	sadd.s32 s7, s8  }
0xc: {  	s8 =	sadd.s32 s10, s8;
	s9 =	smax.u32 s12, $0x1;
	s10 =	simm.s32 $0x1  }
.LBB2_1:
0xd: {  	[tilespmem:s2], [sflag:$0x1] =	stream.linear.gather [hbm4b:s3+s2], $0x4E00, $0x38;
	[tilespmem:$0x4F00] =	vst v63  }
0xe: {  	_ =	swait.ge [sflag:s10], $0x4E00  }
0xf: {  	s12 =	simm.s32 $0x10;
	s15 =	sadd.s32 $0x0, s4;
	[sflag:s10] =	ssyncset.done $0x0  }
0x10: {  	s13 =	simm.s32 $0x100;
	s14 =	simm.s32 $0x0;
	[sflag:s10] =	ssyncadd.s32 $0xFFFFB200  }
.LBB2_2:
0x11: {  	[hbm4b:s15+s2] =	stream.linear.scatter [tilespmem:s14], [sflag:$0x1], $0x80, $0x38;
	[tilespmem:$0x4F00] =	vst v63  }
0x12: {  	s15 =	smov.u32 s12;
	s14 =	smov.u32 s13;
	p1 =	sne.s32 s12, $0x4D0  }
.Ltmp0:
0x13: {  	s12 =	sadd.s32 $0x10, s12;
	(pc) =	sbr.rel @p1 .LBB2_2-.Ltmp0, $2  }
0x14: {  	_ =	sdelay $0x2  }
0x15: {  	s13 =	sadd.s32 $0x100, s13;
	s15 =	sadd.s32 s15, s4  }
0x16: {  	[hbm4b:s15+s2] =	stream.linear.scatter [tilespmem:s14], [sflag:$0x1], $0x80, $0x38;
	[tilespmem:$0x4F00] =	vst v63  }
0x17: {  	_ =	swait.ge [sflag:s10], $0x2700  }
0x18: {  	s12 =	simm.s32 $0x80;
	s13 =	simm.s32 $0x10;
	[sflag:s10] =	ssyncset.done $0x0  }
0x19: {  	s15 =	sadd.s32 $0x0, s5;
	s14 =	simm.s32 $0x180;
	[sflag:s10] =	ssyncadd.s32 $0xFFFFD900  }
.LBB2_4:
0x1a: {  	[hbm4b:s15+s2] =	stream.linear.scatter [tilespmem:s12], [sflag:$0x1], $0x80, $0x38;
	[tilespmem:$0x4F00] =	vst v63  }
0x1b: {  	s15 =	smov.u32 s13;
	s12 =	smov.u32 s14;
	p1 =	sne.s32 s13, $0x4D0  }
.Ltmp1:
0x1c: {  	s13 =	sadd.s32 $0x10, s13;
	(pc) =	sbr.rel @p1 .LBB2_4-.Ltmp1, $2  }
0x1d: {  	_ =	sdelay $0x2  }
0x1e: {  	s14 =	sadd.s32 $0x100, s14;
	s15 =	sadd.s32 s15, s5  }
0x1f: {  	[hbm4b:s15+s2] =	stream.linear.scatter [tilespmem:s12], [sflag:$0x1], $0x80, $0x38;
	[tilespmem:$0x4F00] =	vst v63  }
0x20: {  	_ =	swait.ge [sflag:s10], $0x2700  }
0x21: {  	s12 =	simm.s32 @!p0 $0x0;
	[sflag:s10] =	ssyncset.done $0x0  }
0x22: {  	s13 =	simm.s32 @!p0 $0x4E00;
	s14 =	simm.s32 @!p0 $0x1;
	[sflag:s10] =	ssyncadd.s32 $0xFFFFD900  }
0x23: {  	[tilespmem:s13], [sflag:$0x1] =	stream.linear.gather @!p0 [hbm4b:s6+s12], $0x100, $0x38;
	[tilespmem:$0x4F00] =	vst v63  }
0x24: {  	_ =	swait.ge @!p0 [sflag:s14], $0x100  }
0x25: {  	[sflag:s14] =	ssyncset.done @!p0 $0x0  }
0x26: {  	[sflag:s14] =	ssyncadd.s32 @!p0 $0xFFFFFF00  }
0x27: {  	[hbm4b:s7+s12] =	stream.linear.scatter @!p0 [tilespmem:s13], [sflag:$0x1], $0x80, $0x38;
	[tilespmem:$0x4F00] =	vst v63  }
0x28: {  	s11 =	sadd.s32 $0x1, s11;
	_ =	swait.ge @!p0 [sflag:s14], $0x80  }
0x29: {  	p1 =	sne.s32 s11, s9;
	[sflag:s14] =	ssyncset.done @!p0 $0x0  }
.Ltmp2:
0x2a: {  	s13 =	simm.s32 @!p0 $0x4E80;
	[sflag:s14] =	ssyncadd.s32 @!p0 $0xFFFFFF80;
	(pc) =	sbr.rel @p1 .LBB2_1-.Ltmp2, $4  }
0x2b: {  	[hbm4b:s8+s12] =	stream.linear.scatter @!p0 [tilespmem:s13], [sflag:$0x1], $0x80, $0x38;
	[tilespmem:$0x4F00] =	vst v63  }
0x2c: {  	_ =	swait.ge @!p0 [sflag:s14], $0x80  }
0x2d: {  	[sflag:s14] =	ssyncset.done @!p0 $0x0  }
0x2e: {  	[sflag:s14] =	ssyncadd.s32 @!p0 $0xFFFFFF80  }
0x2f: {  	_ =	sfence.sel $0x180000  }
0x30: {  	[bflag:$0x0] =	sbarrier.arrive $0xFFFF  }
0x31: {  	p0 =	sne.s32 s1, $0x0;
	_ =	strace $0x90000047  }
0x32: {  	s0 =	sadd.s32 @!p0 $0x100000, s0;
	[bflag:$0x2] =	sbarrier.arrive $0xFFFF  }
0x33: {  	[sflag:s0] =	ssyncadd.tile.s32 @!p0 $0x1;
	_ =	shalt  }
.Lfunc_end2:
_tile_overlayer_lowered:
.L_overlay_start_2:
0x34: {  	(tag) =	ssettag $0x2  }
0x35: {  	s0 =	rddreg [dreg:$0x0];
	s2 =	stileid.u32  }
0x36: {  	s1 =	rddreg [dreg:$0x1];
	p0 =	sne.s32 s2, $0x0  }
0x37: {  	s3 =	rddreg [dreg:$0x2];
	[bflag:$0x3] =	sbarrier.arrive $0xFFFF;
	s2 =	simm.s32 @!p0 $0x1C01  }
0x38: {  	[timem:s3], [sflag:s2] =	dma.local @!p0 [hbm:s0], s1  }
0x39: {  	s0 =	simm.s32 @!p0 $0x1  }
0x3a: {  	_ =	swait.ge @!p0 [sflag:s0], s1  }
0x3b: {  	s1 =	ssub.s32 @!p0 $0x0, s1;
	[sflag:s0] =	ssyncset.done @!p0 $0x0  }
0x3c: {  	[sflag:s0] =	ssyncadd.s32 @!p0 s1  }
0x3d: {  	[bflag:$0x3] =	sbarrier.arrive $0xFFFF  }
0x3e: {  	_ =	shalt  }

</sc_bundles>
